<compile_context>
chip_gen: v7x
topology: tpu7x:2x2x1
jax: 0.10.2.dev20260603
libtpu: 0.0.44.dev20260713+nightly
codegen_flags: <defaults>
</compile_context>

<pallas_src>
import functools

import jax
import jax.numpy as jnp
from jax import lax
from jax.experimental import pallas as pl
from jax.experimental.pallas import tpu as pltpu
from jax.experimental.pallas import tpu_sc as plsc

N = 1_000_000
D = 64
N2 = 1 << 20
R = N2 // 128
SUMBLK = 2000


def _sum_body(x_ref, o_ref):
    x = x_ref[...]

    def rollc(v, d):
        return jnp.concatenate([v[:, d:], v[:, :d]], axis=1)

    acc = None
    for c in (0, 1):
        xc = x[:, 32 * c:32 * c + 32]
        t = xc
        for i in (8, 16, 24):
            t = t + jnp.concatenate([xc[:, i:], xc[:, :i]], axis=1)
        for d in (4, 2, 1):
            t = t + jnp.concatenate([t[:, d:], t[:, :d]], axis=1)
        acc = t[:, 0] if acc is None else acc + t[:, 0]
    o_ref[...] = acc.reshape(1, 1, SUMBLK)


def _row_sums(input):
    out = pl.pallas_call(
        _sum_body,
        grid=(N // SUMBLK,),
        in_specs=[pl.BlockSpec((SUMBLK, D), lambda i: (i, 0))],
        out_specs=pl.BlockSpec((1, 1, SUMBLK), lambda i: (i, 0, 0)),
        out_shape=jax.ShapeDtypeStruct((N // SUMBLK, 1, SUMBLK), jnp.float32),
    )(input)
    return out.reshape(N)


def _lex_greater(k, i, kp, ip):
    return (k > kp) | ((k == kp) & (i > ip))


def _roll(x, dl, axis):
    if axis == 0:
        return jnp.concatenate([x[dl:, :], x[:dl, :]], axis=0)
    return jnp.concatenate([x[:, dl:], x[:, :dl]], axis=1)


def _local_exchange(kv, iv, j, ascm, r_io, c_io, enable=None):
    d = 1 << j
    if d >= 1024:
        dl = d // 128
        grp = 128 // (2 * dl)
        kr = kv.reshape(grp, 2, dl, 128)
        ir = iv.reshape(grp, 2, dl, 128)
        ka, kb = kr[:, 0], kr[:, 1]
        ia, ib = ir[:, 0], ir[:, 1]
        asc = ascm.reshape(grp, 2, dl, 128)[:, 0]
        gr = _lex_greater(ka, ia, kb, ib)
        take = jnp.logical_xor(gr, jnp.logical_not(asc))
        if enable is not None:
            take = take & enable.reshape(grp, 2, dl, 128)[:, 0]
        ka2 = jnp.where(take, kb, ka)
        kb2 = jnp.where(take, ka, kb)
        ia2 = jnp.where(take, ib, ia)
        ib2 = jnp.where(take, ia, ib)
        kv = jnp.concatenate([ka2[:, None], kb2[:, None]], axis=1).reshape(128, 128)
        iv = jnp.concatenate([ia2[:, None], ib2[:, None]], axis=1).reshape(128, 128)
        return kv, iv
    if d >= 128:
        axis, dl, coord = 0, d // 128, r_io
    else:
        axis, dl, coord = 1, d, c_io
    lob = (coord & dl) == 0
    km = _roll(kv, dl, axis)
    kp_ = _roll(kv, -dl, axis)
    im = _roll(iv, dl, axis)
    ip_ = _roll(iv, -dl, axis)
    kpart = jnp.where(lob, km, kp_)
    ipart = jnp.where(lob, im, ip_)
    g = _lex_greater(kv, iv, kpart, ipart)
    take = jnp.logical_xor(jnp.logical_xor(g, lob), ascm)
    if enable is not None:
        take = take & enable
    return jnp.where(take, kpart, kv), jnp.where(take, ipart, iv)


def _local13_body(k_ref, i_ref, ko_ref, io_ref):
    kv = k_ref[...]
    iv = i_ref[...]
    r_io = lax.broadcasted_iota(jnp.int32, (128, 128), 0)
    c_io = lax.broadcasted_iota(jnp.int32, (128, 128), 1)
    lflat = r_io * 128 + c_io
    for lvl in range(1, 14):
        ascm = (lflat & (1 << lvl)) == 0
        for j in range(lvl - 1, -1, -1):
            kv, iv = _local_exchange(kv, iv, j, ascm, r_io, c_io)
    ko_ref[...] = kv
    io_ref[...] = iv


def _localdyn_body(lvl_ref, k_ref, i_ref, ko_ref, io_ref):
    kv = k_ref[...]
    iv = i_ref[...]
    lvl = lvl_ref[0]
    blk = pl.program_id(0)
    r_io = lax.broadcasted_iota(jnp.int32, (128, 128), 0)
    c_io = lax.broadcasted_iota(jnp.int32, (128, 128), 1)
    flat = (blk * 128 + r_io) * 128 + c_io
    ascm = ((flat >> lvl) & 1) == 0
    for j in range(13, -1, -1):
        enable = (j < lvl) & jnp.full((128, 128), True)
        kv, iv = _local_exchange(kv, iv, j, ascm, r_io, c_io, enable)
    ko_ref[...] = kv
    io_ref[...] = iv


def _global_body(m, lvl_ref, k_ref, i_ref, ko_ref, io_ref):
    lvl = lvl_ref[0]
    g = pl.program_id(0)
    ka = k_ref[:m, :]
    kb = k_ref[m:, :]
    ia = i_ref[:m, :]
    ib = i_ref[m:, :]
    base_row = g * (2 * m)
    asc = ((base_row >> (lvl - 7)) & 1) == 0
    gr = _lex_greater(ka, ia, kb, ib)
    take = jnp.logical_xor(gr, jnp.logical_not(asc))
    ko_ref[:m, :] = jnp.where(take, kb, ka)
    ko_ref[m:, :] = jnp.where(take, ka, kb)
    io_ref[:m, :] = jnp.where(take, ib, ia)
    io_ref[m:, :] = jnp.where(take, ia, ib)


def _mk_pair_call(body, rows, grid):
    spec = pl.BlockSpec((rows, 128), lambda g: (g, 0))
    sspec = pl.BlockSpec(memory_space=pltpu.SMEM)
    return pl.pallas_call(
        body,
        grid=(grid,),
        in_specs=[sspec, spec, spec],
        out_specs=[spec, spec],
        out_shape=[
            jax.ShapeDtypeStruct((R, 128), jnp.float32),
            jax.ShapeDtypeStruct((R, 128), jnp.int32),
        ],
        input_output_aliases={1: 0, 2: 1},
    )


_local13_call = None
_localdyn_call = None
_global_calls = {}


def _build_calls():
    global _local13_call, _localdyn_call
    spec = pl.BlockSpec((128, 128), lambda g: (g, 0))
    _local13_call = pl.pallas_call(
        _local13_body,
        grid=(R // 128,),
        in_specs=[spec, spec],
        out_specs=[spec, spec],
        out_shape=[
            jax.ShapeDtypeStruct((R, 128), jnp.float32),
            jax.ShapeDtypeStruct((R, 128), jnp.int32),
        ],
        input_output_aliases={0: 0, 1: 1},
    )
    _localdyn_call = _mk_pair_call(_localdyn_body, 128, R // 128)
    for j in range(14, 20):
        m = 1 << (j - 7)
        _global_calls[j] = _mk_pair_call(
            functools.partial(_global_body, m), 2 * m, R // (2 * m))


_build_calls()


def _bitonic_sort(keys, idx):
    kv, iv = _local13_call(keys, idx)
    for lvl in range(14, 21):
        l_arr = jnp.array([lvl], dtype=jnp.int32)
        for j in range(lvl - 1, 13, -1):
            kv, iv = _global_calls[j](l_arr, kv, iv)
        kv, iv = _localdyn_call(l_arr, kv, iv)
    return kv, iv


_NC = 2
_NS = 16
_NW = _NC * _NS
_CH = 64
_NCHUNK = N // _CH


def _gather_sc(table_hbm, idx_hbm, out_hbm, idx_v, rows_v, sem):
    wid = lax.axis_index("s") * _NC + lax.axis_index("c")
    nch = 488 + jnp.where(wid < _NCHUNK - 488 * _NW, 1, 0)

    def body(g, carry):
        c = wid + _NW * g
        pltpu.sync_copy(idx_hbm.at[c], idx_v)
        pltpu.async_copy(table_hbm.at[idx_v], rows_v, sem).wait()
        pltpu.sync_copy(rows_v, out_hbm.at[pl.ds(c * _CH, _CH)])
        return carry

    lax.fori_loop(0, nch, body, 0)


def _make_gather():
    mesh = plsc.VectorSubcoreMesh(core_axis_name="c", subcore_axis_name="s")
    return functools.partial(
        pl.kernel,
        mesh=mesh,
        out_type=jax.ShapeDtypeStruct((N, 128), jnp.float32),
        scratch_types=[
            pltpu.VMEM((_CH,), jnp.int32),
            pltpu.VMEM((_CH, 128), jnp.float32),
            pltpu.SemaphoreType.DMA,
        ],
    )(_gather_sc)


_gather_call = _make_gather()


def kernel(input):
    s = _row_sums(input)
    keys = jnp.concatenate(
        [-s, jnp.full((N2 - N,), jnp.inf, jnp.float32)]).reshape(R, 128)
    idx = jnp.arange(N2, dtype=jnp.int32).reshape(R, 128)
    _, iv = _bitonic_sort(keys, idx)
    sorted_idx = iv.reshape(-1)[:N].reshape(N // _CH, _CH)
    table = jnp.pad(input, ((0, 0), (0, 128 - D)))
    return _gather_call(table, sorted_idx)[:, :D]

# --- scband reference (transcript-rebuilt; emitter-appended) ---
"""Pipeline reference for scband-asc-sort-2989297238341 (READ-ONLY COPY).

The authoritative reference and input builder live on the scoring server;
editing this copy changes nothing except your own understanding.
"""

import jax, jax.numpy as jnp
import numpy as np


def setup_inputs(seed: int = 0) -> dict:
    key = jax.random.key(seed)
    input = jax.random.normal(key, (1000000, 64), dtype=jnp.float32)
    return {"input": input}


def reference(input):
    # AscSort.forward: sort rows ascending by negative row-sum
    # (i.e. descending by row-sum), then gather rows in that order.
    a = -jnp.sum(input, axis=-1)
    idx = jnp.argsort(a)  # torch.sort(a)[1] == argsort ascending
    return input[idx, :]

if __name__ == "__main__":
    import jax
    _d = setup_inputs()
    print(jax.jit(kernel)(*tuple(_d.values())))

</pallas_src>

<mosaic_0001>
#map = affine_map<(d0, d1) -> (0, 0)>
module attributes {stable_mosaic.version = 14 : i64} {
  func.func @_gather_sc(%arg0: i32, %arg1: i32, %arg2: memref<1000000x128xf32, #tpu.memory_space<hbm>>, %arg3: memref<15625x64xi32, #tpu.memory_space<hbm>>, %arg4: memref<1000000x128xf32, #tpu.memory_space<hbm>>, %arg5: memref<64xi32, #tpu.memory_space<vmem>>, %arg6: memref<64x128xf32, #tpu.memory_space<vmem>>, %arg7: memref<!tpu.dma_semaphore, #tpu.memory_space<semaphore_mem>>) attributes {dimension_semantics = [#tpu.dimension_semantics<core_parallel>, #tpu.dimension_semantics<subcore_parallel>], iteration_bounds = array<i64: 2, 16>, scalar_prefetch = 0 : i64, scratch_operands = 3 : i64, tpu.core_type = #tpu.core_type<sc_vector_subcore>, window_params = [{transform_indices = #map}, {transform_indices = #map}, {transform_indices = #map}]} {
    %mul3A = arith.constant 2 : i32
    %mul3A_0 = arith.muli %arg1, %mul3A : i32
    %add3A = arith.addi %mul3A_0, %arg0 : i32
    %lt3A = arith.constant 9 : i32
    %lt3A_1 = arith.cmpi slt, %add3A, %lt3A : i32
    %jit3A = arith.constant 1 : i32
    %jit3A_2 = arith.constant 0 : i32
    %select_n3A = arith.select %lt3A_1, %jit3A, %jit3A_2 : i32
    %add3A_3 = arith.constant 488 : i32
    %add3A_4 = arith.addi %add3A_3, %select_n3A : i32
    %while3A = arith.constant 0 : i32
    %while3A_5 = arith.constant 0 : i32
    %while3A_6 = arith.subi %add3A_4, %while3A_5 : i32
    %while3A_7 = arith.addi %while3A_5, %while3A_6 : i32
    %while3A_8 = arith.constant 1 : i32
    %while3A_9 = arith.divsi %while3A_6, %while3A_8 : i32
    %while3A_10 = arith.muli %while3A_9, %while3A_8 : i32
    %while3A_11 = arith.addi %while3A_5, %while3A_10 : i32
    %while3A_12 = arith.constant 1 : i32
    scf.for %while3A_14 = %while3A_5 to %while3A_11 step %while3A_12  : i32 {
      %mul3A_15 = arith.constant 32 : i32
      %mul3A_16 = arith.muli %mul3A_15, %while3A_14 : i32
      %add3A_17 = arith.addi %add3A, %mul3A_16 : i32
      "tpu.region"() ({
        %run_scoped3A = tpu.sem_alloc : memref<!tpu.dma_semaphore, #tpu.memory_space<semaphore_mem>>
        %dma_start3A_24 = arith.constant 0 : i32
        %dma_start3A_25 = tpu.memref_slice %arg3[%add3A_17, %dma_start3A_24] : memref<15625x64xi32, #tpu.memory_space<hbm>> -> memref<1x64xi32, #tpu.memory_space<hbm>>
        %dma_start3A_26 = tpu.memref_squeeze %dma_start3A_25 : memref<1x64xi32, #tpu.memory_space<hbm>> -> memref<64xi32, #tpu.memory_space<hbm>>
        %dma_start3A_27 = arith.constant 0 : i32
        %dma_start3A_28 = tpu.memref_slice %arg3[%add3A_17, %dma_start3A_27] : memref<15625x64xi32, #tpu.memory_space<hbm>> -> memref<1x64xi32, #tpu.memory_space<hbm>>
        %dma_start3A_29 = tpu.memref_squeeze %dma_start3A_28 : memref<1x64xi32, #tpu.memory_space<hbm>> -> memref<64xi32, #tpu.memory_space<hbm>>
        tpu.enqueue_dma source(%dma_start3A_29 : memref<64xi32, #tpu.memory_space<hbm>>) target(%arg5 : memref<64xi32, #tpu.memory_space<vmem>>) target_semaphore(%run_scoped3A : memref<!tpu.dma_semaphore, #tpu.memory_space<semaphore_mem>>)
        %dma_wait3A_30 = arith.constant 0 : i32
        %dma_wait3A_31 = tpu.memref_slice %arg3[%add3A_17, %dma_wait3A_30] : memref<15625x64xi32, #tpu.memory_space<hbm>> -> memref<1x64xi32, #tpu.memory_space<hbm>>
        %dma_wait3A_32 = tpu.memref_squeeze %dma_wait3A_31 : memref<1x64xi32, #tpu.memory_space<hbm>> -> memref<64xi32, #tpu.memory_space<hbm>>
        %dma_wait3A_33 = arith.constant 0 : i32
        %dma_wait3A_34 = tpu.memref_slice %arg3[%add3A_17, %dma_wait3A_33] : memref<15625x64xi32, #tpu.memory_space<hbm>> -> memref<1x64xi32, #tpu.memory_space<hbm>>
        %dma_wait3A_35 = tpu.memref_squeeze %dma_wait3A_34 : memref<1x64xi32, #tpu.memory_space<hbm>> -> memref<64xi32, #tpu.memory_space<hbm>>
        tpu.wait_dma2 semaphore(%run_scoped3A : memref<!tpu.dma_semaphore, #tpu.memory_space<semaphore_mem>>) src(%dma_wait3A_35 : memref<64xi32, #tpu.memory_space<hbm>>) dst(%arg5 : memref<64xi32, #tpu.memory_space<vmem>>)
        tpu.yield
      }) : () -> ()
      %dma_start3A = arith.constant 0 : i32
      %dma_start3A_18 = arith.constant 0 : i32
      %dma_start3A_19 = tpu.memref_slice %arg2[%dma_start3A, %dma_start3A_18] : memref<1000000x128xf32, #tpu.memory_space<hbm>> -> memref<1000000x128xf32, #tpu.memory_space<hbm>>
      tpu.enqueue_indirect_dma source(%dma_start3A_19 : memref<1000000x128xf32, #tpu.memory_space<hbm>>) target(%arg6 : memref<64x128xf32, #tpu.memory_space<vmem>>) offsets(%arg5 : memref<64xi32, #tpu.memory_space<vmem>>) semaphore(%arg7 : memref<!tpu.dma_semaphore, #tpu.memory_space<semaphore_mem>>)
      %dma_wait3A = arith.constant 0 : i32
      %dma_wait3A_20 = arith.constant 0 : i32
      %dma_wait3A_21 = tpu.memref_slice %arg2[%dma_wait3A, %dma_wait3A_20] : memref<1000000x128xf32, #tpu.memory_space<hbm>> -> memref<1000000x128xf32, #tpu.memory_space<hbm>>
      tpu.wait_indirect_dma semaphore(%arg7 : memref<!tpu.dma_semaphore, #tpu.memory_space<semaphore_mem>>) src(%dma_wait3A_21 : memref<1000000x128xf32, #tpu.memory_space<hbm>>) dst(%arg6 : memref<64x128xf32, #tpu.memory_space<vmem>>)
      %mul3A_22 = arith.constant 64 : i32
      %mul3A_23 = arith.muli %add3A_17, %mul3A_22 : i32
      "tpu.region"() ({
        %run_scoped3A = tpu.sem_alloc : memref<!tpu.dma_semaphore, #tpu.memory_space<semaphore_mem>>
        %dma_start3A_24 = arith.constant 0 : i32
        %dma_start3A_25 = tpu.memref_slice %arg4[%mul3A_23, %dma_start3A_24] : memref<1000000x128xf32, #tpu.memory_space<hbm>> -> memref<64x128xf32, #tpu.memory_space<hbm>>
        %dma_start3A_26 = arith.constant 0 : i32
        %dma_start3A_27 = tpu.memref_slice %arg4[%mul3A_23, %dma_start3A_26] : memref<1000000x128xf32, #tpu.memory_space<hbm>> -> memref<64x128xf32, #tpu.memory_space<hbm>>
        tpu.enqueue_dma source(%arg6 : memref<64x128xf32, #tpu.memory_space<vmem>>) target(%dma_start3A_27 : memref<64x128xf32, #tpu.memory_space<hbm>>) target_semaphore(%run_scoped3A : memref<!tpu.dma_semaphore, #tpu.memory_space<semaphore_mem>>)
        %dma_wait3A_28 = arith.constant 0 : i32
        %dma_wait3A_29 = tpu.memref_slice %arg4[%mul3A_23, %dma_wait3A_28] : memref<1000000x128xf32, #tpu.memory_space<hbm>> -> memref<64x128xf32, #tpu.memory_space<hbm>>
        %dma_wait3A_30 = arith.constant 0 : i32
        %dma_wait3A_31 = tpu.memref_slice %arg4[%mul3A_23, %dma_wait3A_30] : memref<1000000x128xf32, #tpu.memory_space<hbm>> -> memref<64x128xf32, #tpu.memory_space<hbm>>
        tpu.wait_dma2 semaphore(%run_scoped3A : memref<!tpu.dma_semaphore, #tpu.memory_space<semaphore_mem>>) src(%arg6 : memref<64x128xf32, #tpu.memory_space<vmem>>) dst(%dma_wait3A_31 : memref<64x128xf32, #tpu.memory_space<hbm>>)
        tpu.yield
      }) : () -> ()
    }
    %while3A_13 = arith.constant 1 : i32
    scf.for %while3A_14 = %while3A_11 to %while3A_7 step %while3A_13  : i32 {
      %mul3A_15 = arith.constant 32 : i32
      %mul3A_16 = arith.muli %mul3A_15, %while3A_14 : i32
      %add3A_17 = arith.addi %add3A, %mul3A_16 : i32
      "tpu.region"() ({
        %run_scoped3A = tpu.sem_alloc : memref<!tpu.dma_semaphore, #tpu.memory_space<semaphore_mem>>
        %dma_start3A_24 = arith.constant 0 : i32
        %dma_start3A_25 = tpu.memref_slice %arg3[%add3A_17, %dma_start3A_24] : memref<15625x64xi32, #tpu.memory_space<hbm>> -> memref<1x64xi32, #tpu.memory_space<hbm>>
        %dma_start3A_26 = tpu.memref_squeeze %dma_start3A_25 : memref<1x64xi32, #tpu.memory_space<hbm>> -> memref<64xi32, #tpu.memory_space<hbm>>
        %dma_start3A_27 = arith.constant 0 : i32
        %dma_start3A_28 = tpu.memref_slice %arg3[%add3A_17, %dma_start3A_27] : memref<15625x64xi32, #tpu.memory_space<hbm>> -> memref<1x64xi32, #tpu.memory_space<hbm>>
        %dma_start3A_29 = tpu.memref_squeeze %dma_start3A_28 : memref<1x64xi32, #tpu.memory_space<hbm>> -> memref<64xi32, #tpu.memory_space<hbm>>
        tpu.enqueue_dma source(%dma_start3A_29 : memref<64xi32, #tpu.memory_space<hbm>>) target(%arg5 : memref<64xi32, #tpu.memory_space<vmem>>) target_semaphore(%run_scoped3A : memref<!tpu.dma_semaphore, #tpu.memory_space<semaphore_mem>>)
        %dma_wait3A_30 = arith.constant 0 : i32
        %dma_wait3A_31 = tpu.memref_slice %arg3[%add3A_17, %dma_wait3A_30] : memref<15625x64xi32, #tpu.memory_space<hbm>> -> memref<1x64xi32, #tpu.memory_space<hbm>>
        %dma_wait3A_32 = tpu.memref_squeeze %dma_wait3A_31 : memref<1x64xi32, #tpu.memory_space<hbm>> -> memref<64xi32, #tpu.memory_space<hbm>>
        %dma_wait3A_33 = arith.constant 0 : i32
        %dma_wait3A_34 = tpu.memref_slice %arg3[%add3A_17, %dma_wait3A_33] : memref<15625x64xi32, #tpu.memory_space<hbm>> -> memref<1x64xi32, #tpu.memory_space<hbm>>
        %dma_wait3A_35 = tpu.memref_squeeze %dma_wait3A_34 : memref<1x64xi32, #tpu.memory_space<hbm>> -> memref<64xi32, #tpu.memory_space<hbm>>
        tpu.wait_dma2 semaphore(%run_scoped3A : memref<!tpu.dma_semaphore, #tpu.memory_space<semaphore_mem>>) src(%dma_wait3A_35 : memref<64xi32, #tpu.memory_space<hbm>>) dst(%arg5 : memref<64xi32, #tpu.memory_space<vmem>>)
        tpu.yield
      }) : () -> ()
      %dma_start3A = arith.constant 0 : i32
      %dma_start3A_18 = arith.constant 0 : i32
      %dma_start3A_19 = tpu.memref_slice %arg2[%dma_start3A, %dma_start3A_18] : memref<1000000x128xf32, #tpu.memory_space<hbm>> -> memref<1000000x128xf32, #tpu.memory_space<hbm>>
      tpu.enqueue_indirect_dma source(%dma_start3A_19 : memref<1000000x128xf32, #tpu.memory_space<hbm>>) target(%arg6 : memref<64x128xf32, #tpu.memory_space<vmem>>) offsets(%arg5 : memref<64xi32, #tpu.memory_space<vmem>>) semaphore(%arg7 : memref<!tpu.dma_semaphore, #tpu.memory_space<semaphore_mem>>)
      %dma_wait3A = arith.constant 0 : i32
      %dma_wait3A_20 = arith.constant 0 : i32
      %dma_wait3A_21 = tpu.memref_slice %arg2[%dma_wait3A, %dma_wait3A_20] : memref<1000000x128xf32, #tpu.memory_space<hbm>> -> memref<1000000x128xf32, #tpu.memory_space<hbm>>
      tpu.wait_indirect_dma semaphore(%arg7 : memref<!tpu.dma_semaphore, #tpu.memory_space<semaphore_mem>>) src(%dma_wait3A_21 : memref<1000000x128xf32, #tpu.memory_space<hbm>>) dst(%arg6 : memref<64x128xf32, #tpu.memory_space<vmem>>)
      %mul3A_22 = arith.constant 64 : i32
      %mul3A_23 = arith.muli %add3A_17, %mul3A_22 : i32
      "tpu.region"() ({
        %run_scoped3A = tpu.sem_alloc : memref<!tpu.dma_semaphore, #tpu.memory_space<semaphore_mem>>
        %dma_start3A_24 = arith.constant 0 : i32
        %dma_start3A_25 = tpu.memref_slice %arg4[%mul3A_23, %dma_start3A_24] : memref<1000000x128xf32, #tpu.memory_space<hbm>> -> memref<64x128xf32, #tpu.memory_space<hbm>>
        %dma_start3A_26 = arith.constant 0 : i32
        %dma_start3A_27 = tpu.memref_slice %arg4[%mul3A_23, %dma_start3A_26] : memref<1000000x128xf32, #tpu.memory_space<hbm>> -> memref<64x128xf32, #tpu.memory_space<hbm>>
        tpu.enqueue_dma source(%arg6 : memref<64x128xf32, #tpu.memory_space<vmem>>) target(%dma_start3A_27 : memref<64x128xf32, #tpu.memory_space<hbm>>) target_semaphore(%run_scoped3A : memref<!tpu.dma_semaphore, #tpu.memory_space<semaphore_mem>>)
        %dma_wait3A_28 = arith.constant 0 : i32
        %dma_wait3A_29 = tpu.memref_slice %arg4[%mul3A_23, %dma_wait3A_28] : memref<1000000x128xf32, #tpu.memory_space<hbm>> -> memref<64x128xf32, #tpu.memory_space<hbm>>
        %dma_wait3A_30 = arith.constant 0 : i32
        %dma_wait3A_31 = tpu.memref_slice %arg4[%mul3A_23, %dma_wait3A_30] : memref<1000000x128xf32, #tpu.memory_space<hbm>> -> memref<64x128xf32, #tpu.memory_space<hbm>>
        tpu.wait_dma2 semaphore(%run_scoped3A : memref<!tpu.dma_semaphore, #tpu.memory_space<semaphore_mem>>) src(%arg6 : memref<64x128xf32, #tpu.memory_space<vmem>>) dst(%dma_wait3A_31 : memref<64x128xf32, #tpu.memory_space<hbm>>)
        tpu.yield
      }) : () -> ()
    }
    return
  }
}

module attributes {stable_mosaic.version = 14 : i64} {
  func.func @_sum_body(%arg0: i32, %arg1: memref<2000x64xf32, #tpu.memory_space<vmem>>, %arg2: memref<1x1x2000xf32, #tpu.memory_space<vmem>>) attributes {dimension_semantics = [#tpu.dimension_semantics<arbitrary>], iteration_bounds = array<i64: 500>, scalar_prefetch = 0 : i64, scratch_operands = 0 : i64, tpu.core_type = #tpu.core_type<tc>, window_params = [{transform_indices = @transform_0, window_bounds = array<i64: 2000, 64>}, {transform_indices = @transform_1, window_bounds = array<i64: 1, 1, 2000>}]} {
    %get3A = arith.constant 0 : index
    %get3A_0 = arith.constant 0 : index
    %get3A_1 = vector.load %arg1[%get3A, %get3A_0] : memref<2000x64xf32, #tpu.memory_space<vmem>>, vector<2000x64xf32>
    %slice3A = vector.extract_strided_slice %get3A_1 {offsets = [0, 0], sizes = [2000, 32], strides = [1, 1]} : vector<2000x64xf32> to vector<2000x32xf32>
    %slice3A_2 = vector.extract_strided_slice %slice3A {offsets = [0, 8], sizes = [2000, 24], strides = [1, 1]} : vector<2000x32xf32> to vector<2000x24xf32>
    %slice3A_3 = vector.extract_strided_slice %slice3A {offsets = [0, 0], sizes = [2000, 8], strides = [1, 1]} : vector<2000x32xf32> to vector<2000x8xf32>
    %concatenate3A = tpu.concatenate %slice3A_2, %slice3A_3 in 1 : vector<2000x24xf32>, vector<2000x8xf32> -> vector<2000x32xf32>
    %add3A = arith.addf %slice3A, %concatenate3A : vector<2000x32xf32>
    %slice3A_4 = vector.extract_strided_slice %slice3A {offsets = [0, 16], sizes = [2000, 16], strides = [1, 1]} : vector<2000x32xf32> to vector<2000x16xf32>
    %slice3A_5 = vector.extract_strided_slice %slice3A {offsets = [0, 0], sizes = [2000, 16], strides = [1, 1]} : vector<2000x32xf32> to vector<2000x16xf32>
    %concatenate3A_6 = tpu.concatenate %slice3A_4, %slice3A_5 in 1 : vector<2000x16xf32>, vector<2000x16xf32> -> vector<2000x32xf32>
    %add3A_7 = arith.addf %add3A, %concatenate3A_6 : vector<2000x32xf32>
    %slice3A_8 = vector.extract_strided_slice %slice3A {offsets = [0, 24], sizes = [2000, 8], strides = [1, 1]} : vector<2000x32xf32> to vector<2000x8xf32>
    %slice3A_9 = vector.extract_strided_slice %slice3A {offsets = [0, 0], sizes = [2000, 24], strides = [1, 1]} : vector<2000x32xf32> to vector<2000x24xf32>
    %concatenate3A_10 = tpu.concatenate %slice3A_8, %slice3A_9 in 1 : vector<2000x8xf32>, vector<2000x24xf32> -> vector<2000x32xf32>
    %add3A_11 = arith.addf %add3A_7, %concatenate3A_10 : vector<2000x32xf32>
    %slice3A_12 = vector.extract_strided_slice %add3A_11 {offsets = [0, 4], sizes = [2000, 28], strides = [1, 1]} : vector<2000x32xf32> to vector<2000x28xf32>
    %slice3A_13 = vector.extract_strided_slice %add3A_11 {offsets = [0, 0], sizes = [2000, 4], strides = [1, 1]} : vector<2000x32xf32> to vector<2000x4xf32>
    %concatenate3A_14 = tpu.concatenate %slice3A_12, %slice3A_13 in 1 : vector<2000x28xf32>, vector<2000x4xf32> -> vector<2000x32xf32>
    %add3A_15 = arith.addf %add3A_11, %concatenate3A_14 : vector<2000x32xf32>
    %slice3A_16 = vector.extract_strided_slice %add3A_15 {offsets = [0, 2], sizes = [2000, 30], strides = [1, 1]} : vector<2000x32xf32> to vector<2000x30xf32>
    %slice3A_17 = vector.extract_strided_slice %add3A_15 {offsets = [0, 0], sizes = [2000, 2], strides = [1, 1]} : vector<2000x32xf32> to vector<2000x2xf32>
    %concatenate3A_18 = tpu.concatenate %slice3A_16, %slice3A_17 in 1 : vector<2000x30xf32>, vector<2000x2xf32> -> vector<2000x32xf32>
    %add3A_19 = arith.addf %add3A_15, %concatenate3A_18 : vector<2000x32xf32>
    %slice3A_20 = vector.extract_strided_slice %add3A_19 {offsets = [0, 1], sizes = [2000, 31], strides = [1, 1]} : vector<2000x32xf32> to vector<2000x31xf32>
    %slice3A_21 = vector.extract_strided_slice %add3A_19 {offsets = [0, 0], sizes = [2000, 1], strides = [1, 1]} : vector<2000x32xf32> to vector<2000x1xf32>
    %concatenate3A_22 = tpu.concatenate %slice3A_20, %slice3A_21 in 1 : vector<2000x31xf32>, vector<2000x1xf32> -> vector<2000x32xf32>
    %add3A_23 = arith.addf %add3A_19, %concatenate3A_22 : vector<2000x32xf32>
    %slice3A_24 = vector.extract_strided_slice %add3A_23 {offsets = [0, 0], sizes = [2000, 1], strides = [1, 1]} : vector<2000x32xf32> to vector<2000x1xf32>
    %squeeze3A = vector.shape_cast %slice3A_24 : vector<2000x1xf32> to vector<2000xf32>
    %slice3A_25 = vector.extract_strided_slice %get3A_1 {offsets = [0, 32], sizes = [2000, 32], strides = [1, 1]} : vector<2000x64xf32> to vector<2000x32xf32>
    %slice3A_26 = vector.extract_strided_slice %slice3A_25 {offsets = [0, 8], sizes = [2000, 24], strides = [1, 1]} : vector<2000x32xf32> to vector<2000x24xf32>
    %slice3A_27 = vector.extract_strided_slice %slice3A_25 {offsets = [0, 0], sizes = [2000, 8], strides = [1, 1]} : vector<2000x32xf32> to vector<2000x8xf32>
    %concatenate3A_28 = tpu.concatenate %slice3A_26, %slice3A_27 in 1 : vector<2000x24xf32>, vector<2000x8xf32> -> vector<2000x32xf32>
    %add3A_29 = arith.addf %slice3A_25, %concatenate3A_28 : vector<2000x32xf32>
    %slice3A_30 = vector.extract_strided_slice %slice3A_25 {offsets = [0, 16], sizes = [2000, 16], strides = [1, 1]} : vector<2000x32xf32> to vector<2000x16xf32>
    %slice3A_31 = vector.extract_strided_slice %slice3A_25 {offsets = [0, 0], sizes = [2000, 16], strides = [1, 1]} : vector<2000x32xf32> to vector<2000x16xf32>
    %concatenate3A_32 = tpu.concatenate %slice3A_30, %slice3A_31 in 1 : vector<2000x16xf32>, vector<2000x16xf32> -> vector<2000x32xf32>
    %add3A_33 = arith.addf %add3A_29, %concatenate3A_32 : vector<2000x32xf32>
    %slice3A_34 = vector.extract_strided_slice %slice3A_25 {offsets = [0, 24], sizes = [2000, 8], strides = [1, 1]} : vector<2000x32xf32> to vector<2000x8xf32>
    %slice3A_35 = vector.extract_strided_slice %slice3A_25 {offsets = [0, 0], sizes = [2000, 24], strides = [1, 1]} : vector<2000x32xf32> to vector<2000x24xf32>
    %concatenate3A_36 = tpu.concatenate %slice3A_34, %slice3A_35 in 1 : vector<2000x8xf32>, vector<2000x24xf32> -> vector<2000x32xf32>
    %add3A_37 = arith.addf %add3A_33, %concatenate3A_36 : vector<2000x32xf32>
    %slice3A_38 = vector.extract_strided_slice %add3A_37 {offsets = [0, 4], sizes = [2000, 28], strides = [1, 1]} : vector<2000x32xf32> to vector<2000x28xf32>
    %slice3A_39 = vector.extract_strided_slice %add3A_37 {offsets = [0, 0], sizes = [2000, 4], strides = [1, 1]} : vector<2000x32xf32> to vector<2000x4xf32>
    %concatenate3A_40 = tpu.concatenate %slice3A_38, %slice3A_39 in 1 : vector<2000x28xf32>, vector<2000x4xf32> -> vector<2000x32xf32>
    %add3A_41 = arith.addf %add3A_37, %concatenate3A_40 : vector<2000x32xf32>
    %slice3A_42 = vector.extract_strided_slice %add3A_41 {offsets = [0, 2], sizes = [2000, 30], strides = [1, 1]} : vector<2000x32xf32> to vector<2000x30xf32>
    %slice3A_43 = vector.extract_strided_slice %add3A_41 {offsets = [0, 0], sizes = [2000, 2], strides = [1, 1]} : vector<2000x32xf32> to vector<2000x2xf32>
    %concatenate3A_44 = tpu.concatenate %slice3A_42, %slice3A_43 in 1 : vector<2000x30xf32>, vector<2000x2xf32> -> vector<2000x32xf32>
    %add3A_45 = arith.addf %add3A_41, %concatenate3A_44 : vector<2000x32xf32>
    %slice3A_46 = vector.extract_strided_slice %add3A_45 {offsets = [0, 1], sizes = [2000, 31], strides = [1, 1]} : vector<2000x32xf32> to vector<2000x31xf32>
    %slice3A_47 = vector.extract_strided_slice %add3A_45 {offsets = [0, 0], sizes = [2000, 1], strides = [1, 1]} : vector<2000x32xf32> to vector<2000x1xf32>
    %concatenate3A_48 = tpu.concatenate %slice3A_46, %slice3A_47 in 1 : vector<2000x31xf32>, vector<2000x1xf32> -> vector<2000x32xf32>
    %add3A_49 = arith.addf %add3A_45, %concatenate3A_48 : vector<2000x32xf32>
    %slice3A_50 = vector.extract_strided_slice %add3A_49 {offsets = [0, 0], sizes = [2000, 1], strides = [1, 1]} : vector<2000x32xf32> to vector<2000x1xf32>
    %squeeze3A_51 = vector.shape_cast %slice3A_50 : vector<2000x1xf32> to vector<2000xf32>
    %add3A_52 = arith.addf %squeeze3A, %squeeze3A_51 : vector<2000xf32>
    %reshape3A = vector.shape_cast %add3A_52 : vector<2000xf32> to vector<1x1x2000xf32>
    %swap3A = arith.constant 0 : index
    %swap3A_53 = arith.constant 0 : index
    %swap3A_54 = arith.constant 0 : index
    %swap3A_55 = vector.load %arg2[%swap3A, %swap3A_53, %swap3A_54] : memref<1x1x2000xf32, #tpu.memory_space<vmem>>, vector<1x1x2000xf32>
    tpu.vector_store %arg2[%swap3A, %swap3A_53, %swap3A_54], %reshape3A {strides = array<i32>} : memref<1x1x2000xf32, #tpu.memory_space<vmem>>, vector<1x1x2000xf32>,
    return
  }
  func.func @transform_0(%arg0: i32) -> (i32, i32) {
    %c0_i32 = arith.constant 0 : i32
    %c0_i32_0 = arith.constant 0 : i32
    return %arg0, %c0_i32 : i32, i32
  }
  func.func @transform_1(%arg0: i32) -> (i32, i32, i32) {
    %c0_i32 = arith.constant 0 : i32
    %c0_i32_0 = arith.constant 0 : i32
    %c0_i32_1 = arith.constant 0 : i32
    return %arg0, %c0_i32, %c0_i32_0 : i32, i32, i32
  }
}

module attributes {stable_mosaic.version = 14 : i64} {
  func.func @_local13_body(%arg0: i32, %arg1: memref<128x128xf32, #tpu.memory_space<vmem>>, %arg2: memref<128x128xi32, #tpu.memory_space<vmem>>, %arg3: memref<128x128xf32, #tpu.memory_space<vmem>>, %arg4: memref<128x128xi32, #tpu.memory_space<vmem>>) attributes {dimension_semantics = [#tpu.dimension_semantics<arbitrary>], iteration_bounds = array<i64: 64>, scalar_prefetch = 0 : i64, scratch_operands = 0 : i64, tpu.core_type = #tpu.core_type<tc>, window_params = [{transform_indices = @transform_0, window_bounds = array<i64: 128, 128>}, {transform_indices = @transform_1, window_bounds = array<i64: 128, 128>}, {transform_indices = @transform_2, window_bounds = array<i64: 128, 128>}, {transform_indices = @transform_3, window_bounds = array<i64: 128, 128>}]} {
    %get3A = arith.constant 0 : index
    %get3A_0 = arith.constant 0 : index
    %get3A_1 = vector.load %arg1[%get3A, %get3A_0] : memref<128x128xf32, #tpu.memory_space<vmem>>, vector<128x128xf32>
    %get3A_2 = arith.constant 0 : index
    %get3A_3 = arith.constant 0 : index
    %get3A_4 = vector.load %arg2[%get3A_2, %get3A_3] : memref<128x128xi32, #tpu.memory_space<vmem>>, vector<128x128xi32>
    %iota3A = tpu.iota {dimensions = array<i32: 0>} : vector<128x128xi32>
    %iota3A_5 = tpu.iota {dimensions = array<i32: 1>} : vector<128x128xi32>
    %mul3A = arith.constant 128 : i32
    %mul3A_6 = vector.broadcast %mul3A : i32 to vector<128x128xi32>
    %mul3A_7 = arith.muli %iota3A, %mul3A_6 : vector<128x128xi32>
    %add3A = arith.addi %mul3A_7, %iota3A_5 : vector<128x128xi32>
    %and3A = arith.constant 2 : i32
    %and3A_8 = vector.broadcast %and3A : i32 to vector<128x128xi32>
    %and3A_9 = arith.andi %add3A, %and3A_8 : vector<128x128xi32>
    %eq3A = arith.constant 0 : i32
    %eq3A_10 = vector.broadcast %eq3A : i32 to vector<128x128xi32>
    %eq3A_11 = arith.cmpi eq, %and3A_9, %eq3A_10 : vector<128x128xi32>
    %and3A_12 = arith.constant 1 : i32
    %and3A_13 = vector.broadcast %and3A_12 : i32 to vector<128x128xi32>
    %and3A_14 = arith.andi %iota3A_5, %and3A_13 : vector<128x128xi32>
    %eq3A_15 = arith.constant 0 : i32
    %eq3A_16 = vector.broadcast %eq3A_15 : i32 to vector<128x128xi32>
    %eq3A_17 = arith.cmpi eq, %and3A_14, %eq3A_16 : vector<128x128xi32>
    %slice3A = vector.extract_strided_slice %get3A_1 {offsets = [0, 1], sizes = [128, 127], strides = [1, 1]} : vector<128x128xf32> to vector<128x127xf32>
    %slice3A_18 = vector.extract_strided_slice %get3A_1 {offsets = [0, 0], sizes = [128, 1], strides = [1, 1]} : vector<128x128xf32> to vector<128x1xf32>
    %concatenate3A = tpu.concatenate %slice3A, %slice3A_18 in 1 : vector<128x127xf32>, vector<128x1xf32> -> vector<128x128xf32>
    %slice3A_19 = vector.extract_strided_slice %get3A_1 {offsets = [0, 127], sizes = [128, 1], strides = [1, 1]} : vector<128x128xf32> to vector<128x1xf32>
    %slice3A_20 = vector.extract_strided_slice %get3A_1 {offsets = [0, 0], sizes = [128, 127], strides = [1, 1]} : vector<128x128xf32> to vector<128x127xf32>
    %concatenate3A_21 = tpu.concatenate %slice3A_19, %slice3A_20 in 1 : vector<128x1xf32>, vector<128x127xf32> -> vector<128x128xf32>
    %slice3A_22 = vector.extract_strided_slice %get3A_4 {offsets = [0, 1], sizes = [128, 127], strides = [1, 1]} : vector<128x128xi32> to vector<128x127xi32>
    %slice3A_23 = vector.extract_strided_slice %get3A_4 {offsets = [0, 0], sizes = [128, 1], strides = [1, 1]} : vector<128x128xi32> to vector<128x1xi32>
    %concatenate3A_24 = tpu.concatenate %slice3A_22, %slice3A_23 in 1 : vector<128x127xi32>, vector<128x1xi32> -> vector<128x128xi32>
    %slice3A_25 = vector.extract_strided_slice %get3A_4 {offsets = [0, 127], sizes = [128, 1], strides = [1, 1]} : vector<128x128xi32> to vector<128x1xi32>
    %slice3A_26 = vector.extract_strided_slice %get3A_4 {offsets = [0, 0], sizes = [128, 127], strides = [1, 1]} : vector<128x128xi32> to vector<128x127xi32>
    %concatenate3A_27 = tpu.concatenate %slice3A_25, %slice3A_26 in 1 : vector<128x1xi32>, vector<128x127xi32> -> vector<128x128xi32>
    %select_n3A = arith.select %eq3A_17, %concatenate3A, %concatenate3A_21 : vector<128x128xi1>, vector<128x128xf32>
    %select_n3A_28 = arith.select %eq3A_17, %concatenate3A_24, %concatenate3A_27 : vector<128x128xi1>, vector<128x128xi32>
    %gt3A = arith.cmpf ogt, %get3A_1, %select_n3A : vector<128x128xf32>
    %eq3A_29 = arith.cmpf oeq, %get3A_1, %select_n3A : vector<128x128xf32>
    %gt3A_30 = arith.cmpi sgt, %get3A_4, %select_n3A_28 : vector<128x128xi32>
    %and3A_31 = arith.andi %eq3A_29, %gt3A_30 : vector<128x128xi1>
    %or3A = arith.ori %gt3A, %and3A_31 : vector<128x128xi1>
    %xor3A = arith.xori %or3A, %eq3A_17 : vector<128x128xi1>
    %xor3A_32 = arith.xori %xor3A, %eq3A_11 : vector<128x128xi1>
    %select_n3A_33 = arith.select %xor3A_32, %select_n3A, %get3A_1 : vector<128x128xi1>, vector<128x128xf32>
    %select_n3A_34 = arith.select %xor3A_32, %select_n3A_28, %get3A_4 : vector<128x128xi1>, vector<128x128xi32>
    %and3A_35 = arith.constant 4 : i32
    %and3A_36 = vector.broadcast %and3A_35 : i32 to vector<128x128xi32>
    %and3A_37 = arith.andi %add3A, %and3A_36 : vector<128x128xi32>
    %eq3A_38 = arith.constant 0 : i32
    %eq3A_39 = vector.broadcast %eq3A_38 : i32 to vector<128x128xi32>
    %eq3A_40 = arith.cmpi eq, %and3A_37, %eq3A_39 : vector<128x128xi32>
    %and3A_41 = arith.constant 2 : i32
    %and3A_42 = vector.broadcast %and3A_41 : i32 to vector<128x128xi32>
    %and3A_43 = arith.andi %iota3A_5, %and3A_42 : vector<128x128xi32>
    %eq3A_44 = arith.constant 0 : i32
    %eq3A_45 = vector.broadcast %eq3A_44 : i32 to vector<128x128xi32>
    %eq3A_46 = arith.cmpi eq, %and3A_43, %eq3A_45 : vector<128x128xi32>
    %slice3A_47 = vector.extract_strided_slice %select_n3A_33 {offsets = [0, 2], sizes = [128, 126], strides = [1, 1]} : vector<128x128xf32> to vector<128x126xf32>
    %slice3A_48 = vector.extract_strided_slice %select_n3A_33 {offsets = [0, 0], sizes = [128, 2], strides = [1, 1]} : vector<128x128xf32> to vector<128x2xf32>
    %concatenate3A_49 = tpu.concatenate %slice3A_47, %slice3A_48 in 1 : vector<128x126xf32>, vector<128x2xf32> -> vector<128x128xf32>
    %slice3A_50 = vector.extract_strided_slice %select_n3A_33 {offsets = [0, 126], sizes = [128, 2], strides = [1, 1]} : vector<128x128xf32> to vector<128x2xf32>
    %slice3A_51 = vector.extract_strided_slice %select_n3A_33 {offsets = [0, 0], sizes = [128, 126], strides = [1, 1]} : vector<128x128xf32> to vector<128x126xf32>
    %concatenate3A_52 = tpu.concatenate %slice3A_50, %slice3A_51 in 1 : vector<128x2xf32>, vector<128x126xf32> -> vector<128x128xf32>
    %slice3A_53 = vector.extract_strided_slice %select_n3A_34 {offsets = [0, 2], sizes = [128, 126], strides = [1, 1]} : vector<128x128xi32> to vector<128x126xi32>
    %slice3A_54 = vector.extract_strided_slice %select_n3A_34 {offsets = [0, 0], sizes = [128, 2], strides = [1, 1]} : vector<128x128xi32> to vector<128x2xi32>
    %concatenate3A_55 = tpu.concatenate %slice3A_53, %slice3A_54 in 1 : vector<128x126xi32>, vector<128x2xi32> -> vector<128x128xi32>
    %slice3A_56 = vector.extract_strided_slice %select_n3A_34 {offsets = [0, 126], sizes = [128, 2], strides = [1, 1]} : vector<128x128xi32> to vector<128x2xi32>
    %slice3A_57 = vector.extract_strided_slice %select_n3A_34 {offsets = [0, 0], sizes = [128, 126], strides = [1, 1]} : vector<128x128xi32> to vector<128x126xi32>
    %concatenate3A_58 = tpu.concatenate %slice3A_56, %slice3A_57 in 1 : vector<128x2xi32>, vector<128x126xi32> -> vector<128x128xi32>
    %select_n3A_59 = arith.select %eq3A_46, %concatenate3A_49, %concatenate3A_52 : vector<128x128xi1>, vector<128x128xf32>
    %select_n3A_60 = arith.select %eq3A_46, %concatenate3A_55, %concatenate3A_58 : vector<128x128xi1>, vector<128x128xi32>
    %gt3A_61 = arith.cmpf ogt, %select_n3A_33, %select_n3A_59 : vector<128x128xf32>
    %eq3A_62 = arith.cmpf oeq, %select_n3A_33, %select_n3A_59 : vector<128x128xf32>
    %gt3A_63 = arith.cmpi sgt, %select_n3A_34, %select_n3A_60 : vector<128x128xi32>
    %and3A_64 = arith.andi %eq3A_62, %gt3A_63 : vector<128x128xi1>
    %or3A_65 = arith.ori %gt3A_61, %and3A_64 : vector<128x128xi1>
    %xor3A_66 = arith.xori %or3A_65, %eq3A_46 : vector<128x128xi1>
    %xor3A_67 = arith.xori %xor3A_66, %eq3A_40 : vector<128x128xi1>
    %select_n3A_68 = arith.select %xor3A_67, %select_n3A_59, %select_n3A_33 : vector<128x128xi1>, vector<128x128xf32>
    %select_n3A_69 = arith.select %xor3A_67, %select_n3A_60, %select_n3A_34 : vector<128x128xi1>, vector<128x128xi32>
    %and3A_70 = arith.constant 1 : i32
    %and3A_71 = vector.broadcast %and3A_70 : i32 to vector<128x128xi32>
    %and3A_72 = arith.andi %iota3A_5, %and3A_71 : vector<128x128xi32>
    %eq3A_73 = arith.constant 0 : i32
    %eq3A_74 = vector.broadcast %eq3A_73 : i32 to vector<128x128xi32>
    %eq3A_75 = arith.cmpi eq, %and3A_72, %eq3A_74 : vector<128x128xi32>
    %slice3A_76 = vector.extract_strided_slice %select_n3A_68 {offsets = [0, 1], sizes = [128, 127], strides = [1, 1]} : vector<128x128xf32> to vector<128x127xf32>
    %slice3A_77 = vector.extract_strided_slice %select_n3A_68 {offsets = [0, 0], sizes = [128, 1], strides = [1, 1]} : vector<128x128xf32> to vector<128x1xf32>
    %concatenate3A_78 = tpu.concatenate %slice3A_76, %slice3A_77 in 1 : vector<128x127xf32>, vector<128x1xf32> -> vector<128x128xf32>
    %slice3A_79 = vector.extract_strided_slice %select_n3A_68 {offsets = [0, 127], sizes = [128, 1], strides = [1, 1]} : vector<128x128xf32> to vector<128x1xf32>
    %slice3A_80 = vector.extract_strided_slice %select_n3A_68 {offsets = [0, 0], sizes = [128, 127], strides = [1, 1]} : vector<128x128xf32> to vector<128x127xf32>
    %concatenate3A_81 = tpu.concatenate %slice3A_79, %slice3A_80 in 1 : vector<128x1xf32>, vector<128x127xf32> -> vector<128x128xf32>
    %slice3A_82 = vector.extract_strided_slice %select_n3A_69 {offsets = [0, 1], sizes = [128, 127], strides = [1, 1]} : vector<128x128xi32> to vector<128x127xi32>
    %slice3A_83 = vector.extract_strided_slice %select_n3A_69 {offsets = [0, 0], sizes = [128, 1], strides = [1, 1]} : vector<128x128xi32> to vector<128x1xi32>
    %concatenate3A_84 = tpu.concatenate %slice3A_82, %slice3A_83 in 1 : vector<128x127xi32>, vector<128x1xi32> -> vector<128x128xi32>
    %slice3A_85 = vector.extract_strided_slice %select_n3A_69 {offsets = [0, 127], sizes = [128, 1], strides = [1, 1]} : vector<128x128xi32> to vector<128x1xi32>
    %slice3A_86 = vector.extract_strided_slice %select_n3A_69 {offsets = [0, 0], sizes = [128, 127], strides = [1, 1]} : vector<128x128xi32> to vector<128x127xi32>
    %concatenate3A_87 = tpu.concatenate %slice3A_85, %slice3A_86 in 1 : vector<128x1xi32>, vector<128x127xi32> -> vector<128x128xi32>
    %select_n3A_88 = arith.select %eq3A_75, %concatenate3A_78, %concatenate3A_81 : vector<128x128xi1>, vector<128x128xf32>
    %select_n3A_89 = arith.select %eq3A_75, %concatenate3A_84, %concatenate3A_87 : vector<128x128xi1>, vector<128x128xi32>
    %gt3A_90 = arith.cmpf ogt, %select_n3A_68, %select_n3A_88 : vector<128x128xf32>
    %eq3A_91 = arith.cmpf oeq, %select_n3A_68, %select_n3A_88 : vector<128x128xf32>
    %gt3A_92 = arith.cmpi sgt, %select_n3A_69, %select_n3A_89 : vector<128x128xi32>
    %and3A_93 = arith.andi %eq3A_91, %gt3A_92 : vector<128x128xi1>
    %or3A_94 = arith.ori %gt3A_90, %and3A_93 : vector<128x128xi1>
    %xor3A_95 = arith.xori %or3A_94, %eq3A_75 : vector<128x128xi1>
    %xor3A_96 = arith.xori %xor3A_95, %eq3A_40 : vector<128x128xi1>
    %select_n3A_97 = arith.select %xor3A_96, %select_n3A_88, %select_n3A_68 : vector<128x128xi1>, vector<128x128xf32>
    %select_n3A_98 = arith.select %xor3A_96, %select_n3A_89, %select_n3A_69 : vector<128x128xi1>, vector<128x128xi32>
    %and3A_99 = arith.constant 8 : i32
    %and3A_100 = vector.broadcast %and3A_99 : i32 to vector<128x128xi32>
    %and3A_101 = arith.andi %add3A, %and3A_100 : vector<128x128xi32>
    %eq3A_102 = arith.constant 0 : i32
    %eq3A_103 = vector.broadcast %eq3A_102 : i32 to vector<128x128xi32>
    %eq3A_104 = arith.cmpi eq, %and3A_101, %eq3A_103 : vector<128x128xi32>
    %and3A_105 = arith.constant 4 : i32
    %and3A_106 = vector.broadcast %and3A_105 : i32 to vector<128x128xi32>
    %and3A_107 = arith.andi %iota3A_5, %and3A_106 : vector<128x128xi32>
    %eq3A_108 = arith.constant 0 : i32
    %eq3A_109 = vector.broadcast %eq3A_108 : i32 to vector<128x128xi32>
    %eq3A_110 = arith.cmpi eq, %and3A_107, %eq3A_109 : vector<128x128xi32>
    %slice3A_111 = vector.extract_strided_slice %select_n3A_97 {offsets = [0, 4], sizes = [128, 124], strides = [1, 1]} : vector<128x128xf32> to vector<128x124xf32>
    %slice3A_112 = vector.extract_strided_slice %select_n3A_97 {offsets = [0, 0], sizes = [128, 4], strides = [1, 1]} : vector<128x128xf32> to vector<128x4xf32>
    %concatenate3A_113 = tpu.concatenate %slice3A_111, %slice3A_112 in 1 : vector<128x124xf32>, vector<128x4xf32> -> vector<128x128xf32>
    %slice3A_114 = vector.extract_strided_slice %select_n3A_97 {offsets = [0, 124], sizes = [128, 4], strides = [1, 1]} : vector<128x128xf32> to vector<128x4xf32>
    %slice3A_115 = vector.extract_strided_slice %select_n3A_97 {offsets = [0, 0], sizes = [128, 124], strides = [1, 1]} : vector<128x128xf32> to vector<128x124xf32>
    %concatenate3A_116 = tpu.concatenate %slice3A_114, %slice3A_115 in 1 : vector<128x4xf32>, vector<128x124xf32> -> vector<128x128xf32>
    %slice3A_117 = vector.extract_strided_slice %select_n3A_98 {offsets = [0, 4], sizes = [128, 124], strides = [1, 1]} : vector<128x128xi32> to vector<128x124xi32>
    %slice3A_118 = vector.extract_strided_slice %select_n3A_98 {offsets = [0, 0], sizes = [128, 4], strides = [1, 1]} : vector<128x128xi32> to vector<128x4xi32>
    %concatenate3A_119 = tpu.concatenate %slice3A_117, %slice3A_118 in 1 : vector<128x124xi32>, vector<128x4xi32> -> vector<128x128xi32>
    %slice3A_120 = vector.extract_strided_slice %select_n3A_98 {offsets = [0, 124], sizes = [128, 4], strides = [1, 1]} : vector<128x128xi32> to vector<128x4xi32>
    %slice3A_121 = vector.extract_strided_slice %select_n3A_98 {offsets = [0, 0], sizes = [128, 124], strides = [1, 1]} : vector<128x128xi32> to vector<128x124xi32>
    %concatenate3A_122 = tpu.concatenate %slice3A_120, %slice3A_121 in 1 : vector<128x4xi32>, vector<128x124xi32> -> vector<128x128xi32>
    %select_n3A_123 = arith.select %eq3A_110, %concatenate3A_113, %concatenate3A_116 : vector<128x128xi1>, vector<128x128xf32>
    %select_n3A_124 = arith.select %eq3A_110, %concatenate3A_119, %concatenate3A_122 : vector<128x128xi1>, vector<128x128xi32>
    %gt3A_125 = arith.cmpf ogt, %select_n3A_97, %select_n3A_123 : vector<128x128xf32>
    %eq3A_126 = arith.cmpf oeq, %select_n3A_97, %select_n3A_123 : vector<128x128xf32>
    %gt3A_127 = arith.cmpi sgt, %select_n3A_98, %select_n3A_124 : vector<128x128xi32>
    %and3A_128 = arith.andi %eq3A_126, %gt3A_127 : vector<128x128xi1>
    %or3A_129 = arith.ori %gt3A_125, %and3A_128 : vector<128x128xi1>
    %xor3A_130 = arith.xori %or3A_129, %eq3A_110 : vector<128x128xi1>
    %xor3A_131 = arith.xori %xor3A_130, %eq3A_104 : vector<128x128xi1>
    %select_n3A_132 = arith.select %xor3A_131, %select_n3A_123, %select_n3A_97 : vector<128x128xi1>, vector<128x128xf32>
    %select_n3A_133 = arith.select %xor3A_131, %select_n3A_124, %select_n3A_98 : vector<128x128xi1>, vector<128x128xi32>
    %and3A_134 = arith.constant 2 : i32
    %and3A_135 = vector.broadcast %and3A_134 : i32 to vector<128x128xi32>
    %and3A_136 = arith.andi %iota3A_5, %and3A_135 : vector<128x128xi32>
    %eq3A_137 = arith.constant 0 : i32
    %eq3A_138 = vector.broadcast %eq3A_137 : i32 to vector<128x128xi32>
    %eq3A_139 = arith.cmpi eq, %and3A_136, %eq3A_138 : vector<128x128xi32>
    %slice3A_140 = vector.extract_strided_slice %select_n3A_132 {offsets = [0, 2], sizes = [128, 126], strides = [1, 1]} : vector<128x128xf32> to vector<128x126xf32>
    %slice3A_141 = vector.extract_strided_slice %select_n3A_132 {offsets = [0, 0], sizes = [128, 2], strides = [1, 1]} : vector<128x128xf32> to vector<128x2xf32>
    %concatenate3A_142 = tpu.concatenate %slice3A_140, %slice3A_141 in 1 : vector<128x126xf32>, vector<128x2xf32> -> vector<128x128xf32>
    %slice3A_143 = vector.extract_strided_slice %select_n3A_132 {offsets = [0, 126], sizes = [128, 2], strides = [1, 1]} : vector<128x128xf32> to vector<128x2xf32>
    %slice3A_144 = vector.extract_strided_slice %select_n3A_132 {offsets = [0, 0], sizes = [128, 126], strides = [1, 1]} : vector<128x128xf32> to vector<128x126xf32>
    %concatenate3A_145 = tpu.concatenate %slice3A_143, %slice3A_144 in 1 : vector<128x2xf32>, vector<128x126xf32> -> vector<128x128xf32>
    %slice3A_146 = vector.extract_strided_slice %select_n3A_133 {offsets = [0, 2], sizes = [128, 126], strides = [1, 1]} : vector<128x128xi32> to vector<128x126xi32>
    %slice3A_147 = vector.extract_strided_slice %select_n3A_133 {offsets = [0, 0], sizes = [128, 2], strides = [1, 1]} : vector<128x128xi32> to vector<128x2xi32>
    %concatenate3A_148 = tpu.concatenate %slice3A_146, %slice3A_147 in 1 : vector<128x126xi32>, vector<128x2xi32> -> vector<128x128xi32>
    %slice3A_149 = vector.extract_strided_slice %select_n3A_133 {offsets = [0, 126], sizes = [128, 2], strides = [1, 1]} : vector<128x128xi32> to vector<128x2xi32>
    %slice3A_150 = vector.extract_strided_slice %select_n3A_133 {offsets = [0, 0], sizes = [128, 126], strides = [1, 1]} : vector<128x128xi32> to vector<128x126xi32>
    %concatenate3A_151 = tpu.concatenate %slice3A_149, %slice3A_150 in 1 : vector<128x2xi32>, vector<128x126xi32> -> vector<128x128xi32>
    %select_n3A_152 = arith.select %eq3A_139, %concatenate3A_142, %concatenate3A_145 : vector<128x128xi1>, vector<128x128xf32>
    %select_n3A_153 = arith.select %eq3A_139, %concatenate3A_148, %concatenate3A_151 : vector<128x128xi1>, vector<128x128xi32>
    %gt3A_154 = arith.cmpf ogt, %select_n3A_132, %select_n3A_152 : vector<128x128xf32>
    %eq3A_155 = arith.cmpf oeq, %select_n3A_132, %select_n3A_152 : vector<128x128xf32>
    %gt3A_156 = arith.cmpi sgt, %select_n3A_133, %select_n3A_153 : vector<128x128xi32>
    %and3A_157 = arith.andi %eq3A_155, %gt3A_156 : vector<128x128xi1>
    %or3A_158 = arith.ori %gt3A_154, %and3A_157 : vector<128x128xi1>
    %xor3A_159 = arith.xori %or3A_158, %eq3A_139 : vector<128x128xi1>
    %xor3A_160 = arith.xori %xor3A_159, %eq3A_104 : vector<128x128xi1>
    %select_n3A_161 = arith.select %xor3A_160, %select_n3A_152, %select_n3A_132 : vector<128x128xi1>, vector<128x128xf32>
    %select_n3A_162 = arith.select %xor3A_160, %select_n3A_153, %select_n3A_133 : vector<128x128xi1>, vector<128x128xi32>
    %and3A_163 = arith.constant 1 : i32
    %and3A_164 = vector.broadcast %and3A_163 : i32 to vector<128x128xi32>
    %and3A_165 = arith.andi %iota3A_5, %and3A_164 : vector<128x128xi32>
    %eq3A_166 = arith.constant 0 : i32
    %eq3A_167 = vector.broadcast %eq3A_166 : i32 to vector<128x128xi32>
    %eq3A_168 = arith.cmpi eq, %and3A_165, %eq3A_167 : vector<128x128xi32>
    %slice3A_169 = vector.extract_strided_slice %select_n3A_161 {offsets = [0, 1], sizes = [128, 127], strides = [1, 1]} : vector<128x128xf32> to vector<128x127xf32>
    %slice3A_170 = vector.extract_strided_slice %select_n3A_161 {offsets = [0, 0], sizes = [128, 1], strides = [1, 1]} : vector<128x128xf32> to vector<128x1xf32>
    %concatenate3A_171 = tpu.concatenate %slice3A_169, %slice3A_170 in 1 : vector<128x127xf32>, vector<128x1xf32> -> vector<128x128xf32>
    %slice3A_172 = vector.extract_strided_slice %select_n3A_161 {offsets = [0, 127], sizes = [128, 1], strides = [1, 1]} : vector<128x128xf32> to vector<128x1xf32>
    %slice3A_173 = vector.extract_strided_slice %select_n3A_161 {offsets = [0, 0], sizes = [128, 127], strides = [1, 1]} : vector<128x128xf32> to vector<128x127xf32>
    %concatenate3A_174 = tpu.concatenate %slice3A_172, %slice3A_173 in 1 : vector<128x1xf32>, vector<128x127xf32> -> vector<128x128xf32>
    %slice3A_175 = vector.extract_strided_slice %select_n3A_162 {offsets = [0, 1], sizes = [128, 127], strides = [1, 1]} : vector<128x128xi32> to vector<128x127xi32>
    %slice3A_176 = vector.extract_strided_slice %select_n3A_162 {offsets = [0, 0], sizes = [128, 1], strides = [1, 1]} : vector<128x128xi32> to vector<128x1xi32>
    %concatenate3A_177 = tpu.concatenate %slice3A_175, %slice3A_176 in 1 : vector<128x127xi32>, vector<128x1xi32> -> vector<128x128xi32>
    %slice3A_178 = vector.extract_strided_slice %select_n3A_162 {offsets = [0, 127], sizes = [128, 1], strides = [1, 1]} : vector<128x128xi32> to vector<128x1xi32>
    %slice3A_179 = vector.extract_strided_slice %select_n3A_162 {offsets = [0, 0], sizes = [128, 127], strides = [1, 1]} : vector<128x128xi32> to vector<128x127xi32>
    %concatenate3A_180 = tpu.concatenate %slice3A_178, %slice3A_179 in 1 : vector<128x1xi32>, vector<128x127xi32> -> vector<128x128xi32>
    %select_n3A_181 = arith.select %eq3A_168, %concatenate3A_171, %concatenate3A_174 : vector<128x128xi1>, vector<128x128xf32>
    %select_n3A_182 = arith.select %eq3A_168, %concatenate3A_177, %concatenate3A_180 : vector<128x128xi1>, vector<128x128xi32>
    %gt3A_183 = arith.cmpf ogt, %select_n3A_161, %select_n3A_181 : vector<128x128xf32>
    %eq3A_184 = arith.cmpf oeq, %select_n3A_161, %select_n3A_181 : vector<128x128xf32>
    %gt3A_185 = arith.cmpi sgt, %select_n3A_162, %select_n3A_182 : vector<128x128xi32>
    %and3A_186 = arith.andi %eq3A_184, %gt3A_185 : vector<128x128xi1>
    %or3A_187 = arith.ori %gt3A_183, %and3A_186 : vector<128x128xi1>
    %xor3A_188 = arith.xori %or3A_187, %eq3A_168 : vector<128x128xi1>
    %xor3A_189 = arith.xori %xor3A_188, %eq3A_104 : vector<128x128xi1>
    %select_n3A_190 = arith.select %xor3A_189, %select_n3A_181, %select_n3A_161 : vector<128x128xi1>, vector<128x128xf32>
    %select_n3A_191 = arith.select %xor3A_189, %select_n3A_182, %select_n3A_162 : vector<128x128xi1>, vector<128x128xi32>
    %and3A_192 = arith.constant 16 : i32
    %and3A_193 = vector.broadcast %and3A_192 : i32 to vector<128x128xi32>
    %and3A_194 = arith.andi %add3A, %and3A_193 : vector<128x128xi32>
    %eq3A_195 = arith.constant 0 : i32
    %eq3A_196 = vector.broadcast %eq3A_195 : i32 to vector<128x128xi32>
    %eq3A_197 = arith.cmpi eq, %and3A_194, %eq3A_196 : vector<128x128xi32>
    %and3A_198 = arith.constant 8 : i32
    %and3A_199 = vector.broadcast %and3A_198 : i32 to vector<128x128xi32>
    %and3A_200 = arith.andi %iota3A_5, %and3A_199 : vector<128x128xi32>
    %eq3A_201 = arith.constant 0 : i32
    %eq3A_202 = vector.broadcast %eq3A_201 : i32 to vector<128x128xi32>
    %eq3A_203 = arith.cmpi eq, %and3A_200, %eq3A_202 : vector<128x128xi32>
    %slice3A_204 = vector.extract_strided_slice %select_n3A_190 {offsets = [0, 8], sizes = [128, 120], strides = [1, 1]} : vector<128x128xf32> to vector<128x120xf32>
    %slice3A_205 = vector.extract_strided_slice %select_n3A_190 {offsets = [0, 0], sizes = [128, 8], strides = [1, 1]} : vector<128x128xf32> to vector<128x8xf32>
    %concatenate3A_206 = tpu.concatenate %slice3A_204, %slice3A_205 in 1 : vector<128x120xf32>, vector<128x8xf32> -> vector<128x128xf32>
    %slice3A_207 = vector.extract_strided_slice %select_n3A_190 {offsets = [0, 120], sizes = [128, 8], strides = [1, 1]} : vector<128x128xf32> to vector<128x8xf32>
    %slice3A_208 = vector.extract_strided_slice %select_n3A_190 {offsets = [0, 0], sizes = [128, 120], strides = [1, 1]} : vector<128x128xf32> to vector<128x120xf32>
    %concatenate3A_209 = tpu.concatenate %slice3A_207, %slice3A_208 in 1 : vector<128x8xf32>, vector<128x120xf32> -> vector<128x128xf32>
    %slice3A_210 = vector.extract_strided_slice %select_n3A_191 {offsets = [0, 8], sizes = [128, 120], strides = [1, 1]} : vector<128x128xi32> to vector<128x120xi32>
    %slice3A_211 = vector.extract_strided_slice %select_n3A_191 {offsets = [0, 0], sizes = [128, 8], strides = [1, 1]} : vector<128x128xi32> to vector<128x8xi32>
    %concatenate3A_212 = tpu.concatenate %slice3A_210, %slice3A_211 in 1 : vector<128x120xi32>, vector<128x8xi32> -> vector<128x128xi32>
    %slice3A_213 = vector.extract_strided_slice %select_n3A_191 {offsets = [0, 120], sizes = [128, 8], strides = [1, 1]} : vector<128x128xi32> to vector<128x8xi32>
    %slice3A_214 = vector.extract_strided_slice %select_n3A_191 {offsets = [0, 0], sizes = [128, 120], strides = [1, 1]} : vector<128x128xi32> to vector<128x120xi32>
    %concatenate3A_215 = tpu.concatenate %slice3A_213, %slice3A_214 in 1 : vector<128x8xi32>, vector<128x120xi32> -> vector<128x128xi32>
    %select_n3A_216 = arith.select %eq3A_203, %concatenate3A_206, %concatenate3A_209 : vector<128x128xi1>, vector<128x128xf32>
    %select_n3A_217 = arith.select %eq3A_203, %concatenate3A_212, %concatenate3A_215 : vector<128x128xi1>, vector<128x128xi32>
    %gt3A_218 = arith.cmpf ogt, %select_n3A_190, %select_n3A_216 : vector<128x128xf32>
    %eq3A_219 = arith.cmpf oeq, %select_n3A_190, %select_n3A_216 : vector<128x128xf32>
    %gt3A_220 = arith.cmpi sgt, %select_n3A_191, %select_n3A_217 : vector<128x128xi32>
    %and3A_221 = arith.andi %eq3A_219, %gt3A_220 : vector<128x128xi1>
    %or3A_222 = arith.ori %gt3A_218, %and3A_221 : vector<128x128xi1>
    %xor3A_223 = arith.xori %or3A_222, %eq3A_203 : vector<128x128xi1>
    %xor3A_224 = arith.xori %xor3A_223, %eq3A_197 : vector<128x128xi1>
    %select_n3A_225 = arith.select %xor3A_224, %select_n3A_216, %select_n3A_190 : vector<128x128xi1>, vector<128x128xf32>
    %select_n3A_226 = arith.select %xor3A_224, %select_n3A_217, %select_n3A_191 : vector<128x128xi1>, vector<128x128xi32>
    %and3A_227 = arith.constant 4 : i32
    %and3A_228 = vector.broadcast %and3A_227 : i32 to vector<128x128xi32>
    %and3A_229 = arith.andi %iota3A_5, %and3A_228 : vector<128x128xi32>
    %eq3A_230 = arith.constant 0 : i32
    %eq3A_231 = vector.broadcast %eq3A_230 : i32 to vector<128x128xi32>
    %eq3A_232 = arith.cmpi eq, %and3A_229, %eq3A_231 : vector<128x128xi32>
    %slice3A_233 = vector.extract_strided_slice %select_n3A_225 {offsets = [0, 4], sizes = [128, 124], strides = [1, 1]} : vector<128x128xf32> to vector<128x124xf32>
    %slice3A_234 = vector.extract_strided_slice %select_n3A_225 {offsets = [0, 0], sizes = [128, 4], strides = [1, 1]} : vector<128x128xf32> to vector<128x4xf32>
    %concatenate3A_235 = tpu.concatenate %slice3A_233, %slice3A_234 in 1 : vector<128x124xf32>, vector<128x4xf32> -> vector<128x128xf32>
    %slice3A_236 = vector.extract_strided_slice %select_n3A_225 {offsets = [0, 124], sizes = [128, 4], strides = [1, 1]} : vector<128x128xf32> to vector<128x4xf32>
    %slice3A_237 = vector.extract_strided_slice %select_n3A_225 {offsets = [0, 0], sizes = [128, 124], strides = [1, 1]} : vector<128x128xf32> to vector<128x124xf32>
    %concatenate3A_238 = tpu.concatenate %slice3A_236, %slice3A_237 in 1 : vector<128x4xf32>, vector<128x124xf32> -> vector<128x128xf32>
    %slice3A_239 = vector.extract_strided_slice %select_n3A_226 {offsets = [0, 4], sizes = [128, 124], strides = [1, 1]} : vector<128x128xi32> to vector<128x124xi32>
    %slice3A_240 = vector.extract_strided_slice %select_n3A_226 {offsets = [0, 0], sizes = [128, 4], strides = [1, 1]} : vector<128x128xi32> to vector<128x4xi32>
    %concatenate3A_241 = tpu.concatenate %slice3A_239, %slice3A_240 in 1 : vector<128x124xi32>, vector<128x4xi32> -> vector<128x128xi32>
    %slice3A_242 = vector.extract_strided_slice %select_n3A_226 {offsets = [0, 124], sizes = [128, 4], strides = [1, 1]} : vector<128x128xi32> to vector<128x4xi32>
    %slice3A_243 = vector.extract_strided_slice %select_n3A_226 {offsets = [0, 0], sizes = [128, 124], strides = [1, 1]} : vector<128x128xi32> to vector<128x124xi32>
    %concatenate3A_244 = tpu.concatenate %slice3A_242, %slice3A_243 in 1 : vector<128x4xi32>, vector<128x124xi32> -> vector<128x128xi32>
    %select_n3A_245 = arith.select %eq3A_232, %concatenate3A_235, %concatenate3A_238 : vector<128x128xi1>, vector<128x128xf32>
    %select_n3A_246 = arith.select %eq3A_232, %concatenate3A_241, %concatenate3A_244 : vector<128x128xi1>, vector<128x128xi32>
    %gt3A_247 = arith.cmpf ogt, %select_n3A_225, %select_n3A_245 : vector<128x128xf32>
    %eq3A_248 = arith.cmpf oeq, %select_n3A_225, %select_n3A_245 : vector<128x128xf32>
    %gt3A_249 = arith.cmpi sgt, %select_n3A_226, %select_n3A_246 : vector<128x128xi32>
    %and3A_250 = arith.andi %eq3A_248, %gt3A_249 : vector<128x128xi1>
    %or3A_251 = arith.ori %gt3A_247, %and3A_250 : vector<128x128xi1>
    %xor3A_252 = arith.xori %or3A_251, %eq3A_232 : vector<128x128xi1>
    %xor3A_253 = arith.xori %xor3A_252, %eq3A_197 : vector<128x128xi1>
    %select_n3A_254 = arith.select %xor3A_253, %select_n3A_245, %select_n3A_225 : vector<128x128xi1>, vector<128x128xf32>
    %select_n3A_255 = arith.select %xor3A_253, %select_n3A_246, %select_n3A_226 : vector<128x128xi1>, vector<128x128xi32>
    %and3A_256 = arith.constant 2 : i32
    %and3A_257 = vector.broadcast %and3A_256 : i32 to vector<128x128xi32>
    %and3A_258 = arith.andi %iota3A_5, %and3A_257 : vector<128x128xi32>
    %eq3A_259 = arith.constant 0 : i32
    %eq3A_260 = vector.broadcast %eq3A_259 : i32 to vector<128x128xi32>
    %eq3A_261 = arith.cmpi eq, %and3A_258, %eq3A_260 : vector<128x128xi32>
    %slice3A_262 = vector.extract_strided_slice %select_n3A_254 {offsets = [0, 2], sizes = [128, 126], strides = [1, 1]} : vector<128x128xf32> to vector<128x126xf32>
    %slice3A_263 = vector.extract_strided_slice %select_n3A_254 {offsets = [0, 0], sizes = [128, 2], strides = [1, 1]} : vector<128x128xf32> to vector<128x2xf32>
    %concatenate3A_264 = tpu.concatenate %slice3A_262, %slice3A_263 in 1 : vector<128x126xf32>, vector<128x2xf32> -> vector<128x128xf32>
    %slice3A_265 = vector.extract_strided_slice %select_n3A_254 {offsets = [0, 126], sizes = [128, 2], strides = [1, 1]} : vector<128x128xf32> to vector<128x2xf32>
    %slice3A_266 = vector.extract_strided_slice %select_n3A_254 {offsets = [0, 0], sizes = [128, 126], strides = [1, 1]} : vector<128x128xf32> to vector<128x126xf32>
    %concatenate3A_267 = tpu.concatenate %slice3A_265, %slice3A_266 in 1 : vector<128x2xf32>, vector<128x126xf32> -> vector<128x128xf32>
    %slice3A_268 = vector.extract_strided_slice %select_n3A_255 {offsets = [0, 2], sizes = [128, 126], strides = [1, 1]} : vector<128x128xi32> to vector<128x126xi32>
    %slice3A_269 = vector.extract_strided_slice %select_n3A_255 {offsets = [0, 0], sizes = [128, 2], strides = [1, 1]} : vector<128x128xi32> to vector<128x2xi32>
    %concatenate3A_270 = tpu.concatenate %slice3A_268, %slice3A_269 in 1 : vector<128x126xi32>, vector<128x2xi32> -> vector<128x128xi32>
    %slice3A_271 = vector.extract_strided_slice %select_n3A_255 {offsets = [0, 126], sizes = [128, 2], strides = [1, 1]} : vector<128x128xi32> to vector<128x2xi32>
    %slice3A_272 = vector.extract_strided_slice %select_n3A_255 {offsets = [0, 0], sizes = [128, 126], strides = [1, 1]} : vector<128x128xi32> to vector<128x126xi32>
    %concatenate3A_273 = tpu.concatenate %slice3A_271, %slice3A_272 in 1 : vector<128x2xi32>, vector<128x126xi32> -> vector<128x128xi32>
    %select_n3A_274 = arith.select %eq3A_261, %concatenate3A_264, %concatenate3A_267 : vector<128x128xi1>, vector<128x128xf32>
    %select_n3A_275 = arith.select %eq3A_261, %concatenate3A_270, %concatenate3A_273 : vector<128x128xi1>, vector<128x128xi32>
    %gt3A_276 = arith.cmpf ogt, %select_n3A_254, %select_n3A_274 : vector<128x128xf32>
    %eq3A_277 = arith.cmpf oeq, %select_n3A_254, %select_n3A_274 : vector<128x128xf32>
    %gt3A_278 = arith.cmpi sgt, %select_n3A_255, %select_n3A_275 : vector<128x128xi32>
    %and3A_279 = arith.andi %eq3A_277, %gt3A_278 : vector<128x128xi1>
    %or3A_280 = arith.ori %gt3A_276, %and3A_279 : vector<128x128xi1>
    %xor3A_281 = arith.xori %or3A_280, %eq3A_261 : vector<128x128xi1>
    %xor3A_282 = arith.xori %xor3A_281, %eq3A_197 : vector<128x128xi1>
    %select_n3A_283 = arith.select %xor3A_282, %select_n3A_274, %select_n3A_254 : vector<128x128xi1>, vector<128x128xf32>
    %select_n3A_284 = arith.select %xor3A_282, %select_n3A_275, %select_n3A_255 : vector<128x128xi1>, vector<128x128xi32>
    %and3A_285 = arith.constant 1 : i32
    %and3A_286 = vector.broadcast %and3A_285 : i32 to vector<128x128xi32>
    %and3A_287 = arith.andi %iota3A_5, %and3A_286 : vector<128x128xi32>
    %eq3A_288 = arith.constant 0 : i32
    %eq3A_289 = vector.broadcast %eq3A_288 : i32 to vector<128x128xi32>
    %eq3A_290 = arith.cmpi eq, %and3A_287, %eq3A_289 : vector<128x128xi32>
    %slice3A_291 = vector.extract_strided_slice %select_n3A_283 {offsets = [0, 1], sizes = [128, 127], strides = [1, 1]} : vector<128x128xf32> to vector<128x127xf32>
    %slice3A_292 = vector.extract_strided_slice %select_n3A_283 {offsets = [0, 0], sizes = [128, 1], strides = [1, 1]} : vector<128x128xf32> to vector<128x1xf32>
    %concatenate3A_293 = tpu.concatenate %slice3A_291, %slice3A_292 in 1 : vector<128x127xf32>, vector<128x1xf32> -> vector<128x128xf32>
    %slice3A_294 = vector.extract_strided_slice %select_n3A_283 {offsets = [0, 127], sizes = [128, 1], strides = [1, 1]} : vector<128x128xf32> to vector<128x1xf32>
    %slice3A_295 = vector.extract_strided_slice %select_n3A_283 {offsets = [0, 0], sizes = [128, 127], strides = [1, 1]} : vector<128x128xf32> to vector<128x127xf32>
    %concatenate3A_296 = tpu.concatenate %slice3A_294, %slice3A_295 in 1 : vector<128x1xf32>, vector<128x127xf32> -> vector<128x128xf32>
    %slice3A_297 = vector.extract_strided_slice %select_n3A_284 {offsets = [0, 1], sizes = [128, 127], strides = [1, 1]} : vector<128x128xi32> to vector<128x127xi32>
    %slice3A_298 = vector.extract_strided_slice %select_n3A_284 {offsets = [0, 0], sizes = [128, 1], strides = [1, 1]} : vector<128x128xi32> to vector<128x1xi32>
    %concatenate3A_299 = tpu.concatenate %slice3A_297, %slice3A_298 in 1 : vector<128x127xi32>, vector<128x1xi32> -> vector<128x128xi32>
    %slice3A_300 = vector.extract_strided_slice %select_n3A_284 {offsets = [0, 127], sizes = [128, 1], strides = [1, 1]} : vector<128x128xi32> to vector<128x1xi32>
    %slice3A_301 = vector.extract_strided_slice %select_n3A_284 {offsets = [0, 0], sizes = [128, 127], strides = [1, 1]} : vector<128x128xi32> to vector<128x127xi32>
    %concatenate3A_302 = tpu.concatenate %slice3A_300, %slice3A_301 in 1 : vector<128x1xi32>, vector<128x127xi32> -> vector<128x128xi32>
    %select_n3A_303 = arith.select %eq3A_290, %concatenate3A_293, %concatenate3A_296 : vector<128x128xi1>, vector<128x128xf32>
    %select_n3A_304 = arith.select %eq3A_290, %concatenate3A_299, %concatenate3A_302 : vector<128x128xi1>, vector<128x128xi32>
    %gt3A_305 = arith.cmpf ogt, %select_n3A_283, %select_n3A_303 : vector<128x128xf32>
    %eq3A_306 = arith.cmpf oeq, %select_n3A_283, %select_n3A_303 : vector<128x128xf32>
    %gt3A_307 = arith.cmpi sgt, %select_n3A_284, %select_n3A_304 : vector<128x128xi32>
    %and3A_308 = arith.andi %eq3A_306, %gt3A_307 : vector<128x128xi1>
    %or3A_309 = arith.ori %gt3A_305, %and3A_308 : vector<128x128xi1>
    %xor3A_310 = arith.xori %or3A_309, %eq3A_290 : vector<128x128xi1>
    %xor3A_311 = arith.xori %xor3A_310, %eq3A_197 : vector<128x128xi1>
    %select_n3A_312 = arith.select %xor3A_311, %select_n3A_303, %select_n3A_283 : vector<128x128xi1>, vector<128x128xf32>
    %select_n3A_313 = arith.select %xor3A_311, %select_n3A_304, %select_n3A_284 : vector<128x128xi1>, vector<128x128xi32>
    %and3A_314 = arith.constant 32 : i32
    %and3A_315 = vector.broadcast %and3A_314 : i32 to vector<128x128xi32>
    %and3A_316 = arith.andi %add3A, %and3A_315 : vector<128x128xi32>
    %eq3A_317 = arith.constant 0 : i32
    %eq3A_318 = vector.broadcast %eq3A_317 : i32 to vector<128x128xi32>
    %eq3A_319 = arith.cmpi eq, %and3A_316, %eq3A_318 : vector<128x128xi32>
    %and3A_320 = arith.constant 16 : i32
    %and3A_321 = vector.broadcast %and3A_320 : i32 to vector<128x128xi32>
    %and3A_322 = arith.andi %iota3A_5, %and3A_321 : vector<128x128xi32>
    %eq3A_323 = arith.constant 0 : i32
    %eq3A_324 = vector.broadcast %eq3A_323 : i32 to vector<128x128xi32>
    %eq3A_325 = arith.cmpi eq, %and3A_322, %eq3A_324 : vector<128x128xi32>
    %slice3A_326 = vector.extract_strided_slice %select_n3A_312 {offsets = [0, 16], sizes = [128, 112], strides = [1, 1]} : vector<128x128xf32> to vector<128x112xf32>
    %slice3A_327 = vector.extract_strided_slice %select_n3A_312 {offsets = [0, 0], sizes = [128, 16], strides = [1, 1]} : vector<128x128xf32> to vector<128x16xf32>
    %concatenate3A_328 = tpu.concatenate %slice3A_326, %slice3A_327 in 1 : vector<128x112xf32>, vector<128x16xf32> -> vector<128x128xf32>
    %slice3A_329 = vector.extract_strided_slice %select_n3A_312 {offsets = [0, 112], sizes = [128, 16], strides = [1, 1]} : vector<128x128xf32> to vector<128x16xf32>
    %slice3A_330 = vector.extract_strided_slice %select_n3A_312 {offsets = [0, 0], sizes = [128, 112], strides = [1, 1]} : vector<128x128xf32> to vector<128x112xf32>
    %concatenate3A_331 = tpu.concatenate %slice3A_329, %slice3A_330 in 1 : vector<128x16xf32>, vector<128x112xf32> -> vector<128x128xf32>
    %slice3A_332 = vector.extract_strided_slice %select_n3A_313 {offsets = [0, 16], sizes = [128, 112], strides = [1, 1]} : vector<128x128xi32> to vector<128x112xi32>
    %slice3A_333 = vector.extract_strided_slice %select_n3A_313 {offsets = [0, 0], sizes = [128, 16], strides = [1, 1]} : vector<128x128xi32> to vector<128x16xi32>
    %concatenate3A_334 = tpu.concatenate %slice3A_332, %slice3A_333 in 1 : vector<128x112xi32>, vector<128x16xi32> -> vector<128x128xi32>
    %slice3A_335 = vector.extract_strided_slice %select_n3A_313 {offsets = [0, 112], sizes = [128, 16], strides = [1, 1]} : vector<128x128xi32> to vector<128x16xi32>
    %slice3A_336 = vector.extract_strided_slice %select_n3A_313 {offsets = [0, 0], sizes = [128, 112], strides = [1, 1]} : vector<128x128xi32> to vector<128x112xi32>
    %concatenate3A_337 = tpu.concatenate %slice3A_335, %slice3A_336 in 1 : vector<128x16xi32>, vector<128x112xi32> -> vector<128x128xi32>
    %select_n3A_338 = arith.select %eq3A_325, %concatenate3A_328, %concatenate3A_331 : vector<128x128xi1>, vector<128x128xf32>
    %select_n3A_339 = arith.select %eq3A_325, %concatenate3A_334, %concatenate3A_337 : vector<128x128xi1>, vector<128x128xi32>
    %gt3A_340 = arith.cmpf ogt, %select_n3A_312, %select_n3A_338 : vector<128x128xf32>
    %eq3A_341 = arith.cmpf oeq, %select_n3A_312, %select_n3A_338 : vector<128x128xf32>
    %gt3A_342 = arith.cmpi sgt, %select_n3A_313, %select_n3A_339 : vector<128x128xi32>
    %and3A_343 = arith.andi %eq3A_341, %gt3A_342 : vector<128x128xi1>
    %or3A_344 = arith.ori %gt3A_340, %and3A_343 : vector<128x128xi1>
    %xor3A_345 = arith.xori %or3A_344, %eq3A_325 : vector<128x128xi1>
    %xor3A_346 = arith.xori %xor3A_345, %eq3A_319 : vector<128x128xi1>
    %select_n3A_347 = arith.select %xor3A_346, %select_n3A_338, %select_n3A_312 : vector<128x128xi1>, vector<128x128xf32>
    %select_n3A_348 = arith.select %xor3A_346, %select_n3A_339, %select_n3A_313 : vector<128x128xi1>, vector<128x128xi32>
    %and3A_349 = arith.constant 8 : i32
    %and3A_350 = vector.broadcast %and3A_349 : i32 to vector<128x128xi32>
    %and3A_351 = arith.andi %iota3A_5, %and3A_350 : vector<128x128xi32>
    %eq3A_352 = arith.constant 0 : i32
    %eq3A_353 = vector.broadcast %eq3A_352 : i32 to vector<128x128xi32>
    %eq3A_354 = arith.cmpi eq, %and3A_351, %eq3A_353 : vector<128x128xi32>
    %slice3A_355 = vector.extract_strided_slice %select_n3A_347 {offsets = [0, 8], sizes = [128, 120], strides = [1, 1]} : vector<128x128xf32> to vector<128x120xf32>
    %slice3A_356 = vector.extract_strided_slice %select_n3A_347 {offsets = [0, 0], sizes = [128, 8], strides = [1, 1]} : vector<128x128xf32> to vector<128x8xf32>
    %concatenate3A_357 = tpu.concatenate %slice3A_355, %slice3A_356 in 1 : vector<128x120xf32>, vector<128x8xf32> -> vector<128x128xf32>
    %slice3A_358 = vector.extract_strided_slice %select_n3A_347 {offsets = [0, 120], sizes = [128, 8], strides = [1, 1]} : vector<128x128xf32> to vector<128x8xf32>
    %slice3A_359 = vector.extract_strided_slice %select_n3A_347 {offsets = [0, 0], sizes = [128, 120], strides = [1, 1]} : vector<128x128xf32> to vector<128x120xf32>
    %concatenate3A_360 = tpu.concatenate %slice3A_358, %slice3A_359 in 1 : vector<128x8xf32>, vector<128x120xf32> -> vector<128x128xf32>
    %slice3A_361 = vector.extract_strided_slice %select_n3A_348 {offsets = [0, 8], sizes = [128, 120], strides = [1, 1]} : vector<128x128xi32> to vector<128x120xi32>
    %slice3A_362 = vector.extract_strided_slice %select_n3A_348 {offsets = [0, 0], sizes = [128, 8], strides = [1, 1]} : vector<128x128xi32> to vector<128x8xi32>
    %concatenate3A_363 = tpu.concatenate %slice3A_361, %slice3A_362 in 1 : vector<128x120xi32>, vector<128x8xi32> -> vector<128x128xi32>
    %slice3A_364 = vector.extract_strided_slice %select_n3A_348 {offsets = [0, 120], sizes = [128, 8], strides = [1, 1]} : vector<128x128xi32> to vector<128x8xi32>
    %slice3A_365 = vector.extract_strided_slice %select_n3A_348 {offsets = [0, 0], sizes = [128, 120], strides = [1, 1]} : vector<128x128xi32> to vector<128x120xi32>
    %concatenate3A_366 = tpu.concatenate %slice3A_364, %slice3A_365 in 1 : vector<128x8xi32>, vector<128x120xi32> -> vector<128x128xi32>
    %select_n3A_367 = arith.select %eq3A_354, %concatenate3A_357, %concatenate3A_360 : vector<128x128xi1>, vector<128x128xf32>
    %select_n3A_368 = arith.select %eq3A_354, %concatenate3A_363, %concatenate3A_366 : vector<128x128xi1>, vector<128x128xi32>
    %gt3A_369 = arith.cmpf ogt, %select_n3A_347, %select_n3A_367 : vector<128x128xf32>
    %eq3A_370 = arith.cmpf oeq, %select_n3A_347, %select_n3A_367 : vector<128x128xf32>
    %gt3A_371 = arith.cmpi sgt, %select_n3A_348, %select_n3A_368 : vector<128x128xi32>
    %and3A_372 = arith.andi %eq3A_370, %gt3A_371 : vector<128x128xi1>
    %or3A_373 = arith.ori %gt3A_369, %and3A_372 : vector<128x128xi1>
    %xor3A_374 = arith.xori %or3A_373, %eq3A_354 : vector<128x128xi1>
    %xor3A_375 = arith.xori %xor3A_374, %eq3A_319 : vector<128x128xi1>
    %select_n3A_376 = arith.select %xor3A_375, %select_n3A_367, %select_n3A_347 : vector<128x128xi1>, vector<128x128xf32>
    %select_n3A_377 = arith.select %xor3A_375, %select_n3A_368, %select_n3A_348 : vector<128x128xi1>, vector<128x128xi32>
    %and3A_378 = arith.constant 4 : i32
    %and3A_379 = vector.broadcast %and3A_378 : i32 to vector<128x128xi32>
    %and3A_380 = arith.andi %iota3A_5, %and3A_379 : vector<128x128xi32>
    %eq3A_381 = arith.constant 0 : i32
    %eq3A_382 = vector.broadcast %eq3A_381 : i32 to vector<128x128xi32>
    %eq3A_383 = arith.cmpi eq, %and3A_380, %eq3A_382 : vector<128x128xi32>
    %slice3A_384 = vector.extract_strided_slice %select_n3A_376 {offsets = [0, 4], sizes = [128, 124], strides = [1, 1]} : vector<128x128xf32> to vector<128x124xf32>
    %slice3A_385 = vector.extract_strided_slice %select_n3A_376 {offsets = [0, 0], sizes = [128, 4], strides = [1, 1]} : vector<128x128xf32> to vector<128x4xf32>
    %concatenate3A_386 = tpu.concatenate %slice3A_384, %slice3A_385 in 1 : vector<128x124xf32>, vector<128x4xf32> -> vector<128x128xf32>
    %slice3A_387 = vector.extract_strided_slice %select_n3A_376 {offsets = [0, 124], sizes = [128, 4], strides = [1, 1]} : vector<128x128xf32> to vector<128x4xf32>
    %slice3A_388 = vector.extract_strided_slice %select_n3A_376 {offsets = [0, 0], sizes = [128, 124], strides = [1, 1]} : vector<128x128xf32> to vector<128x124xf32>
    %concatenate3A_389 = tpu.concatenate %slice3A_387, %slice3A_388 in 1 : vector<128x4xf32>, vector<128x124xf32> -> vector<128x128xf32>
    %slice3A_390 = vector.extract_strided_slice %select_n3A_377 {offsets = [0, 4], sizes = [128, 124], strides = [1, 1]} : vector<128x128xi32> to vector<128x124xi32>
    %slice3A_391 = vector.extract_strided_slice %select_n3A_377 {offsets = [0, 0], sizes = [128, 4], strides = [1, 1]} : vector<128x128xi32> to vector<128x4xi32>
    %concatenate3A_392 = tpu.concatenate %slice3A_390, %slice3A_391 in 1 : vector<128x124xi32>, vector<128x4xi32> -> vector<128x128xi32>
    %slice3A_393 = vector.extract_strided_slice %select_n3A_377 {offsets = [0, 124], sizes = [128, 4], strides = [1, 1]} : vector<128x128xi32> to vector<128x4xi32>
    %slice3A_394 = vector.extract_strided_slice %select_n3A_377 {offsets = [0, 0], sizes = [128, 124], strides = [1, 1]} : vector<128x128xi32> to vector<128x124xi32>
    %concatenate3A_395 = tpu.concatenate %slice3A_393, %slice3A_394 in 1 : vector<128x4xi32>, vector<128x124xi32> -> vector<128x128xi32>
    %select_n3A_396 = arith.select %eq3A_383, %concatenate3A_386, %concatenate3A_389 : vector<128x128xi1>, vector<128x128xf32>
    %select_n3A_397 = arith.select %eq3A_383, %concatenate3A_392, %concatenate3A_395 : vector<128x128xi1>, vector<128x128xi32>
    %gt3A_398 = arith.cmpf ogt, %select_n3A_376, %select_n3A_396 : vector<128x128xf32>
    %eq3A_399 = arith.cmpf oeq, %select_n3A_376, %select_n3A_396 : vector<128x128xf32>
    %gt3A_400 = arith.cmpi sgt, %select_n3A_377, %select_n3A_397 : vector<128x128xi32>
    %and3A_401 = arith.andi %eq3A_399, %gt3A_400 : vector<128x128xi1>
    %or3A_402 = arith.ori %gt3A_398, %and3A_401 : vector<128x128xi1>
    %xor3A_403 = arith.xori %or3A_402, %eq3A_383 : vector<128x128xi1>
    %xor3A_404 = arith.xori %xor3A_403, %eq3A_319 : vector<128x128xi1>
    %select_n3A_405 = arith.select %xor3A_404, %select_n3A_396, %select_n3A_376 : vector<128x128xi1>, vector<128x128xf32>
    %select_n3A_406 = arith.select %xor3A_404, %select_n3A_397, %select_n3A_377 : vector<128x128xi1>, vector<128x128xi32>
    %and3A_407 = arith.constant 2 : i32
    %and3A_408 = vector.broadcast %and3A_407 : i32 to vector<128x128xi32>
    %and3A_409 = arith.andi %iota3A_5, %and3A_408 : vector<128x128xi32>
    %eq3A_410 = arith.constant 0 : i32
    %eq3A_411 = vector.broadcast %eq3A_410 : i32 to vector<128x128xi32>
    %eq3A_412 = arith.cmpi eq, %and3A_409, %eq3A_411 : vector<128x128xi32>
    %slice3A_413 = vector.extract_strided_slice %select_n3A_405 {offsets = [0, 2], sizes = [128, 126], strides = [1, 1]} : vector<128x128xf32> to vector<128x126xf32>
    %slice3A_414 = vector.extract_strided_slice %select_n3A_405 {offsets = [0, 0], sizes = [128, 2], strides = [1, 1]} : vector<128x128xf32> to vector<128x2xf32>
    %concatenate3A_415 = tpu.concatenate %slice3A_413, %slice3A_414 in 1 : vector<128x126xf32>, vector<128x2xf32> -> vector<128x128xf32>
    %slice3A_416 = vector.extract_strided_slice %select_n3A_405 {offsets = [0, 126], sizes = [128, 2], strides = [1, 1]} : vector<128x128xf32> to vector<128x2xf32>
    %slice3A_417 = vector.extract_strided_slice %select_n3A_405 {offsets = [0, 0], sizes = [128, 126], strides = [1, 1]} : vector<128x128xf32> to vector<128x126xf32>
    %concatenate3A_418 = tpu.concatenate %slice3A_416, %slice3A_417 in 1 : vector<128x2xf32>, vector<128x126xf32> -> vector<128x128xf32>
    %slice3A_419 = vector.extract_strided_slice %select_n3A_406 {offsets = [0, 2], sizes = [128, 126], strides = [1, 1]} : vector<128x128xi32> to vector<128x126xi32>
    %slice3A_420 = vector.extract_strided_slice %select_n3A_406 {offsets = [0, 0], sizes = [128, 2], strides = [1, 1]} : vector<128x128xi32> to vector<128x2xi32>
    %concatenate3A_421 = tpu.concatenate %slice3A_419, %slice3A_420 in 1 : vector<128x126xi32>, vector<128x2xi32> -> vector<128x128xi32>
    %slice3A_422 = vector.extract_strided_slice %select_n3A_406 {offsets = [0, 126], sizes = [128, 2], strides = [1, 1]} : vector<128x128xi32> to vector<128x2xi32>
    %slice3A_423 = vector.extract_strided_slice %select_n3A_406 {offsets = [0, 0], sizes = [128, 126], strides = [1, 1]} : vector<128x128xi32> to vector<128x126xi32>
    %concatenate3A_424 = tpu.concatenate %slice3A_422, %slice3A_423 in 1 : vector<128x2xi32>, vector<128x126xi32> -> vector<128x128xi32>
    %select_n3A_425 = arith.select %eq3A_412, %concatenate3A_415, %concatenate3A_418 : vector<128x128xi1>, vector<128x128xf32>
    %select_n3A_426 = arith.select %eq3A_412, %concatenate3A_421, %concatenate3A_424 : vector<128x128xi1>, vector<128x128xi32>
    %gt3A_427 = arith.cmpf ogt, %select_n3A_405, %select_n3A_425 : vector<128x128xf32>
    %eq3A_428 = arith.cmpf oeq, %select_n3A_405, %select_n3A_425 : vector<128x128xf32>
    %gt3A_429 = arith.cmpi sgt, %select_n3A_406, %select_n3A_426 : vector<128x128xi32>
    %and3A_430 = arith.andi %eq3A_428, %gt3A_429 : vector<128x128xi1>
    %or3A_431 = arith.ori %gt3A_427, %and3A_430 : vector<128x128xi1>
    %xor3A_432 = arith.xori %or3A_431, %eq3A_412 : vector<128x128xi1>
    %xor3A_433 = arith.xori %xor3A_432, %eq3A_319 : vector<128x128xi1>
    %select_n3A_434 = arith.select %xor3A_433, %select_n3A_425, %select_n3A_405 : vector<128x128xi1>, vector<128x128xf32>
    %select_n3A_435 = arith.select %xor3A_433, %select_n3A_426, %select_n3A_406 : vector<128x128xi1>, vector<128x128xi32>
    %and3A_436 = arith.constant 1 : i32
    %and3A_437 = vector.broadcast %and3A_436 : i32 to vector<128x128xi32>
    %and3A_438 = arith.andi %iota3A_5, %and3A_437 : vector<128x128xi32>
    %eq3A_439 = arith.constant 0 : i32
    %eq3A_440 = vector.broadcast %eq3A_439 : i32 to vector<128x128xi32>
    %eq3A_441 = arith.cmpi eq, %and3A_438, %eq3A_440 : vector<128x128xi32>
    %slice3A_442 = vector.extract_strided_slice %select_n3A_434 {offsets = [0, 1], sizes = [128, 127], strides = [1, 1]} : vector<128x128xf32> to vector<128x127xf32>
    %slice3A_443 = vector.extract_strided_slice %select_n3A_434 {offsets = [0, 0], sizes = [128, 1], strides = [1, 1]} : vector<128x128xf32> to vector<128x1xf32>
    %concatenate3A_444 = tpu.concatenate %slice3A_442, %slice3A_443 in 1 : vector<128x127xf32>, vector<128x1xf32> -> vector<128x128xf32>
    %slice3A_445 = vector.extract_strided_slice %select_n3A_434 {offsets = [0, 127], sizes = [128, 1], strides = [1, 1]} : vector<128x128xf32> to vector<128x1xf32>
    %slice3A_446 = vector.extract_strided_slice %select_n3A_434 {offsets = [0, 0], sizes = [128, 127], strides = [1, 1]} : vector<128x128xf32> to vector<128x127xf32>
    %concatenate3A_447 = tpu.concatenate %slice3A_445, %slice3A_446 in 1 : vector<128x1xf32>, vector<128x127xf32> -> vector<128x128xf32>
    %slice3A_448 = vector.extract_strided_slice %select_n3A_435 {offsets = [0, 1], sizes = [128, 127], strides = [1, 1]} : vector<128x128xi32> to vector<128x127xi32>
    %slice3A_449 = vector.extract_strided_slice %select_n3A_435 {offsets = [0, 0], sizes = [128, 1], strides = [1, 1]} : vector<128x128xi32> to vector<128x1xi32>
    %concatenate3A_450 = tpu.concatenate %slice3A_448, %slice3A_449 in 1 : vector<128x127xi32>, vector<128x1xi32> -> vector<128x128xi32>
    %slice3A_451 = vector.extract_strided_slice %select_n3A_435 {offsets = [0, 127], sizes = [128, 1], strides = [1, 1]} : vector<128x128xi32> to vector<128x1xi32>
    %slice3A_452 = vector.extract_strided_slice %select_n3A_435 {offsets = [0, 0], sizes = [128, 127], strides = [1, 1]} : vector<128x128xi32> to vector<128x127xi32>
    %concatenate3A_453 = tpu.concatenate %slice3A_451, %slice3A_452 in 1 : vector<128x1xi32>, vector<128x127xi32> -> vector<128x128xi32>
    %select_n3A_454 = arith.select %eq3A_441, %concatenate3A_444, %concatenate3A_447 : vector<128x128xi1>, vector<128x128xf32>
    %select_n3A_455 = arith.select %eq3A_441, %concatenate3A_450, %concatenate3A_453 : vector<128x128xi1>, vector<128x128xi32>
    %gt3A_456 = arith.cmpf ogt, %select_n3A_434, %select_n3A_454 : vector<128x128xf32>
    %eq3A_457 = arith.cmpf oeq, %select_n3A_434, %select_n3A_454 : vector<128x128xf32>
    %gt3A_458 = arith.cmpi sgt, %select_n3A_435, %select_n3A_455 : vector<128x128xi32>
    %and3A_459 = arith.andi %eq3A_457, %gt3A_458 : vector<128x128xi1>
    %or3A_460 = arith.ori %gt3A_456, %and3A_459 : vector<128x128xi1>
    %xor3A_461 = arith.xori %or3A_460, %eq3A_441 : vector<128x128xi1>
    %xor3A_462 = arith.xori %xor3A_461, %eq3A_319 : vector<128x128xi1>
    %select_n3A_463 = arith.select %xor3A_462, %select_n3A_454, %select_n3A_434 : vector<128x128xi1>, vector<128x128xf32>
    %select_n3A_464 = arith.select %xor3A_462, %select_n3A_455, %select_n3A_435 : vector<128x128xi1>, vector<128x128xi32>
    %and3A_465 = arith.constant 64 : i32
    %and3A_466 = vector.broadcast %and3A_465 : i32 to vector<128x128xi32>
    %and3A_467 = arith.andi %add3A, %and3A_466 : vector<128x128xi32>
    %eq3A_468 = arith.constant 0 : i32
    %eq3A_469 = vector.broadcast %eq3A_468 : i32 to vector<128x128xi32>
    %eq3A_470 = arith.cmpi eq, %and3A_467, %eq3A_469 : vector<128x128xi32>
    %and3A_471 = arith.constant 32 : i32
    %and3A_472 = vector.broadcast %and3A_471 : i32 to vector<128x128xi32>
    %and3A_473 = arith.andi %iota3A_5, %and3A_472 : vector<128x128xi32>
    %eq3A_474 = arith.constant 0 : i32
    %eq3A_475 = vector.broadcast %eq3A_474 : i32 to vector<128x128xi32>
    %eq3A_476 = arith.cmpi eq, %and3A_473, %eq3A_475 : vector<128x128xi32>
    %slice3A_477 = vector.extract_strided_slice %select_n3A_463 {offsets = [0, 32], sizes = [128, 96], strides = [1, 1]} : vector<128x128xf32> to vector<128x96xf32>
    %slice3A_478 = vector.extract_strided_slice %select_n3A_463 {offsets = [0, 0], sizes = [128, 32], strides = [1, 1]} : vector<128x128xf32> to vector<128x32xf32>
    %concatenate3A_479 = tpu.concatenate %slice3A_477, %slice3A_478 in 1 : vector<128x96xf32>, vector<128x32xf32> -> vector<128x128xf32>
    %slice3A_480 = vector.extract_strided_slice %select_n3A_463 {offsets = [0, 96], sizes = [128, 32], strides = [1, 1]} : vector<128x128xf32> to vector<128x32xf32>
    %slice3A_481 = vector.extract_strided_slice %select_n3A_463 {offsets = [0, 0], sizes = [128, 96], strides = [1, 1]} : vector<128x128xf32> to vector<128x96xf32>
    %concatenate3A_482 = tpu.concatenate %slice3A_480, %slice3A_481 in 1 : vector<128x32xf32>, vector<128x96xf32> -> vector<128x128xf32>
    %slice3A_483 = vector.extract_strided_slice %select_n3A_464 {offsets = [0, 32], sizes = [128, 96], strides = [1, 1]} : vector<128x128xi32> to vector<128x96xi32>
    %slice3A_484 = vector.extract_strided_slice %select_n3A_464 {offsets = [0, 0], sizes = [128, 32], strides = [1, 1]} : vector<128x128xi32> to vector<128x32xi32>
    %concatenate3A_485 = tpu.concatenate %slice3A_483, %slice3A_484 in 1 : vector<128x96xi32>, vector<128x32xi32> -> vector<128x128xi32>
    %slice3A_486 = vector.extract_strided_slice %select_n3A_464 {offsets = [0, 96], sizes = [128, 32], strides = [1, 1]} : vector<128x128xi32> to vector<128x32xi32>
    %slice3A_487 = vector.extract_strided_slice %select_n3A_464 {offsets = [0, 0], sizes = [128, 96], strides = [1, 1]} : vector<128x128xi32> to vector<128x96xi32>
    %concatenate3A_488 = tpu.concatenate %slice3A_486, %slice3A_487 in 1 : vector<128x32xi32>, vector<128x96xi32> -> vector<128x128xi32>
    %select_n3A_489 = arith.select %eq3A_476, %concatenate3A_479, %concatenate3A_482 : vector<128x128xi1>, vector<128x128xf32>
    %select_n3A_490 = arith.select %eq3A_476, %concatenate3A_485, %concatenate3A_488 : vector<128x128xi1>, vector<128x128xi32>
    %gt3A_491 = arith.cmpf ogt, %select_n3A_463, %select_n3A_489 : vector<128x128xf32>
    %eq3A_492 = arith.cmpf oeq, %select_n3A_463, %select_n3A_489 : vector<128x128xf32>
    %gt3A_493 = arith.cmpi sgt, %select_n3A_464, %select_n3A_490 : vector<128x128xi32>
    %and3A_494 = arith.andi %eq3A_492, %gt3A_493 : vector<128x128xi1>
    %or3A_495 = arith.ori %gt3A_491, %and3A_494 : vector<128x128xi1>
    %xor3A_496 = arith.xori %or3A_495, %eq3A_476 : vector<128x128xi1>
    %xor3A_497 = arith.xori %xor3A_496, %eq3A_470 : vector<128x128xi1>
    %select_n3A_498 = arith.select %xor3A_497, %select_n3A_489, %select_n3A_463 : vector<128x128xi1>, vector<128x128xf32>
    %select_n3A_499 = arith.select %xor3A_497, %select_n3A_490, %select_n3A_464 : vector<128x128xi1>, vector<128x128xi32>
    %and3A_500 = arith.constant 16 : i32
    %and3A_501 = vector.broadcast %and3A_500 : i32 to vector<128x128xi32>
    %and3A_502 = arith.andi %iota3A_5, %and3A_501 : vector<128x128xi32>
    %eq3A_503 = arith.constant 0 : i32
    %eq3A_504 = vector.broadcast %eq3A_503 : i32 to vector<128x128xi32>
    %eq3A_505 = arith.cmpi eq, %and3A_502, %eq3A_504 : vector<128x128xi32>
    %slice3A_506 = vector.extract_strided_slice %select_n3A_498 {offsets = [0, 16], sizes = [128, 112], strides = [1, 1]} : vector<128x128xf32> to vector<128x112xf32>
    %slice3A_507 = vector.extract_strided_slice %select_n3A_498 {offsets = [0, 0], sizes = [128, 16], strides = [1, 1]} : vector<128x128xf32> to vector<128x16xf32>
    %concatenate3A_508 = tpu.concatenate %slice3A_506, %slice3A_507 in 1 : vector<128x112xf32>, vector<128x16xf32> -> vector<128x128xf32>
    %slice3A_509 = vector.extract_strided_slice %select_n3A_498 {offsets = [0, 112], sizes = [128, 16], strides = [1, 1]} : vector<128x128xf32> to vector<128x16xf32>
    %slice3A_510 = vector.extract_strided_slice %select_n3A_498 {offsets = [0, 0], sizes = [128, 112], strides = [1, 1]} : vector<128x128xf32> to vector<128x112xf32>
    %concatenate3A_511 = tpu.concatenate %slice3A_509, %slice3A_510 in 1 : vector<128x16xf32>, vector<128x112xf32> -> vector<128x128xf32>
    %slice3A_512 = vector.extract_strided_slice %select_n3A_499 {offsets = [0, 16], sizes = [128, 112], strides = [1, 1]} : vector<128x128xi32> to vector<128x112xi32>
    %slice3A_513 = vector.extract_strided_slice %select_n3A_499 {offsets = [0, 0], sizes = [128, 16], strides = [1, 1]} : vector<128x128xi32> to vector<128x16xi32>
    %concatenate3A_514 = tpu.concatenate %slice3A_512, %slice3A_513 in 1 : vector<128x112xi32>, vector<128x16xi32> -> vector<128x128xi32>
    %slice3A_515 = vector.extract_strided_slice %select_n3A_499 {offsets = [0, 112], sizes = [128, 16], strides = [1, 1]} : vector<128x128xi32> to vector<128x16xi32>
    %slice3A_516 = vector.extract_strided_slice %select_n3A_499 {offsets = [0, 0], sizes = [128, 112], strides = [1, 1]} : vector<128x128xi32> to vector<128x112xi32>
    %concatenate3A_517 = tpu.concatenate %slice3A_515, %slice3A_516 in 1 : vector<128x16xi32>, vector<128x112xi32> -> vector<128x128xi32>
    %select_n3A_518 = arith.select %eq3A_505, %concatenate3A_508, %concatenate3A_511 : vector<128x128xi1>, vector<128x128xf32>
    %select_n3A_519 = arith.select %eq3A_505, %concatenate3A_514, %concatenate3A_517 : vector<128x128xi1>, vector<128x128xi32>
    %gt3A_520 = arith.cmpf ogt, %select_n3A_498, %select_n3A_518 : vector<128x128xf32>
    %eq3A_521 = arith.cmpf oeq, %select_n3A_498, %select_n3A_518 : vector<128x128xf32>
    %gt3A_522 = arith.cmpi sgt, %select_n3A_499, %select_n3A_519 : vector<128x128xi32>
    %and3A_523 = arith.andi %eq3A_521, %gt3A_522 : vector<128x128xi1>
    %or3A_524 = arith.ori %gt3A_520, %and3A_523 : vector<128x128xi1>
    %xor3A_525 = arith.xori %or3A_524, %eq3A_505 : vector<128x128xi1>
    %xor3A_526 = arith.xori %xor3A_525, %eq3A_470 : vector<128x128xi1>
    %select_n3A_527 = arith.select %xor3A_526, %select_n3A_518, %select_n3A_498 : vector<128x128xi1>, vector<128x128xf32>
    %select_n3A_528 = arith.select %xor3A_526, %select_n3A_519, %select_n3A_499 : vector<128x128xi1>, vector<128x128xi32>
    %and3A_529 = arith.constant 8 : i32
    %and3A_530 = vector.broadcast %and3A_529 : i32 to vector<128x128xi32>
    %and3A_531 = arith.andi %iota3A_5, %and3A_530 : vector<128x128xi32>
    %eq3A_532 = arith.constant 0 : i32
    %eq3A_533 = vector.broadcast %eq3A_532 : i32 to vector<128x128xi32>
    %eq3A_534 = arith.cmpi eq, %and3A_531, %eq3A_533 : vector<128x128xi32>
    %slice3A_535 = vector.extract_strided_slice %select_n3A_527 {offsets = [0, 8], sizes = [128, 120], strides = [1, 1]} : vector<128x128xf32> to vector<128x120xf32>
    %slice3A_536 = vector.extract_strided_slice %select_n3A_527 {offsets = [0, 0], sizes = [128, 8], strides = [1, 1]} : vector<128x128xf32> to vector<128x8xf32>
    %concatenate3A_537 = tpu.concatenate %slice3A_535, %slice3A_536 in 1 : vector<128x120xf32>, vector<128x8xf32> -> vector<128x128xf32>
    %slice3A_538 = vector.extract_strided_slice %select_n3A_527 {offsets = [0, 120], sizes = [128, 8], strides = [1, 1]} : vector<128x128xf32> to vector<128x8xf32>
    %slice3A_539 = vector.extract_strided_slice %select_n3A_527 {offsets = [0, 0], sizes = [128, 120], strides = [1, 1]} : vector<128x128xf32> to vector<128x120xf32>
    %concatenate3A_540 = tpu.concatenate %slice3A_538, %slice3A_539 in 1 : vector<128x8xf32>, vector<128x120xf32> -> vector<128x128xf32>
    %slice3A_541 = vector.extract_strided_slice %select_n3A_528 {offsets = [0, 8], sizes = [128, 120], strides = [1, 1]} : vector<128x128xi32> to vector<128x120xi32>
    %slice3A_542 = vector.extract_strided_slice %select_n3A_528 {offsets = [0, 0], sizes = [128, 8], strides = [1, 1]} : vector<128x128xi32> to vector<128x8xi32>
    %concatenate3A_543 = tpu.concatenate %slice3A_541, %slice3A_542 in 1 : vector<128x120xi32>, vector<128x8xi32> -> vector<128x128xi32>
    %slice3A_544 = vector.extract_strided_slice %select_n3A_528 {offsets = [0, 120], sizes = [128, 8], strides = [1, 1]} : vector<128x128xi32> to vector<128x8xi32>
    %slice3A_545 = vector.extract_strided_slice %select_n3A_528 {offsets = [0, 0], sizes = [128, 120], strides = [1, 1]} : vector<128x128xi32> to vector<128x120xi32>
    %concatenate3A_546 = tpu.concatenate %slice3A_544, %slice3A_545 in 1 : vector<128x8xi32>, vector<128x120xi32> -> vector<128x128xi32>
    %select_n3A_547 = arith.select %eq3A_534, %concatenate3A_537, %concatenate3A_540 : vector<128x128xi1>, vector<128x128xf32>
    %select_n3A_548 = arith.select %eq3A_534, %concatenate3A_543, %concatenate3A_546 : vector<128x128xi1>, vector<128x128xi32>
    %gt3A_549 = arith.cmpf ogt, %select_n3A_527, %select_n3A_547 : vector<128x128xf32>
    %eq3A_550 = arith.cmpf oeq, %select_n3A_527, %select_n3A_547 : vector<128x128xf32>
    %gt3A_551 = arith.cmpi sgt, %select_n3A_528, %select_n3A_548 : vector<128x128xi32>
    %and3A_552 = arith.andi %eq3A_550, %gt3A_551 : vector<128x128xi1>
    %or3A_553 = arith.ori %gt3A_549, %and3A_552 : vector<128x128xi1>
    %xor3A_554 = arith.xori %or3A_553, %eq3A_534 : vector<128x128xi1>
    %xor3A_555 = arith.xori %xor3A_554, %eq3A_470 : vector<128x128xi1>
    %select_n3A_556 = arith.select %xor3A_555, %select_n3A_547, %select_n3A_527 : vector<128x128xi1>, vector<128x128xf32>
    %select_n3A_557 = arith.select %xor3A_555, %select_n3A_548, %select_n3A_528 : vector<128x128xi1>, vector<128x128xi32>
    %and3A_558 = arith.constant 4 : i32
    %and3A_559 = vector.broadcast %and3A_558 : i32 to vector<128x128xi32>
    %and3A_560 = arith.andi %iota3A_5, %and3A_559 : vector<128x128xi32>
    %eq3A_561 = arith.constant 0 : i32
    %eq3A_562 = vector.broadcast %eq3A_561 : i32 to vector<128x128xi32>
    %eq3A_563 = arith.cmpi eq, %and3A_560, %eq3A_562 : vector<128x128xi32>
    %slice3A_564 = vector.extract_strided_slice %select_n3A_556 {offsets = [0, 4], sizes = [128, 124], strides = [1, 1]} : vector<128x128xf32> to vector<128x124xf32>
    %slice3A_565 = vector.extract_strided_slice %select_n3A_556 {offsets = [0, 0], sizes = [128, 4], strides = [1, 1]} : vector<128x128xf32> to vector<128x4xf32>
    %concatenate3A_566 = tpu.concatenate %slice3A_564, %slice3A_565 in 1 : vector<128x124xf32>, vector<128x4xf32> -> vector<128x128xf32>
    %slice3A_567 = vector.extract_strided_slice %select_n3A_556 {offsets = [0, 124], sizes = [128, 4], strides = [1, 1]} : vector<128x128xf32> to vector<128x4xf32>
    %slice3A_568 = vector.extract_strided_slice %select_n3A_556 {offsets = [0, 0], sizes = [128, 124], strides = [1, 1]} : vector<128x128xf32> to vector<128x124xf32>
    %concatenate3A_569 = tpu.concatenate %slice3A_567, %slice3A_568 in 1 : vector<128x4xf32>, vector<128x124xf32> -> vector<128x128xf32>
    %slice3A_570 = vector.extract_strided_slice %select_n3A_557 {offsets = [0, 4], sizes = [128, 124], strides = [1, 1]} : vector<128x128xi32> to vector<128x124xi32>
    %slice3A_571 = vector.extract_strided_slice %select_n3A_557 {offsets = [0, 0], sizes = [128, 4], strides = [1, 1]} : vector<128x128xi32> to vector<128x4xi32>
    %concatenate3A_572 = tpu.concatenate %slice3A_570, %slice3A_571 in 1 : vector<128x124xi32>, vector<128x4xi32> -> vector<128x128xi32>
    %slice3A_573 = vector.extract_strided_slice %select_n3A_557 {offsets = [0, 124], sizes = [128, 4], strides = [1, 1]} : vector<128x128xi32> to vector<128x4xi32>
    %slice3A_574 = vector.extract_strided_slice %select_n3A_557 {offsets = [0, 0], sizes = [128, 124], strides = [1, 1]} : vector<128x128xi32> to vector<128x124xi32>
    %concatenate3A_575 = tpu.concatenate %slice3A_573, %slice3A_574 in 1 : vector<128x4xi32>, vector<128x124xi32> -> vector<128x128xi32>
    %select_n3A_576 = arith.select %eq3A_563, %concatenate3A_566, %concatenate3A_569 : vector<128x128xi1>, vector<128x128xf32>
    %select_n3A_577 = arith.select %eq3A_563, %concatenate3A_572, %concatenate3A_575 : vector<128x128xi1>, vector<128x128xi32>
    %gt3A_578 = arith.cmpf ogt, %select_n3A_556, %select_n3A_576 : vector<128x128xf32>
    %eq3A_579 = arith.cmpf oeq, %select_n3A_556, %select_n3A_576 : vector<128x128xf32>
    %gt3A_580 = arith.cmpi sgt, %select_n3A_557, %select_n3A_577 : vector<128x128xi32>
    %and3A_581 = arith.andi %eq3A_579, %gt3A_580 : vector<128x128xi1>
    %or3A_582 = arith.ori %gt3A_578, %and3A_581 : vector<128x128xi1>
    %xor3A_583 = arith.xori %or3A_582, %eq3A_563 : vector<128x128xi1>
    %xor3A_584 = arith.xori %xor3A_583, %eq3A_470 : vector<128x128xi1>
    %select_n3A_585 = arith.select %xor3A_584, %select_n3A_576, %select_n3A_556 : vector<128x128xi1>, vector<128x128xf32>
    %select_n3A_586 = arith.select %xor3A_584, %select_n3A_577, %select_n3A_557 : vector<128x128xi1>, vector<128x128xi32>
    %and3A_587 = arith.constant 2 : i32
    %and3A_588 = vector.broadcast %and3A_587 : i32 to vector<128x128xi32>
    %and3A_589 = arith.andi %iota3A_5, %and3A_588 : vector<128x128xi32>
    %eq3A_590 = arith.constant 0 : i32
    %eq3A_591 = vector.broadcast %eq3A_590 : i32 to vector<128x128xi32>
    %eq3A_592 = arith.cmpi eq, %and3A_589, %eq3A_591 : vector<128x128xi32>
    %slice3A_593 = vector.extract_strided_slice %select_n3A_585 {offsets = [0, 2], sizes = [128, 126], strides = [1, 1]} : vector<128x128xf32> to vector<128x126xf32>
    %slice3A_594 = vector.extract_strided_slice %select_n3A_585 {offsets = [0, 0], sizes = [128, 2], strides = [1, 1]} : vector<128x128xf32> to vector<128x2xf32>
    %concatenate3A_595 = tpu.concatenate %slice3A_593, %slice3A_594 in 1 : vector<128x126xf32>, vector<128x2xf32> -> vector<128x128xf32>
    %slice3A_596 = vector.extract_strided_slice %select_n3A_585 {offsets = [0, 126], sizes = [128, 2], strides = [1, 1]} : vector<128x128xf32> to vector<128x2xf32>
    %slice3A_597 = vector.extract_strided_slice %select_n3A_585 {offsets = [0, 0], sizes = [128, 126], strides = [1, 1]} : vector<128x128xf32> to vector<128x126xf32>
    %concatenate3A_598 = tpu.concatenate %slice3A_596, %slice3A_597 in 1 : vector<128x2xf32>, vector<128x126xf32> -> vector<128x128xf32>
    %slice3A_599 = vector.extract_strided_slice %select_n3A_586 {offsets = [0, 2], sizes = [128, 126], strides = [1, 1]} : vector<128x128xi32> to vector<128x126xi32>
    %slice3A_600 = vector.extract_strided_slice %select_n3A_586 {offsets = [0, 0], sizes = [128, 2], strides = [1, 1]} : vector<128x128xi32> to vector<128x2xi32>
    %concatenate3A_601 = tpu.concatenate %slice3A_599, %slice3A_600 in 1 : vector<128x126xi32>, vector<128x2xi32> -> vector<128x128xi32>
    %slice3A_602 = vector.extract_strided_slice %select_n3A_586 {offsets = [0, 126], sizes = [128, 2], strides = [1, 1]} : vector<128x128xi32> to vector<128x2xi32>
    %slice3A_603 = vector.extract_strided_slice %select_n3A_586 {offsets = [0, 0], sizes = [128, 126], strides = [1, 1]} : vector<128x128xi32> to vector<128x126xi32>
    %concatenate3A_604 = tpu.concatenate %slice3A_602, %slice3A_603 in 1 : vector<128x2xi32>, vector<128x126xi32> -> vector<128x128xi32>
    %select_n3A_605 = arith.select %eq3A_592, %concatenate3A_595, %concatenate3A_598 : vector<128x128xi1>, vector<128x128xf32>
    %select_n3A_606 = arith.select %eq3A_592, %concatenate3A_601, %concatenate3A_604 : vector<128x128xi1>, vector<128x128xi32>
    %gt3A_607 = arith.cmpf ogt, %select_n3A_585, %select_n3A_605 : vector<128x128xf32>
    %eq3A_608 = arith.cmpf oeq, %select_n3A_585, %select_n3A_605 : vector<128x128xf32>
    %gt3A_609 = arith.cmpi sgt, %select_n3A_586, %select_n3A_606 : vector<128x128xi32>
    %and3A_610 = arith.andi %eq3A_608, %gt3A_609 : vector<128x128xi1>
    %or3A_611 = arith.ori %gt3A_607, %and3A_610 : vector<128x128xi1>
    %xor3A_612 = arith.xori %or3A_611, %eq3A_592 : vector<128x128xi1>
    %xor3A_613 = arith.xori %xor3A_612, %eq3A_470 : vector<128x128xi1>
    %select_n3A_614 = arith.select %xor3A_613, %select_n3A_605, %select_n3A_585 : vector<128x128xi1>, vector<128x128xf32>
    %select_n3A_615 = arith.select %xor3A_613, %select_n3A_606, %select_n3A_586 : vector<128x128xi1>, vector<128x128xi32>
    %and3A_616 = arith.constant 1 : i32
    %and3A_617 = vector.broadcast %and3A_616 : i32 to vector<128x128xi32>
    %and3A_618 = arith.andi %iota3A_5, %and3A_617 : vector<128x128xi32>
    %eq3A_619 = arith.constant 0 : i32
    %eq3A_620 = vector.broadcast %eq3A_619 : i32 to vector<128x128xi32>
    %eq3A_621 = arith.cmpi eq, %and3A_618, %eq3A_620 : vector<128x128xi32>
    %slice3A_622 = vector.extract_strided_slice %select_n3A_614 {offsets = [0, 1], sizes = [128, 127], strides = [1, 1]} : vector<128x128xf32> to vector<128x127xf32>
    %slice3A_623 = vector.extract_strided_slice %select_n3A_614 {offsets = [0, 0], sizes = [128, 1], strides = [1, 1]} : vector<128x128xf32> to vector<128x1xf32>
    %concatenate3A_624 = tpu.concatenate %slice3A_622, %slice3A_623 in 1 : vector<128x127xf32>, vector<128x1xf32> -> vector<128x128xf32>
    %slice3A_625 = vector.extract_strided_slice %select_n3A_614 {offsets = [0, 127], sizes = [128, 1], strides = [1, 1]} : vector<128x128xf32> to vector<128x1xf32>
    %slice3A_626 = vector.extract_strided_slice %select_n3A_614 {offsets = [0, 0], sizes = [128, 127], strides = [1, 1]} : vector<128x128xf32> to vector<128x127xf32>
    %concatenate3A_627 = tpu.concatenate %slice3A_625, %slice3A_626 in 1 : vector<128x1xf32>, vector<128x127xf32> -> vector<128x128xf32>
    %slice3A_628 = vector.extract_strided_slice %select_n3A_615 {offsets = [0, 1], sizes = [128, 127], strides = [1, 1]} : vector<128x128xi32> to vector<128x127xi32>
    %slice3A_629 = vector.extract_strided_slice %select_n3A_615 {offsets = [0, 0], sizes = [128, 1], strides = [1, 1]} : vector<128x128xi32> to vector<128x1xi32>
    %concatenate3A_630 = tpu.concatenate %slice3A_628, %slice3A_629 in 1 : vector<128x127xi32>, vector<128x1xi32> -> vector<128x128xi32>
    %slice3A_631 = vector.extract_strided_slice %select_n3A_615 {offsets = [0, 127], sizes = [128, 1], strides = [1, 1]} : vector<128x128xi32> to vector<128x1xi32>
    %slice3A_632 = vector.extract_strided_slice %select_n3A_615 {offsets = [0, 0], sizes = [128, 127], strides = [1, 1]} : vector<128x128xi32> to vector<128x127xi32>
    %concatenate3A_633 = tpu.concatenate %slice3A_631, %slice3A_632 in 1 : vector<128x1xi32>, vector<128x127xi32> -> vector<128x128xi32>
    %select_n3A_634 = arith.select %eq3A_621, %concatenate3A_624, %concatenate3A_627 : vector<128x128xi1>, vector<128x128xf32>
    %select_n3A_635 = arith.select %eq3A_621, %concatenate3A_630, %concatenate3A_633 : vector<128x128xi1>, vector<128x128xi32>
    %gt3A_636 = arith.cmpf ogt, %select_n3A_614, %select_n3A_634 : vector<128x128xf32>
    %eq3A_637 = arith.cmpf oeq, %select_n3A_614, %select_n3A_634 : vector<128x128xf32>
    %gt3A_638 = arith.cmpi sgt, %select_n3A_615, %select_n3A_635 : vector<128x128xi32>
    %and3A_639 = arith.andi %eq3A_637, %gt3A_638 : vector<128x128xi1>
    %or3A_640 = arith.ori %gt3A_636, %and3A_639 : vector<128x128xi1>
    %xor3A_641 = arith.xori %or3A_640, %eq3A_621 : vector<128x128xi1>
    %xor3A_642 = arith.xori %xor3A_641, %eq3A_470 : vector<128x128xi1>
    %select_n3A_643 = arith.select %xor3A_642, %select_n3A_634, %select_n3A_614 : vector<128x128xi1>, vector<128x128xf32>
    %select_n3A_644 = arith.select %xor3A_642, %select_n3A_635, %select_n3A_615 : vector<128x128xi1>, vector<128x128xi32>
    %and3A_645 = arith.constant 128 : i32
    %and3A_646 = vector.broadcast %and3A_645 : i32 to vector<128x128xi32>
    %and3A_647 = arith.andi %add3A, %and3A_646 : vector<128x128xi32>
    %eq3A_648 = arith.constant 0 : i32
    %eq3A_649 = vector.broadcast %eq3A_648 : i32 to vector<128x128xi32>
    %eq3A_650 = arith.cmpi eq, %and3A_647, %eq3A_649 : vector<128x128xi32>
    %and3A_651 = arith.constant 64 : i32
    %and3A_652 = vector.broadcast %and3A_651 : i32 to vector<128x128xi32>
    %and3A_653 = arith.andi %iota3A_5, %and3A_652 : vector<128x128xi32>
    %eq3A_654 = arith.constant 0 : i32
    %eq3A_655 = vector.broadcast %eq3A_654 : i32 to vector<128x128xi32>
    %eq3A_656 = arith.cmpi eq, %and3A_653, %eq3A_655 : vector<128x128xi32>
    %slice3A_657 = vector.extract_strided_slice %select_n3A_643 {offsets = [0, 64], sizes = [128, 64], strides = [1, 1]} : vector<128x128xf32> to vector<128x64xf32>
    %slice3A_658 = vector.extract_strided_slice %select_n3A_643 {offsets = [0, 0], sizes = [128, 64], strides = [1, 1]} : vector<128x128xf32> to vector<128x64xf32>
    %concatenate3A_659 = tpu.concatenate %slice3A_657, %slice3A_658 in 1 : vector<128x64xf32>, vector<128x64xf32> -> vector<128x128xf32>
    %slice3A_660 = vector.extract_strided_slice %select_n3A_643 {offsets = [0, 64], sizes = [128, 64], strides = [1, 1]} : vector<128x128xf32> to vector<128x64xf32>
    %slice3A_661 = vector.extract_strided_slice %select_n3A_643 {offsets = [0, 0], sizes = [128, 64], strides = [1, 1]} : vector<128x128xf32> to vector<128x64xf32>
    %concatenate3A_662 = tpu.concatenate %slice3A_660, %slice3A_661 in 1 : vector<128x64xf32>, vector<128x64xf32> -> vector<128x128xf32>
    %slice3A_663 = vector.extract_strided_slice %select_n3A_644 {offsets = [0, 64], sizes = [128, 64], strides = [1, 1]} : vector<128x128xi32> to vector<128x64xi32>
    %slice3A_664 = vector.extract_strided_slice %select_n3A_644 {offsets = [0, 0], sizes = [128, 64], strides = [1, 1]} : vector<128x128xi32> to vector<128x64xi32>
    %concatenate3A_665 = tpu.concatenate %slice3A_663, %slice3A_664 in 1 : vector<128x64xi32>, vector<128x64xi32> -> vector<128x128xi32>
    %slice3A_666 = vector.extract_strided_slice %select_n3A_644 {offsets = [0, 64], sizes = [128, 64], strides = [1, 1]} : vector<128x128xi32> to vector<128x64xi32>
    %slice3A_667 = vector.extract_strided_slice %select_n3A_644 {offsets = [0, 0], sizes = [128, 64], strides = [1, 1]} : vector<128x128xi32> to vector<128x64xi32>
    %concatenate3A_668 = tpu.concatenate %slice3A_666, %slice3A_667 in 1 : vector<128x64xi32>, vector<128x64xi32> -> vector<128x128xi32>
    %select_n3A_669 = arith.select %eq3A_656, %concatenate3A_659, %concatenate3A_662 : vector<128x128xi1>, vector<128x128xf32>
    %select_n3A_670 = arith.select %eq3A_656, %concatenate3A_665, %concatenate3A_668 : vector<128x128xi1>, vector<128x128xi32>
    %gt3A_671 = arith.cmpf ogt, %select_n3A_643, %select_n3A_669 : vector<128x128xf32>
    %eq3A_672 = arith.cmpf oeq, %select_n3A_643, %select_n3A_669 : vector<128x128xf32>
    %gt3A_673 = arith.cmpi sgt, %select_n3A_644, %select_n3A_670 : vector<128x128xi32>
    %and3A_674 = arith.andi %eq3A_672, %gt3A_673 : vector<128x128xi1>
    %or3A_675 = arith.ori %gt3A_671, %and3A_674 : vector<128x128xi1>
    %xor3A_676 = arith.xori %or3A_675, %eq3A_656 : vector<128x128xi1>
    %xor3A_677 = arith.xori %xor3A_676, %eq3A_650 : vector<128x128xi1>
    %select_n3A_678 = arith.select %xor3A_677, %select_n3A_669, %select_n3A_643 : vector<128x128xi1>, vector<128x128xf32>
    %select_n3A_679 = arith.select %xor3A_677, %select_n3A_670, %select_n3A_644 : vector<128x128xi1>, vector<128x128xi32>
    %and3A_680 = arith.constant 32 : i32
    %and3A_681 = vector.broadcast %and3A_680 : i32 to vector<128x128xi32>
    %and3A_682 = arith.andi %iota3A_5, %and3A_681 : vector<128x128xi32>
    %eq3A_683 = arith.constant 0 : i32
    %eq3A_684 = vector.broadcast %eq3A_683 : i32 to vector<128x128xi32>
    %eq3A_685 = arith.cmpi eq, %and3A_682, %eq3A_684 : vector<128x128xi32>
    %slice3A_686 = vector.extract_strided_slice %select_n3A_678 {offsets = [0, 32], sizes = [128, 96], strides = [1, 1]} : vector<128x128xf32> to vector<128x96xf32>
    %slice3A_687 = vector.extract_strided_slice %select_n3A_678 {offsets = [0, 0], sizes = [128, 32], strides = [1, 1]} : vector<128x128xf32> to vector<128x32xf32>
    %concatenate3A_688 = tpu.concatenate %slice3A_686, %slice3A_687 in 1 : vector<128x96xf32>, vector<128x32xf32> -> vector<128x128xf32>
    %slice3A_689 = vector.extract_strided_slice %select_n3A_678 {offsets = [0, 96], sizes = [128, 32], strides = [1, 1]} : vector<128x128xf32> to vector<128x32xf32>
    %slice3A_690 = vector.extract_strided_slice %select_n3A_678 {offsets = [0, 0], sizes = [128, 96], strides = [1, 1]} : vector<128x128xf32> to vector<128x96xf32>
    %concatenate3A_691 = tpu.concatenate %slice3A_689, %slice3A_690 in 1 : vector<128x32xf32>, vector<128x96xf32> -> vector<128x128xf32>
    %slice3A_692 = vector.extract_strided_slice %select_n3A_679 {offsets = [0, 32], sizes = [128, 96], strides = [1, 1]} : vector<128x128xi32> to vector<128x96xi32>
    %slice3A_693 = vector.extract_strided_slice %select_n3A_679 {offsets = [0, 0], sizes = [128, 32], strides = [1, 1]} : vector<128x128xi32> to vector<128x32xi32>
    %concatenate3A_694 = tpu.concatenate %slice3A_692, %slice3A_693 in 1 : vector<128x96xi32>, vector<128x32xi32> -> vector<128x128xi32>
    %slice3A_695 = vector.extract_strided_slice %select_n3A_679 {offsets = [0, 96], sizes = [128, 32], strides = [1, 1]} : vector<128x128xi32> to vector<128x32xi32>
    %slice3A_696 = vector.extract_strided_slice %select_n3A_679 {offsets = [0, 0], sizes = [128, 96], strides = [1, 1]} : vector<128x128xi32> to vector<128x96xi32>
    %concatenate3A_697 = tpu.concatenate %slice3A_695, %slice3A_696 in 1 : vector<128x32xi32>, vector<128x96xi32> -> vector<128x128xi32>
    %select_n3A_698 = arith.select %eq3A_685, %concatenate3A_688, %concatenate3A_691 : vector<128x128xi1>, vector<128x128xf32>
    %select_n3A_699 = arith.select %eq3A_685, %concatenate3A_694, %concatenate3A_697 : vector<128x128xi1>, vector<128x128xi32>
    %gt3A_700 = arith.cmpf ogt, %select_n3A_678, %select_n3A_698 : vector<128x128xf32>
    %eq3A_701 = arith.cmpf oeq, %select_n3A_678, %select_n3A_698 : vector<128x128xf32>
    %gt3A_702 = arith.cmpi sgt, %select_n3A_679, %select_n3A_699 : vector<128x128xi32>
    %and3A_703 = arith.andi %eq3A_701, %gt3A_702 : vector<128x128xi1>
    %or3A_704 = arith.ori %gt3A_700, %and3A_703 : vector<128x128xi1>
    %xor3A_705 = arith.xori %or3A_704, %eq3A_685 : vector<128x128xi1>
    %xor3A_706 = arith.xori %xor3A_705, %eq3A_650 : vector<128x128xi1>
    %select_n3A_707 = arith.select %xor3A_706, %select_n3A_698, %select_n3A_678 : vector<128x128xi1>, vector<128x128xf32>
    %select_n3A_708 = arith.select %xor3A_706, %select_n3A_699, %select_n3A_679 : vector<128x128xi1>, vector<128x128xi32>
    %and3A_709 = arith.constant 16 : i32
    %and3A_710 = vector.broadcast %and3A_709 : i32 to vector<128x128xi32>
    %and3A_711 = arith.andi %iota3A_5, %and3A_710 : vector<128x128xi32>
    %eq3A_712 = arith.constant 0 : i32
    %eq3A_713 = vector.broadcast %eq3A_712 : i32 to vector<128x128xi32>
    %eq3A_714 = arith.cmpi eq, %and3A_711, %eq3A_713 : vector<128x128xi32>
    %slice3A_715 = vector.extract_strided_slice %select_n3A_707 {offsets = [0, 16], sizes = [128, 112], strides = [1, 1]} : vector<128x128xf32> to vector<128x112xf32>
    %slice3A_716 = vector.extract_strided_slice %select_n3A_707 {offsets = [0, 0], sizes = [128, 16], strides = [1, 1]} : vector<128x128xf32> to vector<128x16xf32>
    %concatenate3A_717 = tpu.concatenate %slice3A_715, %slice3A_716 in 1 : vector<128x112xf32>, vector<128x16xf32> -> vector<128x128xf32>
    %slice3A_718 = vector.extract_strided_slice %select_n3A_707 {offsets = [0, 112], sizes = [128, 16], strides = [1, 1]} : vector<128x128xf32> to vector<128x16xf32>
    %slice3A_719 = vector.extract_strided_slice %select_n3A_707 {offsets = [0, 0], sizes = [128, 112], strides = [1, 1]} : vector<128x128xf32> to vector<128x112xf32>
    %concatenate3A_720 = tpu.concatenate %slice3A_718, %slice3A_719 in 1 : vector<128x16xf32>, vector<128x112xf32> -> vector<128x128xf32>
    %slice3A_721 = vector.extract_strided_slice %select_n3A_708 {offsets = [0, 16], sizes = [128, 112], strides = [1, 1]} : vector<128x128xi32> to vector<128x112xi32>
    %slice3A_722 = vector.extract_strided_slice %select_n3A_708 {offsets = [0, 0], sizes = [128, 16], strides = [1, 1]} : vector<128x128xi32> to vector<128x16xi32>
    %concatenate3A_723 = tpu.concatenate %slice3A_721, %slice3A_722 in 1 : vector<128x112xi32>, vector<128x16xi32> -> vector<128x128xi32>
    %slice3A_724 = vector.extract_strided_slice %select_n3A_708 {offsets = [0, 112], sizes = [128, 16], strides = [1, 1]} : vector<128x128xi32> to vector<128x16xi32>
    %slice3A_725 = vector.extract_strided_slice %select_n3A_708 {offsets = [0, 0], sizes = [128, 112], strides = [1, 1]} : vector<128x128xi32> to vector<128x112xi32>
    %concatenate3A_726 = tpu.concatenate %slice3A_724, %slice3A_725 in 1 : vector<128x16xi32>, vector<128x112xi32> -> vector<128x128xi32>
    %select_n3A_727 = arith.select %eq3A_714, %concatenate3A_717, %concatenate3A_720 : vector<128x128xi1>, vector<128x128xf32>
    %select_n3A_728 = arith.select %eq3A_714, %concatenate3A_723, %concatenate3A_726 : vector<128x128xi1>, vector<128x128xi32>
    %gt3A_729 = arith.cmpf ogt, %select_n3A_707, %select_n3A_727 : vector<128x128xf32>
    %eq3A_730 = arith.cmpf oeq, %select_n3A_707, %select_n3A_727 : vector<128x128xf32>
    %gt3A_731 = arith.cmpi sgt, %select_n3A_708, %select_n3A_728 : vector<128x128xi32>
    %and3A_732 = arith.andi %eq3A_730, %gt3A_731 : vector<128x128xi1>
    %or3A_733 = arith.ori %gt3A_729, %and3A_732 : vector<128x128xi1>
    %xor3A_734 = arith.xori %or3A_733, %eq3A_714 : vector<128x128xi1>
    %xor3A_735 = arith.xori %xor3A_734, %eq3A_650 : vector<128x128xi1>
    %select_n3A_736 = arith.select %xor3A_735, %select_n3A_727, %select_n3A_707 : vector<128x128xi1>, vector<128x128xf32>
    %select_n3A_737 = arith.select %xor3A_735, %select_n3A_728, %select_n3A_708 : vector<128x128xi1>, vector<128x128xi32>
    %and3A_738 = arith.constant 8 : i32
    %and3A_739 = vector.broadcast %and3A_738 : i32 to vector<128x128xi32>
    %and3A_740 = arith.andi %iota3A_5, %and3A_739 : vector<128x128xi32>
    %eq3A_741 = arith.constant 0 : i32
    %eq3A_742 = vector.broadcast %eq3A_741 : i32 to vector<128x128xi32>
    %eq3A_743 = arith.cmpi eq, %and3A_740, %eq3A_742 : vector<128x128xi32>
    %slice3A_744 = vector.extract_strided_slice %select_n3A_736 {offsets = [0, 8], sizes = [128, 120], strides = [1, 1]} : vector<128x128xf32> to vector<128x120xf32>
    %slice3A_745 = vector.extract_strided_slice %select_n3A_736 {offsets = [0, 0], sizes = [128, 8], strides = [1, 1]} : vector<128x128xf32> to vector<128x8xf32>
    %concatenate3A_746 = tpu.concatenate %slice3A_744, %slice3A_745 in 1 : vector<128x120xf32>, vector<128x8xf32> -> vector<128x128xf32>
    %slice3A_747 = vector.extract_strided_slice %select_n3A_736 {offsets = [0, 120], sizes = [128, 8], strides = [1, 1]} : vector<128x128xf32> to vector<128x8xf32>
    %slice3A_748 = vector.extract_strided_slice %select_n3A_736 {offsets = [0, 0], sizes = [128, 120], strides = [1, 1]} : vector<128x128xf32> to vector<128x120xf32>
    %concatenate3A_749 = tpu.concatenate %slice3A_747, %slice3A_748 in 1 : vector<128x8xf32>, vector<128x120xf32> -> vector<128x128xf32>
    %slice3A_750 = vector.extract_strided_slice %select_n3A_737 {offsets = [0, 8], sizes = [128, 120], strides = [1, 1]} : vector<128x128xi32> to vector<128x120xi32>
    %slice3A_751 = vector.extract_strided_slice %select_n3A_737 {offsets = [0, 0], sizes = [128, 8], strides = [1, 1]} : vector<128x128xi32> to vector<128x8xi32>
    %concatenate3A_752 = tpu.concatenate %slice3A_750, %slice3A_751 in 1 : vector<128x120xi32>, vector<128x8xi32> -> vector<128x128xi32>
    %slice3A_753 = vector.extract_strided_slice %select_n3A_737 {offsets = [0, 120], sizes = [128, 8], strides = [1, 1]} : vector<128x128xi32> to vector<128x8xi32>
    %slice3A_754 = vector.extract_strided_slice %select_n3A_737 {offsets = [0, 0], sizes = [128, 120], strides = [1, 1]} : vector<128x128xi32> to vector<128x120xi32>
    %concatenate3A_755 = tpu.concatenate %slice3A_753, %slice3A_754 in 1 : vector<128x8xi32>, vector<128x120xi32> -> vector<128x128xi32>
    %select_n3A_756 = arith.select %eq3A_743, %concatenate3A_746, %concatenate3A_749 : vector<128x128xi1>, vector<128x128xf32>
    %select_n3A_757 = arith.select %eq3A_743, %concatenate3A_752, %concatenate3A_755 : vector<128x128xi1>, vector<128x128xi32>
    %gt3A_758 = arith.cmpf ogt, %select_n3A_736, %select_n3A_756 : vector<128x128xf32>
    %eq3A_759 = arith.cmpf oeq, %select_n3A_736, %select_n3A_756 : vector<128x128xf32>
    %gt3A_760 = arith.cmpi sgt, %select_n3A_737, %select_n3A_757 : vector<128x128xi32>
    %and3A_761 = arith.andi %eq3A_759, %gt3A_760 : vector<128x128xi1>
    %or3A_762 = arith.ori %gt3A_758, %and3A_761 : vector<128x128xi1>
    %xor3A_763 = arith.xori %or3A_762, %eq3A_743 : vector<128x128xi1>
    %xor3A_764 = arith.xori %xor3A_763, %eq3A_650 : vector<128x128xi1>
    %select_n3A_765 = arith.select %xor3A_764, %select_n3A_756, %select_n3A_736 : vector<128x128xi1>, vector<128x128xf32>
    %select_n3A_766 = arith.select %xor3A_764, %select_n3A_757, %select_n3A_737 : vector<128x128xi1>, vector<128x128xi32>
    %and3A_767 = arith.constant 4 : i32
    %and3A_768 = vector.broadcast %and3A_767 : i32 to vector<128x128xi32>
    %and3A_769 = arith.andi %iota3A_5, %and3A_768 : vector<128x128xi32>
    %eq3A_770 = arith.constant 0 : i32
    %eq3A_771 = vector.broadcast %eq3A_770 : i32 to vector<128x128xi32>
    %eq3A_772 = arith.cmpi eq, %and3A_769, %eq3A_771 : vector<128x128xi32>
    %slice3A_773 = vector.extract_strided_slice %select_n3A_765 {offsets = [0, 4], sizes = [128, 124], strides = [1, 1]} : vector<128x128xf32> to vector<128x124xf32>
    %slice3A_774 = vector.extract_strided_slice %select_n3A_765 {offsets = [0, 0], sizes = [128, 4], strides = [1, 1]} : vector<128x128xf32> to vector<128x4xf32>
    %concatenate3A_775 = tpu.concatenate %slice3A_773, %slice3A_774 in 1 : vector<128x124xf32>, vector<128x4xf32> -> vector<128x128xf32>
    %slice3A_776 = vector.extract_strided_slice %select_n3A_765 {offsets = [0, 124], sizes = [128, 4], strides = [1, 1]} : vector<128x128xf32> to vector<128x4xf32>
    %slice3A_777 = vector.extract_strided_slice %select_n3A_765 {offsets = [0, 0], sizes = [128, 124], strides = [1, 1]} : vector<128x128xf32> to vector<128x124xf32>
    %concatenate3A_778 = tpu.concatenate %slice3A_776, %slice3A_777 in 1 : vector<128x4xf32>, vector<128x124xf32> -> vector<128x128xf32>
    %slice3A_779 = vector.extract_strided_slice %select_n3A_766 {offsets = [0, 4], sizes = [128, 124], strides = [1, 1]} : vector<128x128xi32> to vector<128x124xi32>
    %slice3A_780 = vector.extract_strided_slice %select_n3A_766 {offsets = [0, 0], sizes = [128, 4], strides = [1, 1]} : vector<128x128xi32> to vector<128x4xi32>
    %concatenate3A_781 = tpu.concatenate %slice3A_779, %slice3A_780 in 1 : vector<128x124xi32>, vector<128x4xi32> -> vector<128x128xi32>
    %slice3A_782 = vector.extract_strided_slice %select_n3A_766 {offsets = [0, 124], sizes = [128, 4], strides = [1, 1]} : vector<128x128xi32> to vector<128x4xi32>
    %slice3A_783 = vector.extract_strided_slice %select_n3A_766 {offsets = [0, 0], sizes = [128, 124], strides = [1, 1]} : vector<128x128xi32> to vector<128x124xi32>
    %concatenate3A_784 = tpu.concatenate %slice3A_782, %slice3A_783 in 1 : vector<128x4xi32>, vector<128x124xi32> -> vector<128x128xi32>
    %select_n3A_785 = arith.select %eq3A_772, %concatenate3A_775, %concatenate3A_778 : vector<128x128xi1>, vector<128x128xf32>
    %select_n3A_786 = arith.select %eq3A_772, %concatenate3A_781, %concatenate3A_784 : vector<128x128xi1>, vector<128x128xi32>
    %gt3A_787 = arith.cmpf ogt, %select_n3A_765, %select_n3A_785 : vector<128x128xf32>
    %eq3A_788 = arith.cmpf oeq, %select_n3A_765, %select_n3A_785 : vector<128x128xf32>
    %gt3A_789 = arith.cmpi sgt, %select_n3A_766, %select_n3A_786 : vector<128x128xi32>
    %and3A_790 = arith.andi %eq3A_788, %gt3A_789 : vector<128x128xi1>
    %or3A_791 = arith.ori %gt3A_787, %and3A_790 : vector<128x128xi1>
    %xor3A_792 = arith.xori %or3A_791, %eq3A_772 : vector<128x128xi1>
    %xor3A_793 = arith.xori %xor3A_792, %eq3A_650 : vector<128x128xi1>
    %select_n3A_794 = arith.select %xor3A_793, %select_n3A_785, %select_n3A_765 : vector<128x128xi1>, vector<128x128xf32>
    %select_n3A_795 = arith.select %xor3A_793, %select_n3A_786, %select_n3A_766 : vector<128x128xi1>, vector<128x128xi32>
    %and3A_796 = arith.constant 2 : i32
    %and3A_797 = vector.broadcast %and3A_796 : i32 to vector<128x128xi32>
    %and3A_798 = arith.andi %iota3A_5, %and3A_797 : vector<128x128xi32>
    %eq3A_799 = arith.constant 0 : i32
    %eq3A_800 = vector.broadcast %eq3A_799 : i32 to vector<128x128xi32>
    %eq3A_801 = arith.cmpi eq, %and3A_798, %eq3A_800 : vector<128x128xi32>
    %slice3A_802 = vector.extract_strided_slice %select_n3A_794 {offsets = [0, 2], sizes = [128, 126], strides = [1, 1]} : vector<128x128xf32> to vector<128x126xf32>
    %slice3A_803 = vector.extract_strided_slice %select_n3A_794 {offsets = [0, 0], sizes = [128, 2], strides = [1, 1]} : vector<128x128xf32> to vector<128x2xf32>
    %concatenate3A_804 = tpu.concatenate %slice3A_802, %slice3A_803 in 1 : vector<128x126xf32>, vector<128x2xf32> -> vector<128x128xf32>
    %slice3A_805 = vector.extract_strided_slice %select_n3A_794 {offsets = [0, 126], sizes = [128, 2], strides = [1, 1]} : vector<128x128xf32> to vector<128x2xf32>
    %slice3A_806 = vector.extract_strided_slice %select_n3A_794 {offsets = [0, 0], sizes = [128, 126], strides = [1, 1]} : vector<128x128xf32> to vector<128x126xf32>
    %concatenate3A_807 = tpu.concatenate %slice3A_805, %slice3A_806 in 1 : vector<128x2xf32>, vector<128x126xf32> -> vector<128x128xf32>
    %slice3A_808 = vector.extract_strided_slice %select_n3A_795 {offsets = [0, 2], sizes = [128, 126], strides = [1, 1]} : vector<128x128xi32> to vector<128x126xi32>
    %slice3A_809 = vector.extract_strided_slice %select_n3A_795 {offsets = [0, 0], sizes = [128, 2], strides = [1, 1]} : vector<128x128xi32> to vector<128x2xi32>
    %concatenate3A_810 = tpu.concatenate %slice3A_808, %slice3A_809 in 1 : vector<128x126xi32>, vector<128x2xi32> -> vector<128x128xi32>
    %slice3A_811 = vector.extract_strided_slice %select_n3A_795 {offsets = [0, 126], sizes = [128, 2], strides = [1, 1]} : vector<128x128xi32> to vector<128x2xi32>
    %slice3A_812 = vector.extract_strided_slice %select_n3A_795 {offsets = [0, 0], sizes = [128, 126], strides = [1, 1]} : vector<128x128xi32> to vector<128x126xi32>
    %concatenate3A_813 = tpu.concatenate %slice3A_811, %slice3A_812 in 1 : vector<128x2xi32>, vector<128x126xi32> -> vector<128x128xi32>
    %select_n3A_814 = arith.select %eq3A_801, %concatenate3A_804, %concatenate3A_807 : vector<128x128xi1>, vector<128x128xf32>
    %select_n3A_815 = arith.select %eq3A_801, %concatenate3A_810, %concatenate3A_813 : vector<128x128xi1>, vector<128x128xi32>
    %gt3A_816 = arith.cmpf ogt, %select_n3A_794, %select_n3A_814 : vector<128x128xf32>
    %eq3A_817 = arith.cmpf oeq, %select_n3A_794, %select_n3A_814 : vector<128x128xf32>
    %gt3A_818 = arith.cmpi sgt, %select_n3A_795, %select_n3A_815 : vector<128x128xi32>
    %and3A_819 = arith.andi %eq3A_817, %gt3A_818 : vector<128x128xi1>
    %or3A_820 = arith.ori %gt3A_816, %and3A_819 : vector<128x128xi1>
    %xor3A_821 = arith.xori %or3A_820, %eq3A_801 : vector<128x128xi1>
    %xor3A_822 = arith.xori %xor3A_821, %eq3A_650 : vector<128x128xi1>
    %select_n3A_823 = arith.select %xor3A_822, %select_n3A_814, %select_n3A_794 : vector<128x128xi1>, vector<128x128xf32>
    %select_n3A_824 = arith.select %xor3A_822, %select_n3A_815, %select_n3A_795 : vector<128x128xi1>, vector<128x128xi32>
    %and3A_825 = arith.constant 1 : i32
    %and3A_826 = vector.broadcast %and3A_825 : i32 to vector<128x128xi32>
    %and3A_827 = arith.andi %iota3A_5, %and3A_826 : vector<128x128xi32>
    %eq3A_828 = arith.constant 0 : i32
    %eq3A_829 = vector.broadcast %eq3A_828 : i32 to vector<128x128xi32>
    %eq3A_830 = arith.cmpi eq, %and3A_827, %eq3A_829 : vector<128x128xi32>
    %slice3A_831 = vector.extract_strided_slice %select_n3A_823 {offsets = [0, 1], sizes = [128, 127], strides = [1, 1]} : vector<128x128xf32> to vector<128x127xf32>
    %slice3A_832 = vector.extract_strided_slice %select_n3A_823 {offsets = [0, 0], sizes = [128, 1], strides = [1, 1]} : vector<128x128xf32> to vector<128x1xf32>
    %concatenate3A_833 = tpu.concatenate %slice3A_831, %slice3A_832 in 1 : vector<128x127xf32>, vector<128x1xf32> -> vector<128x128xf32>
    %slice3A_834 = vector.extract_strided_slice %select_n3A_823 {offsets = [0, 127], sizes = [128, 1], strides = [1, 1]} : vector<128x128xf32> to vector<128x1xf32>
    %slice3A_835 = vector.extract_strided_slice %select_n3A_823 {offsets = [0, 0], sizes = [128, 127], strides = [1, 1]} : vector<128x128xf32> to vector<128x127xf32>
    %concatenate3A_836 = tpu.concatenate %slice3A_834, %slice3A_835 in 1 : vector<128x1xf32>, vector<128x127xf32> -> vector<128x128xf32>
    %slice3A_837 = vector.extract_strided_slice %select_n3A_824 {offsets = [0, 1], sizes = [128, 127], strides = [1, 1]} : vector<128x128xi32> to vector<128x127xi32>
    %slice3A_838 = vector.extract_strided_slice %select_n3A_824 {offsets = [0, 0], sizes = [128, 1], strides = [1, 1]} : vector<128x128xi32> to vector<128x1xi32>
    %concatenate3A_839 = tpu.concatenate %slice3A_837, %slice3A_838 in 1 : vector<128x127xi32>, vector<128x1xi32> -> vector<128x128xi32>
    %slice3A_840 = vector.extract_strided_slice %select_n3A_824 {offsets = [0, 127], sizes = [128, 1], strides = [1, 1]} : vector<128x128xi32> to vector<128x1xi32>
    %slice3A_841 = vector.extract_strided_slice %select_n3A_824 {offsets = [0, 0], sizes = [128, 127], strides = [1, 1]} : vector<128x128xi32> to vector<128x127xi32>
    %concatenate3A_842 = tpu.concatenate %slice3A_840, %slice3A_841 in 1 : vector<128x1xi32>, vector<128x127xi32> -> vector<128x128xi32>
    %select_n3A_843 = arith.select %eq3A_830, %concatenate3A_833, %concatenate3A_836 : vector<128x128xi1>, vector<128x128xf32>
    %select_n3A_844 = arith.select %eq3A_830, %concatenate3A_839, %concatenate3A_842 : vector<128x128xi1>, vector<128x128xi32>
    %gt3A_845 = arith.cmpf ogt, %select_n3A_823, %select_n3A_843 : vector<128x128xf32>
    %eq3A_846 = arith.cmpf oeq, %select_n3A_823, %select_n3A_843 : vector<128x128xf32>
    %gt3A_847 = arith.cmpi sgt, %select_n3A_824, %select_n3A_844 : vector<128x128xi32>
    %and3A_848 = arith.andi %eq3A_846, %gt3A_847 : vector<128x128xi1>
    %or3A_849 = arith.ori %gt3A_845, %and3A_848 : vector<128x128xi1>
    %xor3A_850 = arith.xori %or3A_849, %eq3A_830 : vector<128x128xi1>
    %xor3A_851 = arith.xori %xor3A_850, %eq3A_650 : vector<128x128xi1>
    %select_n3A_852 = arith.select %xor3A_851, %select_n3A_843, %select_n3A_823 : vector<128x128xi1>, vector<128x128xf32>
    %select_n3A_853 = arith.select %xor3A_851, %select_n3A_844, %select_n3A_824 : vector<128x128xi1>, vector<128x128xi32>
    %and3A_854 = arith.constant 256 : i32
    %and3A_855 = vector.broadcast %and3A_854 : i32 to vector<128x128xi32>
    %and3A_856 = arith.andi %add3A, %and3A_855 : vector<128x128xi32>
    %eq3A_857 = arith.constant 0 : i32
    %eq3A_858 = vector.broadcast %eq3A_857 : i32 to vector<128x128xi32>
    %eq3A_859 = arith.cmpi eq, %and3A_856, %eq3A_858 : vector<128x128xi32>
    %and3A_860 = arith.constant 1 : i32
    %and3A_861 = vector.broadcast %and3A_860 : i32 to vector<128x128xi32>
    %and3A_862 = arith.andi %iota3A, %and3A_861 : vector<128x128xi32>
    %eq3A_863 = arith.constant 0 : i32
    %eq3A_864 = vector.broadcast %eq3A_863 : i32 to vector<128x128xi32>
    %eq3A_865 = arith.cmpi eq, %and3A_862, %eq3A_864 : vector<128x128xi32>
    %slice3A_866 = vector.extract_strided_slice %select_n3A_852 {offsets = [1, 0], sizes = [127, 128], strides = [1, 1]} : vector<128x128xf32> to vector<127x128xf32>
    %slice3A_867 = vector.extract_strided_slice %select_n3A_852 {offsets = [0, 0], sizes = [1, 128], strides = [1, 1]} : vector<128x128xf32> to vector<1x128xf32>
    %concatenate3A_868 = tpu.concatenate %slice3A_866, %slice3A_867 in 0 : vector<127x128xf32>, vector<1x128xf32> -> vector<128x128xf32>
    %slice3A_869 = vector.extract_strided_slice %select_n3A_852 {offsets = [127, 0], sizes = [1, 128], strides = [1, 1]} : vector<128x128xf32> to vector<1x128xf32>
    %slice3A_870 = vector.extract_strided_slice %select_n3A_852 {offsets = [0, 0], sizes = [127, 128], strides = [1, 1]} : vector<128x128xf32> to vector<127x128xf32>
    %concatenate3A_871 = tpu.concatenate %slice3A_869, %slice3A_870 in 0 : vector<1x128xf32>, vector<127x128xf32> -> vector<128x128xf32>
    %slice3A_872 = vector.extract_strided_slice %select_n3A_853 {offsets = [1, 0], sizes = [127, 128], strides = [1, 1]} : vector<128x128xi32> to vector<127x128xi32>
    %slice3A_873 = vector.extract_strided_slice %select_n3A_853 {offsets = [0, 0], sizes = [1, 128], strides = [1, 1]} : vector<128x128xi32> to vector<1x128xi32>
    %concatenate3A_874 = tpu.concatenate %slice3A_872, %slice3A_873 in 0 : vector<127x128xi32>, vector<1x128xi32> -> vector<128x128xi32>
    %slice3A_875 = vector.extract_strided_slice %select_n3A_853 {offsets = [127, 0], sizes = [1, 128], strides = [1, 1]} : vector<128x128xi32> to vector<1x128xi32>
    %slice3A_876 = vector.extract_strided_slice %select_n3A_853 {offsets = [0, 0], sizes = [127, 128], strides = [1, 1]} : vector<128x128xi32> to vector<127x128xi32>
    %concatenate3A_877 = tpu.concatenate %slice3A_875, %slice3A_876 in 0 : vector<1x128xi32>, vector<127x128xi32> -> vector<128x128xi32>
    %select_n3A_878 = arith.select %eq3A_865, %concatenate3A_868, %concatenate3A_871 : vector<128x128xi1>, vector<128x128xf32>
    %select_n3A_879 = arith.select %eq3A_865, %concatenate3A_874, %concatenate3A_877 : vector<128x128xi1>, vector<128x128xi32>
    %gt3A_880 = arith.cmpf ogt, %select_n3A_852, %select_n3A_878 : vector<128x128xf32>
    %eq3A_881 = arith.cmpf oeq, %select_n3A_852, %select_n3A_878 : vector<128x128xf32>
    %gt3A_882 = arith.cmpi sgt, %select_n3A_853, %select_n3A_879 : vector<128x128xi32>
    %and3A_883 = arith.andi %eq3A_881, %gt3A_882 : vector<128x128xi1>
    %or3A_884 = arith.ori %gt3A_880, %and3A_883 : vector<128x128xi1>
    %xor3A_885 = arith.xori %or3A_884, %eq3A_865 : vector<128x128xi1>
    %xor3A_886 = arith.xori %xor3A_885, %eq3A_859 : vector<128x128xi1>
    %select_n3A_887 = arith.select %xor3A_886, %select_n3A_878, %select_n3A_852 : vector<128x128xi1>, vector<128x128xf32>
    %select_n3A_888 = arith.select %xor3A_886, %select_n3A_879, %select_n3A_853 : vector<128x128xi1>, vector<128x128xi32>
    %and3A_889 = arith.constant 64 : i32
    %and3A_890 = vector.broadcast %and3A_889 : i32 to vector<128x128xi32>
    %and3A_891 = arith.andi %iota3A_5, %and3A_890 : vector<128x128xi32>
    %eq3A_892 = arith.constant 0 : i32
    %eq3A_893 = vector.broadcast %eq3A_892 : i32 to vector<128x128xi32>
    %eq3A_894 = arith.cmpi eq, %and3A_891, %eq3A_893 : vector<128x128xi32>
    %slice3A_895 = vector.extract_strided_slice %select_n3A_887 {offsets = [0, 64], sizes = [128, 64], strides = [1, 1]} : vector<128x128xf32> to vector<128x64xf32>
    %slice3A_896 = vector.extract_strided_slice %select_n3A_887 {offsets = [0, 0], sizes = [128, 64], strides = [1, 1]} : vector<128x128xf32> to vector<128x64xf32>
    %concatenate3A_897 = tpu.concatenate %slice3A_895, %slice3A_896 in 1 : vector<128x64xf32>, vector<128x64xf32> -> vector<128x128xf32>
    %slice3A_898 = vector.extract_strided_slice %select_n3A_887 {offsets = [0, 64], sizes = [128, 64], strides = [1, 1]} : vector<128x128xf32> to vector<128x64xf32>
    %slice3A_899 = vector.extract_strided_slice %select_n3A_887 {offsets = [0, 0], sizes = [128, 64], strides = [1, 1]} : vector<128x128xf32> to vector<128x64xf32>
    %concatenate3A_900 = tpu.concatenate %slice3A_898, %slice3A_899 in 1 : vector<128x64xf32>, vector<128x64xf32> -> vector<128x128xf32>
    %slice3A_901 = vector.extract_strided_slice %select_n3A_888 {offsets = [0, 64], sizes = [128, 64], strides = [1, 1]} : vector<128x128xi32> to vector<128x64xi32>
    %slice3A_902 = vector.extract_strided_slice %select_n3A_888 {offsets = [0, 0], sizes = [128, 64], strides = [1, 1]} : vector<128x128xi32> to vector<128x64xi32>
    %concatenate3A_903 = tpu.concatenate %slice3A_901, %slice3A_902 in 1 : vector<128x64xi32>, vector<128x64xi32> -> vector<128x128xi32>
    %slice3A_904 = vector.extract_strided_slice %select_n3A_888 {offsets = [0, 64], sizes = [128, 64], strides = [1, 1]} : vector<128x128xi32> to vector<128x64xi32>
    %slice3A_905 = vector.extract_strided_slice %select_n3A_888 {offsets = [0, 0], sizes = [128, 64], strides = [1, 1]} : vector<128x128xi32> to vector<128x64xi32>
    %concatenate3A_906 = tpu.concatenate %slice3A_904, %slice3A_905 in 1 : vector<128x64xi32>, vector<128x64xi32> -> vector<128x128xi32>
    %select_n3A_907 = arith.select %eq3A_894, %concatenate3A_897, %concatenate3A_900 : vector<128x128xi1>, vector<128x128xf32>
    %select_n3A_908 = arith.select %eq3A_894, %concatenate3A_903, %concatenate3A_906 : vector<128x128xi1>, vector<128x128xi32>
    %gt3A_909 = arith.cmpf ogt, %select_n3A_887, %select_n3A_907 : vector<128x128xf32>
    %eq3A_910 = arith.cmpf oeq, %select_n3A_887, %select_n3A_907 : vector<128x128xf32>
    %gt3A_911 = arith.cmpi sgt, %select_n3A_888, %select_n3A_908 : vector<128x128xi32>
    %and3A_912 = arith.andi %eq3A_910, %gt3A_911 : vector<128x128xi1>
    %or3A_913 = arith.ori %gt3A_909, %and3A_912 : vector<128x128xi1>
    %xor3A_914 = arith.xori %or3A_913, %eq3A_894 : vector<128x128xi1>
    %xor3A_915 = arith.xori %xor3A_914, %eq3A_859 : vector<128x128xi1>
    %select_n3A_916 = arith.select %xor3A_915, %select_n3A_907, %select_n3A_887 : vector<128x128xi1>, vector<128x128xf32>
    %select_n3A_917 = arith.select %xor3A_915, %select_n3A_908, %select_n3A_888 : vector<128x128xi1>, vector<128x128xi32>
    %and3A_918 = arith.constant 32 : i32
    %and3A_919 = vector.broadcast %and3A_918 : i32 to vector<128x128xi32>
    %and3A_920 = arith.andi %iota3A_5, %and3A_919 : vector<128x128xi32>
    %eq3A_921 = arith.constant 0 : i32
    %eq3A_922 = vector.broadcast %eq3A_921 : i32 to vector<128x128xi32>
    %eq3A_923 = arith.cmpi eq, %and3A_920, %eq3A_922 : vector<128x128xi32>
    %slice3A_924 = vector.extract_strided_slice %select_n3A_916 {offsets = [0, 32], sizes = [128, 96], strides = [1, 1]} : vector<128x128xf32> to vector<128x96xf32>
    %slice3A_925 = vector.extract_strided_slice %select_n3A_916 {offsets = [0, 0], sizes = [128, 32], strides = [1, 1]} : vector<128x128xf32> to vector<128x32xf32>
    %concatenate3A_926 = tpu.concatenate %slice3A_924, %slice3A_925 in 1 : vector<128x96xf32>, vector<128x32xf32> -> vector<128x128xf32>
    %slice3A_927 = vector.extract_strided_slice %select_n3A_916 {offsets = [0, 96], sizes = [128, 32], strides = [1, 1]} : vector<128x128xf32> to vector<128x32xf32>
    %slice3A_928 = vector.extract_strided_slice %select_n3A_916 {offsets = [0, 0], sizes = [128, 96], strides = [1, 1]} : vector<128x128xf32> to vector<128x96xf32>
    %concatenate3A_929 = tpu.concatenate %slice3A_927, %slice3A_928 in 1 : vector<128x32xf32>, vector<128x96xf32> -> vector<128x128xf32>
    %slice3A_930 = vector.extract_strided_slice %select_n3A_917 {offsets = [0, 32], sizes = [128, 96], strides = [1, 1]} : vector<128x128xi32> to vector<128x96xi32>
    %slice3A_931 = vector.extract_strided_slice %select_n3A_917 {offsets = [0, 0], sizes = [128, 32], strides = [1, 1]} : vector<128x128xi32> to vector<128x32xi32>
    %concatenate3A_932 = tpu.concatenate %slice3A_930, %slice3A_931 in 1 : vector<128x96xi32>, vector<128x32xi32> -> vector<128x128xi32>
    %slice3A_933 = vector.extract_strided_slice %select_n3A_917 {offsets = [0, 96], sizes = [128, 32], strides = [1, 1]} : vector<128x128xi32> to vector<128x32xi32>
    %slice3A_934 = vector.extract_strided_slice %select_n3A_917 {offsets = [0, 0], sizes = [128, 96], strides = [1, 1]} : vector<128x128xi32> to vector<128x96xi32>
    %concatenate3A_935 = tpu.concatenate %slice3A_933, %slice3A_934 in 1 : vector<128x32xi32>, vector<128x96xi32> -> vector<128x128xi32>
    %select_n3A_936 = arith.select %eq3A_923, %concatenate3A_926, %concatenate3A_929 : vector<128x128xi1>, vector<128x128xf32>
    %select_n3A_937 = arith.select %eq3A_923, %concatenate3A_932, %concatenate3A_935 : vector<128x128xi1>, vector<128x128xi32>
    %gt3A_938 = arith.cmpf ogt, %select_n3A_916, %select_n3A_936 : vector<128x128xf32>
    %eq3A_939 = arith.cmpf oeq, %select_n3A_916, %select_n3A_936 : vector<128x128xf32>
    %gt3A_940 = arith.cmpi sgt, %select_n3A_917, %select_n3A_937 : vector<128x128xi32>
    %and3A_941 = arith.andi %eq3A_939, %gt3A_940 : vector<128x128xi1>
    %or3A_942 = arith.ori %gt3A_938, %and3A_941 : vector<128x128xi1>
    %xor3A_943 = arith.xori %or3A_942, %eq3A_923 : vector<128x128xi1>
    %xor3A_944 = arith.xori %xor3A_943, %eq3A_859 : vector<128x128xi1>
    %select_n3A_945 = arith.select %xor3A_944, %select_n3A_936, %select_n3A_916 : vector<128x128xi1>, vector<128x128xf32>
    %select_n3A_946 = arith.select %xor3A_944, %select_n3A_937, %select_n3A_917 : vector<128x128xi1>, vector<128x128xi32>
    %and3A_947 = arith.constant 16 : i32
    %and3A_948 = vector.broadcast %and3A_947 : i32 to vector<128x128xi32>
    %and3A_949 = arith.andi %iota3A_5, %and3A_948 : vector<128x128xi32>
    %eq3A_950 = arith.constant 0 : i32
    %eq3A_951 = vector.broadcast %eq3A_950 : i32 to vector<128x128xi32>
    %eq3A_952 = arith.cmpi eq, %and3A_949, %eq3A_951 : vector<128x128xi32>
    %slice3A_953 = vector.extract_strided_slice %select_n3A_945 {offsets = [0, 16], sizes = [128, 112], strides = [1, 1]} : vector<128x128xf32> to vector<128x112xf32>
    %slice3A_954 = vector.extract_strided_slice %select_n3A_945 {offsets = [0, 0], sizes = [128, 16], strides = [1, 1]} : vector<128x128xf32> to vector<128x16xf32>
    %concatenate3A_955 = tpu.concatenate %slice3A_953, %slice3A_954 in 1 : vector<128x112xf32>, vector<128x16xf32> -> vector<128x128xf32>
    %slice3A_956 = vector.extract_strided_slice %select_n3A_945 {offsets = [0, 112], sizes = [128, 16], strides = [1, 1]} : vector<128x128xf32> to vector<128x16xf32>
    %slice3A_957 = vector.extract_strided_slice %select_n3A_945 {offsets = [0, 0], sizes = [128, 112], strides = [1, 1]} : vector<128x128xf32> to vector<128x112xf32>
    %concatenate3A_958 = tpu.concatenate %slice3A_956, %slice3A_957 in 1 : vector<128x16xf32>, vector<128x112xf32> -> vector<128x128xf32>
    %slice3A_959 = vector.extract_strided_slice %select_n3A_946 {offsets = [0, 16], sizes = [128, 112], strides = [1, 1]} : vector<128x128xi32> to vector<128x112xi32>
    %slice3A_960 = vector.extract_strided_slice %select_n3A_946 {offsets = [0, 0], sizes = [128, 16], strides = [1, 1]} : vector<128x128xi32> to vector<128x16xi32>
    %concatenate3A_961 = tpu.concatenate %slice3A_959, %slice3A_960 in 1 : vector<128x112xi32>, vector<128x16xi32> -> vector<128x128xi32>
    %slice3A_962 = vector.extract_strided_slice %select_n3A_946 {offsets = [0, 112], sizes = [128, 16], strides = [1, 1]} : vector<128x128xi32> to vector<128x16xi32>
    %slice3A_963 = vector.extract_strided_slice %select_n3A_946 {offsets = [0, 0], sizes = [128, 112], strides = [1, 1]} : vector<128x128xi32> to vector<128x112xi32>
    %concatenate3A_964 = tpu.concatenate %slice3A_962, %slice3A_963 in 1 : vector<128x16xi32>, vector<128x112xi32> -> vector<128x128xi32>
    %select_n3A_965 = arith.select %eq3A_952, %concatenate3A_955, %concatenate3A_958 : vector<128x128xi1>, vector<128x128xf32>
    %select_n3A_966 = arith.select %eq3A_952, %concatenate3A_961, %concatenate3A_964 : vector<128x128xi1>, vector<128x128xi32>
    %gt3A_967 = arith.cmpf ogt, %select_n3A_945, %select_n3A_965 : vector<128x128xf32>
    %eq3A_968 = arith.cmpf oeq, %select_n3A_945, %select_n3A_965 : vector<128x128xf32>
    %gt3A_969 = arith.cmpi sgt, %select_n3A_946, %select_n3A_966 : vector<128x128xi32>
    %and3A_970 = arith.andi %eq3A_968, %gt3A_969 : vector<128x128xi1>
    %or3A_971 = arith.ori %gt3A_967, %and3A_970 : vector<128x128xi1>
    %xor3A_972 = arith.xori %or3A_971, %eq3A_952 : vector<128x128xi1>
    %xor3A_973 = arith.xori %xor3A_972, %eq3A_859 : vector<128x128xi1>
    %select_n3A_974 = arith.select %xor3A_973, %select_n3A_965, %select_n3A_945 : vector<128x128xi1>, vector<128x128xf32>
    %select_n3A_975 = arith.select %xor3A_973, %select_n3A_966, %select_n3A_946 : vector<128x128xi1>, vector<128x128xi32>
    %and3A_976 = arith.constant 8 : i32
    %and3A_977 = vector.broadcast %and3A_976 : i32 to vector<128x128xi32>
    %and3A_978 = arith.andi %iota3A_5, %and3A_977 : vector<128x128xi32>
    %eq3A_979 = arith.constant 0 : i32
    %eq3A_980 = vector.broadcast %eq3A_979 : i32 to vector<128x128xi32>
    %eq3A_981 = arith.cmpi eq, %and3A_978, %eq3A_980 : vector<128x128xi32>
    %slice3A_982 = vector.extract_strided_slice %select_n3A_974 {offsets = [0, 8], sizes = [128, 120], strides = [1, 1]} : vector<128x128xf32> to vector<128x120xf32>
    %slice3A_983 = vector.extract_strided_slice %select_n3A_974 {offsets = [0, 0], sizes = [128, 8], strides = [1, 1]} : vector<128x128xf32> to vector<128x8xf32>
    %concatenate3A_984 = tpu.concatenate %slice3A_982, %slice3A_983 in 1 : vector<128x120xf32>, vector<128x8xf32> -> vector<128x128xf32>
    %slice3A_985 = vector.extract_strided_slice %select_n3A_974 {offsets = [0, 120], sizes = [128, 8], strides = [1, 1]} : vector<128x128xf32> to vector<128x8xf32>
    %slice3A_986 = vector.extract_strided_slice %select_n3A_974 {offsets = [0, 0], sizes = [128, 120], strides = [1, 1]} : vector<128x128xf32> to vector<128x120xf32>
    %concatenate3A_987 = tpu.concatenate %slice3A_985, %slice3A_986 in 1 : vector<128x8xf32>, vector<128x120xf32> -> vector<128x128xf32>
    %slice3A_988 = vector.extract_strided_slice %select_n3A_975 {offsets = [0, 8], sizes = [128, 120], strides = [1, 1]} : vector<128x128xi32> to vector<128x120xi32>
    %slice3A_989 = vector.extract_strided_slice %select_n3A_975 {offsets = [0, 0], sizes = [128, 8], strides = [1, 1]} : vector<128x128xi32> to vector<128x8xi32>
    %concatenate3A_990 = tpu.concatenate %slice3A_988, %slice3A_989 in 1 : vector<128x120xi32>, vector<128x8xi32> -> vector<128x128xi32>
    %slice3A_991 = vector.extract_strided_slice %select_n3A_975 {offsets = [0, 120], sizes = [128, 8], strides = [1, 1]} : vector<128x128xi32> to vector<128x8xi32>
    %slice3A_992 = vector.extract_strided_slice %select_n3A_975 {offsets = [0, 0], sizes = [128, 120], strides = [1, 1]} : vector<128x128xi32> to vector<128x120xi32>
    %concatenate3A_993 = tpu.concatenate %slice3A_991, %slice3A_992 in 1 : vector<128x8xi32>, vector<128x120xi32> -> vector<128x128xi32>
    %select_n3A_994 = arith.select %eq3A_981, %concatenate3A_984, %concatenate3A_987 : vector<128x128xi1>, vector<128x128xf32>
    %select_n3A_995 = arith.select %eq3A_981, %concatenate3A_990, %concatenate3A_993 : vector<128x128xi1>, vector<128x128xi32>
    %gt3A_996 = arith.cmpf ogt, %select_n3A_974, %select_n3A_994 : vector<128x128xf32>
    %eq3A_997 = arith.cmpf oeq, %select_n3A_974, %select_n3A_994 : vector<128x128xf32>
    %gt3A_998 = arith.cmpi sgt, %select_n3A_975, %select_n3A_995 : vector<128x128xi32>
    %and3A_999 = arith.andi %eq3A_997, %gt3A_998 : vector<128x128xi1>
    %or3A_1000 = arith.ori %gt3A_996, %and3A_999 : vector<128x128xi1>
    %xor3A_1001 = arith.xori %or3A_1000, %eq3A_981 : vector<128x128xi1>
    %xor3A_1002 = arith.xori %xor3A_1001, %eq3A_859 : vector<128x128xi1>
    %select_n3A_1003 = arith.select %xor3A_1002, %select_n3A_994, %select_n3A_974 : vector<128x128xi1>, vector<128x128xf32>
    %select_n3A_1004 = arith.select %xor3A_1002, %select_n3A_995, %select_n3A_975 : vector<128x128xi1>, vector<128x128xi32>
    %and3A_1005 = arith.constant 4 : i32
    %and3A_1006 = vector.broadcast %and3A_1005 : i32 to vector<128x128xi32>
    %and3A_1007 = arith.andi %iota3A_5, %and3A_1006 : vector<128x128xi32>
    %eq3A_1008 = arith.constant 0 : i32
    %eq3A_1009 = vector.broadcast %eq3A_1008 : i32 to vector<128x128xi32>
    %eq3A_1010 = arith.cmpi eq, %and3A_1007, %eq3A_1009 : vector<128x128xi32>
    %slice3A_1011 = vector.extract_strided_slice %select_n3A_1003 {offsets = [0, 4], sizes = [128, 124], strides = [1, 1]} : vector<128x128xf32> to vector<128x124xf32>
    %slice3A_1012 = vector.extract_strided_slice %select_n3A_1003 {offsets = [0, 0], sizes = [128, 4], strides = [1, 1]} : vector<128x128xf32> to vector<128x4xf32>
    %concatenate3A_1013 = tpu.concatenate %slice3A_1011, %slice3A_1012 in 1 : vector<128x124xf32>, vector<128x4xf32> -> vector<128x128xf32>
    %slice3A_1014 = vector.extract_strided_slice %select_n3A_1003 {offsets = [0, 124], sizes = [128, 4], strides = [1, 1]} : vector<128x128xf32> to vector<128x4xf32>
    %slice3A_1015 = vector.extract_strided_slice %select_n3A_1003 {offsets = [0, 0], sizes = [128, 124], strides = [1, 1]} : vector<128x128xf32> to vector<128x124xf32>
    %concatenate3A_1016 = tpu.concatenate %slice3A_1014, %slice3A_1015 in 1 : vector<128x4xf32>, vector<128x124xf32> -> vector<128x128xf32>
    %slice3A_1017 = vector.extract_strided_slice %select_n3A_1004 {offsets = [0, 4], sizes = [128, 124], strides = [1, 1]} : vector<128x128xi32> to vector<128x124xi32>
    %slice3A_1018 = vector.extract_strided_slice %select_n3A_1004 {offsets = [0, 0], sizes = [128, 4], strides = [1, 1]} : vector<128x128xi32> to vector<128x4xi32>
    %concatenate3A_1019 = tpu.concatenate %slice3A_1017, %slice3A_1018 in 1 : vector<128x124xi32>, vector<128x4xi32> -> vector<128x128xi32>
    %slice3A_1020 = vector.extract_strided_slice %select_n3A_1004 {offsets = [0, 124], sizes = [128, 4], strides = [1, 1]} : vector<128x128xi32> to vector<128x4xi32>
    %slice3A_1021 = vector.extract_strided_slice %select_n3A_1004 {offsets = [0, 0], sizes = [128, 124], strides = [1, 1]} : vector<128x128xi32> to vector<128x124xi32>
    %concatenate3A_1022 = tpu.concatenate %slice3A_1020, %slice3A_1021 in 1 : vector<128x4xi32>, vector<128x124xi32> -> vector<128x128xi32>
    %select_n3A_1023 = arith.select %eq3A_1010, %concatenate3A_1013, %concatenate3A_1016 : vector<128x128xi1>, vector<128x128xf32>
    %select_n3A_1024 = arith.select %eq3A_1010, %concatenate3A_1019, %concatenate3A_1022 : vector<128x128xi1>, vector<128x128xi32>
    %gt3A_1025 = arith.cmpf ogt, %select_n3A_1003, %select_n3A_1023 : vector<128x128xf32>
    %eq3A_1026 = arith.cmpf oeq, %select_n3A_1003, %select_n3A_1023 : vector<128x128xf32>
    %gt3A_1027 = arith.cmpi sgt, %select_n3A_1004, %select_n3A_1024 : vector<128x128xi32>
    %and3A_1028 = arith.andi %eq3A_1026, %gt3A_1027 : vector<128x128xi1>
    %or3A_1029 = arith.ori %gt3A_1025, %and3A_1028 : vector<128x128xi1>
    %xor3A_1030 = arith.xori %or3A_1029, %eq3A_1010 : vector<128x128xi1>
    %xor3A_1031 = arith.xori %xor3A_1030, %eq3A_859 : vector<128x128xi1>
    %select_n3A_1032 = arith.select %xor3A_1031, %select_n3A_1023, %select_n3A_1003 : vector<128x128xi1>, vector<128x128xf32>
    %select_n3A_1033 = arith.select %xor3A_1031, %select_n3A_1024, %select_n3A_1004 : vector<128x128xi1>, vector<128x128xi32>
    %and3A_1034 = arith.constant 2 : i32
    %and3A_1035 = vector.broadcast %and3A_1034 : i32 to vector<128x128xi32>
    %and3A_1036 = arith.andi %iota3A_5, %and3A_1035 : vector<128x128xi32>
    %eq3A_1037 = arith.constant 0 : i32
    %eq3A_1038 = vector.broadcast %eq3A_1037 : i32 to vector<128x128xi32>
    %eq3A_1039 = arith.cmpi eq, %and3A_1036, %eq3A_1038 : vector<128x128xi32>
    %slice3A_1040 = vector.extract_strided_slice %select_n3A_1032 {offsets = [0, 2], sizes = [128, 126], strides = [1, 1]} : vector<128x128xf32> to vector<128x126xf32>
    %slice3A_1041 = vector.extract_strided_slice %select_n3A_1032 {offsets = [0, 0], sizes = [128, 2], strides = [1, 1]} : vector<128x128xf32> to vector<128x2xf32>
    %concatenate3A_1042 = tpu.concatenate %slice3A_1040, %slice3A_1041 in 1 : vector<128x126xf32>, vector<128x2xf32> -> vector<128x128xf32>
    %slice3A_1043 = vector.extract_strided_slice %select_n3A_1032 {offsets = [0, 126], sizes = [128, 2], strides = [1, 1]} : vector<128x128xf32> to vector<128x2xf32>
    %slice3A_1044 = vector.extract_strided_slice %select_n3A_1032 {offsets = [0, 0], sizes = [128, 126], strides = [1, 1]} : vector<128x128xf32> to vector<128x126xf32>
    %concatenate3A_1045 = tpu.concatenate %slice3A_1043, %slice3A_1044 in 1 : vector<128x2xf32>, vector<128x126xf32> -> vector<128x128xf32>
    %slice3A_1046 = vector.extract_strided_slice %select_n3A_1033 {offsets = [0, 2], sizes = [128, 126], strides = [1, 1]} : vector<128x128xi32> to vector<128x126xi32>
    %slice3A_1047 = vector.extract_strided_slice %select_n3A_1033 {offsets = [0, 0], sizes = [128, 2], strides = [1, 1]} : vector<128x128xi32> to vector<128x2xi32>
    %concatenate3A_1048 = tpu.concatenate %slice3A_1046, %slice3A_1047 in 1 : vector<128x126xi32>, vector<128x2xi32> -> vector<128x128xi32>
    %slice3A_1049 = vector.extract_strided_slice %select_n3A_1033 {offsets = [0, 126], sizes = [128, 2], strides = [1, 1]} : vector<128x128xi32> to vector<128x2xi32>
    %slice3A_1050 = vector.extract_strided_slice %select_n3A_1033 {offsets = [0, 0], sizes = [128, 126], strides = [1, 1]} : vector<128x128xi32> to vector<128x126xi32>
    %concatenate3A_1051 = tpu.concatenate %slice3A_1049, %slice3A_1050 in 1 : vector<128x2xi32>, vector<128x126xi32> -> vector<128x128xi32>
    %select_n3A_1052 = arith.select %eq3A_1039, %concatenate3A_1042, %concatenate3A_1045 : vector<128x128xi1>, vector<128x128xf32>
    %select_n3A_1053 = arith.select %eq3A_1039, %concatenate3A_1048, %concatenate3A_1051 : vector<128x128xi1>, vector<128x128xi32>
    %gt3A_1054 = arith.cmpf ogt, %select_n3A_1032, %select_n3A_1052 : vector<128x128xf32>
    %eq3A_1055 = arith.cmpf oeq, %select_n3A_1032, %select_n3A_1052 : vector<128x128xf32>
    %gt3A_1056 = arith.cmpi sgt, %select_n3A_1033, %select_n3A_1053 : vector<128x128xi32>
    %and3A_1057 = arith.andi %eq3A_1055, %gt3A_1056 : vector<128x128xi1>
    %or3A_1058 = arith.ori %gt3A_1054, %and3A_1057 : vector<128x128xi1>
    %xor3A_1059 = arith.xori %or3A_1058, %eq3A_1039 : vector<128x128xi1>
    %xor3A_1060 = arith.xori %xor3A_1059, %eq3A_859 : vector<128x128xi1>
    %select_n3A_1061 = arith.select %xor3A_1060, %select_n3A_1052, %select_n3A_1032 : vector<128x128xi1>, vector<128x128xf32>
    %select_n3A_1062 = arith.select %xor3A_1060, %select_n3A_1053, %select_n3A_1033 : vector<128x128xi1>, vector<128x128xi32>
    %and3A_1063 = arith.constant 1 : i32
    %and3A_1064 = vector.broadcast %and3A_1063 : i32 to vector<128x128xi32>
    %and3A_1065 = arith.andi %iota3A_5, %and3A_1064 : vector<128x128xi32>
    %eq3A_1066 = arith.constant 0 : i32
    %eq3A_1067 = vector.broadcast %eq3A_1066 : i32 to vector<128x128xi32>
    %eq3A_1068 = arith.cmpi eq, %and3A_1065, %eq3A_1067 : vector<128x128xi32>
    %slice3A_1069 = vector.extract_strided_slice %select_n3A_1061 {offsets = [0, 1], sizes = [128, 127], strides = [1, 1]} : vector<128x128xf32> to vector<128x127xf32>
    %slice3A_1070 = vector.extract_strided_slice %select_n3A_1061 {offsets = [0, 0], sizes = [128, 1], strides = [1, 1]} : vector<128x128xf32> to vector<128x1xf32>
    %concatenate3A_1071 = tpu.concatenate %slice3A_1069, %slice3A_1070 in 1 : vector<128x127xf32>, vector<128x1xf32> -> vector<128x128xf32>
    %slice3A_1072 = vector.extract_strided_slice %select_n3A_1061 {offsets = [0, 127], sizes = [128, 1], strides = [1, 1]} : vector<128x128xf32> to vector<128x1xf32>
    %slice3A_1073 = vector.extract_strided_slice %select_n3A_1061 {offsets = [0, 0], sizes = [128, 127], strides = [1, 1]} : vector<128x128xf32> to vector<128x127xf32>
    %concatenate3A_1074 = tpu.concatenate %slice3A_1072, %slice3A_1073 in 1 : vector<128x1xf32>, vector<128x127xf32> -> vector<128x128xf32>
    %slice3A_1075 = vector.extract_strided_slice %select_n3A_1062 {offsets = [0, 1], sizes = [128, 127], strides = [1, 1]} : vector<128x128xi32> to vector<128x127xi32>
    %slice3A_1076 = vector.extract_strided_slice %select_n3A_1062 {offsets = [0, 0], sizes = [128, 1], strides = [1, 1]} : vector<128x128xi32> to vector<128x1xi32>
    %concatenate3A_1077 = tpu.concatenate %slice3A_1075, %slice3A_1076 in 1 : vector<128x127xi32>, vector<128x1xi32> -> vector<128x128xi32>
    %slice3A_1078 = vector.extract_strided_slice %select_n3A_1062 {offsets = [0, 127], sizes = [128, 1], strides = [1, 1]} : vector<128x128xi32> to vector<128x1xi32>
    %slice3A_1079 = vector.extract_strided_slice %select_n3A_1062 {offsets = [0, 0], sizes = [128, 127], strides = [1, 1]} : vector<128x128xi32> to vector<128x127xi32>
    %concatenate3A_1080 = tpu.concatenate %slice3A_1078, %slice3A_1079 in 1 : vector<128x1xi32>, vector<128x127xi32> -> vector<128x128xi32>
    %select_n3A_1081 = arith.select %eq3A_1068, %concatenate3A_1071, %concatenate3A_1074 : vector<128x128xi1>, vector<128x128xf32>
    %select_n3A_1082 = arith.select %eq3A_1068, %concatenate3A_1077, %concatenate3A_1080 : vector<128x128xi1>, vector<128x128xi32>
    %gt3A_1083 = arith.cmpf ogt, %select_n3A_1061, %select_n3A_1081 : vector<128x128xf32>
    %eq3A_1084 = arith.cmpf oeq, %select_n3A_1061, %select_n3A_1081 : vector<128x128xf32>
    %gt3A_1085 = arith.cmpi sgt, %select_n3A_1062, %select_n3A_1082 : vector<128x128xi32>
    %and3A_1086 = arith.andi %eq3A_1084, %gt3A_1085 : vector<128x128xi1>
    %or3A_1087 = arith.ori %gt3A_1083, %and3A_1086 : vector<128x128xi1>
    %xor3A_1088 = arith.xori %or3A_1087, %eq3A_1068 : vector<128x128xi1>
    %xor3A_1089 = arith.xori %xor3A_1088, %eq3A_859 : vector<128x128xi1>
    %select_n3A_1090 = arith.select %xor3A_1089, %select_n3A_1081, %select_n3A_1061 : vector<128x128xi1>, vector<128x128xf32>
    %select_n3A_1091 = arith.select %xor3A_1089, %select_n3A_1082, %select_n3A_1062 : vector<128x128xi1>, vector<128x128xi32>
    %and3A_1092 = arith.constant 512 : i32
    %and3A_1093 = vector.broadcast %and3A_1092 : i32 to vector<128x128xi32>
    %and3A_1094 = arith.andi %add3A, %and3A_1093 : vector<128x128xi32>
    %eq3A_1095 = arith.constant 0 : i32
    %eq3A_1096 = vector.broadcast %eq3A_1095 : i32 to vector<128x128xi32>
    %eq3A_1097 = arith.cmpi eq, %and3A_1094, %eq3A_1096 : vector<128x128xi32>
    %and3A_1098 = arith.constant 2 : i32
    %and3A_1099 = vector.broadcast %and3A_1098 : i32 to vector<128x128xi32>
    %and3A_1100 = arith.andi %iota3A, %and3A_1099 : vector<128x128xi32>
    %eq3A_1101 = arith.constant 0 : i32
    %eq3A_1102 = vector.broadcast %eq3A_1101 : i32 to vector<128x128xi32>
    %eq3A_1103 = arith.cmpi eq, %and3A_1100, %eq3A_1102 : vector<128x128xi32>
    %slice3A_1104 = vector.extract_strided_slice %select_n3A_1090 {offsets = [2, 0], sizes = [126, 128], strides = [1, 1]} : vector<128x128xf32> to vector<126x128xf32>
    %slice3A_1105 = vector.extract_strided_slice %select_n3A_1090 {offsets = [0, 0], sizes = [2, 128], strides = [1, 1]} : vector<128x128xf32> to vector<2x128xf32>
    %concatenate3A_1106 = tpu.concatenate %slice3A_1104, %slice3A_1105 in 0 : vector<126x128xf32>, vector<2x128xf32> -> vector<128x128xf32>
    %slice3A_1107 = vector.extract_strided_slice %select_n3A_1090 {offsets = [126, 0], sizes = [2, 128], strides = [1, 1]} : vector<128x128xf32> to vector<2x128xf32>
    %slice3A_1108 = vector.extract_strided_slice %select_n3A_1090 {offsets = [0, 0], sizes = [126, 128], strides = [1, 1]} : vector<128x128xf32> to vector<126x128xf32>
    %concatenate3A_1109 = tpu.concatenate %slice3A_1107, %slice3A_1108 in 0 : vector<2x128xf32>, vector<126x128xf32> -> vector<128x128xf32>
    %slice3A_1110 = vector.extract_strided_slice %select_n3A_1091 {offsets = [2, 0], sizes = [126, 128], strides = [1, 1]} : vector<128x128xi32> to vector<126x128xi32>
    %slice3A_1111 = vector.extract_strided_slice %select_n3A_1091 {offsets = [0, 0], sizes = [2, 128], strides = [1, 1]} : vector<128x128xi32> to vector<2x128xi32>
    %concatenate3A_1112 = tpu.concatenate %slice3A_1110, %slice3A_1111 in 0 : vector<126x128xi32>, vector<2x128xi32> -> vector<128x128xi32>
    %slice3A_1113 = vector.extract_strided_slice %select_n3A_1091 {offsets = [126, 0], sizes = [2, 128], strides = [1, 1]} : vector<128x128xi32> to vector<2x128xi32>
    %slice3A_1114 = vector.extract_strided_slice %select_n3A_1091 {offsets = [0, 0], sizes = [126, 128], strides = [1, 1]} : vector<128x128xi32> to vector<126x128xi32>
    %concatenate3A_1115 = tpu.concatenate %slice3A_1113, %slice3A_1114 in 0 : vector<2x128xi32>, vector<126x128xi32> -> vector<128x128xi32>
    %select_n3A_1116 = arith.select %eq3A_1103, %concatenate3A_1106, %concatenate3A_1109 : vector<128x128xi1>, vector<128x128xf32>
    %select_n3A_1117 = arith.select %eq3A_1103, %concatenate3A_1112, %concatenate3A_1115 : vector<128x128xi1>, vector<128x128xi32>
    %gt3A_1118 = arith.cmpf ogt, %select_n3A_1090, %select_n3A_1116 : vector<128x128xf32>
    %eq3A_1119 = arith.cmpf oeq, %select_n3A_1090, %select_n3A_1116 : vector<128x128xf32>
    %gt3A_1120 = arith.cmpi sgt, %select_n3A_1091, %select_n3A_1117 : vector<128x128xi32>
    %and3A_1121 = arith.andi %eq3A_1119, %gt3A_1120 : vector<128x128xi1>
    %or3A_1122 = arith.ori %gt3A_1118, %and3A_1121 : vector<128x128xi1>
    %xor3A_1123 = arith.xori %or3A_1122, %eq3A_1103 : vector<128x128xi1>
    %xor3A_1124 = arith.xori %xor3A_1123, %eq3A_1097 : vector<128x128xi1>
    %select_n3A_1125 = arith.select %xor3A_1124, %select_n3A_1116, %select_n3A_1090 : vector<128x128xi1>, vector<128x128xf32>
    %select_n3A_1126 = arith.select %xor3A_1124, %select_n3A_1117, %select_n3A_1091 : vector<128x128xi1>, vector<128x128xi32>
    %and3A_1127 = arith.constant 1 : i32
    %and3A_1128 = vector.broadcast %and3A_1127 : i32 to vector<128x128xi32>
    %and3A_1129 = arith.andi %iota3A, %and3A_1128 : vector<128x128xi32>
    %eq3A_1130 = arith.constant 0 : i32
    %eq3A_1131 = vector.broadcast %eq3A_1130 : i32 to vector<128x128xi32>
    %eq3A_1132 = arith.cmpi eq, %and3A_1129, %eq3A_1131 : vector<128x128xi32>
    %slice3A_1133 = vector.extract_strided_slice %select_n3A_1125 {offsets = [1, 0], sizes = [127, 128], strides = [1, 1]} : vector<128x128xf32> to vector<127x128xf32>
    %slice3A_1134 = vector.extract_strided_slice %select_n3A_1125 {offsets = [0, 0], sizes = [1, 128], strides = [1, 1]} : vector<128x128xf32> to vector<1x128xf32>
    %concatenate3A_1135 = tpu.concatenate %slice3A_1133, %slice3A_1134 in 0 : vector<127x128xf32>, vector<1x128xf32> -> vector<128x128xf32>
    %slice3A_1136 = vector.extract_strided_slice %select_n3A_1125 {offsets = [127, 0], sizes = [1, 128], strides = [1, 1]} : vector<128x128xf32> to vector<1x128xf32>
    %slice3A_1137 = vector.extract_strided_slice %select_n3A_1125 {offsets = [0, 0], sizes = [127, 128], strides = [1, 1]} : vector<128x128xf32> to vector<127x128xf32>
    %concatenate3A_1138 = tpu.concatenate %slice3A_1136, %slice3A_1137 in 0 : vector<1x128xf32>, vector<127x128xf32> -> vector<128x128xf32>
    %slice3A_1139 = vector.extract_strided_slice %select_n3A_1126 {offsets = [1, 0], sizes = [127, 128], strides = [1, 1]} : vector<128x128xi32> to vector<127x128xi32>
    %slice3A_1140 = vector.extract_strided_slice %select_n3A_1126 {offsets = [0, 0], sizes = [1, 128], strides = [1, 1]} : vector<128x128xi32> to vector<1x128xi32>
    %concatenate3A_1141 = tpu.concatenate %slice3A_1139, %slice3A_1140 in 0 : vector<127x128xi32>, vector<1x128xi32> -> vector<128x128xi32>
    %slice3A_1142 = vector.extract_strided_slice %select_n3A_1126 {offsets = [127, 0], sizes = [1, 128], strides = [1, 1]} : vector<128x128xi32> to vector<1x128xi32>
    %slice3A_1143 = vector.extract_strided_slice %select_n3A_1126 {offsets = [0, 0], sizes = [127, 128], strides = [1, 1]} : vector<128x128xi32> to vector<127x128xi32>
    %concatenate3A_1144 = tpu.concatenate %slice3A_1142, %slice3A_1143 in 0 : vector<1x128xi32>, vector<127x128xi32> -> vector<128x128xi32>
    %select_n3A_1145 = arith.select %eq3A_1132, %concatenate3A_1135, %concatenate3A_1138 : vector<128x128xi1>, vector<128x128xf32>
    %select_n3A_1146 = arith.select %eq3A_1132, %concatenate3A_1141, %concatenate3A_1144 : vector<128x128xi1>, vector<128x128xi32>
    %gt3A_1147 = arith.cmpf ogt, %select_n3A_1125, %select_n3A_1145 : vector<128x128xf32>
    %eq3A_1148 = arith.cmpf oeq, %select_n3A_1125, %select_n3A_1145 : vector<128x128xf32>
    %gt3A_1149 = arith.cmpi sgt, %select_n3A_1126, %select_n3A_1146 : vector<128x128xi32>
    %and3A_1150 = arith.andi %eq3A_1148, %gt3A_1149 : vector<128x128xi1>
    %or3A_1151 = arith.ori %gt3A_1147, %and3A_1150 : vector<128x128xi1>
    %xor3A_1152 = arith.xori %or3A_1151, %eq3A_1132 : vector<128x128xi1>
    %xor3A_1153 = arith.xori %xor3A_1152, %eq3A_1097 : vector<128x128xi1>
    %select_n3A_1154 = arith.select %xor3A_1153, %select_n3A_1145, %select_n3A_1125 : vector<128x128xi1>, vector<128x128xf32>
    %select_n3A_1155 = arith.select %xor3A_1153, %select_n3A_1146, %select_n3A_1126 : vector<128x128xi1>, vector<128x128xi32>
    %and3A_1156 = arith.constant 64 : i32
    %and3A_1157 = vector.broadcast %and3A_1156 : i32 to vector<128x128xi32>
    %and3A_1158 = arith.andi %iota3A_5, %and3A_1157 : vector<128x128xi32>
    %eq3A_1159 = arith.constant 0 : i32
    %eq3A_1160 = vector.broadcast %eq3A_1159 : i32 to vector<128x128xi32>
    %eq3A_1161 = arith.cmpi eq, %and3A_1158, %eq3A_1160 : vector<128x128xi32>
    %slice3A_1162 = vector.extract_strided_slice %select_n3A_1154 {offsets = [0, 64], sizes = [128, 64], strides = [1, 1]} : vector<128x128xf32> to vector<128x64xf32>
    %slice3A_1163 = vector.extract_strided_slice %select_n3A_1154 {offsets = [0, 0], sizes = [128, 64], strides = [1, 1]} : vector<128x128xf32> to vector<128x64xf32>
    %concatenate3A_1164 = tpu.concatenate %slice3A_1162, %slice3A_1163 in 1 : vector<128x64xf32>, vector<128x64xf32> -> vector<128x128xf32>
    %slice3A_1165 = vector.extract_strided_slice %select_n3A_1154 {offsets = [0, 64], sizes = [128, 64], strides = [1, 1]} : vector<128x128xf32> to vector<128x64xf32>
    %slice3A_1166 = vector.extract_strided_slice %select_n3A_1154 {offsets = [0, 0], sizes = [128, 64], strides = [1, 1]} : vector<128x128xf32> to vector<128x64xf32>
    %concatenate3A_1167 = tpu.concatenate %slice3A_1165, %slice3A_1166 in 1 : vector<128x64xf32>, vector<128x64xf32> -> vector<128x128xf32>
    %slice3A_1168 = vector.extract_strided_slice %select_n3A_1155 {offsets = [0, 64], sizes = [128, 64], strides = [1, 1]} : vector<128x128xi32> to vector<128x64xi32>
    %slice3A_1169 = vector.extract_strided_slice %select_n3A_1155 {offsets = [0, 0], sizes = [128, 64], strides = [1, 1]} : vector<128x128xi32> to vector<128x64xi32>
    %concatenate3A_1170 = tpu.concatenate %slice3A_1168, %slice3A_1169 in 1 : vector<128x64xi32>, vector<128x64xi32> -> vector<128x128xi32>
    %slice3A_1171 = vector.extract_strided_slice %select_n3A_1155 {offsets = [0, 64], sizes = [128, 64], strides = [1, 1]} : vector<128x128xi32> to vector<128x64xi32>
    %slice3A_1172 = vector.extract_strided_slice %select_n3A_1155 {offsets = [0, 0], sizes = [128, 64], strides = [1, 1]} : vector<128x128xi32> to vector<128x64xi32>
    %concatenate3A_1173 = tpu.concatenate %slice3A_1171, %slice3A_1172 in 1 : vector<128x64xi32>, vector<128x64xi32> -> vector<128x128xi32>
    %select_n3A_1174 = arith.select %eq3A_1161, %concatenate3A_1164, %concatenate3A_1167 : vector<128x128xi1>, vector<128x128xf32>
    %select_n3A_1175 = arith.select %eq3A_1161, %concatenate3A_1170, %concatenate3A_1173 : vector<128x128xi1>, vector<128x128xi32>
    %gt3A_1176 = arith.cmpf ogt, %select_n3A_1154, %select_n3A_1174 : vector<128x128xf32>
    %eq3A_1177 = arith.cmpf oeq, %select_n3A_1154, %select_n3A_1174 : vector<128x128xf32>
    %gt3A_1178 = arith.cmpi sgt, %select_n3A_1155, %select_n3A_1175 : vector<128x128xi32>
    %and3A_1179 = arith.andi %eq3A_1177, %gt3A_1178 : vector<128x128xi1>
    %or3A_1180 = arith.ori %gt3A_1176, %and3A_1179 : vector<128x128xi1>
    %xor3A_1181 = arith.xori %or3A_1180, %eq3A_1161 : vector<128x128xi1>
    %xor3A_1182 = arith.xori %xor3A_1181, %eq3A_1097 : vector<128x128xi1>
    %select_n3A_1183 = arith.select %xor3A_1182, %select_n3A_1174, %select_n3A_1154 : vector<128x128xi1>, vector<128x128xf32>
    %select_n3A_1184 = arith.select %xor3A_1182, %select_n3A_1175, %select_n3A_1155 : vector<128x128xi1>, vector<128x128xi32>
    %and3A_1185 = arith.constant 32 : i32
    %and3A_1186 = vector.broadcast %and3A_1185 : i32 to vector<128x128xi32>
    %and3A_1187 = arith.andi %iota3A_5, %and3A_1186 : vector<128x128xi32>
    %eq3A_1188 = arith.constant 0 : i32
    %eq3A_1189 = vector.broadcast %eq3A_1188 : i32 to vector<128x128xi32>
    %eq3A_1190 = arith.cmpi eq, %and3A_1187, %eq3A_1189 : vector<128x128xi32>
    %slice3A_1191 = vector.extract_strided_slice %select_n3A_1183 {offsets = [0, 32], sizes = [128, 96], strides = [1, 1]} : vector<128x128xf32> to vector<128x96xf32>
    %slice3A_1192 = vector.extract_strided_slice %select_n3A_1183 {offsets = [0, 0], sizes = [128, 32], strides = [1, 1]} : vector<128x128xf32> to vector<128x32xf32>
    %concatenate3A_1193 = tpu.concatenate %slice3A_1191, %slice3A_1192 in 1 : vector<128x96xf32>, vector<128x32xf32> -> vector<128x128xf32>
    %slice3A_1194 = vector.extract_strided_slice %select_n3A_1183 {offsets = [0, 96], sizes = [128, 32], strides = [1, 1]} : vector<128x128xf32> to vector<128x32xf32>
    %slice3A_1195 = vector.extract_strided_slice %select_n3A_1183 {offsets = [0, 0], sizes = [128, 96], strides = [1, 1]} : vector<128x128xf32> to vector<128x96xf32>
    %concatenate3A_1196 = tpu.concatenate %slice3A_1194, %slice3A_1195 in 1 : vector<128x32xf32>, vector<128x96xf32> -> vector<128x128xf32>
    %slice3A_1197 = vector.extract_strided_slice %select_n3A_1184 {offsets = [0, 32], sizes = [128, 96], strides = [1, 1]} : vector<128x128xi32> to vector<128x96xi32>
    %slice3A_1198 = vector.extract_strided_slice %select_n3A_1184 {offsets = [0, 0], sizes = [128, 32], strides = [1, 1]} : vector<128x128xi32> to vector<128x32xi32>
    %concatenate3A_1199 = tpu.concatenate %slice3A_1197, %slice3A_1198 in 1 : vector<128x96xi32>, vector<128x32xi32> -> vector<128x128xi32>
    %slice3A_1200 = vector.extract_strided_slice %select_n3A_1184 {offsets = [0, 96], sizes = [128, 32], strides = [1, 1]} : vector<128x128xi32> to vector<128x32xi32>
    %slice3A_1201 = vector.extract_strided_slice %select_n3A_1184 {offsets = [0, 0], sizes = [128, 96], strides = [1, 1]} : vector<128x128xi32> to vector<128x96xi32>
    %concatenate3A_1202 = tpu.concatenate %slice3A_1200, %slice3A_1201 in 1 : vector<128x32xi32>, vector<128x96xi32> -> vector<128x128xi32>
    %select_n3A_1203 = arith.select %eq3A_1190, %concatenate3A_1193, %concatenate3A_1196 : vector<128x128xi1>, vector<128x128xf32>
    %select_n3A_1204 = arith.select %eq3A_1190, %concatenate3A_1199, %concatenate3A_1202 : vector<128x128xi1>, vector<128x128xi32>
    %gt3A_1205 = arith.cmpf ogt, %select_n3A_1183, %select_n3A_1203 : vector<128x128xf32>
    %eq3A_1206 = arith.cmpf oeq, %select_n3A_1183, %select_n3A_1203 : vector<128x128xf32>
    %gt3A_1207 = arith.cmpi sgt, %select_n3A_1184, %select_n3A_1204 : vector<128x128xi32>
    %and3A_1208 = arith.andi %eq3A_1206, %gt3A_1207 : vector<128x128xi1>
    %or3A_1209 = arith.ori %gt3A_1205, %and3A_1208 : vector<128x128xi1>
    %xor3A_1210 = arith.xori %or3A_1209, %eq3A_1190 : vector<128x128xi1>
    %xor3A_1211 = arith.xori %xor3A_1210, %eq3A_1097 : vector<128x128xi1>
    %select_n3A_1212 = arith.select %xor3A_1211, %select_n3A_1203, %select_n3A_1183 : vector<128x128xi1>, vector<128x128xf32>
    %select_n3A_1213 = arith.select %xor3A_1211, %select_n3A_1204, %select_n3A_1184 : vector<128x128xi1>, vector<128x128xi32>
    %and3A_1214 = arith.constant 16 : i32
    %and3A_1215 = vector.broadcast %and3A_1214 : i32 to vector<128x128xi32>
    %and3A_1216 = arith.andi %iota3A_5, %and3A_1215 : vector<128x128xi32>
    %eq3A_1217 = arith.constant 0 : i32
    %eq3A_1218 = vector.broadcast %eq3A_1217 : i32 to vector<128x128xi32>
    %eq3A_1219 = arith.cmpi eq, %and3A_1216, %eq3A_1218 : vector<128x128xi32>
    %slice3A_1220 = vector.extract_strided_slice %select_n3A_1212 {offsets = [0, 16], sizes = [128, 112], strides = [1, 1]} : vector<128x128xf32> to vector<128x112xf32>
    %slice3A_1221 = vector.extract_strided_slice %select_n3A_1212 {offsets = [0, 0], sizes = [128, 16], strides = [1, 1]} : vector<128x128xf32> to vector<128x16xf32>
    %concatenate3A_1222 = tpu.concatenate %slice3A_1220, %slice3A_1221 in 1 : vector<128x112xf32>, vector<128x16xf32> -> vector<128x128xf32>
    %slice3A_1223 = vector.extract_strided_slice %select_n3A_1212 {offsets = [0, 112], sizes = [128, 16], strides = [1, 1]} : vector<128x128xf32> to vector<128x16xf32>
    %slice3A_1224 = vector.extract_strided_slice %select_n3A_1212 {offsets = [0, 0], sizes = [128, 112], strides = [1, 1]} : vector<128x128xf32> to vector<128x112xf32>
    %concatenate3A_1225 = tpu.concatenate %slice3A_1223, %slice3A_1224 in 1 : vector<128x16xf32>, vector<128x112xf32> -> vector<128x128xf32>
    %slice3A_1226 = vector.extract_strided_slice %select_n3A_1213 {offsets = [0, 16], sizes = [128, 112], strides = [1, 1]} : vector<128x128xi32> to vector<128x112xi32>
    %slice3A_1227 = vector.extract_strided_slice %select_n3A_1213 {offsets = [0, 0], sizes = [128, 16], strides = [1, 1]} : vector<128x128xi32> to vector<128x16xi32>
    %concatenate3A_1228 = tpu.concatenate %slice3A_1226, %slice3A_1227 in 1 : vector<128x112xi32>, vector<128x16xi32> -> vector<128x128xi32>
    %slice3A_1229 = vector.extract_strided_slice %select_n3A_1213 {offsets = [0, 112], sizes = [128, 16], strides = [1, 1]} : vector<128x128xi32> to vector<128x16xi32>
    %slice3A_1230 = vector.extract_strided_slice %select_n3A_1213 {offsets = [0, 0], sizes = [128, 112], strides = [1, 1]} : vector<128x128xi32> to vector<128x112xi32>
    %concatenate3A_1231 = tpu.concatenate %slice3A_1229, %slice3A_1230 in 1 : vector<128x16xi32>, vector<128x112xi32> -> vector<128x128xi32>
    %select_n3A_1232 = arith.select %eq3A_1219, %concatenate3A_1222, %concatenate3A_1225 : vector<128x128xi1>, vector<128x128xf32>
    %select_n3A_1233 = arith.select %eq3A_1219, %concatenate3A_1228, %concatenate3A_1231 : vector<128x128xi1>, vector<128x128xi32>
    %gt3A_1234 = arith.cmpf ogt, %select_n3A_1212, %select_n3A_1232 : vector<128x128xf32>
    %eq3A_1235 = arith.cmpf oeq, %select_n3A_1212, %select_n3A_1232 : vector<128x128xf32>
    %gt3A_1236 = arith.cmpi sgt, %select_n3A_1213, %select_n3A_1233 : vector<128x128xi32>
    %and3A_1237 = arith.andi %eq3A_1235, %gt3A_1236 : vector<128x128xi1>
    %or3A_1238 = arith.ori %gt3A_1234, %and3A_1237 : vector<128x128xi1>
    %xor3A_1239 = arith.xori %or3A_1238, %eq3A_1219 : vector<128x128xi1>
    %xor3A_1240 = arith.xori %xor3A_1239, %eq3A_1097 : vector<128x128xi1>
    %select_n3A_1241 = arith.select %xor3A_1240, %select_n3A_1232, %select_n3A_1212 : vector<128x128xi1>, vector<128x128xf32>
    %select_n3A_1242 = arith.select %xor3A_1240, %select_n3A_1233, %select_n3A_1213 : vector<128x128xi1>, vector<128x128xi32>
    %and3A_1243 = arith.constant 8 : i32
    %and3A_1244 = vector.broadcast %and3A_1243 : i32 to vector<128x128xi32>
    %and3A_1245 = arith.andi %iota3A_5, %and3A_1244 : vector<128x128xi32>
    %eq3A_1246 = arith.constant 0 : i32
    %eq3A_1247 = vector.broadcast %eq3A_1246 : i32 to vector<128x128xi32>
    %eq3A_1248 = arith.cmpi eq, %and3A_1245, %eq3A_1247 : vector<128x128xi32>
    %slice3A_1249 = vector.extract_strided_slice %select_n3A_1241 {offsets = [0, 8], sizes = [128, 120], strides = [1, 1]} : vector<128x128xf32> to vector<128x120xf32>
    %slice3A_1250 = vector.extract_strided_slice %select_n3A_1241 {offsets = [0, 0], sizes = [128, 8], strides = [1, 1]} : vector<128x128xf32> to vector<128x8xf32>
    %concatenate3A_1251 = tpu.concatenate %slice3A_1249, %slice3A_1250 in 1 : vector<128x120xf32>, vector<128x8xf32> -> vector<128x128xf32>
    %slice3A_1252 = vector.extract_strided_slice %select_n3A_1241 {offsets = [0, 120], sizes = [128, 8], strides = [1, 1]} : vector<128x128xf32> to vector<128x8xf32>
    %slice3A_1253 = vector.extract_strided_slice %select_n3A_1241 {offsets = [0, 0], sizes = [128, 120], strides = [1, 1]} : vector<128x128xf32> to vector<128x120xf32>
    %concatenate3A_1254 = tpu.concatenate %slice3A_1252, %slice3A_1253 in 1 : vector<128x8xf32>, vector<128x120xf32> -> vector<128x128xf32>
    %slice3A_1255 = vector.extract_strided_slice %select_n3A_1242 {offsets = [0, 8], sizes = [128, 120], strides = [1, 1]} : vector<128x128xi32> to vector<128x120xi32>
    %slice3A_1256 = vector.extract_strided_slice %select_n3A_1242 {offsets = [0, 0], sizes = [128, 8], strides = [1, 1]} : vector<128x128xi32> to vector<128x8xi32>
    %concatenate3A_1257 = tpu.concatenate %slice3A_1255, %slice3A_1256 in 1 : vector<128x120xi32>, vector<128x8xi32> -> vector<128x128xi32>
    %slice3A_1258 = vector.extract_strided_slice %select_n3A_1242 {offsets = [0, 120], sizes = [128, 8], strides = [1, 1]} : vector<128x128xi32> to vector<128x8xi32>
    %slice3A_1259 = vector.extract_strided_slice %select_n3A_1242 {offsets = [0, 0], sizes = [128, 120], strides = [1, 1]} : vector<128x128xi32> to vector<128x120xi32>
    %concatenate3A_1260 = tpu.concatenate %slice3A_1258, %slice3A_1259 in 1 : vector<128x8xi32>, vector<128x120xi32> -> vector<128x128xi32>
    %select_n3A_1261 = arith.select %eq3A_1248, %concatenate3A_1251, %concatenate3A_1254 : vector<128x128xi1>, vector<128x128xf32>
    %select_n3A_1262 = arith.select %eq3A_1248, %concatenate3A_1257, %concatenate3A_1260 : vector<128x128xi1>, vector<128x128xi32>
    %gt3A_1263 = arith.cmpf ogt, %select_n3A_1241, %select_n3A_1261 : vector<128x128xf32>
    %eq3A_1264 = arith.cmpf oeq, %select_n3A_1241, %select_n3A_1261 : vector<128x128xf32>
    %gt3A_1265 = arith.cmpi sgt, %select_n3A_1242, %select_n3A_1262 : vector<128x128xi32>
    %and3A_1266 = arith.andi %eq3A_1264, %gt3A_1265 : vector<128x128xi1>
    %or3A_1267 = arith.ori %gt3A_1263, %and3A_1266 : vector<128x128xi1>
    %xor3A_1268 = arith.xori %or3A_1267, %eq3A_1248 : vector<128x128xi1>
    %xor3A_1269 = arith.xori %xor3A_1268, %eq3A_1097 : vector<128x128xi1>
    %select_n3A_1270 = arith.select %xor3A_1269, %select_n3A_1261, %select_n3A_1241 : vector<128x128xi1>, vector<128x128xf32>
    %select_n3A_1271 = arith.select %xor3A_1269, %select_n3A_1262, %select_n3A_1242 : vector<128x128xi1>, vector<128x128xi32>
    %and3A_1272 = arith.constant 4 : i32
    %and3A_1273 = vector.broadcast %and3A_1272 : i32 to vector<128x128xi32>
    %and3A_1274 = arith.andi %iota3A_5, %and3A_1273 : vector<128x128xi32>
    %eq3A_1275 = arith.constant 0 : i32
    %eq3A_1276 = vector.broadcast %eq3A_1275 : i32 to vector<128x128xi32>
    %eq3A_1277 = arith.cmpi eq, %and3A_1274, %eq3A_1276 : vector<128x128xi32>
    %slice3A_1278 = vector.extract_strided_slice %select_n3A_1270 {offsets = [0, 4], sizes = [128, 124], strides = [1, 1]} : vector<128x128xf32> to vector<128x124xf32>
    %slice3A_1279 = vector.extract_strided_slice %select_n3A_1270 {offsets = [0, 0], sizes = [128, 4], strides = [1, 1]} : vector<128x128xf32> to vector<128x4xf32>
    %concatenate3A_1280 = tpu.concatenate %slice3A_1278, %slice3A_1279 in 1 : vector<128x124xf32>, vector<128x4xf32> -> vector<128x128xf32>
    %slice3A_1281 = vector.extract_strided_slice %select_n3A_1270 {offsets = [0, 124], sizes = [128, 4], strides = [1, 1]} : vector<128x128xf32> to vector<128x4xf32>
    %slice3A_1282 = vector.extract_strided_slice %select_n3A_1270 {offsets = [0, 0], sizes = [128, 124], strides = [1, 1]} : vector<128x128xf32> to vector<128x124xf32>
    %concatenate3A_1283 = tpu.concatenate %slice3A_1281, %slice3A_1282 in 1 : vector<128x4xf32>, vector<128x124xf32> -> vector<128x128xf32>
    %slice3A_1284 = vector.extract_strided_slice %select_n3A_1271 {offsets = [0, 4], sizes = [128, 124], strides = [1, 1]} : vector<128x128xi32> to vector<128x124xi32>
    %slice3A_1285 = vector.extract_strided_slice %select_n3A_1271 {offsets = [0, 0], sizes = [128, 4], strides = [1, 1]} : vector<128x128xi32> to vector<128x4xi32>
    %concatenate3A_1286 = tpu.concatenate %slice3A_1284, %slice3A_1285 in 1 : vector<128x124xi32>, vector<128x4xi32> -> vector<128x128xi32>
    %slice3A_1287 = vector.extract_strided_slice %select_n3A_1271 {offsets = [0, 124], sizes = [128, 4], strides = [1, 1]} : vector<128x128xi32> to vector<128x4xi32>
    %slice3A_1288 = vector.extract_strided_slice %select_n3A_1271 {offsets = [0, 0], sizes = [128, 124], strides = [1, 1]} : vector<128x128xi32> to vector<128x124xi32>
    %concatenate3A_1289 = tpu.concatenate %slice3A_1287, %slice3A_1288 in 1 : vector<128x4xi32>, vector<128x124xi32> -> vector<128x128xi32>
    %select_n3A_1290 = arith.select %eq3A_1277, %concatenate3A_1280, %concatenate3A_1283 : vector<128x128xi1>, vector<128x128xf32>
    %select_n3A_1291 = arith.select %eq3A_1277, %concatenate3A_1286, %concatenate3A_1289 : vector<128x128xi1>, vector<128x128xi32>
    %gt3A_1292 = arith.cmpf ogt, %select_n3A_1270, %select_n3A_1290 : vector<128x128xf32>
    %eq3A_1293 = arith.cmpf oeq, %select_n3A_1270, %select_n3A_1290 : vector<128x128xf32>
    %gt3A_1294 = arith.cmpi sgt, %select_n3A_1271, %select_n3A_1291 : vector<128x128xi32>
    %and3A_1295 = arith.andi %eq3A_1293, %gt3A_1294 : vector<128x128xi1>
    %or3A_1296 = arith.ori %gt3A_1292, %and3A_1295 : vector<128x128xi1>
    %xor3A_1297 = arith.xori %or3A_1296, %eq3A_1277 : vector<128x128xi1>
    %xor3A_1298 = arith.xori %xor3A_1297, %eq3A_1097 : vector<128x128xi1>
    %select_n3A_1299 = arith.select %xor3A_1298, %select_n3A_1290, %select_n3A_1270 : vector<128x128xi1>, vector<128x128xf32>
    %select_n3A_1300 = arith.select %xor3A_1298, %select_n3A_1291, %select_n3A_1271 : vector<128x128xi1>, vector<128x128xi32>
    %and3A_1301 = arith.constant 2 : i32
    %and3A_1302 = vector.broadcast %and3A_1301 : i32 to vector<128x128xi32>
    %and3A_1303 = arith.andi %iota3A_5, %and3A_1302 : vector<128x128xi32>
    %eq3A_1304 = arith.constant 0 : i32
    %eq3A_1305 = vector.broadcast %eq3A_1304 : i32 to vector<128x128xi32>
    %eq3A_1306 = arith.cmpi eq, %and3A_1303, %eq3A_1305 : vector<128x128xi32>
    %slice3A_1307 = vector.extract_strided_slice %select_n3A_1299 {offsets = [0, 2], sizes = [128, 126], strides = [1, 1]} : vector<128x128xf32> to vector<128x126xf32>
    %slice3A_1308 = vector.extract_strided_slice %select_n3A_1299 {offsets = [0, 0], sizes = [128, 2], strides = [1, 1]} : vector<128x128xf32> to vector<128x2xf32>
    %concatenate3A_1309 = tpu.concatenate %slice3A_1307, %slice3A_1308 in 1 : vector<128x126xf32>, vector<128x2xf32> -> vector<128x128xf32>
    %slice3A_1310 = vector.extract_strided_slice %select_n3A_1299 {offsets = [0, 126], sizes = [128, 2], strides = [1, 1]} : vector<128x128xf32> to vector<128x2xf32>
    %slice3A_1311 = vector.extract_strided_slice %select_n3A_1299 {offsets = [0, 0], sizes = [128, 126], strides = [1, 1]} : vector<128x128xf32> to vector<128x126xf32>
    %concatenate3A_1312 = tpu.concatenate %slice3A_1310, %slice3A_1311 in 1 : vector<128x2xf32>, vector<128x126xf32> -> vector<128x128xf32>
    %slice3A_1313 = vector.extract_strided_slice %select_n3A_1300 {offsets = [0, 2], sizes = [128, 126], strides = [1, 1]} : vector<128x128xi32> to vector<128x126xi32>
    %slice3A_1314 = vector.extract_strided_slice %select_n3A_1300 {offsets = [0, 0], sizes = [128, 2], strides = [1, 1]} : vector<128x128xi32> to vector<128x2xi32>
    %concatenate3A_1315 = tpu.concatenate %slice3A_1313, %slice3A_1314 in 1 : vector<128x126xi32>, vector<128x2xi32> -> vector<128x128xi32>
    %slice3A_1316 = vector.extract_strided_slice %select_n3A_1300 {offsets = [0, 126], sizes = [128, 2], strides = [1, 1]} : vector<128x128xi32> to vector<128x2xi32>
    %slice3A_1317 = vector.extract_strided_slice %select_n3A_1300 {offsets = [0, 0], sizes = [128, 126], strides = [1, 1]} : vector<128x128xi32> to vector<128x126xi32>
    %concatenate3A_1318 = tpu.concatenate %slice3A_1316, %slice3A_1317 in 1 : vector<128x2xi32>, vector<128x126xi32> -> vector<128x128xi32>
    %select_n3A_1319 = arith.select %eq3A_1306, %concatenate3A_1309, %concatenate3A_1312 : vector<128x128xi1>, vector<128x128xf32>
    %select_n3A_1320 = arith.select %eq3A_1306, %concatenate3A_1315, %concatenate3A_1318 : vector<128x128xi1>, vector<128x128xi32>
    %gt3A_1321 = arith.cmpf ogt, %select_n3A_1299, %select_n3A_1319 : vector<128x128xf32>
    %eq3A_1322 = arith.cmpf oeq, %select_n3A_1299, %select_n3A_1319 : vector<128x128xf32>
    %gt3A_1323 = arith.cmpi sgt, %select_n3A_1300, %select_n3A_1320 : vector<128x128xi32>
    %and3A_1324 = arith.andi %eq3A_1322, %gt3A_1323 : vector<128x128xi1>
    %or3A_1325 = arith.ori %gt3A_1321, %and3A_1324 : vector<128x128xi1>
    %xor3A_1326 = arith.xori %or3A_1325, %eq3A_1306 : vector<128x128xi1>
    %xor3A_1327 = arith.xori %xor3A_1326, %eq3A_1097 : vector<128x128xi1>
    %select_n3A_1328 = arith.select %xor3A_1327, %select_n3A_1319, %select_n3A_1299 : vector<128x128xi1>, vector<128x128xf32>
    %select_n3A_1329 = arith.select %xor3A_1327, %select_n3A_1320, %select_n3A_1300 : vector<128x128xi1>, vector<128x128xi32>
    %and3A_1330 = arith.constant 1 : i32
    %and3A_1331 = vector.broadcast %and3A_1330 : i32 to vector<128x128xi32>
    %and3A_1332 = arith.andi %iota3A_5, %and3A_1331 : vector<128x128xi32>
    %eq3A_1333 = arith.constant 0 : i32
    %eq3A_1334 = vector.broadcast %eq3A_1333 : i32 to vector<128x128xi32>
    %eq3A_1335 = arith.cmpi eq, %and3A_1332, %eq3A_1334 : vector<128x128xi32>
    %slice3A_1336 = vector.extract_strided_slice %select_n3A_1328 {offsets = [0, 1], sizes = [128, 127], strides = [1, 1]} : vector<128x128xf32> to vector<128x127xf32>
    %slice3A_1337 = vector.extract_strided_slice %select_n3A_1328 {offsets = [0, 0], sizes = [128, 1], strides = [1, 1]} : vector<128x128xf32> to vector<128x1xf32>
    %concatenate3A_1338 = tpu.concatenate %slice3A_1336, %slice3A_1337 in 1 : vector<128x127xf32>, vector<128x1xf32> -> vector<128x128xf32>
    %slice3A_1339 = vector.extract_strided_slice %select_n3A_1328 {offsets = [0, 127], sizes = [128, 1], strides = [1, 1]} : vector<128x128xf32> to vector<128x1xf32>
    %slice3A_1340 = vector.extract_strided_slice %select_n3A_1328 {offsets = [0, 0], sizes = [128, 127], strides = [1, 1]} : vector<128x128xf32> to vector<128x127xf32>
    %concatenate3A_1341 = tpu.concatenate %slice3A_1339, %slice3A_1340 in 1 : vector<128x1xf32>, vector<128x127xf32> -> vector<128x128xf32>
    %slice3A_1342 = vector.extract_strided_slice %select_n3A_1329 {offsets = [0, 1], sizes = [128, 127], strides = [1, 1]} : vector<128x128xi32> to vector<128x127xi32>
    %slice3A_1343 = vector.extract_strided_slice %select_n3A_1329 {offsets = [0, 0], sizes = [128, 1], strides = [1, 1]} : vector<128x128xi32> to vector<128x1xi32>
    %concatenate3A_1344 = tpu.concatenate %slice3A_1342, %slice3A_1343 in 1 : vector<128x127xi32>, vector<128x1xi32> -> vector<128x128xi32>
    %slice3A_1345 = vector.extract_strided_slice %select_n3A_1329 {offsets = [0, 127], sizes = [128, 1], strides = [1, 1]} : vector<128x128xi32> to vector<128x1xi32>
    %slice3A_1346 = vector.extract_strided_slice %select_n3A_1329 {offsets = [0, 0], sizes = [128, 127], strides = [1, 1]} : vector<128x128xi32> to vector<128x127xi32>
    %concatenate3A_1347 = tpu.concatenate %slice3A_1345, %slice3A_1346 in 1 : vector<128x1xi32>, vector<128x127xi32> -> vector<128x128xi32>
    %select_n3A_1348 = arith.select %eq3A_1335, %concatenate3A_1338, %concatenate3A_1341 : vector<128x128xi1>, vector<128x128xf32>
    %select_n3A_1349 = arith.select %eq3A_1335, %concatenate3A_1344, %concatenate3A_1347 : vector<128x128xi1>, vector<128x128xi32>
    %gt3A_1350 = arith.cmpf ogt, %select_n3A_1328, %select_n3A_1348 : vector<128x128xf32>
    %eq3A_1351 = arith.cmpf oeq, %select_n3A_1328, %select_n3A_1348 : vector<128x128xf32>
    %gt3A_1352 = arith.cmpi sgt, %select_n3A_1329, %select_n3A_1349 : vector<128x128xi32>
    %and3A_1353 = arith.andi %eq3A_1351, %gt3A_1352 : vector<128x128xi1>
    %or3A_1354 = arith.ori %gt3A_1350, %and3A_1353 : vector<128x128xi1>
    %xor3A_1355 = arith.xori %or3A_1354, %eq3A_1335 : vector<128x128xi1>
    %xor3A_1356 = arith.xori %xor3A_1355, %eq3A_1097 : vector<128x128xi1>
    %select_n3A_1357 = arith.select %xor3A_1356, %select_n3A_1348, %select_n3A_1328 : vector<128x128xi1>, vector<128x128xf32>
    %select_n3A_1358 = arith.select %xor3A_1356, %select_n3A_1349, %select_n3A_1329 : vector<128x128xi1>, vector<128x128xi32>
    %and3A_1359 = arith.constant 1024 : i32
    %and3A_1360 = vector.broadcast %and3A_1359 : i32 to vector<128x128xi32>
    %and3A_1361 = arith.andi %add3A, %and3A_1360 : vector<128x128xi32>
    %eq3A_1362 = arith.constant 0 : i32
    %eq3A_1363 = vector.broadcast %eq3A_1362 : i32 to vector<128x128xi32>
    %eq3A_1364 = arith.cmpi eq, %and3A_1361, %eq3A_1363 : vector<128x128xi32>
    %and3A_1365 = arith.constant 4 : i32
    %and3A_1366 = vector.broadcast %and3A_1365 : i32 to vector<128x128xi32>
    %and3A_1367 = arith.andi %iota3A, %and3A_1366 : vector<128x128xi32>
    %eq3A_1368 = arith.constant 0 : i32
    %eq3A_1369 = vector.broadcast %eq3A_1368 : i32 to vector<128x128xi32>
    %eq3A_1370 = arith.cmpi eq, %and3A_1367, %eq3A_1369 : vector<128x128xi32>
    %slice3A_1371 = vector.extract_strided_slice %select_n3A_1357 {offsets = [4, 0], sizes = [124, 128], strides = [1, 1]} : vector<128x128xf32> to vector<124x128xf32>
    %slice3A_1372 = vector.extract_strided_slice %select_n3A_1357 {offsets = [0, 0], sizes = [4, 128], strides = [1, 1]} : vector<128x128xf32> to vector<4x128xf32>
    %concatenate3A_1373 = tpu.concatenate %slice3A_1371, %slice3A_1372 in 0 : vector<124x128xf32>, vector<4x128xf32> -> vector<128x128xf32>
    %slice3A_1374 = vector.extract_strided_slice %select_n3A_1357 {offsets = [124, 0], sizes = [4, 128], strides = [1, 1]} : vector<128x128xf32> to vector<4x128xf32>
    %slice3A_1375 = vector.extract_strided_slice %select_n3A_1357 {offsets = [0, 0], sizes = [124, 128], strides = [1, 1]} : vector<128x128xf32> to vector<124x128xf32>
    %concatenate3A_1376 = tpu.concatenate %slice3A_1374, %slice3A_1375 in 0 : vector<4x128xf32>, vector<124x128xf32> -> vector<128x128xf32>
    %slice3A_1377 = vector.extract_strided_slice %select_n3A_1358 {offsets = [4, 0], sizes = [124, 128], strides = [1, 1]} : vector<128x128xi32> to vector<124x128xi32>
    %slice3A_1378 = vector.extract_strided_slice %select_n3A_1358 {offsets = [0, 0], sizes = [4, 128], strides = [1, 1]} : vector<128x128xi32> to vector<4x128xi32>
    %concatenate3A_1379 = tpu.concatenate %slice3A_1377, %slice3A_1378 in 0 : vector<124x128xi32>, vector<4x128xi32> -> vector<128x128xi32>
    %slice3A_1380 = vector.extract_strided_slice %select_n3A_1358 {offsets = [124, 0], sizes = [4, 128], strides = [1, 1]} : vector<128x128xi32> to vector<4x128xi32>
    %slice3A_1381 = vector.extract_strided_slice %select_n3A_1358 {offsets = [0, 0], sizes = [124, 128], strides = [1, 1]} : vector<128x128xi32> to vector<124x128xi32>
    %concatenate3A_1382 = tpu.concatenate %slice3A_1380, %slice3A_1381 in 0 : vector<4x128xi32>, vector<124x128xi32> -> vector<128x128xi32>
    %select_n3A_1383 = arith.select %eq3A_1370, %concatenate3A_1373, %concatenate3A_1376 : vector<128x128xi1>, vector<128x128xf32>
    %select_n3A_1384 = arith.select %eq3A_1370, %concatenate3A_1379, %concatenate3A_1382 : vector<128x128xi1>, vector<128x128xi32>
    %gt3A_1385 = arith.cmpf ogt, %select_n3A_1357, %select_n3A_1383 : vector<128x128xf32>
    %eq3A_1386 = arith.cmpf oeq, %select_n3A_1357, %select_n3A_1383 : vector<128x128xf32>
    %gt3A_1387 = arith.cmpi sgt, %select_n3A_1358, %select_n3A_1384 : vector<128x128xi32>
    %and3A_1388 = arith.andi %eq3A_1386, %gt3A_1387 : vector<128x128xi1>
    %or3A_1389 = arith.ori %gt3A_1385, %and3A_1388 : vector<128x128xi1>
    %xor3A_1390 = arith.xori %or3A_1389, %eq3A_1370 : vector<128x128xi1>
    %xor3A_1391 = arith.xori %xor3A_1390, %eq3A_1364 : vector<128x128xi1>
    %select_n3A_1392 = arith.select %xor3A_1391, %select_n3A_1383, %select_n3A_1357 : vector<128x128xi1>, vector<128x128xf32>
    %select_n3A_1393 = arith.select %xor3A_1391, %select_n3A_1384, %select_n3A_1358 : vector<128x128xi1>, vector<128x128xi32>
    %and3A_1394 = arith.constant 2 : i32
    %and3A_1395 = vector.broadcast %and3A_1394 : i32 to vector<128x128xi32>
    %and3A_1396 = arith.andi %iota3A, %and3A_1395 : vector<128x128xi32>
    %eq3A_1397 = arith.constant 0 : i32
    %eq3A_1398 = vector.broadcast %eq3A_1397 : i32 to vector<128x128xi32>
    %eq3A_1399 = arith.cmpi eq, %and3A_1396, %eq3A_1398 : vector<128x128xi32>
    %slice3A_1400 = vector.extract_strided_slice %select_n3A_1392 {offsets = [2, 0], sizes = [126, 128], strides = [1, 1]} : vector<128x128xf32> to vector<126x128xf32>
    %slice3A_1401 = vector.extract_strided_slice %select_n3A_1392 {offsets = [0, 0], sizes = [2, 128], strides = [1, 1]} : vector<128x128xf32> to vector<2x128xf32>
    %concatenate3A_1402 = tpu.concatenate %slice3A_1400, %slice3A_1401 in 0 : vector<126x128xf32>, vector<2x128xf32> -> vector<128x128xf32>
    %slice3A_1403 = vector.extract_strided_slice %select_n3A_1392 {offsets = [126, 0], sizes = [2, 128], strides = [1, 1]} : vector<128x128xf32> to vector<2x128xf32>
    %slice3A_1404 = vector.extract_strided_slice %select_n3A_1392 {offsets = [0, 0], sizes = [126, 128], strides = [1, 1]} : vector<128x128xf32> to vector<126x128xf32>
    %concatenate3A_1405 = tpu.concatenate %slice3A_1403, %slice3A_1404 in 0 : vector<2x128xf32>, vector<126x128xf32> -> vector<128x128xf32>
    %slice3A_1406 = vector.extract_strided_slice %select_n3A_1393 {offsets = [2, 0], sizes = [126, 128], strides = [1, 1]} : vector<128x128xi32> to vector<126x128xi32>
    %slice3A_1407 = vector.extract_strided_slice %select_n3A_1393 {offsets = [0, 0], sizes = [2, 128], strides = [1, 1]} : vector<128x128xi32> to vector<2x128xi32>
    %concatenate3A_1408 = tpu.concatenate %slice3A_1406, %slice3A_1407 in 0 : vector<126x128xi32>, vector<2x128xi32> -> vector<128x128xi32>
    %slice3A_1409 = vector.extract_strided_slice %select_n3A_1393 {offsets = [126, 0], sizes = [2, 128], strides = [1, 1]} : vector<128x128xi32> to vector<2x128xi32>
    %slice3A_1410 = vector.extract_strided_slice %select_n3A_1393 {offsets = [0, 0], sizes = [126, 128], strides = [1, 1]} : vector<128x128xi32> to vector<126x128xi32>
    %concatenate3A_1411 = tpu.concatenate %slice3A_1409, %slice3A_1410 in 0 : vector<2x128xi32>, vector<126x128xi32> -> vector<128x128xi32>
    %select_n3A_1412 = arith.select %eq3A_1399, %concatenate3A_1402, %concatenate3A_1405 : vector<128x128xi1>, vector<128x128xf32>
    %select_n3A_1413 = arith.select %eq3A_1399, %concatenate3A_1408, %concatenate3A_1411 : vector<128x128xi1>, vector<128x128xi32>
    %gt3A_1414 = arith.cmpf ogt, %select_n3A_1392, %select_n3A_1412 : vector<128x128xf32>
    %eq3A_1415 = arith.cmpf oeq, %select_n3A_1392, %select_n3A_1412 : vector<128x128xf32>
    %gt3A_1416 = arith.cmpi sgt, %select_n3A_1393, %select_n3A_1413 : vector<128x128xi32>
    %and3A_1417 = arith.andi %eq3A_1415, %gt3A_1416 : vector<128x128xi1>
    %or3A_1418 = arith.ori %gt3A_1414, %and3A_1417 : vector<128x128xi1>
    %xor3A_1419 = arith.xori %or3A_1418, %eq3A_1399 : vector<128x128xi1>
    %xor3A_1420 = arith.xori %xor3A_1419, %eq3A_1364 : vector<128x128xi1>
    %select_n3A_1421 = arith.select %xor3A_1420, %select_n3A_1412, %select_n3A_1392 : vector<128x128xi1>, vector<128x128xf32>
    %select_n3A_1422 = arith.select %xor3A_1420, %select_n3A_1413, %select_n3A_1393 : vector<128x128xi1>, vector<128x128xi32>
    %and3A_1423 = arith.constant 1 : i32
    %and3A_1424 = vector.broadcast %and3A_1423 : i32 to vector<128x128xi32>
    %and3A_1425 = arith.andi %iota3A, %and3A_1424 : vector<128x128xi32>
    %eq3A_1426 = arith.constant 0 : i32
    %eq3A_1427 = vector.broadcast %eq3A_1426 : i32 to vector<128x128xi32>
    %eq3A_1428 = arith.cmpi eq, %and3A_1425, %eq3A_1427 : vector<128x128xi32>
    %slice3A_1429 = vector.extract_strided_slice %select_n3A_1421 {offsets = [1, 0], sizes = [127, 128], strides = [1, 1]} : vector<128x128xf32> to vector<127x128xf32>
    %slice3A_1430 = vector.extract_strided_slice %select_n3A_1421 {offsets = [0, 0], sizes = [1, 128], strides = [1, 1]} : vector<128x128xf32> to vector<1x128xf32>
    %concatenate3A_1431 = tpu.concatenate %slice3A_1429, %slice3A_1430 in 0 : vector<127x128xf32>, vector<1x128xf32> -> vector<128x128xf32>
    %slice3A_1432 = vector.extract_strided_slice %select_n3A_1421 {offsets = [127, 0], sizes = [1, 128], strides = [1, 1]} : vector<128x128xf32> to vector<1x128xf32>
    %slice3A_1433 = vector.extract_strided_slice %select_n3A_1421 {offsets = [0, 0], sizes = [127, 128], strides = [1, 1]} : vector<128x128xf32> to vector<127x128xf32>
    %concatenate3A_1434 = tpu.concatenate %slice3A_1432, %slice3A_1433 in 0 : vector<1x128xf32>, vector<127x128xf32> -> vector<128x128xf32>
    %slice3A_1435 = vector.extract_strided_slice %select_n3A_1422 {offsets = [1, 0], sizes = [127, 128], strides = [1, 1]} : vector<128x128xi32> to vector<127x128xi32>
    %slice3A_1436 = vector.extract_strided_slice %select_n3A_1422 {offsets = [0, 0], sizes = [1, 128], strides = [1, 1]} : vector<128x128xi32> to vector<1x128xi32>
    %concatenate3A_1437 = tpu.concatenate %slice3A_1435, %slice3A_1436 in 0 : vector<127x128xi32>, vector<1x128xi32> -> vector<128x128xi32>
    %slice3A_1438 = vector.extract_strided_slice %select_n3A_1422 {offsets = [127, 0], sizes = [1, 128], strides = [1, 1]} : vector<128x128xi32> to vector<1x128xi32>
    %slice3A_1439 = vector.extract_strided_slice %select_n3A_1422 {offsets = [0, 0], sizes = [127, 128], strides = [1, 1]} : vector<128x128xi32> to vector<127x128xi32>
    %concatenate3A_1440 = tpu.concatenate %slice3A_1438, %slice3A_1439 in 0 : vector<1x128xi32>, vector<127x128xi32> -> vector<128x128xi32>
    %select_n3A_1441 = arith.select %eq3A_1428, %concatenate3A_1431, %concatenate3A_1434 : vector<128x128xi1>, vector<128x128xf32>
    %select_n3A_1442 = arith.select %eq3A_1428, %concatenate3A_1437, %concatenate3A_1440 : vector<128x128xi1>, vector<128x128xi32>
    %gt3A_1443 = arith.cmpf ogt, %select_n3A_1421, %select_n3A_1441 : vector<128x128xf32>
    %eq3A_1444 = arith.cmpf oeq, %select_n3A_1421, %select_n3A_1441 : vector<128x128xf32>
    %gt3A_1445 = arith.cmpi sgt, %select_n3A_1422, %select_n3A_1442 : vector<128x128xi32>
    %and3A_1446 = arith.andi %eq3A_1444, %gt3A_1445 : vector<128x128xi1>
    %or3A_1447 = arith.ori %gt3A_1443, %and3A_1446 : vector<128x128xi1>
    %xor3A_1448 = arith.xori %or3A_1447, %eq3A_1428 : vector<128x128xi1>
    %xor3A_1449 = arith.xori %xor3A_1448, %eq3A_1364 : vector<128x128xi1>
    %select_n3A_1450 = arith.select %xor3A_1449, %select_n3A_1441, %select_n3A_1421 : vector<128x128xi1>, vector<128x128xf32>
    %select_n3A_1451 = arith.select %xor3A_1449, %select_n3A_1442, %select_n3A_1422 : vector<128x128xi1>, vector<128x128xi32>
    %and3A_1452 = arith.constant 64 : i32
    %and3A_1453 = vector.broadcast %and3A_1452 : i32 to vector<128x128xi32>
    %and3A_1454 = arith.andi %iota3A_5, %and3A_1453 : vector<128x128xi32>
    %eq3A_1455 = arith.constant 0 : i32
    %eq3A_1456 = vector.broadcast %eq3A_1455 : i32 to vector<128x128xi32>
    %eq3A_1457 = arith.cmpi eq, %and3A_1454, %eq3A_1456 : vector<128x128xi32>
    %slice3A_1458 = vector.extract_strided_slice %select_n3A_1450 {offsets = [0, 64], sizes = [128, 64], strides = [1, 1]} : vector<128x128xf32> to vector<128x64xf32>
    %slice3A_1459 = vector.extract_strided_slice %select_n3A_1450 {offsets = [0, 0], sizes = [128, 64], strides = [1, 1]} : vector<128x128xf32> to vector<128x64xf32>
    %concatenate3A_1460 = tpu.concatenate %slice3A_1458, %slice3A_1459 in 1 : vector<128x64xf32>, vector<128x64xf32> -> vector<128x128xf32>
    %slice3A_1461 = vector.extract_strided_slice %select_n3A_1450 {offsets = [0, 64], sizes = [128, 64], strides = [1, 1]} : vector<128x128xf32> to vector<128x64xf32>
    %slice3A_1462 = vector.extract_strided_slice %select_n3A_1450 {offsets = [0, 0], sizes = [128, 64], strides = [1, 1]} : vector<128x128xf32> to vector<128x64xf32>
    %concatenate3A_1463 = tpu.concatenate %slice3A_1461, %slice3A_1462 in 1 : vector<128x64xf32>, vector<128x64xf32> -> vector<128x128xf32>
    %slice3A_1464 = vector.extract_strided_slice %select_n3A_1451 {offsets = [0, 64], sizes = [128, 64], strides = [1, 1]} : vector<128x128xi32> to vector<128x64xi32>
    %slice3A_1465 = vector.extract_strided_slice %select_n3A_1451 {offsets = [0, 0], sizes = [128, 64], strides = [1, 1]} : vector<128x128xi32> to vector<128x64xi32>
    %concatenate3A_1466 = tpu.concatenate %slice3A_1464, %slice3A_1465 in 1 : vector<128x64xi32>, vector<128x64xi32> -> vector<128x128xi32>
    %slice3A_1467 = vector.extract_strided_slice %select_n3A_1451 {offsets = [0, 64], sizes = [128, 64], strides = [1, 1]} : vector<128x128xi32> to vector<128x64xi32>
    %slice3A_1468 = vector.extract_strided_slice %select_n3A_1451 {offsets = [0, 0], sizes = [128, 64], strides = [1, 1]} : vector<128x128xi32> to vector<128x64xi32>
    %concatenate3A_1469 = tpu.concatenate %slice3A_1467, %slice3A_1468 in 1 : vector<128x64xi32>, vector<128x64xi32> -> vector<128x128xi32>
    %select_n3A_1470 = arith.select %eq3A_1457, %concatenate3A_1460, %concatenate3A_1463 : vector<128x128xi1>, vector<128x128xf32>
    %select_n3A_1471 = arith.select %eq3A_1457, %concatenate3A_1466, %concatenate3A_1469 : vector<128x128xi1>, vector<128x128xi32>
    %gt3A_1472 = arith.cmpf ogt, %select_n3A_1450, %select_n3A_1470 : vector<128x128xf32>
    %eq3A_1473 = arith.cmpf oeq, %select_n3A_1450, %select_n3A_1470 : vector<128x128xf32>
    %gt3A_1474 = arith.cmpi sgt, %select_n3A_1451, %select_n3A_1471 : vector<128x128xi32>
    %and3A_1475 = arith.andi %eq3A_1473, %gt3A_1474 : vector<128x128xi1>
    %or3A_1476 = arith.ori %gt3A_1472, %and3A_1475 : vector<128x128xi1>
    %xor3A_1477 = arith.xori %or3A_1476, %eq3A_1457 : vector<128x128xi1>
    %xor3A_1478 = arith.xori %xor3A_1477, %eq3A_1364 : vector<128x128xi1>
    %select_n3A_1479 = arith.select %xor3A_1478, %select_n3A_1470, %select_n3A_1450 : vector<128x128xi1>, vector<128x128xf32>
    %select_n3A_1480 = arith.select %xor3A_1478, %select_n3A_1471, %select_n3A_1451 : vector<128x128xi1>, vector<128x128xi32>
    %and3A_1481 = arith.constant 32 : i32
    %and3A_1482 = vector.broadcast %and3A_1481 : i32 to vector<128x128xi32>
    %and3A_1483 = arith.andi %iota3A_5, %and3A_1482 : vector<128x128xi32>
    %eq3A_1484 = arith.constant 0 : i32
    %eq3A_1485 = vector.broadcast %eq3A_1484 : i32 to vector<128x128xi32>
    %eq3A_1486 = arith.cmpi eq, %and3A_1483, %eq3A_1485 : vector<128x128xi32>
    %slice3A_1487 = vector.extract_strided_slice %select_n3A_1479 {offsets = [0, 32], sizes = [128, 96], strides = [1, 1]} : vector<128x128xf32> to vector<128x96xf32>
    %slice3A_1488 = vector.extract_strided_slice %select_n3A_1479 {offsets = [0, 0], sizes = [128, 32], strides = [1, 1]} : vector<128x128xf32> to vector<128x32xf32>
    %concatenate3A_1489 = tpu.concatenate %slice3A_1487, %slice3A_1488 in 1 : vector<128x96xf32>, vector<128x32xf32> -> vector<128x128xf32>
    %slice3A_1490 = vector.extract_strided_slice %select_n3A_1479 {offsets = [0, 96], sizes = [128, 32], strides = [1, 1]} : vector<128x128xf32> to vector<128x32xf32>
    %slice3A_1491 = vector.extract_strided_slice %select_n3A_1479 {offsets = [0, 0], sizes = [128, 96], strides = [1, 1]} : vector<128x128xf32> to vector<128x96xf32>
    %concatenate3A_1492 = tpu.concatenate %slice3A_1490, %slice3A_1491 in 1 : vector<128x32xf32>, vector<128x96xf32> -> vector<128x128xf32>
    %slice3A_1493 = vector.extract_strided_slice %select_n3A_1480 {offsets = [0, 32], sizes = [128, 96], strides = [1, 1]} : vector<128x128xi32> to vector<128x96xi32>
    %slice3A_1494 = vector.extract_strided_slice %select_n3A_1480 {offsets = [0, 0], sizes = [128, 32], strides = [1, 1]} : vector<128x128xi32> to vector<128x32xi32>
    %concatenate3A_1495 = tpu.concatenate %slice3A_1493, %slice3A_1494 in 1 : vector<128x96xi32>, vector<128x32xi32> -> vector<128x128xi32>
    %slice3A_1496 = vector.extract_strided_slice %select_n3A_1480 {offsets = [0, 96], sizes = [128, 32], strides = [1, 1]} : vector<128x128xi32> to vector<128x32xi32>
    %slice3A_1497 = vector.extract_strided_slice %select_n3A_1480 {offsets = [0, 0], sizes = [128, 96], strides = [1, 1]} : vector<128x128xi32> to vector<128x96xi32>
    %concatenate3A_1498 = tpu.concatenate %slice3A_1496, %slice3A_1497 in 1 : vector<128x32xi32>, vector<128x96xi32> -> vector<128x128xi32>
    %select_n3A_1499 = arith.select %eq3A_1486, %concatenate3A_1489, %concatenate3A_1492 : vector<128x128xi1>, vector<128x128xf32>
    %select_n3A_1500 = arith.select %eq3A_1486, %concatenate3A_1495, %concatenate3A_1498 : vector<128x128xi1>, vector<128x128xi32>
    %gt3A_1501 = arith.cmpf ogt, %select_n3A_1479, %select_n3A_1499 : vector<128x128xf32>
    %eq3A_1502 = arith.cmpf oeq, %select_n3A_1479, %select_n3A_1499 : vector<128x128xf32>
    %gt3A_1503 = arith.cmpi sgt, %select_n3A_1480, %select_n3A_1500 : vector<128x128xi32>
    %and3A_1504 = arith.andi %eq3A_1502, %gt3A_1503 : vector<128x128xi1>
    %or3A_1505 = arith.ori %gt3A_1501, %and3A_1504 : vector<128x128xi1>
    %xor3A_1506 = arith.xori %or3A_1505, %eq3A_1486 : vector<128x128xi1>
    %xor3A_1507 = arith.xori %xor3A_1506, %eq3A_1364 : vector<128x128xi1>
    %select_n3A_1508 = arith.select %xor3A_1507, %select_n3A_1499, %select_n3A_1479 : vector<128x128xi1>, vector<128x128xf32>
    %select_n3A_1509 = arith.select %xor3A_1507, %select_n3A_1500, %select_n3A_1480 : vector<128x128xi1>, vector<128x128xi32>
    %and3A_1510 = arith.constant 16 : i32
    %and3A_1511 = vector.broadcast %and3A_1510 : i32 to vector<128x128xi32>
    %and3A_1512 = arith.andi %iota3A_5, %and3A_1511 : vector<128x128xi32>
    %eq3A_1513 = arith.constant 0 : i32
    %eq3A_1514 = vector.broadcast %eq3A_1513 : i32 to vector<128x128xi32>
    %eq3A_1515 = arith.cmpi eq, %and3A_1512, %eq3A_1514 : vector<128x128xi32>
    %slice3A_1516 = vector.extract_strided_slice %select_n3A_1508 {offsets = [0, 16], sizes = [128, 112], strides = [1, 1]} : vector<128x128xf32> to vector<128x112xf32>
    %slice3A_1517 = vector.extract_strided_slice %select_n3A_1508 {offsets = [0, 0], sizes = [128, 16], strides = [1, 1]} : vector<128x128xf32> to vector<128x16xf32>
    %concatenate3A_1518 = tpu.concatenate %slice3A_1516, %slice3A_1517 in 1 : vector<128x112xf32>, vector<128x16xf32> -> vector<128x128xf32>
    %slice3A_1519 = vector.extract_strided_slice %select_n3A_1508 {offsets = [0, 112], sizes = [128, 16], strides = [1, 1]} : vector<128x128xf32> to vector<128x16xf32>
    %slice3A_1520 = vector.extract_strided_slice %select_n3A_1508 {offsets = [0, 0], sizes = [128, 112], strides = [1, 1]} : vector<128x128xf32> to vector<128x112xf32>
    %concatenate3A_1521 = tpu.concatenate %slice3A_1519, %slice3A_1520 in 1 : vector<128x16xf32>, vector<128x112xf32> -> vector<128x128xf32>
    %slice3A_1522 = vector.extract_strided_slice %select_n3A_1509 {offsets = [0, 16], sizes = [128, 112], strides = [1, 1]} : vector<128x128xi32> to vector<128x112xi32>
    %slice3A_1523 = vector.extract_strided_slice %select_n3A_1509 {offsets = [0, 0], sizes = [128, 16], strides = [1, 1]} : vector<128x128xi32> to vector<128x16xi32>
    %concatenate3A_1524 = tpu.concatenate %slice3A_1522, %slice3A_1523 in 1 : vector<128x112xi32>, vector<128x16xi32> -> vector<128x128xi32>
    %slice3A_1525 = vector.extract_strided_slice %select_n3A_1509 {offsets = [0, 112], sizes = [128, 16], strides = [1, 1]} : vector<128x128xi32> to vector<128x16xi32>
    %slice3A_1526 = vector.extract_strided_slice %select_n3A_1509 {offsets = [0, 0], sizes = [128, 112], strides = [1, 1]} : vector<128x128xi32> to vector<128x112xi32>
    %concatenate3A_1527 = tpu.concatenate %slice3A_1525, %slice3A_1526 in 1 : vector<128x16xi32>, vector<128x112xi32> -> vector<128x128xi32>
    %select_n3A_1528 = arith.select %eq3A_1515, %concatenate3A_1518, %concatenate3A_1521 : vector<128x128xi1>, vector<128x128xf32>
    %select_n3A_1529 = arith.select %eq3A_1515, %concatenate3A_1524, %concatenate3A_1527 : vector<128x128xi1>, vector<128x128xi32>
    %gt3A_1530 = arith.cmpf ogt, %select_n3A_1508, %select_n3A_1528 : vector<128x128xf32>
    %eq3A_1531 = arith.cmpf oeq, %select_n3A_1508, %select_n3A_1528 : vector<128x128xf32>
    %gt3A_1532 = arith.cmpi sgt, %select_n3A_1509, %select_n3A_1529 : vector<128x128xi32>
    %and3A_1533 = arith.andi %eq3A_1531, %gt3A_1532 : vector<128x128xi1>
    %or3A_1534 = arith.ori %gt3A_1530, %and3A_1533 : vector<128x128xi1>
    %xor3A_1535 = arith.xori %or3A_1534, %eq3A_1515 : vector<128x128xi1>
    %xor3A_1536 = arith.xori %xor3A_1535, %eq3A_1364 : vector<128x128xi1>
    %select_n3A_1537 = arith.select %xor3A_1536, %select_n3A_1528, %select_n3A_1508 : vector<128x128xi1>, vector<128x128xf32>
    %select_n3A_1538 = arith.select %xor3A_1536, %select_n3A_1529, %select_n3A_1509 : vector<128x128xi1>, vector<128x128xi32>
    %and3A_1539 = arith.constant 8 : i32
    %and3A_1540 = vector.broadcast %and3A_1539 : i32 to vector<128x128xi32>
    %and3A_1541 = arith.andi %iota3A_5, %and3A_1540 : vector<128x128xi32>
    %eq3A_1542 = arith.constant 0 : i32
    %eq3A_1543 = vector.broadcast %eq3A_1542 : i32 to vector<128x128xi32>
    %eq3A_1544 = arith.cmpi eq, %and3A_1541, %eq3A_1543 : vector<128x128xi32>
    %slice3A_1545 = vector.extract_strided_slice %select_n3A_1537 {offsets = [0, 8], sizes = [128, 120], strides = [1, 1]} : vector<128x128xf32> to vector<128x120xf32>
    %slice3A_1546 = vector.extract_strided_slice %select_n3A_1537 {offsets = [0, 0], sizes = [128, 8], strides = [1, 1]} : vector<128x128xf32> to vector<128x8xf32>
    %concatenate3A_1547 = tpu.concatenate %slice3A_1545, %slice3A_1546 in 1 : vector<128x120xf32>, vector<128x8xf32> -> vector<128x128xf32>
    %slice3A_1548 = vector.extract_strided_slice %select_n3A_1537 {offsets = [0, 120], sizes = [128, 8], strides = [1, 1]} : vector<128x128xf32> to vector<128x8xf32>
    %slice3A_1549 = vector.extract_strided_slice %select_n3A_1537 {offsets = [0, 0], sizes = [128, 120], strides = [1, 1]} : vector<128x128xf32> to vector<128x120xf32>
    %concatenate3A_1550 = tpu.concatenate %slice3A_1548, %slice3A_1549 in 1 : vector<128x8xf32>, vector<128x120xf32> -> vector<128x128xf32>
    %slice3A_1551 = vector.extract_strided_slice %select_n3A_1538 {offsets = [0, 8], sizes = [128, 120], strides = [1, 1]} : vector<128x128xi32> to vector<128x120xi32>
    %slice3A_1552 = vector.extract_strided_slice %select_n3A_1538 {offsets = [0, 0], sizes = [128, 8], strides = [1, 1]} : vector<128x128xi32> to vector<128x8xi32>
    %concatenate3A_1553 = tpu.concatenate %slice3A_1551, %slice3A_1552 in 1 : vector<128x120xi32>, vector<128x8xi32> -> vector<128x128xi32>
    %slice3A_1554 = vector.extract_strided_slice %select_n3A_1538 {offsets = [0, 120], sizes = [128, 8], strides = [1, 1]} : vector<128x128xi32> to vector<128x8xi32>
    %slice3A_1555 = vector.extract_strided_slice %select_n3A_1538 {offsets = [0, 0], sizes = [128, 120], strides = [1, 1]} : vector<128x128xi32> to vector<128x120xi32>
    %concatenate3A_1556 = tpu.concatenate %slice3A_1554, %slice3A_1555 in 1 : vector<128x8xi32>, vector<128x120xi32> -> vector<128x128xi32>
    %select_n3A_1557 = arith.select %eq3A_1544, %concatenate3A_1547, %concatenate3A_1550 : vector<128x128xi1>, vector<128x128xf32>
    %select_n3A_1558 = arith.select %eq3A_1544, %concatenate3A_1553, %concatenate3A_1556 : vector<128x128xi1>, vector<128x128xi32>
    %gt3A_1559 = arith.cmpf ogt, %select_n3A_1537, %select_n3A_1557 : vector<128x128xf32>
    %eq3A_1560 = arith.cmpf oeq, %select_n3A_1537, %select_n3A_1557 : vector<128x128xf32>
    %gt3A_1561 = arith.cmpi sgt, %select_n3A_1538, %select_n3A_1558 : vector<128x128xi32>
    %and3A_1562 = arith.andi %eq3A_1560, %gt3A_1561 : vector<128x128xi1>
    %or3A_1563 = arith.ori %gt3A_1559, %and3A_1562 : vector<128x128xi1>
    %xor3A_1564 = arith.xori %or3A_1563, %eq3A_1544 : vector<128x128xi1>
    %xor3A_1565 = arith.xori %xor3A_1564, %eq3A_1364 : vector<128x128xi1>
    %select_n3A_1566 = arith.select %xor3A_1565, %select_n3A_1557, %select_n3A_1537 : vector<128x128xi1>, vector<128x128xf32>
    %select_n3A_1567 = arith.select %xor3A_1565, %select_n3A_1558, %select_n3A_1538 : vector<128x128xi1>, vector<128x128xi32>
    %and3A_1568 = arith.constant 4 : i32
    %and3A_1569 = vector.broadcast %and3A_1568 : i32 to vector<128x128xi32>
    %and3A_1570 = arith.andi %iota3A_5, %and3A_1569 : vector<128x128xi32>
    %eq3A_1571 = arith.constant 0 : i32
    %eq3A_1572 = vector.broadcast %eq3A_1571 : i32 to vector<128x128xi32>
    %eq3A_1573 = arith.cmpi eq, %and3A_1570, %eq3A_1572 : vector<128x128xi32>
    %slice3A_1574 = vector.extract_strided_slice %select_n3A_1566 {offsets = [0, 4], sizes = [128, 124], strides = [1, 1]} : vector<128x128xf32> to vector<128x124xf32>
    %slice3A_1575 = vector.extract_strided_slice %select_n3A_1566 {offsets = [0, 0], sizes = [128, 4], strides = [1, 1]} : vector<128x128xf32> to vector<128x4xf32>
    %concatenate3A_1576 = tpu.concatenate %slice3A_1574, %slice3A_1575 in 1 : vector<128x124xf32>, vector<128x4xf32> -> vector<128x128xf32>
    %slice3A_1577 = vector.extract_strided_slice %select_n3A_1566 {offsets = [0, 124], sizes = [128, 4], strides = [1, 1]} : vector<128x128xf32> to vector<128x4xf32>
    %slice3A_1578 = vector.extract_strided_slice %select_n3A_1566 {offsets = [0, 0], sizes = [128, 124], strides = [1, 1]} : vector<128x128xf32> to vector<128x124xf32>
    %concatenate3A_1579 = tpu.concatenate %slice3A_1577, %slice3A_1578 in 1 : vector<128x4xf32>, vector<128x124xf32> -> vector<128x128xf32>
    %slice3A_1580 = vector.extract_strided_slice %select_n3A_1567 {offsets = [0, 4], sizes = [128, 124], strides = [1, 1]} : vector<128x128xi32> to vector<128x124xi32>
    %slice3A_1581 = vector.extract_strided_slice %select_n3A_1567 {offsets = [0, 0], sizes = [128, 4], strides = [1, 1]} : vector<128x128xi32> to vector<128x4xi32>
    %concatenate3A_1582 = tpu.concatenate %slice3A_1580, %slice3A_1581 in 1 : vector<128x124xi32>, vector<128x4xi32> -> vector<128x128xi32>
    %slice3A_1583 = vector.extract_strided_slice %select_n3A_1567 {offsets = [0, 124], sizes = [128, 4], strides = [1, 1]} : vector<128x128xi32> to vector<128x4xi32>
    %slice3A_1584 = vector.extract_strided_slice %select_n3A_1567 {offsets = [0, 0], sizes = [128, 124], strides = [1, 1]} : vector<128x128xi32> to vector<128x124xi32>
    %concatenate3A_1585 = tpu.concatenate %slice3A_1583, %slice3A_1584 in 1 : vector<128x4xi32>, vector<128x124xi32> -> vector<128x128xi32>
    %select_n3A_1586 = arith.select %eq3A_1573, %concatenate3A_1576, %concatenate3A_1579 : vector<128x128xi1>, vector<128x128xf32>
    %select_n3A_1587 = arith.select %eq3A_1573, %concatenate3A_1582, %concatenate3A_1585 : vector<128x128xi1>, vector<128x128xi32>
    %gt3A_1588 = arith.cmpf ogt, %select_n3A_1566, %select_n3A_1586 : vector<128x128xf32>
    %eq3A_1589 = arith.cmpf oeq, %select_n3A_1566, %select_n3A_1586 : vector<128x128xf32>
    %gt3A_1590 = arith.cmpi sgt, %select_n3A_1567, %select_n3A_1587 : vector<128x128xi32>
    %and3A_1591 = arith.andi %eq3A_1589, %gt3A_1590 : vector<128x128xi1>
    %or3A_1592 = arith.ori %gt3A_1588, %and3A_1591 : vector<128x128xi1>
    %xor3A_1593 = arith.xori %or3A_1592, %eq3A_1573 : vector<128x128xi1>
    %xor3A_1594 = arith.xori %xor3A_1593, %eq3A_1364 : vector<128x128xi1>
    %select_n3A_1595 = arith.select %xor3A_1594, %select_n3A_1586, %select_n3A_1566 : vector<128x128xi1>, vector<128x128xf32>
    %select_n3A_1596 = arith.select %xor3A_1594, %select_n3A_1587, %select_n3A_1567 : vector<128x128xi1>, vector<128x128xi32>
    %and3A_1597 = arith.constant 2 : i32
    %and3A_1598 = vector.broadcast %and3A_1597 : i32 to vector<128x128xi32>
    %and3A_1599 = arith.andi %iota3A_5, %and3A_1598 : vector<128x128xi32>
    %eq3A_1600 = arith.constant 0 : i32
    %eq3A_1601 = vector.broadcast %eq3A_1600 : i32 to vector<128x128xi32>
    %eq3A_1602 = arith.cmpi eq, %and3A_1599, %eq3A_1601 : vector<128x128xi32>
    %slice3A_1603 = vector.extract_strided_slice %select_n3A_1595 {offsets = [0, 2], sizes = [128, 126], strides = [1, 1]} : vector<128x128xf32> to vector<128x126xf32>
    %slice3A_1604 = vector.extract_strided_slice %select_n3A_1595 {offsets = [0, 0], sizes = [128, 2], strides = [1, 1]} : vector<128x128xf32> to vector<128x2xf32>
    %concatenate3A_1605 = tpu.concatenate %slice3A_1603, %slice3A_1604 in 1 : vector<128x126xf32>, vector<128x2xf32> -> vector<128x128xf32>
    %slice3A_1606 = vector.extract_strided_slice %select_n3A_1595 {offsets = [0, 126], sizes = [128, 2], strides = [1, 1]} : vector<128x128xf32> to vector<128x2xf32>
    %slice3A_1607 = vector.extract_strided_slice %select_n3A_1595 {offsets = [0, 0], sizes = [128, 126], strides = [1, 1]} : vector<128x128xf32> to vector<128x126xf32>
    %concatenate3A_1608 = tpu.concatenate %slice3A_1606, %slice3A_1607 in 1 : vector<128x2xf32>, vector<128x126xf32> -> vector<128x128xf32>
    %slice3A_1609 = vector.extract_strided_slice %select_n3A_1596 {offsets = [0, 2], sizes = [128, 126], strides = [1, 1]} : vector<128x128xi32> to vector<128x126xi32>
    %slice3A_1610 = vector.extract_strided_slice %select_n3A_1596 {offsets = [0, 0], sizes = [128, 2], strides = [1, 1]} : vector<128x128xi32> to vector<128x2xi32>
    %concatenate3A_1611 = tpu.concatenate %slice3A_1609, %slice3A_1610 in 1 : vector<128x126xi32>, vector<128x2xi32> -> vector<128x128xi32>
    %slice3A_1612 = vector.extract_strided_slice %select_n3A_1596 {offsets = [0, 126], sizes = [128, 2], strides = [1, 1]} : vector<128x128xi32> to vector<128x2xi32>
    %slice3A_1613 = vector.extract_strided_slice %select_n3A_1596 {offsets = [0, 0], sizes = [128, 126], strides = [1, 1]} : vector<128x128xi32> to vector<128x126xi32>
    %concatenate3A_1614 = tpu.concatenate %slice3A_1612, %slice3A_1613 in 1 : vector<128x2xi32>, vector<128x126xi32> -> vector<128x128xi32>
    %select_n3A_1615 = arith.select %eq3A_1602, %concatenate3A_1605, %concatenate3A_1608 : vector<128x128xi1>, vector<128x128xf32>
    %select_n3A_1616 = arith.select %eq3A_1602, %concatenate3A_1611, %concatenate3A_1614 : vector<128x128xi1>, vector<128x128xi32>
    %gt3A_1617 = arith.cmpf ogt, %select_n3A_1595, %select_n3A_1615 : vector<128x128xf32>
    %eq3A_1618 = arith.cmpf oeq, %select_n3A_1595, %select_n3A_1615 : vector<128x128xf32>
    %gt3A_1619 = arith.cmpi sgt, %select_n3A_1596, %select_n3A_1616 : vector<128x128xi32>
    %and3A_1620 = arith.andi %eq3A_1618, %gt3A_1619 : vector<128x128xi1>
    %or3A_1621 = arith.ori %gt3A_1617, %and3A_1620 : vector<128x128xi1>
    %xor3A_1622 = arith.xori %or3A_1621, %eq3A_1602 : vector<128x128xi1>
    %xor3A_1623 = arith.xori %xor3A_1622, %eq3A_1364 : vector<128x128xi1>
    %select_n3A_1624 = arith.select %xor3A_1623, %select_n3A_1615, %select_n3A_1595 : vector<128x128xi1>, vector<128x128xf32>
    %select_n3A_1625 = arith.select %xor3A_1623, %select_n3A_1616, %select_n3A_1596 : vector<128x128xi1>, vector<128x128xi32>
    %and3A_1626 = arith.constant 1 : i32
    %and3A_1627 = vector.broadcast %and3A_1626 : i32 to vector<128x128xi32>
    %and3A_1628 = arith.andi %iota3A_5, %and3A_1627 : vector<128x128xi32>
    %eq3A_1629 = arith.constant 0 : i32
    %eq3A_1630 = vector.broadcast %eq3A_1629 : i32 to vector<128x128xi32>
    %eq3A_1631 = arith.cmpi eq, %and3A_1628, %eq3A_1630 : vector<128x128xi32>
    %slice3A_1632 = vector.extract_strided_slice %select_n3A_1624 {offsets = [0, 1], sizes = [128, 127], strides = [1, 1]} : vector<128x128xf32> to vector<128x127xf32>
    %slice3A_1633 = vector.extract_strided_slice %select_n3A_1624 {offsets = [0, 0], sizes = [128, 1], strides = [1, 1]} : vector<128x128xf32> to vector<128x1xf32>
    %concatenate3A_1634 = tpu.concatenate %slice3A_1632, %slice3A_1633 in 1 : vector<128x127xf32>, vector<128x1xf32> -> vector<128x128xf32>
    %slice3A_1635 = vector.extract_strided_slice %select_n3A_1624 {offsets = [0, 127], sizes = [128, 1], strides = [1, 1]} : vector<128x128xf32> to vector<128x1xf32>
    %slice3A_1636 = vector.extract_strided_slice %select_n3A_1624 {offsets = [0, 0], sizes = [128, 127], strides = [1, 1]} : vector<128x128xf32> to vector<128x127xf32>
    %concatenate3A_1637 = tpu.concatenate %slice3A_1635, %slice3A_1636 in 1 : vector<128x1xf32>, vector<128x127xf32> -> vector<128x128xf32>
    %slice3A_1638 = vector.extract_strided_slice %select_n3A_1625 {offsets = [0, 1], sizes = [128, 127], strides = [1, 1]} : vector<128x128xi32> to vector<128x127xi32>
    %slice3A_1639 = vector.extract_strided_slice %select_n3A_1625 {offsets = [0, 0], sizes = [128, 1], strides = [1, 1]} : vector<128x128xi32> to vector<128x1xi32>
    %concatenate3A_1640 = tpu.concatenate %slice3A_1638, %slice3A_1639 in 1 : vector<128x127xi32>, vector<128x1xi32> -> vector<128x128xi32>
    %slice3A_1641 = vector.extract_strided_slice %select_n3A_1625 {offsets = [0, 127], sizes = [128, 1], strides = [1, 1]} : vector<128x128xi32> to vector<128x1xi32>
    %slice3A_1642 = vector.extract_strided_slice %select_n3A_1625 {offsets = [0, 0], sizes = [128, 127], strides = [1, 1]} : vector<128x128xi32> to vector<128x127xi32>
    %concatenate3A_1643 = tpu.concatenate %slice3A_1641, %slice3A_1642 in 1 : vector<128x1xi32>, vector<128x127xi32> -> vector<128x128xi32>
    %select_n3A_1644 = arith.select %eq3A_1631, %concatenate3A_1634, %concatenate3A_1637 : vector<128x128xi1>, vector<128x128xf32>
    %select_n3A_1645 = arith.select %eq3A_1631, %concatenate3A_1640, %concatenate3A_1643 : vector<128x128xi1>, vector<128x128xi32>
    %gt3A_1646 = arith.cmpf ogt, %select_n3A_1624, %select_n3A_1644 : vector<128x128xf32>
    %eq3A_1647 = arith.cmpf oeq, %select_n3A_1624, %select_n3A_1644 : vector<128x128xf32>
    %gt3A_1648 = arith.cmpi sgt, %select_n3A_1625, %select_n3A_1645 : vector<128x128xi32>
    %and3A_1649 = arith.andi %eq3A_1647, %gt3A_1648 : vector<128x128xi1>
    %or3A_1650 = arith.ori %gt3A_1646, %and3A_1649 : vector<128x128xi1>
    %xor3A_1651 = arith.xori %or3A_1650, %eq3A_1631 : vector<128x128xi1>
    %xor3A_1652 = arith.xori %xor3A_1651, %eq3A_1364 : vector<128x128xi1>
    %select_n3A_1653 = arith.select %xor3A_1652, %select_n3A_1644, %select_n3A_1624 : vector<128x128xi1>, vector<128x128xf32>
    %select_n3A_1654 = arith.select %xor3A_1652, %select_n3A_1645, %select_n3A_1625 : vector<128x128xi1>, vector<128x128xi32>
    %and3A_1655 = arith.constant 2048 : i32
    %and3A_1656 = vector.broadcast %and3A_1655 : i32 to vector<128x128xi32>
    %and3A_1657 = arith.andi %add3A, %and3A_1656 : vector<128x128xi32>
    %eq3A_1658 = arith.constant 0 : i32
    %eq3A_1659 = vector.broadcast %eq3A_1658 : i32 to vector<128x128xi32>
    %eq3A_1660 = arith.cmpi eq, %and3A_1657, %eq3A_1659 : vector<128x128xi32>
    %reshape3A = vector.shape_cast %select_n3A_1653 : vector<128x128xf32> to vector<8x2x8x128xf32>
    %reshape3A_1661 = vector.shape_cast %select_n3A_1654 : vector<128x128xi32> to vector<8x2x8x128xi32>
    %slice3A_1662 = vector.extract_strided_slice %reshape3A {offsets = [0, 0, 0, 0], sizes = [8, 1, 8, 128], strides = [1, 1, 1, 1]} : vector<8x2x8x128xf32> to vector<8x1x8x128xf32>
    %squeeze3A = vector.shape_cast %slice3A_1662 : vector<8x1x8x128xf32> to vector<8x8x128xf32>
    %slice3A_1663 = vector.extract_strided_slice %reshape3A {offsets = [0, 1, 0, 0], sizes = [8, 1, 8, 128], strides = [1, 1, 1, 1]} : vector<8x2x8x128xf32> to vector<8x1x8x128xf32>
    %squeeze3A_1664 = vector.shape_cast %slice3A_1663 : vector<8x1x8x128xf32> to vector<8x8x128xf32>
    %slice3A_1665 = vector.extract_strided_slice %reshape3A_1661 {offsets = [0, 0, 0, 0], sizes = [8, 1, 8, 128], strides = [1, 1, 1, 1]} : vector<8x2x8x128xi32> to vector<8x1x8x128xi32>
    %squeeze3A_1666 = vector.shape_cast %slice3A_1665 : vector<8x1x8x128xi32> to vector<8x8x128xi32>
    %slice3A_1667 = vector.extract_strided_slice %reshape3A_1661 {offsets = [0, 1, 0, 0], sizes = [8, 1, 8, 128], strides = [1, 1, 1, 1]} : vector<8x2x8x128xi32> to vector<8x1x8x128xi32>
    %squeeze3A_1668 = vector.shape_cast %slice3A_1667 : vector<8x1x8x128xi32> to vector<8x8x128xi32>
    %reshape3A_1669 = vector.shape_cast %eq3A_1660 : vector<128x128xi1> to vector<8x2x8x128xi1>
    %slice3A_1670 = vector.extract_strided_slice %reshape3A_1669 {offsets = [0, 0, 0, 0], sizes = [8, 1, 8, 128], strides = [1, 1, 1, 1]} : vector<8x2x8x128xi1> to vector<8x1x8x128xi1>
    %squeeze3A_1671 = vector.shape_cast %slice3A_1670 : vector<8x1x8x128xi1> to vector<8x8x128xi1>
    %gt3A_1672 = arith.cmpf ogt, %squeeze3A, %squeeze3A_1664 : vector<8x8x128xf32>
    %eq3A_1673 = arith.cmpf oeq, %squeeze3A, %squeeze3A_1664 : vector<8x8x128xf32>
    %gt3A_1674 = arith.cmpi sgt, %squeeze3A_1666, %squeeze3A_1668 : vector<8x8x128xi32>
    %and3A_1675 = arith.andi %eq3A_1673, %gt3A_1674 : vector<8x8x128xi1>
    %or3A_1676 = arith.ori %gt3A_1672, %and3A_1675 : vector<8x8x128xi1>
    %not3A = arith.constant dense<true> : vector<8x8x128xi1>
    %not3A_1677 = arith.xori %squeeze3A_1671, %not3A : vector<8x8x128xi1>
    %xor3A_1678 = arith.xori %or3A_1676, %not3A_1677 : vector<8x8x128xi1>
    %select_n3A_1679 = arith.select %xor3A_1678, %squeeze3A_1664, %squeeze3A : vector<8x8x128xi1>, vector<8x8x128xf32>
    %select_n3A_1680 = arith.select %xor3A_1678, %squeeze3A, %squeeze3A_1664 : vector<8x8x128xi1>, vector<8x8x128xf32>
    %select_n3A_1681 = arith.select %xor3A_1678, %squeeze3A_1668, %squeeze3A_1666 : vector<8x8x128xi1>, vector<8x8x128xi32>
    %select_n3A_1682 = arith.select %xor3A_1678, %squeeze3A_1666, %squeeze3A_1668 : vector<8x8x128xi1>, vector<8x8x128xi32>
    %broadcast_in_dim3A = vector.shape_cast %select_n3A_1679 : vector<8x8x128xf32> to vector<8x1x8x128xf32>
    %broadcast_in_dim3A_1683 = vector.shape_cast %select_n3A_1680 : vector<8x8x128xf32> to vector<8x1x8x128xf32>
    %concatenate3A_1684 = tpu.concatenate %broadcast_in_dim3A, %broadcast_in_dim3A_1683 in 1 : vector<8x1x8x128xf32>, vector<8x1x8x128xf32> -> vector<8x2x8x128xf32>
    %reshape3A_1685 = vector.shape_cast %concatenate3A_1684 : vector<8x2x8x128xf32> to vector<128x128xf32>
    %broadcast_in_dim3A_1686 = vector.shape_cast %select_n3A_1681 : vector<8x8x128xi32> to vector<8x1x8x128xi32>
    %broadcast_in_dim3A_1687 = vector.shape_cast %select_n3A_1682 : vector<8x8x128xi32> to vector<8x1x8x128xi32>
    %concatenate3A_1688 = tpu.concatenate %broadcast_in_dim3A_1686, %broadcast_in_dim3A_1687 in 1 : vector<8x1x8x128xi32>, vector<8x1x8x128xi32> -> vector<8x2x8x128xi32>
    %reshape3A_1689 = vector.shape_cast %concatenate3A_1688 : vector<8x2x8x128xi32> to vector<128x128xi32>
    %and3A_1690 = arith.constant 4 : i32
    %and3A_1691 = vector.broadcast %and3A_1690 : i32 to vector<128x128xi32>
    %and3A_1692 = arith.andi %iota3A, %and3A_1691 : vector<128x128xi32>
    %eq3A_1693 = arith.constant 0 : i32
    %eq3A_1694 = vector.broadcast %eq3A_1693 : i32 to vector<128x128xi32>
    %eq3A_1695 = arith.cmpi eq, %and3A_1692, %eq3A_1694 : vector<128x128xi32>
    %slice3A_1696 = vector.extract_strided_slice %reshape3A_1685 {offsets = [4, 0], sizes = [124, 128], strides = [1, 1]} : vector<128x128xf32> to vector<124x128xf32>
    %slice3A_1697 = vector.extract_strided_slice %reshape3A_1685 {offsets = [0, 0], sizes = [4, 128], strides = [1, 1]} : vector<128x128xf32> to vector<4x128xf32>
    %concatenate3A_1698 = tpu.concatenate %slice3A_1696, %slice3A_1697 in 0 : vector<124x128xf32>, vector<4x128xf32> -> vector<128x128xf32>
    %slice3A_1699 = vector.extract_strided_slice %reshape3A_1685 {offsets = [124, 0], sizes = [4, 128], strides = [1, 1]} : vector<128x128xf32> to vector<4x128xf32>
    %slice3A_1700 = vector.extract_strided_slice %reshape3A_1685 {offsets = [0, 0], sizes = [124, 128], strides = [1, 1]} : vector<128x128xf32> to vector<124x128xf32>
    %concatenate3A_1701 = tpu.concatenate %slice3A_1699, %slice3A_1700 in 0 : vector<4x128xf32>, vector<124x128xf32> -> vector<128x128xf32>
    %slice3A_1702 = vector.extract_strided_slice %reshape3A_1689 {offsets = [4, 0], sizes = [124, 128], strides = [1, 1]} : vector<128x128xi32> to vector<124x128xi32>
    %slice3A_1703 = vector.extract_strided_slice %reshape3A_1689 {offsets = [0, 0], sizes = [4, 128], strides = [1, 1]} : vector<128x128xi32> to vector<4x128xi32>
    %concatenate3A_1704 = tpu.concatenate %slice3A_1702, %slice3A_1703 in 0 : vector<124x128xi32>, vector<4x128xi32> -> vector<128x128xi32>
    %slice3A_1705 = vector.extract_strided_slice %reshape3A_1689 {offsets = [124, 0], sizes = [4, 128], strides = [1, 1]} : vector<128x128xi32> to vector<4x128xi32>
    %slice3A_1706 = vector.extract_strided_slice %reshape3A_1689 {offsets = [0, 0], sizes = [124, 128], strides = [1, 1]} : vector<128x128xi32> to vector<124x128xi32>
    %concatenate3A_1707 = tpu.concatenate %slice3A_1705, %slice3A_1706 in 0 : vector<4x128xi32>, vector<124x128xi32> -> vector<128x128xi32>
    %select_n3A_1708 = arith.select %eq3A_1695, %concatenate3A_1698, %concatenate3A_1701 : vector<128x128xi1>, vector<128x128xf32>
    %select_n3A_1709 = arith.select %eq3A_1695, %concatenate3A_1704, %concatenate3A_1707 : vector<128x128xi1>, vector<128x128xi32>
    %gt3A_1710 = arith.cmpf ogt, %reshape3A_1685, %select_n3A_1708 : vector<128x128xf32>
    %eq3A_1711 = arith.cmpf oeq, %reshape3A_1685, %select_n3A_1708 : vector<128x128xf32>
    %gt3A_1712 = arith.cmpi sgt, %reshape3A_1689, %select_n3A_1709 : vector<128x128xi32>
    %and3A_1713 = arith.andi %eq3A_1711, %gt3A_1712 : vector<128x128xi1>
    %or3A_1714 = arith.ori %gt3A_1710, %and3A_1713 : vector<128x128xi1>
    %xor3A_1715 = arith.xori %or3A_1714, %eq3A_1695 : vector<128x128xi1>
    %xor3A_1716 = arith.xori %xor3A_1715, %eq3A_1660 : vector<128x128xi1>
    %select_n3A_1717 = arith.select %xor3A_1716, %select_n3A_1708, %reshape3A_1685 : vector<128x128xi1>, vector<128x128xf32>
    %select_n3A_1718 = arith.select %xor3A_1716, %select_n3A_1709, %reshape3A_1689 : vector<128x128xi1>, vector<128x128xi32>
    %and3A_1719 = arith.constant 2 : i32
    %and3A_1720 = vector.broadcast %and3A_1719 : i32 to vector<128x128xi32>
    %and3A_1721 = arith.andi %iota3A, %and3A_1720 : vector<128x128xi32>
    %eq3A_1722 = arith.constant 0 : i32
    %eq3A_1723 = vector.broadcast %eq3A_1722 : i32 to vector<128x128xi32>
    %eq3A_1724 = arith.cmpi eq, %and3A_1721, %eq3A_1723 : vector<128x128xi32>
    %slice3A_1725 = vector.extract_strided_slice %select_n3A_1717 {offsets = [2, 0], sizes = [126, 128], strides = [1, 1]} : vector<128x128xf32> to vector<126x128xf32>
    %slice3A_1726 = vector.extract_strided_slice %select_n3A_1717 {offsets = [0, 0], sizes = [2, 128], strides = [1, 1]} : vector<128x128xf32> to vector<2x128xf32>
    %concatenate3A_1727 = tpu.concatenate %slice3A_1725, %slice3A_1726 in 0 : vector<126x128xf32>, vector<2x128xf32> -> vector<128x128xf32>
    %slice3A_1728 = vector.extract_strided_slice %select_n3A_1717 {offsets = [126, 0], sizes = [2, 128], strides = [1, 1]} : vector<128x128xf32> to vector<2x128xf32>
    %slice3A_1729 = vector.extract_strided_slice %select_n3A_1717 {offsets = [0, 0], sizes = [126, 128], strides = [1, 1]} : vector<128x128xf32> to vector<126x128xf32>
    %concatenate3A_1730 = tpu.concatenate %slice3A_1728, %slice3A_1729 in 0 : vector<2x128xf32>, vector<126x128xf32> -> vector<128x128xf32>
    %slice3A_1731 = vector.extract_strided_slice %select_n3A_1718 {offsets = [2, 0], sizes = [126, 128], strides = [1, 1]} : vector<128x128xi32> to vector<126x128xi32>
    %slice3A_1732 = vector.extract_strided_slice %select_n3A_1718 {offsets = [0, 0], sizes = [2, 128], strides = [1, 1]} : vector<128x128xi32> to vector<2x128xi32>
    %concatenate3A_1733 = tpu.concatenate %slice3A_1731, %slice3A_1732 in 0 : vector<126x128xi32>, vector<2x128xi32> -> vector<128x128xi32>
    %slice3A_1734 = vector.extract_strided_slice %select_n3A_1718 {offsets = [126, 0], sizes = [2, 128], strides = [1, 1]} : vector<128x128xi32> to vector<2x128xi32>
    %slice3A_1735 = vector.extract_strided_slice %select_n3A_1718 {offsets = [0, 0], sizes = [126, 128], strides = [1, 1]} : vector<128x128xi32> to vector<126x128xi32>
    %concatenate3A_1736 = tpu.concatenate %slice3A_1734, %slice3A_1735 in 0 : vector<2x128xi32>, vector<126x128xi32> -> vector<128x128xi32>
    %select_n3A_1737 = arith.select %eq3A_1724, %concatenate3A_1727, %concatenate3A_1730 : vector<128x128xi1>, vector<128x128xf32>
    %select_n3A_1738 = arith.select %eq3A_1724, %concatenate3A_1733, %concatenate3A_1736 : vector<128x128xi1>, vector<128x128xi32>
    %gt3A_1739 = arith.cmpf ogt, %select_n3A_1717, %select_n3A_1737 : vector<128x128xf32>
    %eq3A_1740 = arith.cmpf oeq, %select_n3A_1717, %select_n3A_1737 : vector<128x128xf32>
    %gt3A_1741 = arith.cmpi sgt, %select_n3A_1718, %select_n3A_1738 : vector<128x128xi32>
    %and3A_1742 = arith.andi %eq3A_1740, %gt3A_1741 : vector<128x128xi1>
    %or3A_1743 = arith.ori %gt3A_1739, %and3A_1742 : vector<128x128xi1>
    %xor3A_1744 = arith.xori %or3A_1743, %eq3A_1724 : vector<128x128xi1>
    %xor3A_1745 = arith.xori %xor3A_1744, %eq3A_1660 : vector<128x128xi1>
    %select_n3A_1746 = arith.select %xor3A_1745, %select_n3A_1737, %select_n3A_1717 : vector<128x128xi1>, vector<128x128xf32>
    %select_n3A_1747 = arith.select %xor3A_1745, %select_n3A_1738, %select_n3A_1718 : vector<128x128xi1>, vector<128x128xi32>
    %and3A_1748 = arith.constant 1 : i32
    %and3A_1749 = vector.broadcast %and3A_1748 : i32 to vector<128x128xi32>
    %and3A_1750 = arith.andi %iota3A, %and3A_1749 : vector<128x128xi32>
    %eq3A_1751 = arith.constant 0 : i32
    %eq3A_1752 = vector.broadcast %eq3A_1751 : i32 to vector<128x128xi32>
    %eq3A_1753 = arith.cmpi eq, %and3A_1750, %eq3A_1752 : vector<128x128xi32>
    %slice3A_1754 = vector.extract_strided_slice %select_n3A_1746 {offsets = [1, 0], sizes = [127, 128], strides = [1, 1]} : vector<128x128xf32> to vector<127x128xf32>
    %slice3A_1755 = vector.extract_strided_slice %select_n3A_1746 {offsets = [0, 0], sizes = [1, 128], strides = [1, 1]} : vector<128x128xf32> to vector<1x128xf32>
    %concatenate3A_1756 = tpu.concatenate %slice3A_1754, %slice3A_1755 in 0 : vector<127x128xf32>, vector<1x128xf32> -> vector<128x128xf32>
    %slice3A_1757 = vector.extract_strided_slice %select_n3A_1746 {offsets = [127, 0], sizes = [1, 128], strides = [1, 1]} : vector<128x128xf32> to vector<1x128xf32>
    %slice3A_1758 = vector.extract_strided_slice %select_n3A_1746 {offsets = [0, 0], sizes = [127, 128], strides = [1, 1]} : vector<128x128xf32> to vector<127x128xf32>
    %concatenate3A_1759 = tpu.concatenate %slice3A_1757, %slice3A_1758 in 0 : vector<1x128xf32>, vector<127x128xf32> -> vector<128x128xf32>
    %slice3A_1760 = vector.extract_strided_slice %select_n3A_1747 {offsets = [1, 0], sizes = [127, 128], strides = [1, 1]} : vector<128x128xi32> to vector<127x128xi32>
    %slice3A_1761 = vector.extract_strided_slice %select_n3A_1747 {offsets = [0, 0], sizes = [1, 128], strides = [1, 1]} : vector<128x128xi32> to vector<1x128xi32>
    %concatenate3A_1762 = tpu.concatenate %slice3A_1760, %slice3A_1761 in 0 : vector<127x128xi32>, vector<1x128xi32> -> vector<128x128xi32>
    %slice3A_1763 = vector.extract_strided_slice %select_n3A_1747 {offsets = [127, 0], sizes = [1, 128], strides = [1, 1]} : vector<128x128xi32> to vector<1x128xi32>
    %slice3A_1764 = vector.extract_strided_slice %select_n3A_1747 {offsets = [0, 0], sizes = [127, 128], strides = [1, 1]} : vector<128x128xi32> to vector<127x128xi32>
    %concatenate3A_1765 = tpu.concatenate %slice3A_1763, %slice3A_1764 in 0 : vector<1x128xi32>, vector<127x128xi32> -> vector<128x128xi32>
    %select_n3A_1766 = arith.select %eq3A_1753, %concatenate3A_1756, %concatenate3A_1759 : vector<128x128xi1>, vector<128x128xf32>
    %select_n3A_1767 = arith.select %eq3A_1753, %concatenate3A_1762, %concatenate3A_1765 : vector<128x128xi1>, vector<128x128xi32>
    %gt3A_1768 = arith.cmpf ogt, %select_n3A_1746, %select_n3A_1766 : vector<128x128xf32>
    %eq3A_1769 = arith.cmpf oeq, %select_n3A_1746, %select_n3A_1766 : vector<128x128xf32>
    %gt3A_1770 = arith.cmpi sgt, %select_n3A_1747, %select_n3A_1767 : vector<128x128xi32>
    %and3A_1771 = arith.andi %eq3A_1769, %gt3A_1770 : vector<128x128xi1>
    %or3A_1772 = arith.ori %gt3A_1768, %and3A_1771 : vector<128x128xi1>
    %xor3A_1773 = arith.xori %or3A_1772, %eq3A_1753 : vector<128x128xi1>
    %xor3A_1774 = arith.xori %xor3A_1773, %eq3A_1660 : vector<128x128xi1>
    %select_n3A_1775 = arith.select %xor3A_1774, %select_n3A_1766, %select_n3A_1746 : vector<128x128xi1>, vector<128x128xf32>
    %select_n3A_1776 = arith.select %xor3A_1774, %select_n3A_1767, %select_n3A_1747 : vector<128x128xi1>, vector<128x128xi32>
    %and3A_1777 = arith.constant 64 : i32
    %and3A_1778 = vector.broadcast %and3A_1777 : i32 to vector<128x128xi32>
    %and3A_1779 = arith.andi %iota3A_5, %and3A_1778 : vector<128x128xi32>
    %eq3A_1780 = arith.constant 0 : i32
    %eq3A_1781 = vector.broadcast %eq3A_1780 : i32 to vector<128x128xi32>
    %eq3A_1782 = arith.cmpi eq, %and3A_1779, %eq3A_1781 : vector<128x128xi32>
    %slice3A_1783 = vector.extract_strided_slice %select_n3A_1775 {offsets = [0, 64], sizes = [128, 64], strides = [1, 1]} : vector<128x128xf32> to vector<128x64xf32>
    %slice3A_1784 = vector.extract_strided_slice %select_n3A_1775 {offsets = [0, 0], sizes = [128, 64], strides = [1, 1]} : vector<128x128xf32> to vector<128x64xf32>
    %concatenate3A_1785 = tpu.concatenate %slice3A_1783, %slice3A_1784 in 1 : vector<128x64xf32>, vector<128x64xf32> -> vector<128x128xf32>
    %slice3A_1786 = vector.extract_strided_slice %select_n3A_1775 {offsets = [0, 64], sizes = [128, 64], strides = [1, 1]} : vector<128x128xf32> to vector<128x64xf32>
    %slice3A_1787 = vector.extract_strided_slice %select_n3A_1775 {offsets = [0, 0], sizes = [128, 64], strides = [1, 1]} : vector<128x128xf32> to vector<128x64xf32>
    %concatenate3A_1788 = tpu.concatenate %slice3A_1786, %slice3A_1787 in 1 : vector<128x64xf32>, vector<128x64xf32> -> vector<128x128xf32>
    %slice3A_1789 = vector.extract_strided_slice %select_n3A_1776 {offsets = [0, 64], sizes = [128, 64], strides = [1, 1]} : vector<128x128xi32> to vector<128x64xi32>
    %slice3A_1790 = vector.extract_strided_slice %select_n3A_1776 {offsets = [0, 0], sizes = [128, 64], strides = [1, 1]} : vector<128x128xi32> to vector<128x64xi32>
    %concatenate3A_1791 = tpu.concatenate %slice3A_1789, %slice3A_1790 in 1 : vector<128x64xi32>, vector<128x64xi32> -> vector<128x128xi32>
    %slice3A_1792 = vector.extract_strided_slice %select_n3A_1776 {offsets = [0, 64], sizes = [128, 64], strides = [1, 1]} : vector<128x128xi32> to vector<128x64xi32>
    %slice3A_1793 = vector.extract_strided_slice %select_n3A_1776 {offsets = [0, 0], sizes = [128, 64], strides = [1, 1]} : vector<128x128xi32> to vector<128x64xi32>
    %concatenate3A_1794 = tpu.concatenate %slice3A_1792, %slice3A_1793 in 1 : vector<128x64xi32>, vector<128x64xi32> -> vector<128x128xi32>
    %select_n3A_1795 = arith.select %eq3A_1782, %concatenate3A_1785, %concatenate3A_1788 : vector<128x128xi1>, vector<128x128xf32>
    %select_n3A_1796 = arith.select %eq3A_1782, %concatenate3A_1791, %concatenate3A_1794 : vector<128x128xi1>, vector<128x128xi32>
    %gt3A_1797 = arith.cmpf ogt, %select_n3A_1775, %select_n3A_1795 : vector<128x128xf32>
    %eq3A_1798 = arith.cmpf oeq, %select_n3A_1775, %select_n3A_1795 : vector<128x128xf32>
    %gt3A_1799 = arith.cmpi sgt, %select_n3A_1776, %select_n3A_1796 : vector<128x128xi32>
    %and3A_1800 = arith.andi %eq3A_1798, %gt3A_1799 : vector<128x128xi1>
    %or3A_1801 = arith.ori %gt3A_1797, %and3A_1800 : vector<128x128xi1>
    %xor3A_1802 = arith.xori %or3A_1801, %eq3A_1782 : vector<128x128xi1>
    %xor3A_1803 = arith.xori %xor3A_1802, %eq3A_1660 : vector<128x128xi1>
    %select_n3A_1804 = arith.select %xor3A_1803, %select_n3A_1795, %select_n3A_1775 : vector<128x128xi1>, vector<128x128xf32>
    %select_n3A_1805 = arith.select %xor3A_1803, %select_n3A_1796, %select_n3A_1776 : vector<128x128xi1>, vector<128x128xi32>
    %and3A_1806 = arith.constant 32 : i32
    %and3A_1807 = vector.broadcast %and3A_1806 : i32 to vector<128x128xi32>
    %and3A_1808 = arith.andi %iota3A_5, %and3A_1807 : vector<128x128xi32>
    %eq3A_1809 = arith.constant 0 : i32
    %eq3A_1810 = vector.broadcast %eq3A_1809 : i32 to vector<128x128xi32>
    %eq3A_1811 = arith.cmpi eq, %and3A_1808, %eq3A_1810 : vector<128x128xi32>
    %slice3A_1812 = vector.extract_strided_slice %select_n3A_1804 {offsets = [0, 32], sizes = [128, 96], strides = [1, 1]} : vector<128x128xf32> to vector<128x96xf32>
    %slice3A_1813 = vector.extract_strided_slice %select_n3A_1804 {offsets = [0, 0], sizes = [128, 32], strides = [1, 1]} : vector<128x128xf32> to vector<128x32xf32>
    %concatenate3A_1814 = tpu.concatenate %slice3A_1812, %slice3A_1813 in 1 : vector<128x96xf32>, vector<128x32xf32> -> vector<128x128xf32>
    %slice3A_1815 = vector.extract_strided_slice %select_n3A_1804 {offsets = [0, 96], sizes = [128, 32], strides = [1, 1]} : vector<128x128xf32> to vector<128x32xf32>
    %slice3A_1816 = vector.extract_strided_slice %select_n3A_1804 {offsets = [0, 0], sizes = [128, 96], strides = [1, 1]} : vector<128x128xf32> to vector<128x96xf32>
    %concatenate3A_1817 = tpu.concatenate %slice3A_1815, %slice3A_1816 in 1 : vector<128x32xf32>, vector<128x96xf32> -> vector<128x128xf32>
    %slice3A_1818 = vector.extract_strided_slice %select_n3A_1805 {offsets = [0, 32], sizes = [128, 96], strides = [1, 1]} : vector<128x128xi32> to vector<128x96xi32>
    %slice3A_1819 = vector.extract_strided_slice %select_n3A_1805 {offsets = [0, 0], sizes = [128, 32], strides = [1, 1]} : vector<128x128xi32> to vector<128x32xi32>
    %concatenate3A_1820 = tpu.concatenate %slice3A_1818, %slice3A_1819 in 1 : vector<128x96xi32>, vector<128x32xi32> -> vector<128x128xi32>
    %slice3A_1821 = vector.extract_strided_slice %select_n3A_1805 {offsets = [0, 96], sizes = [128, 32], strides = [1, 1]} : vector<128x128xi32> to vector<128x32xi32>
    %slice3A_1822 = vector.extract_strided_slice %select_n3A_1805 {offsets = [0, 0], sizes = [128, 96], strides = [1, 1]} : vector<128x128xi32> to vector<128x96xi32>
    %concatenate3A_1823 = tpu.concatenate %slice3A_1821, %slice3A_1822 in 1 : vector<128x32xi32>, vector<128x96xi32> -> vector<128x128xi32>
    %select_n3A_1824 = arith.select %eq3A_1811, %concatenate3A_1814, %concatenate3A_1817 : vector<128x128xi1>, vector<128x128xf32>
    %select_n3A_1825 = arith.select %eq3A_1811, %concatenate3A_1820, %concatenate3A_1823 : vector<128x128xi1>, vector<128x128xi32>
    %gt3A_1826 = arith.cmpf ogt, %select_n3A_1804, %select_n3A_1824 : vector<128x128xf32>
    %eq3A_1827 = arith.cmpf oeq, %select_n3A_1804, %select_n3A_1824 : vector<128x128xf32>
    %gt3A_1828 = arith.cmpi sgt, %select_n3A_1805, %select_n3A_1825 : vector<128x128xi32>
    %and3A_1829 = arith.andi %eq3A_1827, %gt3A_1828 : vector<128x128xi1>
    %or3A_1830 = arith.ori %gt3A_1826, %and3A_1829 : vector<128x128xi1>
    %xor3A_1831 = arith.xori %or3A_1830, %eq3A_1811 : vector<128x128xi1>
    %xor3A_1832 = arith.xori %xor3A_1831, %eq3A_1660 : vector<128x128xi1>
    %select_n3A_1833 = arith.select %xor3A_1832, %select_n3A_1824, %select_n3A_1804 : vector<128x128xi1>, vector<128x128xf32>
    %select_n3A_1834 = arith.select %xor3A_1832, %select_n3A_1825, %select_n3A_1805 : vector<128x128xi1>, vector<128x128xi32>
    %and3A_1835 = arith.constant 16 : i32
    %and3A_1836 = vector.broadcast %and3A_1835 : i32 to vector<128x128xi32>
    %and3A_1837 = arith.andi %iota3A_5, %and3A_1836 : vector<128x128xi32>
    %eq3A_1838 = arith.constant 0 : i32
    %eq3A_1839 = vector.broadcast %eq3A_1838 : i32 to vector<128x128xi32>
    %eq3A_1840 = arith.cmpi eq, %and3A_1837, %eq3A_1839 : vector<128x128xi32>
    %slice3A_1841 = vector.extract_strided_slice %select_n3A_1833 {offsets = [0, 16], sizes = [128, 112], strides = [1, 1]} : vector<128x128xf32> to vector<128x112xf32>
    %slice3A_1842 = vector.extract_strided_slice %select_n3A_1833 {offsets = [0, 0], sizes = [128, 16], strides = [1, 1]} : vector<128x128xf32> to vector<128x16xf32>
    %concatenate3A_1843 = tpu.concatenate %slice3A_1841, %slice3A_1842 in 1 : vector<128x112xf32>, vector<128x16xf32> -> vector<128x128xf32>
    %slice3A_1844 = vector.extract_strided_slice %select_n3A_1833 {offsets = [0, 112], sizes = [128, 16], strides = [1, 1]} : vector<128x128xf32> to vector<128x16xf32>
    %slice3A_1845 = vector.extract_strided_slice %select_n3A_1833 {offsets = [0, 0], sizes = [128, 112], strides = [1, 1]} : vector<128x128xf32> to vector<128x112xf32>
    %concatenate3A_1846 = tpu.concatenate %slice3A_1844, %slice3A_1845 in 1 : vector<128x16xf32>, vector<128x112xf32> -> vector<128x128xf32>
    %slice3A_1847 = vector.extract_strided_slice %select_n3A_1834 {offsets = [0, 16], sizes = [128, 112], strides = [1, 1]} : vector<128x128xi32> to vector<128x112xi32>
    %slice3A_1848 = vector.extract_strided_slice %select_n3A_1834 {offsets = [0, 0], sizes = [128, 16], strides = [1, 1]} : vector<128x128xi32> to vector<128x16xi32>
    %concatenate3A_1849 = tpu.concatenate %slice3A_1847, %slice3A_1848 in 1 : vector<128x112xi32>, vector<128x16xi32> -> vector<128x128xi32>
    %slice3A_1850 = vector.extract_strided_slice %select_n3A_1834 {offsets = [0, 112], sizes = [128, 16], strides = [1, 1]} : vector<128x128xi32> to vector<128x16xi32>
    %slice3A_1851 = vector.extract_strided_slice %select_n3A_1834 {offsets = [0, 0], sizes = [128, 112], strides = [1, 1]} : vector<128x128xi32> to vector<128x112xi32>
    %concatenate3A_1852 = tpu.concatenate %slice3A_1850, %slice3A_1851 in 1 : vector<128x16xi32>, vector<128x112xi32> -> vector<128x128xi32>
    %select_n3A_1853 = arith.select %eq3A_1840, %concatenate3A_1843, %concatenate3A_1846 : vector<128x128xi1>, vector<128x128xf32>
    %select_n3A_1854 = arith.select %eq3A_1840, %concatenate3A_1849, %concatenate3A_1852 : vector<128x128xi1>, vector<128x128xi32>
    %gt3A_1855 = arith.cmpf ogt, %select_n3A_1833, %select_n3A_1853 : vector<128x128xf32>
    %eq3A_1856 = arith.cmpf oeq, %select_n3A_1833, %select_n3A_1853 : vector<128x128xf32>
    %gt3A_1857 = arith.cmpi sgt, %select_n3A_1834, %select_n3A_1854 : vector<128x128xi32>
    %and3A_1858 = arith.andi %eq3A_1856, %gt3A_1857 : vector<128x128xi1>
    %or3A_1859 = arith.ori %gt3A_1855, %and3A_1858 : vector<128x128xi1>
    %xor3A_1860 = arith.xori %or3A_1859, %eq3A_1840 : vector<128x128xi1>
    %xor3A_1861 = arith.xori %xor3A_1860, %eq3A_1660 : vector<128x128xi1>
    %select_n3A_1862 = arith.select %xor3A_1861, %select_n3A_1853, %select_n3A_1833 : vector<128x128xi1>, vector<128x128xf32>
    %select_n3A_1863 = arith.select %xor3A_1861, %select_n3A_1854, %select_n3A_1834 : vector<128x128xi1>, vector<128x128xi32>
    %and3A_1864 = arith.constant 8 : i32
    %and3A_1865 = vector.broadcast %and3A_1864 : i32 to vector<128x128xi32>
    %and3A_1866 = arith.andi %iota3A_5, %and3A_1865 : vector<128x128xi32>
    %eq3A_1867 = arith.constant 0 : i32
    %eq3A_1868 = vector.broadcast %eq3A_1867 : i32 to vector<128x128xi32>
    %eq3A_1869 = arith.cmpi eq, %and3A_1866, %eq3A_1868 : vector<128x128xi32>
    %slice3A_1870 = vector.extract_strided_slice %select_n3A_1862 {offsets = [0, 8], sizes = [128, 120], strides = [1, 1]} : vector<128x128xf32> to vector<128x120xf32>
    %slice3A_1871 = vector.extract_strided_slice %select_n3A_1862 {offsets = [0, 0], sizes = [128, 8], strides = [1, 1]} : vector<128x128xf32> to vector<128x8xf32>
    %concatenate3A_1872 = tpu.concatenate %slice3A_1870, %slice3A_1871 in 1 : vector<128x120xf32>, vector<128x8xf32> -> vector<128x128xf32>
    %slice3A_1873 = vector.extract_strided_slice %select_n3A_1862 {offsets = [0, 120], sizes = [128, 8], strides = [1, 1]} : vector<128x128xf32> to vector<128x8xf32>
    %slice3A_1874 = vector.extract_strided_slice %select_n3A_1862 {offsets = [0, 0], sizes = [128, 120], strides = [1, 1]} : vector<128x128xf32> to vector<128x120xf32>
    %concatenate3A_1875 = tpu.concatenate %slice3A_1873, %slice3A_1874 in 1 : vector<128x8xf32>, vector<128x120xf32> -> vector<128x128xf32>
    %slice3A_1876 = vector.extract_strided_slice %select_n3A_1863 {offsets = [0, 8], sizes = [128, 120], strides = [1, 1]} : vector<128x128xi32> to vector<128x120xi32>
    %slice3A_1877 = vector.extract_strided_slice %select_n3A_1863 {offsets = [0, 0], sizes = [128, 8], strides = [1, 1]} : vector<128x128xi32> to vector<128x8xi32>
    %concatenate3A_1878 = tpu.concatenate %slice3A_1876, %slice3A_1877 in 1 : vector<128x120xi32>, vector<128x8xi32> -> vector<128x128xi32>
    %slice3A_1879 = vector.extract_strided_slice %select_n3A_1863 {offsets = [0, 120], sizes = [128, 8], strides = [1, 1]} : vector<128x128xi32> to vector<128x8xi32>
    %slice3A_1880 = vector.extract_strided_slice %select_n3A_1863 {offsets = [0, 0], sizes = [128, 120], strides = [1, 1]} : vector<128x128xi32> to vector<128x120xi32>
    %concatenate3A_1881 = tpu.concatenate %slice3A_1879, %slice3A_1880 in 1 : vector<128x8xi32>, vector<128x120xi32> -> vector<128x128xi32>
    %select_n3A_1882 = arith.select %eq3A_1869, %concatenate3A_1872, %concatenate3A_1875 : vector<128x128xi1>, vector<128x128xf32>
    %select_n3A_1883 = arith.select %eq3A_1869, %concatenate3A_1878, %concatenate3A_1881 : vector<128x128xi1>, vector<128x128xi32>
    %gt3A_1884 = arith.cmpf ogt, %select_n3A_1862, %select_n3A_1882 : vector<128x128xf32>
    %eq3A_1885 = arith.cmpf oeq, %select_n3A_1862, %select_n3A_1882 : vector<128x128xf32>
    %gt3A_1886 = arith.cmpi sgt, %select_n3A_1863, %select_n3A_1883 : vector<128x128xi32>
    %and3A_1887 = arith.andi %eq3A_1885, %gt3A_1886 : vector<128x128xi1>
    %or3A_1888 = arith.ori %gt3A_1884, %and3A_1887 : vector<128x128xi1>
    %xor3A_1889 = arith.xori %or3A_1888, %eq3A_1869 : vector<128x128xi1>
    %xor3A_1890 = arith.xori %xor3A_1889, %eq3A_1660 : vector<128x128xi1>
    %select_n3A_1891 = arith.select %xor3A_1890, %select_n3A_1882, %select_n3A_1862 : vector<128x128xi1>, vector<128x128xf32>
    %select_n3A_1892 = arith.select %xor3A_1890, %select_n3A_1883, %select_n3A_1863 : vector<128x128xi1>, vector<128x128xi32>
    %and3A_1893 = arith.constant 4 : i32
    %and3A_1894 = vector.broadcast %and3A_1893 : i32 to vector<128x128xi32>
    %and3A_1895 = arith.andi %iota3A_5, %and3A_1894 : vector<128x128xi32>
    %eq3A_1896 = arith.constant 0 : i32
    %eq3A_1897 = vector.broadcast %eq3A_1896 : i32 to vector<128x128xi32>
    %eq3A_1898 = arith.cmpi eq, %and3A_1895, %eq3A_1897 : vector<128x128xi32>
    %slice3A_1899 = vector.extract_strided_slice %select_n3A_1891 {offsets = [0, 4], sizes = [128, 124], strides = [1, 1]} : vector<128x128xf32> to vector<128x124xf32>
    %slice3A_1900 = vector.extract_strided_slice %select_n3A_1891 {offsets = [0, 0], sizes = [128, 4], strides = [1, 1]} : vector<128x128xf32> to vector<128x4xf32>
    %concatenate3A_1901 = tpu.concatenate %slice3A_1899, %slice3A_1900 in 1 : vector<128x124xf32>, vector<128x4xf32> -> vector<128x128xf32>
    %slice3A_1902 = vector.extract_strided_slice %select_n3A_1891 {offsets = [0, 124], sizes = [128, 4], strides = [1, 1]} : vector<128x128xf32> to vector<128x4xf32>
    %slice3A_1903 = vector.extract_strided_slice %select_n3A_1891 {offsets = [0, 0], sizes = [128, 124], strides = [1, 1]} : vector<128x128xf32> to vector<128x124xf32>
    %concatenate3A_1904 = tpu.concatenate %slice3A_1902, %slice3A_1903 in 1 : vector<128x4xf32>, vector<128x124xf32> -> vector<128x128xf32>
    %slice3A_1905 = vector.extract_strided_slice %select_n3A_1892 {offsets = [0, 4], sizes = [128, 124], strides = [1, 1]} : vector<128x128xi32> to vector<128x124xi32>
    %slice3A_1906 = vector.extract_strided_slice %select_n3A_1892 {offsets = [0, 0], sizes = [128, 4], strides = [1, 1]} : vector<128x128xi32> to vector<128x4xi32>
    %concatenate3A_1907 = tpu.concatenate %slice3A_1905, %slice3A_1906 in 1 : vector<128x124xi32>, vector<128x4xi32> -> vector<128x128xi32>
    %slice3A_1908 = vector.extract_strided_slice %select_n3A_1892 {offsets = [0, 124], sizes = [128, 4], strides = [1, 1]} : vector<128x128xi32> to vector<128x4xi32>
    %slice3A_1909 = vector.extract_strided_slice %select_n3A_1892 {offsets = [0, 0], sizes = [128, 124], strides = [1, 1]} : vector<128x128xi32> to vector<128x124xi32>
    %concatenate3A_1910 = tpu.concatenate %slice3A_1908, %slice3A_1909 in 1 : vector<128x4xi32>, vector<128x124xi32> -> vector<128x128xi32>
    %select_n3A_1911 = arith.select %eq3A_1898, %concatenate3A_1901, %concatenate3A_1904 : vector<128x128xi1>, vector<128x128xf32>
    %select_n3A_1912 = arith.select %eq3A_1898, %concatenate3A_1907, %concatenate3A_1910 : vector<128x128xi1>, vector<128x128xi32>
    %gt3A_1913 = arith.cmpf ogt, %select_n3A_1891, %select_n3A_1911 : vector<128x128xf32>
    %eq3A_1914 = arith.cmpf oeq, %select_n3A_1891, %select_n3A_1911 : vector<128x128xf32>
    %gt3A_1915 = arith.cmpi sgt, %select_n3A_1892, %select_n3A_1912 : vector<128x128xi32>
    %and3A_1916 = arith.andi %eq3A_1914, %gt3A_1915 : vector<128x128xi1>
    %or3A_1917 = arith.ori %gt3A_1913, %and3A_1916 : vector<128x128xi1>
    %xor3A_1918 = arith.xori %or3A_1917, %eq3A_1898 : vector<128x128xi1>
    %xor3A_1919 = arith.xori %xor3A_1918, %eq3A_1660 : vector<128x128xi1>
    %select_n3A_1920 = arith.select %xor3A_1919, %select_n3A_1911, %select_n3A_1891 : vector<128x128xi1>, vector<128x128xf32>
    %select_n3A_1921 = arith.select %xor3A_1919, %select_n3A_1912, %select_n3A_1892 : vector<128x128xi1>, vector<128x128xi32>
    %and3A_1922 = arith.constant 2 : i32
    %and3A_1923 = vector.broadcast %and3A_1922 : i32 to vector<128x128xi32>
    %and3A_1924 = arith.andi %iota3A_5, %and3A_1923 : vector<128x128xi32>
    %eq3A_1925 = arith.constant 0 : i32
    %eq3A_1926 = vector.broadcast %eq3A_1925 : i32 to vector<128x128xi32>
    %eq3A_1927 = arith.cmpi eq, %and3A_1924, %eq3A_1926 : vector<128x128xi32>
    %slice3A_1928 = vector.extract_strided_slice %select_n3A_1920 {offsets = [0, 2], sizes = [128, 126], strides = [1, 1]} : vector<128x128xf32> to vector<128x126xf32>
    %slice3A_1929 = vector.extract_strided_slice %select_n3A_1920 {offsets = [0, 0], sizes = [128, 2], strides = [1, 1]} : vector<128x128xf32> to vector<128x2xf32>
    %concatenate3A_1930 = tpu.concatenate %slice3A_1928, %slice3A_1929 in 1 : vector<128x126xf32>, vector<128x2xf32> -> vector<128x128xf32>
    %slice3A_1931 = vector.extract_strided_slice %select_n3A_1920 {offsets = [0, 126], sizes = [128, 2], strides = [1, 1]} : vector<128x128xf32> to vector<128x2xf32>
    %slice3A_1932 = vector.extract_strided_slice %select_n3A_1920 {offsets = [0, 0], sizes = [128, 126], strides = [1, 1]} : vector<128x128xf32> to vector<128x126xf32>
    %concatenate3A_1933 = tpu.concatenate %slice3A_1931, %slice3A_1932 in 1 : vector<128x2xf32>, vector<128x126xf32> -> vector<128x128xf32>
    %slice3A_1934 = vector.extract_strided_slice %select_n3A_1921 {offsets = [0, 2], sizes = [128, 126], strides = [1, 1]} : vector<128x128xi32> to vector<128x126xi32>
    %slice3A_1935 = vector.extract_strided_slice %select_n3A_1921 {offsets = [0, 0], sizes = [128, 2], strides = [1, 1]} : vector<128x128xi32> to vector<128x2xi32>
    %concatenate3A_1936 = tpu.concatenate %slice3A_1934, %slice3A_1935 in 1 : vector<128x126xi32>, vector<128x2xi32> -> vector<128x128xi32>
    %slice3A_1937 = vector.extract_strided_slice %select_n3A_1921 {offsets = [0, 126], sizes = [128, 2], strides = [1, 1]} : vector<128x128xi32> to vector<128x2xi32>
    %slice3A_1938 = vector.extract_strided_slice %select_n3A_1921 {offsets = [0, 0], sizes = [128, 126], strides = [1, 1]} : vector<128x128xi32> to vector<128x126xi32>
    %concatenate3A_1939 = tpu.concatenate %slice3A_1937, %slice3A_1938 in 1 : vector<128x2xi32>, vector<128x126xi32> -> vector<128x128xi32>
    %select_n3A_1940 = arith.select %eq3A_1927, %concatenate3A_1930, %concatenate3A_1933 : vector<128x128xi1>, vector<128x128xf32>
    %select_n3A_1941 = arith.select %eq3A_1927, %concatenate3A_1936, %concatenate3A_1939 : vector<128x128xi1>, vector<128x128xi32>
    %gt3A_1942 = arith.cmpf ogt, %select_n3A_1920, %select_n3A_1940 : vector<128x128xf32>
    %eq3A_1943 = arith.cmpf oeq, %select_n3A_1920, %select_n3A_1940 : vector<128x128xf32>
    %gt3A_1944 = arith.cmpi sgt, %select_n3A_1921, %select_n3A_1941 : vector<128x128xi32>
    %and3A_1945 = arith.andi %eq3A_1943, %gt3A_1944 : vector<128x128xi1>
    %or3A_1946 = arith.ori %gt3A_1942, %and3A_1945 : vector<128x128xi1>
    %xor3A_1947 = arith.xori %or3A_1946, %eq3A_1927 : vector<128x128xi1>
    %xor3A_1948 = arith.xori %xor3A_1947, %eq3A_1660 : vector<128x128xi1>
    %select_n3A_1949 = arith.select %xor3A_1948, %select_n3A_1940, %select_n3A_1920 : vector<128x128xi1>, vector<128x128xf32>
    %select_n3A_1950 = arith.select %xor3A_1948, %select_n3A_1941, %select_n3A_1921 : vector<128x128xi1>, vector<128x128xi32>
    %and3A_1951 = arith.constant 1 : i32
    %and3A_1952 = vector.broadcast %and3A_1951 : i32 to vector<128x128xi32>
    %and3A_1953 = arith.andi %iota3A_5, %and3A_1952 : vector<128x128xi32>
    %eq3A_1954 = arith.constant 0 : i32
    %eq3A_1955 = vector.broadcast %eq3A_1954 : i32 to vector<128x128xi32>
    %eq3A_1956 = arith.cmpi eq, %and3A_1953, %eq3A_1955 : vector<128x128xi32>
    %slice3A_1957 = vector.extract_strided_slice %select_n3A_1949 {offsets = [0, 1], sizes = [128, 127], strides = [1, 1]} : vector<128x128xf32> to vector<128x127xf32>
    %slice3A_1958 = vector.extract_strided_slice %select_n3A_1949 {offsets = [0, 0], sizes = [128, 1], strides = [1, 1]} : vector<128x128xf32> to vector<128x1xf32>
    %concatenate3A_1959 = tpu.concatenate %slice3A_1957, %slice3A_1958 in 1 : vector<128x127xf32>, vector<128x1xf32> -> vector<128x128xf32>
    %slice3A_1960 = vector.extract_strided_slice %select_n3A_1949 {offsets = [0, 127], sizes = [128, 1], strides = [1, 1]} : vector<128x128xf32> to vector<128x1xf32>
    %slice3A_1961 = vector.extract_strided_slice %select_n3A_1949 {offsets = [0, 0], sizes = [128, 127], strides = [1, 1]} : vector<128x128xf32> to vector<128x127xf32>
    %concatenate3A_1962 = tpu.concatenate %slice3A_1960, %slice3A_1961 in 1 : vector<128x1xf32>, vector<128x127xf32> -> vector<128x128xf32>
    %slice3A_1963 = vector.extract_strided_slice %select_n3A_1950 {offsets = [0, 1], sizes = [128, 127], strides = [1, 1]} : vector<128x128xi32> to vector<128x127xi32>
    %slice3A_1964 = vector.extract_strided_slice %select_n3A_1950 {offsets = [0, 0], sizes = [128, 1], strides = [1, 1]} : vector<128x128xi32> to vector<128x1xi32>
    %concatenate3A_1965 = tpu.concatenate %slice3A_1963, %slice3A_1964 in 1 : vector<128x127xi32>, vector<128x1xi32> -> vector<128x128xi32>
    %slice3A_1966 = vector.extract_strided_slice %select_n3A_1950 {offsets = [0, 127], sizes = [128, 1], strides = [1, 1]} : vector<128x128xi32> to vector<128x1xi32>
    %slice3A_1967 = vector.extract_strided_slice %select_n3A_1950 {offsets = [0, 0], sizes = [128, 127], strides = [1, 1]} : vector<128x128xi32> to vector<128x127xi32>
    %concatenate3A_1968 = tpu.concatenate %slice3A_1966, %slice3A_1967 in 1 : vector<128x1xi32>, vector<128x127xi32> -> vector<128x128xi32>
    %select_n3A_1969 = arith.select %eq3A_1956, %concatenate3A_1959, %concatenate3A_1962 : vector<128x128xi1>, vector<128x128xf32>
    %select_n3A_1970 = arith.select %eq3A_1956, %concatenate3A_1965, %concatenate3A_1968 : vector<128x128xi1>, vector<128x128xi32>
    %gt3A_1971 = arith.cmpf ogt, %select_n3A_1949, %select_n3A_1969 : vector<128x128xf32>
    %eq3A_1972 = arith.cmpf oeq, %select_n3A_1949, %select_n3A_1969 : vector<128x128xf32>
    %gt3A_1973 = arith.cmpi sgt, %select_n3A_1950, %select_n3A_1970 : vector<128x128xi32>
    %and3A_1974 = arith.andi %eq3A_1972, %gt3A_1973 : vector<128x128xi1>
    %or3A_1975 = arith.ori %gt3A_1971, %and3A_1974 : vector<128x128xi1>
    %xor3A_1976 = arith.xori %or3A_1975, %eq3A_1956 : vector<128x128xi1>
    %xor3A_1977 = arith.xori %xor3A_1976, %eq3A_1660 : vector<128x128xi1>
    %select_n3A_1978 = arith.select %xor3A_1977, %select_n3A_1969, %select_n3A_1949 : vector<128x128xi1>, vector<128x128xf32>
    %select_n3A_1979 = arith.select %xor3A_1977, %select_n3A_1970, %select_n3A_1950 : vector<128x128xi1>, vector<128x128xi32>
    %and3A_1980 = arith.constant 4096 : i32
    %and3A_1981 = vector.broadcast %and3A_1980 : i32 to vector<128x128xi32>
    %and3A_1982 = arith.andi %add3A, %and3A_1981 : vector<128x128xi32>
    %eq3A_1983 = arith.constant 0 : i32
    %eq3A_1984 = vector.broadcast %eq3A_1983 : i32 to vector<128x128xi32>
    %eq3A_1985 = arith.cmpi eq, %and3A_1982, %eq3A_1984 : vector<128x128xi32>
    %reshape3A_1986 = vector.shape_cast %select_n3A_1978 : vector<128x128xf32> to vector<4x2x16x128xf32>
    %reshape3A_1987 = vector.shape_cast %select_n3A_1979 : vector<128x128xi32> to vector<4x2x16x128xi32>
    %slice3A_1988 = vector.extract_strided_slice %reshape3A_1986 {offsets = [0, 0, 0, 0], sizes = [4, 1, 16, 128], strides = [1, 1, 1, 1]} : vector<4x2x16x128xf32> to vector<4x1x16x128xf32>
    %squeeze3A_1989 = vector.shape_cast %slice3A_1988 : vector<4x1x16x128xf32> to vector<4x16x128xf32>
    %slice3A_1990 = vector.extract_strided_slice %reshape3A_1986 {offsets = [0, 1, 0, 0], sizes = [4, 1, 16, 128], strides = [1, 1, 1, 1]} : vector<4x2x16x128xf32> to vector<4x1x16x128xf32>
    %squeeze3A_1991 = vector.shape_cast %slice3A_1990 : vector<4x1x16x128xf32> to vector<4x16x128xf32>
    %slice3A_1992 = vector.extract_strided_slice %reshape3A_1987 {offsets = [0, 0, 0, 0], sizes = [4, 1, 16, 128], strides = [1, 1, 1, 1]} : vector<4x2x16x128xi32> to vector<4x1x16x128xi32>
    %squeeze3A_1993 = vector.shape_cast %slice3A_1992 : vector<4x1x16x128xi32> to vector<4x16x128xi32>
    %slice3A_1994 = vector.extract_strided_slice %reshape3A_1987 {offsets = [0, 1, 0, 0], sizes = [4, 1, 16, 128], strides = [1, 1, 1, 1]} : vector<4x2x16x128xi32> to vector<4x1x16x128xi32>
    %squeeze3A_1995 = vector.shape_cast %slice3A_1994 : vector<4x1x16x128xi32> to vector<4x16x128xi32>
    %reshape3A_1996 = vector.shape_cast %eq3A_1985 : vector<128x128xi1> to vector<4x2x16x128xi1>
    %slice3A_1997 = vector.extract_strided_slice %reshape3A_1996 {offsets = [0, 0, 0, 0], sizes = [4, 1, 16, 128], strides = [1, 1, 1, 1]} : vector<4x2x16x128xi1> to vector<4x1x16x128xi1>
    %squeeze3A_1998 = vector.shape_cast %slice3A_1997 : vector<4x1x16x128xi1> to vector<4x16x128xi1>
    %gt3A_1999 = arith.cmpf ogt, %squeeze3A_1989, %squeeze3A_1991 : vector<4x16x128xf32>
    %eq3A_2000 = arith.cmpf oeq, %squeeze3A_1989, %squeeze3A_1991 : vector<4x16x128xf32>
    %gt3A_2001 = arith.cmpi sgt, %squeeze3A_1993, %squeeze3A_1995 : vector<4x16x128xi32>
    %and3A_2002 = arith.andi %eq3A_2000, %gt3A_2001 : vector<4x16x128xi1>
    %or3A_2003 = arith.ori %gt3A_1999, %and3A_2002 : vector<4x16x128xi1>
    %not3A_2004 = arith.constant dense<true> : vector<4x16x128xi1>
    %not3A_2005 = arith.xori %squeeze3A_1998, %not3A_2004 : vector<4x16x128xi1>
    %xor3A_2006 = arith.xori %or3A_2003, %not3A_2005 : vector<4x16x128xi1>
    %select_n3A_2007 = arith.select %xor3A_2006, %squeeze3A_1991, %squeeze3A_1989 : vector<4x16x128xi1>, vector<4x16x128xf32>
    %select_n3A_2008 = arith.select %xor3A_2006, %squeeze3A_1989, %squeeze3A_1991 : vector<4x16x128xi1>, vector<4x16x128xf32>
    %select_n3A_2009 = arith.select %xor3A_2006, %squeeze3A_1995, %squeeze3A_1993 : vector<4x16x128xi1>, vector<4x16x128xi32>
    %select_n3A_2010 = arith.select %xor3A_2006, %squeeze3A_1993, %squeeze3A_1995 : vector<4x16x128xi1>, vector<4x16x128xi32>
    %broadcast_in_dim3A_2011 = vector.shape_cast %select_n3A_2007 : vector<4x16x128xf32> to vector<4x1x16x128xf32>
    %broadcast_in_dim3A_2012 = vector.shape_cast %select_n3A_2008 : vector<4x16x128xf32> to vector<4x1x16x128xf32>
    %concatenate3A_2013 = tpu.concatenate %broadcast_in_dim3A_2011, %broadcast_in_dim3A_2012 in 1 : vector<4x1x16x128xf32>, vector<4x1x16x128xf32> -> vector<4x2x16x128xf32>
    %reshape3A_2014 = vector.shape_cast %concatenate3A_2013 : vector<4x2x16x128xf32> to vector<128x128xf32>
    %broadcast_in_dim3A_2015 = vector.shape_cast %select_n3A_2009 : vector<4x16x128xi32> to vector<4x1x16x128xi32>
    %broadcast_in_dim3A_2016 = vector.shape_cast %select_n3A_2010 : vector<4x16x128xi32> to vector<4x1x16x128xi32>
    %concatenate3A_2017 = tpu.concatenate %broadcast_in_dim3A_2015, %broadcast_in_dim3A_2016 in 1 : vector<4x1x16x128xi32>, vector<4x1x16x128xi32> -> vector<4x2x16x128xi32>
    %reshape3A_2018 = vector.shape_cast %concatenate3A_2017 : vector<4x2x16x128xi32> to vector<128x128xi32>
    %reshape3A_2019 = vector.shape_cast %reshape3A_2014 : vector<128x128xf32> to vector<8x2x8x128xf32>
    %reshape3A_2020 = vector.shape_cast %reshape3A_2018 : vector<128x128xi32> to vector<8x2x8x128xi32>
    %slice3A_2021 = vector.extract_strided_slice %reshape3A_2019 {offsets = [0, 0, 0, 0], sizes = [8, 1, 8, 128], strides = [1, 1, 1, 1]} : vector<8x2x8x128xf32> to vector<8x1x8x128xf32>
    %squeeze3A_2022 = vector.shape_cast %slice3A_2021 : vector<8x1x8x128xf32> to vector<8x8x128xf32>
    %slice3A_2023 = vector.extract_strided_slice %reshape3A_2019 {offsets = [0, 1, 0, 0], sizes = [8, 1, 8, 128], strides = [1, 1, 1, 1]} : vector<8x2x8x128xf32> to vector<8x1x8x128xf32>
    %squeeze3A_2024 = vector.shape_cast %slice3A_2023 : vector<8x1x8x128xf32> to vector<8x8x128xf32>
    %slice3A_2025 = vector.extract_strided_slice %reshape3A_2020 {offsets = [0, 0, 0, 0], sizes = [8, 1, 8, 128], strides = [1, 1, 1, 1]} : vector<8x2x8x128xi32> to vector<8x1x8x128xi32>
    %squeeze3A_2026 = vector.shape_cast %slice3A_2025 : vector<8x1x8x128xi32> to vector<8x8x128xi32>
    %slice3A_2027 = vector.extract_strided_slice %reshape3A_2020 {offsets = [0, 1, 0, 0], sizes = [8, 1, 8, 128], strides = [1, 1, 1, 1]} : vector<8x2x8x128xi32> to vector<8x1x8x128xi32>
    %squeeze3A_2028 = vector.shape_cast %slice3A_2027 : vector<8x1x8x128xi32> to vector<8x8x128xi32>
    %reshape3A_2029 = vector.shape_cast %eq3A_1985 : vector<128x128xi1> to vector<8x2x8x128xi1>
    %slice3A_2030 = vector.extract_strided_slice %reshape3A_2029 {offsets = [0, 0, 0, 0], sizes = [8, 1, 8, 128], strides = [1, 1, 1, 1]} : vector<8x2x8x128xi1> to vector<8x1x8x128xi1>
    %squeeze3A_2031 = vector.shape_cast %slice3A_2030 : vector<8x1x8x128xi1> to vector<8x8x128xi1>
    %gt3A_2032 = arith.cmpf ogt, %squeeze3A_2022, %squeeze3A_2024 : vector<8x8x128xf32>
    %eq3A_2033 = arith.cmpf oeq, %squeeze3A_2022, %squeeze3A_2024 : vector<8x8x128xf32>
    %gt3A_2034 = arith.cmpi sgt, %squeeze3A_2026, %squeeze3A_2028 : vector<8x8x128xi32>
    %and3A_2035 = arith.andi %eq3A_2033, %gt3A_2034 : vector<8x8x128xi1>
    %or3A_2036 = arith.ori %gt3A_2032, %and3A_2035 : vector<8x8x128xi1>
    %not3A_2037 = arith.constant dense<true> : vector<8x8x128xi1>
    %not3A_2038 = arith.xori %squeeze3A_2031, %not3A_2037 : vector<8x8x128xi1>
    %xor3A_2039 = arith.xori %or3A_2036, %not3A_2038 : vector<8x8x128xi1>
    %select_n3A_2040 = arith.select %xor3A_2039, %squeeze3A_2024, %squeeze3A_2022 : vector<8x8x128xi1>, vector<8x8x128xf32>
    %select_n3A_2041 = arith.select %xor3A_2039, %squeeze3A_2022, %squeeze3A_2024 : vector<8x8x128xi1>, vector<8x8x128xf32>
    %select_n3A_2042 = arith.select %xor3A_2039, %squeeze3A_2028, %squeeze3A_2026 : vector<8x8x128xi1>, vector<8x8x128xi32>
    %select_n3A_2043 = arith.select %xor3A_2039, %squeeze3A_2026, %squeeze3A_2028 : vector<8x8x128xi1>, vector<8x8x128xi32>
    %broadcast_in_dim3A_2044 = vector.shape_cast %select_n3A_2040 : vector<8x8x128xf32> to vector<8x1x8x128xf32>
    %broadcast_in_dim3A_2045 = vector.shape_cast %select_n3A_2041 : vector<8x8x128xf32> to vector<8x1x8x128xf32>
    %concatenate3A_2046 = tpu.concatenate %broadcast_in_dim3A_2044, %broadcast_in_dim3A_2045 in 1 : vector<8x1x8x128xf32>, vector<8x1x8x128xf32> -> vector<8x2x8x128xf32>
    %reshape3A_2047 = vector.shape_cast %concatenate3A_2046 : vector<8x2x8x128xf32> to vector<128x128xf32>
    %broadcast_in_dim3A_2048 = vector.shape_cast %select_n3A_2042 : vector<8x8x128xi32> to vector<8x1x8x128xi32>
    %broadcast_in_dim3A_2049 = vector.shape_cast %select_n3A_2043 : vector<8x8x128xi32> to vector<8x1x8x128xi32>
    %concatenate3A_2050 = tpu.concatenate %broadcast_in_dim3A_2048, %broadcast_in_dim3A_2049 in 1 : vector<8x1x8x128xi32>, vector<8x1x8x128xi32> -> vector<8x2x8x128xi32>
    %reshape3A_2051 = vector.shape_cast %concatenate3A_2050 : vector<8x2x8x128xi32> to vector<128x128xi32>
    %and3A_2052 = arith.constant 4 : i32
    %and3A_2053 = vector.broadcast %and3A_2052 : i32 to vector<128x128xi32>
    %and3A_2054 = arith.andi %iota3A, %and3A_2053 : vector<128x128xi32>
    %eq3A_2055 = arith.constant 0 : i32
    %eq3A_2056 = vector.broadcast %eq3A_2055 : i32 to vector<128x128xi32>
    %eq3A_2057 = arith.cmpi eq, %and3A_2054, %eq3A_2056 : vector<128x128xi32>
    %slice3A_2058 = vector.extract_strided_slice %reshape3A_2047 {offsets = [4, 0], sizes = [124, 128], strides = [1, 1]} : vector<128x128xf32> to vector<124x128xf32>
    %slice3A_2059 = vector.extract_strided_slice %reshape3A_2047 {offsets = [0, 0], sizes = [4, 128], strides = [1, 1]} : vector<128x128xf32> to vector<4x128xf32>
    %concatenate3A_2060 = tpu.concatenate %slice3A_2058, %slice3A_2059 in 0 : vector<124x128xf32>, vector<4x128xf32> -> vector<128x128xf32>
    %slice3A_2061 = vector.extract_strided_slice %reshape3A_2047 {offsets = [124, 0], sizes = [4, 128], strides = [1, 1]} : vector<128x128xf32> to vector<4x128xf32>
    %slice3A_2062 = vector.extract_strided_slice %reshape3A_2047 {offsets = [0, 0], sizes = [124, 128], strides = [1, 1]} : vector<128x128xf32> to vector<124x128xf32>
    %concatenate3A_2063 = tpu.concatenate %slice3A_2061, %slice3A_2062 in 0 : vector<4x128xf32>, vector<124x128xf32> -> vector<128x128xf32>
    %slice3A_2064 = vector.extract_strided_slice %reshape3A_2051 {offsets = [4, 0], sizes = [124, 128], strides = [1, 1]} : vector<128x128xi32> to vector<124x128xi32>
    %slice3A_2065 = vector.extract_strided_slice %reshape3A_2051 {offsets = [0, 0], sizes = [4, 128], strides = [1, 1]} : vector<128x128xi32> to vector<4x128xi32>
    %concatenate3A_2066 = tpu.concatenate %slice3A_2064, %slice3A_2065 in 0 : vector<124x128xi32>, vector<4x128xi32> -> vector<128x128xi32>
    %slice3A_2067 = vector.extract_strided_slice %reshape3A_2051 {offsets = [124, 0], sizes = [4, 128], strides = [1, 1]} : vector<128x128xi32> to vector<4x128xi32>
    %slice3A_2068 = vector.extract_strided_slice %reshape3A_2051 {offsets = [0, 0], sizes = [124, 128], strides = [1, 1]} : vector<128x128xi32> to vector<124x128xi32>
    %concatenate3A_2069 = tpu.concatenate %slice3A_2067, %slice3A_2068 in 0 : vector<4x128xi32>, vector<124x128xi32> -> vector<128x128xi32>
    %select_n3A_2070 = arith.select %eq3A_2057, %concatenate3A_2060, %concatenate3A_2063 : vector<128x128xi1>, vector<128x128xf32>
    %select_n3A_2071 = arith.select %eq3A_2057, %concatenate3A_2066, %concatenate3A_2069 : vector<128x128xi1>, vector<128x128xi32>
    %gt3A_2072 = arith.cmpf ogt, %reshape3A_2047, %select_n3A_2070 : vector<128x128xf32>
    %eq3A_2073 = arith.cmpf oeq, %reshape3A_2047, %select_n3A_2070 : vector<128x128xf32>
    %gt3A_2074 = arith.cmpi sgt, %reshape3A_2051, %select_n3A_2071 : vector<128x128xi32>
    %and3A_2075 = arith.andi %eq3A_2073, %gt3A_2074 : vector<128x128xi1>
    %or3A_2076 = arith.ori %gt3A_2072, %and3A_2075 : vector<128x128xi1>
    %xor3A_2077 = arith.xori %or3A_2076, %eq3A_2057 : vector<128x128xi1>
    %xor3A_2078 = arith.xori %xor3A_2077, %eq3A_1985 : vector<128x128xi1>
    %select_n3A_2079 = arith.select %xor3A_2078, %select_n3A_2070, %reshape3A_2047 : vector<128x128xi1>, vector<128x128xf32>
    %select_n3A_2080 = arith.select %xor3A_2078, %select_n3A_2071, %reshape3A_2051 : vector<128x128xi1>, vector<128x128xi32>
    %and3A_2081 = arith.constant 2 : i32
    %and3A_2082 = vector.broadcast %and3A_2081 : i32 to vector<128x128xi32>
    %and3A_2083 = arith.andi %iota3A, %and3A_2082 : vector<128x128xi32>
    %eq3A_2084 = arith.constant 0 : i32
    %eq3A_2085 = vector.broadcast %eq3A_2084 : i32 to vector<128x128xi32>
    %eq3A_2086 = arith.cmpi eq, %and3A_2083, %eq3A_2085 : vector<128x128xi32>
    %slice3A_2087 = vector.extract_strided_slice %select_n3A_2079 {offsets = [2, 0], sizes = [126, 128], strides = [1, 1]} : vector<128x128xf32> to vector<126x128xf32>
    %slice3A_2088 = vector.extract_strided_slice %select_n3A_2079 {offsets = [0, 0], sizes = [2, 128], strides = [1, 1]} : vector<128x128xf32> to vector<2x128xf32>
    %concatenate3A_2089 = tpu.concatenate %slice3A_2087, %slice3A_2088 in 0 : vector<126x128xf32>, vector<2x128xf32> -> vector<128x128xf32>
    %slice3A_2090 = vector.extract_strided_slice %select_n3A_2079 {offsets = [126, 0], sizes = [2, 128], strides = [1, 1]} : vector<128x128xf32> to vector<2x128xf32>
    %slice3A_2091 = vector.extract_strided_slice %select_n3A_2079 {offsets = [0, 0], sizes = [126, 128], strides = [1, 1]} : vector<128x128xf32> to vector<126x128xf32>
    %concatenate3A_2092 = tpu.concatenate %slice3A_2090, %slice3A_2091 in 0 : vector<2x128xf32>, vector<126x128xf32> -> vector<128x128xf32>
    %slice3A_2093 = vector.extract_strided_slice %select_n3A_2080 {offsets = [2, 0], sizes = [126, 128], strides = [1, 1]} : vector<128x128xi32> to vector<126x128xi32>
    %slice3A_2094 = vector.extract_strided_slice %select_n3A_2080 {offsets = [0, 0], sizes = [2, 128], strides = [1, 1]} : vector<128x128xi32> to vector<2x128xi32>
    %concatenate3A_2095 = tpu.concatenate %slice3A_2093, %slice3A_2094 in 0 : vector<126x128xi32>, vector<2x128xi32> -> vector<128x128xi32>
    %slice3A_2096 = vector.extract_strided_slice %select_n3A_2080 {offsets = [126, 0], sizes = [2, 128], strides = [1, 1]} : vector<128x128xi32> to vector<2x128xi32>
    %slice3A_2097 = vector.extract_strided_slice %select_n3A_2080 {offsets = [0, 0], sizes = [126, 128], strides = [1, 1]} : vector<128x128xi32> to vector<126x128xi32>
    %concatenate3A_2098 = tpu.concatenate %slice3A_2096, %slice3A_2097 in 0 : vector<2x128xi32>, vector<126x128xi32> -> vector<128x128xi32>
    %select_n3A_2099 = arith.select %eq3A_2086, %concatenate3A_2089, %concatenate3A_2092 : vector<128x128xi1>, vector<128x128xf32>
    %select_n3A_2100 = arith.select %eq3A_2086, %concatenate3A_2095, %concatenate3A_2098 : vector<128x128xi1>, vector<128x128xi32>
    %gt3A_2101 = arith.cmpf ogt, %select_n3A_2079, %select_n3A_2099 : vector<128x128xf32>
    %eq3A_2102 = arith.cmpf oeq, %select_n3A_2079, %select_n3A_2099 : vector<128x128xf32>
    %gt3A_2103 = arith.cmpi sgt, %select_n3A_2080, %select_n3A_2100 : vector<128x128xi32>
    %and3A_2104 = arith.andi %eq3A_2102, %gt3A_2103 : vector<128x128xi1>
    %or3A_2105 = arith.ori %gt3A_2101, %and3A_2104 : vector<128x128xi1>
    %xor3A_2106 = arith.xori %or3A_2105, %eq3A_2086 : vector<128x128xi1>
    %xor3A_2107 = arith.xori %xor3A_2106, %eq3A_1985 : vector<128x128xi1>
    %select_n3A_2108 = arith.select %xor3A_2107, %select_n3A_2099, %select_n3A_2079 : vector<128x128xi1>, vector<128x128xf32>
    %select_n3A_2109 = arith.select %xor3A_2107, %select_n3A_2100, %select_n3A_2080 : vector<128x128xi1>, vector<128x128xi32>
    %and3A_2110 = arith.constant 1 : i32
    %and3A_2111 = vector.broadcast %and3A_2110 : i32 to vector<128x128xi32>
    %and3A_2112 = arith.andi %iota3A, %and3A_2111 : vector<128x128xi32>
    %eq3A_2113 = arith.constant 0 : i32
    %eq3A_2114 = vector.broadcast %eq3A_2113 : i32 to vector<128x128xi32>
    %eq3A_2115 = arith.cmpi eq, %and3A_2112, %eq3A_2114 : vector<128x128xi32>
    %slice3A_2116 = vector.extract_strided_slice %select_n3A_2108 {offsets = [1, 0], sizes = [127, 128], strides = [1, 1]} : vector<128x128xf32> to vector<127x128xf32>
    %slice3A_2117 = vector.extract_strided_slice %select_n3A_2108 {offsets = [0, 0], sizes = [1, 128], strides = [1, 1]} : vector<128x128xf32> to vector<1x128xf32>
    %concatenate3A_2118 = tpu.concatenate %slice3A_2116, %slice3A_2117 in 0 : vector<127x128xf32>, vector<1x128xf32> -> vector<128x128xf32>
    %slice3A_2119 = vector.extract_strided_slice %select_n3A_2108 {offsets = [127, 0], sizes = [1, 128], strides = [1, 1]} : vector<128x128xf32> to vector<1x128xf32>
    %slice3A_2120 = vector.extract_strided_slice %select_n3A_2108 {offsets = [0, 0], sizes = [127, 128], strides = [1, 1]} : vector<128x128xf32> to vector<127x128xf32>
    %concatenate3A_2121 = tpu.concatenate %slice3A_2119, %slice3A_2120 in 0 : vector<1x128xf32>, vector<127x128xf32> -> vector<128x128xf32>
    %slice3A_2122 = vector.extract_strided_slice %select_n3A_2109 {offsets = [1, 0], sizes = [127, 128], strides = [1, 1]} : vector<128x128xi32> to vector<127x128xi32>
    %slice3A_2123 = vector.extract_strided_slice %select_n3A_2109 {offsets = [0, 0], sizes = [1, 128], strides = [1, 1]} : vector<128x128xi32> to vector<1x128xi32>
    %concatenate3A_2124 = tpu.concatenate %slice3A_2122, %slice3A_2123 in 0 : vector<127x128xi32>, vector<1x128xi32> -> vector<128x128xi32>
    %slice3A_2125 = vector.extract_strided_slice %select_n3A_2109 {offsets = [127, 0], sizes = [1, 128], strides = [1, 1]} : vector<128x128xi32> to vector<1x128xi32>
    %slice3A_2126 = vector.extract_strided_slice %select_n3A_2109 {offsets = [0, 0], sizes = [127, 128], strides = [1, 1]} : vector<128x128xi32> to vector<127x128xi32>
    %concatenate3A_2127 = tpu.concatenate %slice3A_2125, %slice3A_2126 in 0 : vector<1x128xi32>, vector<127x128xi32> -> vector<128x128xi32>
    %select_n3A_2128 = arith.select %eq3A_2115, %concatenate3A_2118, %concatenate3A_2121 : vector<128x128xi1>, vector<128x128xf32>
    %select_n3A_2129 = arith.select %eq3A_2115, %concatenate3A_2124, %concatenate3A_2127 : vector<128x128xi1>, vector<128x128xi32>
    %gt3A_2130 = arith.cmpf ogt, %select_n3A_2108, %select_n3A_2128 : vector<128x128xf32>
    %eq3A_2131 = arith.cmpf oeq, %select_n3A_2108, %select_n3A_2128 : vector<128x128xf32>
    %gt3A_2132 = arith.cmpi sgt, %select_n3A_2109, %select_n3A_2129 : vector<128x128xi32>
    %and3A_2133 = arith.andi %eq3A_2131, %gt3A_2132 : vector<128x128xi1>
    %or3A_2134 = arith.ori %gt3A_2130, %and3A_2133 : vector<128x128xi1>
    %xor3A_2135 = arith.xori %or3A_2134, %eq3A_2115 : vector<128x128xi1>
    %xor3A_2136 = arith.xori %xor3A_2135, %eq3A_1985 : vector<128x128xi1>
    %select_n3A_2137 = arith.select %xor3A_2136, %select_n3A_2128, %select_n3A_2108 : vector<128x128xi1>, vector<128x128xf32>
    %select_n3A_2138 = arith.select %xor3A_2136, %select_n3A_2129, %select_n3A_2109 : vector<128x128xi1>, vector<128x128xi32>
    %and3A_2139 = arith.constant 64 : i32
    %and3A_2140 = vector.broadcast %and3A_2139 : i32 to vector<128x128xi32>
    %and3A_2141 = arith.andi %iota3A_5, %and3A_2140 : vector<128x128xi32>
    %eq3A_2142 = arith.constant 0 : i32
    %eq3A_2143 = vector.broadcast %eq3A_2142 : i32 to vector<128x128xi32>
    %eq3A_2144 = arith.cmpi eq, %and3A_2141, %eq3A_2143 : vector<128x128xi32>
    %slice3A_2145 = vector.extract_strided_slice %select_n3A_2137 {offsets = [0, 64], sizes = [128, 64], strides = [1, 1]} : vector<128x128xf32> to vector<128x64xf32>
    %slice3A_2146 = vector.extract_strided_slice %select_n3A_2137 {offsets = [0, 0], sizes = [128, 64], strides = [1, 1]} : vector<128x128xf32> to vector<128x64xf32>
    %concatenate3A_2147 = tpu.concatenate %slice3A_2145, %slice3A_2146 in 1 : vector<128x64xf32>, vector<128x64xf32> -> vector<128x128xf32>
    %slice3A_2148 = vector.extract_strided_slice %select_n3A_2137 {offsets = [0, 64], sizes = [128, 64], strides = [1, 1]} : vector<128x128xf32> to vector<128x64xf32>
    %slice3A_2149 = vector.extract_strided_slice %select_n3A_2137 {offsets = [0, 0], sizes = [128, 64], strides = [1, 1]} : vector<128x128xf32> to vector<128x64xf32>
    %concatenate3A_2150 = tpu.concatenate %slice3A_2148, %slice3A_2149 in 1 : vector<128x64xf32>, vector<128x64xf32> -> vector<128x128xf32>
    %slice3A_2151 = vector.extract_strided_slice %select_n3A_2138 {offsets = [0, 64], sizes = [128, 64], strides = [1, 1]} : vector<128x128xi32> to vector<128x64xi32>
    %slice3A_2152 = vector.extract_strided_slice %select_n3A_2138 {offsets = [0, 0], sizes = [128, 64], strides = [1, 1]} : vector<128x128xi32> to vector<128x64xi32>
    %concatenate3A_2153 = tpu.concatenate %slice3A_2151, %slice3A_2152 in 1 : vector<128x64xi32>, vector<128x64xi32> -> vector<128x128xi32>
    %slice3A_2154 = vector.extract_strided_slice %select_n3A_2138 {offsets = [0, 64], sizes = [128, 64], strides = [1, 1]} : vector<128x128xi32> to vector<128x64xi32>
    %slice3A_2155 = vector.extract_strided_slice %select_n3A_2138 {offsets = [0, 0], sizes = [128, 64], strides = [1, 1]} : vector<128x128xi32> to vector<128x64xi32>
    %concatenate3A_2156 = tpu.concatenate %slice3A_2154, %slice3A_2155 in 1 : vector<128x64xi32>, vector<128x64xi32> -> vector<128x128xi32>
    %select_n3A_2157 = arith.select %eq3A_2144, %concatenate3A_2147, %concatenate3A_2150 : vector<128x128xi1>, vector<128x128xf32>
    %select_n3A_2158 = arith.select %eq3A_2144, %concatenate3A_2153, %concatenate3A_2156 : vector<128x128xi1>, vector<128x128xi32>
    %gt3A_2159 = arith.cmpf ogt, %select_n3A_2137, %select_n3A_2157 : vector<128x128xf32>
    %eq3A_2160 = arith.cmpf oeq, %select_n3A_2137, %select_n3A_2157 : vector<128x128xf32>
    %gt3A_2161 = arith.cmpi sgt, %select_n3A_2138, %select_n3A_2158 : vector<128x128xi32>
    %and3A_2162 = arith.andi %eq3A_2160, %gt3A_2161 : vector<128x128xi1>
    %or3A_2163 = arith.ori %gt3A_2159, %and3A_2162 : vector<128x128xi1>
    %xor3A_2164 = arith.xori %or3A_2163, %eq3A_2144 : vector<128x128xi1>
    %xor3A_2165 = arith.xori %xor3A_2164, %eq3A_1985 : vector<128x128xi1>
    %select_n3A_2166 = arith.select %xor3A_2165, %select_n3A_2157, %select_n3A_2137 : vector<128x128xi1>, vector<128x128xf32>
    %select_n3A_2167 = arith.select %xor3A_2165, %select_n3A_2158, %select_n3A_2138 : vector<128x128xi1>, vector<128x128xi32>
    %and3A_2168 = arith.constant 32 : i32
    %and3A_2169 = vector.broadcast %and3A_2168 : i32 to vector<128x128xi32>
    %and3A_2170 = arith.andi %iota3A_5, %and3A_2169 : vector<128x128xi32>
    %eq3A_2171 = arith.constant 0 : i32
    %eq3A_2172 = vector.broadcast %eq3A_2171 : i32 to vector<128x128xi32>
    %eq3A_2173 = arith.cmpi eq, %and3A_2170, %eq3A_2172 : vector<128x128xi32>
    %slice3A_2174 = vector.extract_strided_slice %select_n3A_2166 {offsets = [0, 32], sizes = [128, 96], strides = [1, 1]} : vector<128x128xf32> to vector<128x96xf32>
    %slice3A_2175 = vector.extract_strided_slice %select_n3A_2166 {offsets = [0, 0], sizes = [128, 32], strides = [1, 1]} : vector<128x128xf32> to vector<128x32xf32>
    %concatenate3A_2176 = tpu.concatenate %slice3A_2174, %slice3A_2175 in 1 : vector<128x96xf32>, vector<128x32xf32> -> vector<128x128xf32>
    %slice3A_2177 = vector.extract_strided_slice %select_n3A_2166 {offsets = [0, 96], sizes = [128, 32], strides = [1, 1]} : vector<128x128xf32> to vector<128x32xf32>
    %slice3A_2178 = vector.extract_strided_slice %select_n3A_2166 {offsets = [0, 0], sizes = [128, 96], strides = [1, 1]} : vector<128x128xf32> to vector<128x96xf32>
    %concatenate3A_2179 = tpu.concatenate %slice3A_2177, %slice3A_2178 in 1 : vector<128x32xf32>, vector<128x96xf32> -> vector<128x128xf32>
    %slice3A_2180 = vector.extract_strided_slice %select_n3A_2167 {offsets = [0, 32], sizes = [128, 96], strides = [1, 1]} : vector<128x128xi32> to vector<128x96xi32>
    %slice3A_2181 = vector.extract_strided_slice %select_n3A_2167 {offsets = [0, 0], sizes = [128, 32], strides = [1, 1]} : vector<128x128xi32> to vector<128x32xi32>
    %concatenate3A_2182 = tpu.concatenate %slice3A_2180, %slice3A_2181 in 1 : vector<128x96xi32>, vector<128x32xi32> -> vector<128x128xi32>
    %slice3A_2183 = vector.extract_strided_slice %select_n3A_2167 {offsets = [0, 96], sizes = [128, 32], strides = [1, 1]} : vector<128x128xi32> to vector<128x32xi32>
    %slice3A_2184 = vector.extract_strided_slice %select_n3A_2167 {offsets = [0, 0], sizes = [128, 96], strides = [1, 1]} : vector<128x128xi32> to vector<128x96xi32>
    %concatenate3A_2185 = tpu.concatenate %slice3A_2183, %slice3A_2184 in 1 : vector<128x32xi32>, vector<128x96xi32> -> vector<128x128xi32>
    %select_n3A_2186 = arith.select %eq3A_2173, %concatenate3A_2176, %concatenate3A_2179 : vector<128x128xi1>, vector<128x128xf32>
    %select_n3A_2187 = arith.select %eq3A_2173, %concatenate3A_2182, %concatenate3A_2185 : vector<128x128xi1>, vector<128x128xi32>
    %gt3A_2188 = arith.cmpf ogt, %select_n3A_2166, %select_n3A_2186 : vector<128x128xf32>
    %eq3A_2189 = arith.cmpf oeq, %select_n3A_2166, %select_n3A_2186 : vector<128x128xf32>
    %gt3A_2190 = arith.cmpi sgt, %select_n3A_2167, %select_n3A_2187 : vector<128x128xi32>
    %and3A_2191 = arith.andi %eq3A_2189, %gt3A_2190 : vector<128x128xi1>
    %or3A_2192 = arith.ori %gt3A_2188, %and3A_2191 : vector<128x128xi1>
    %xor3A_2193 = arith.xori %or3A_2192, %eq3A_2173 : vector<128x128xi1>
    %xor3A_2194 = arith.xori %xor3A_2193, %eq3A_1985 : vector<128x128xi1>
    %select_n3A_2195 = arith.select %xor3A_2194, %select_n3A_2186, %select_n3A_2166 : vector<128x128xi1>, vector<128x128xf32>
    %select_n3A_2196 = arith.select %xor3A_2194, %select_n3A_2187, %select_n3A_2167 : vector<128x128xi1>, vector<128x128xi32>
    %and3A_2197 = arith.constant 16 : i32
    %and3A_2198 = vector.broadcast %and3A_2197 : i32 to vector<128x128xi32>
    %and3A_2199 = arith.andi %iota3A_5, %and3A_2198 : vector<128x128xi32>
    %eq3A_2200 = arith.constant 0 : i32
    %eq3A_2201 = vector.broadcast %eq3A_2200 : i32 to vector<128x128xi32>
    %eq3A_2202 = arith.cmpi eq, %and3A_2199, %eq3A_2201 : vector<128x128xi32>
    %slice3A_2203 = vector.extract_strided_slice %select_n3A_2195 {offsets = [0, 16], sizes = [128, 112], strides = [1, 1]} : vector<128x128xf32> to vector<128x112xf32>
    %slice3A_2204 = vector.extract_strided_slice %select_n3A_2195 {offsets = [0, 0], sizes = [128, 16], strides = [1, 1]} : vector<128x128xf32> to vector<128x16xf32>
    %concatenate3A_2205 = tpu.concatenate %slice3A_2203, %slice3A_2204 in 1 : vector<128x112xf32>, vector<128x16xf32> -> vector<128x128xf32>
    %slice3A_2206 = vector.extract_strided_slice %select_n3A_2195 {offsets = [0, 112], sizes = [128, 16], strides = [1, 1]} : vector<128x128xf32> to vector<128x16xf32>
    %slice3A_2207 = vector.extract_strided_slice %select_n3A_2195 {offsets = [0, 0], sizes = [128, 112], strides = [1, 1]} : vector<128x128xf32> to vector<128x112xf32>
    %concatenate3A_2208 = tpu.concatenate %slice3A_2206, %slice3A_2207 in 1 : vector<128x16xf32>, vector<128x112xf32> -> vector<128x128xf32>
    %slice3A_2209 = vector.extract_strided_slice %select_n3A_2196 {offsets = [0, 16], sizes = [128, 112], strides = [1, 1]} : vector<128x128xi32> to vector<128x112xi32>
    %slice3A_2210 = vector.extract_strided_slice %select_n3A_2196 {offsets = [0, 0], sizes = [128, 16], strides = [1, 1]} : vector<128x128xi32> to vector<128x16xi32>
    %concatenate3A_2211 = tpu.concatenate %slice3A_2209, %slice3A_2210 in 1 : vector<128x112xi32>, vector<128x16xi32> -> vector<128x128xi32>
    %slice3A_2212 = vector.extract_strided_slice %select_n3A_2196 {offsets = [0, 112], sizes = [128, 16], strides = [1, 1]} : vector<128x128xi32> to vector<128x16xi32>
    %slice3A_2213 = vector.extract_strided_slice %select_n3A_2196 {offsets = [0, 0], sizes = [128, 112], strides = [1, 1]} : vector<128x128xi32> to vector<128x112xi32>
    %concatenate3A_2214 = tpu.concatenate %slice3A_2212, %slice3A_2213 in 1 : vector<128x16xi32>, vector<128x112xi32> -> vector<128x128xi32>
    %select_n3A_2215 = arith.select %eq3A_2202, %concatenate3A_2205, %concatenate3A_2208 : vector<128x128xi1>, vector<128x128xf32>
    %select_n3A_2216 = arith.select %eq3A_2202, %concatenate3A_2211, %concatenate3A_2214 : vector<128x128xi1>, vector<128x128xi32>
    %gt3A_2217 = arith.cmpf ogt, %select_n3A_2195, %select_n3A_2215 : vector<128x128xf32>
    %eq3A_2218 = arith.cmpf oeq, %select_n3A_2195, %select_n3A_2215 : vector<128x128xf32>
    %gt3A_2219 = arith.cmpi sgt, %select_n3A_2196, %select_n3A_2216 : vector<128x128xi32>
    %and3A_2220 = arith.andi %eq3A_2218, %gt3A_2219 : vector<128x128xi1>
    %or3A_2221 = arith.ori %gt3A_2217, %and3A_2220 : vector<128x128xi1>
    %xor3A_2222 = arith.xori %or3A_2221, %eq3A_2202 : vector<128x128xi1>
    %xor3A_2223 = arith.xori %xor3A_2222, %eq3A_1985 : vector<128x128xi1>
    %select_n3A_2224 = arith.select %xor3A_2223, %select_n3A_2215, %select_n3A_2195 : vector<128x128xi1>, vector<128x128xf32>
    %select_n3A_2225 = arith.select %xor3A_2223, %select_n3A_2216, %select_n3A_2196 : vector<128x128xi1>, vector<128x128xi32>
    %and3A_2226 = arith.constant 8 : i32
    %and3A_2227 = vector.broadcast %and3A_2226 : i32 to vector<128x128xi32>
    %and3A_2228 = arith.andi %iota3A_5, %and3A_2227 : vector<128x128xi32>
    %eq3A_2229 = arith.constant 0 : i32
    %eq3A_2230 = vector.broadcast %eq3A_2229 : i32 to vector<128x128xi32>
    %eq3A_2231 = arith.cmpi eq, %and3A_2228, %eq3A_2230 : vector<128x128xi32>
    %slice3A_2232 = vector.extract_strided_slice %select_n3A_2224 {offsets = [0, 8], sizes = [128, 120], strides = [1, 1]} : vector<128x128xf32> to vector<128x120xf32>
    %slice3A_2233 = vector.extract_strided_slice %select_n3A_2224 {offsets = [0, 0], sizes = [128, 8], strides = [1, 1]} : vector<128x128xf32> to vector<128x8xf32>
    %concatenate3A_2234 = tpu.concatenate %slice3A_2232, %slice3A_2233 in 1 : vector<128x120xf32>, vector<128x8xf32> -> vector<128x128xf32>
    %slice3A_2235 = vector.extract_strided_slice %select_n3A_2224 {offsets = [0, 120], sizes = [128, 8], strides = [1, 1]} : vector<128x128xf32> to vector<128x8xf32>
    %slice3A_2236 = vector.extract_strided_slice %select_n3A_2224 {offsets = [0, 0], sizes = [128, 120], strides = [1, 1]} : vector<128x128xf32> to vector<128x120xf32>
    %concatenate3A_2237 = tpu.concatenate %slice3A_2235, %slice3A_2236 in 1 : vector<128x8xf32>, vector<128x120xf32> -> vector<128x128xf32>
    %slice3A_2238 = vector.extract_strided_slice %select_n3A_2225 {offsets = [0, 8], sizes = [128, 120], strides = [1, 1]} : vector<128x128xi32> to vector<128x120xi32>
    %slice3A_2239 = vector.extract_strided_slice %select_n3A_2225 {offsets = [0, 0], sizes = [128, 8], strides = [1, 1]} : vector<128x128xi32> to vector<128x8xi32>
    %concatenate3A_2240 = tpu.concatenate %slice3A_2238, %slice3A_2239 in 1 : vector<128x120xi32>, vector<128x8xi32> -> vector<128x128xi32>
    %slice3A_2241 = vector.extract_strided_slice %select_n3A_2225 {offsets = [0, 120], sizes = [128, 8], strides = [1, 1]} : vector<128x128xi32> to vector<128x8xi32>
    %slice3A_2242 = vector.extract_strided_slice %select_n3A_2225 {offsets = [0, 0], sizes = [128, 120], strides = [1, 1]} : vector<128x128xi32> to vector<128x120xi32>
    %concatenate3A_2243 = tpu.concatenate %slice3A_2241, %slice3A_2242 in 1 : vector<128x8xi32>, vector<128x120xi32> -> vector<128x128xi32>
    %select_n3A_2244 = arith.select %eq3A_2231, %concatenate3A_2234, %concatenate3A_2237 : vector<128x128xi1>, vector<128x128xf32>
    %select_n3A_2245 = arith.select %eq3A_2231, %concatenate3A_2240, %concatenate3A_2243 : vector<128x128xi1>, vector<128x128xi32>
    %gt3A_2246 = arith.cmpf ogt, %select_n3A_2224, %select_n3A_2244 : vector<128x128xf32>
    %eq3A_2247 = arith.cmpf oeq, %select_n3A_2224, %select_n3A_2244 : vector<128x128xf32>
    %gt3A_2248 = arith.cmpi sgt, %select_n3A_2225, %select_n3A_2245 : vector<128x128xi32>
    %and3A_2249 = arith.andi %eq3A_2247, %gt3A_2248 : vector<128x128xi1>
    %or3A_2250 = arith.ori %gt3A_2246, %and3A_2249 : vector<128x128xi1>
    %xor3A_2251 = arith.xori %or3A_2250, %eq3A_2231 : vector<128x128xi1>
    %xor3A_2252 = arith.xori %xor3A_2251, %eq3A_1985 : vector<128x128xi1>
    %select_n3A_2253 = arith.select %xor3A_2252, %select_n3A_2244, %select_n3A_2224 : vector<128x128xi1>, vector<128x128xf32>
    %select_n3A_2254 = arith.select %xor3A_2252, %select_n3A_2245, %select_n3A_2225 : vector<128x128xi1>, vector<128x128xi32>
    %and3A_2255 = arith.constant 4 : i32
    %and3A_2256 = vector.broadcast %and3A_2255 : i32 to vector<128x128xi32>
    %and3A_2257 = arith.andi %iota3A_5, %and3A_2256 : vector<128x128xi32>
    %eq3A_2258 = arith.constant 0 : i32
    %eq3A_2259 = vector.broadcast %eq3A_2258 : i32 to vector<128x128xi32>
    %eq3A_2260 = arith.cmpi eq, %and3A_2257, %eq3A_2259 : vector<128x128xi32>
    %slice3A_2261 = vector.extract_strided_slice %select_n3A_2253 {offsets = [0, 4], sizes = [128, 124], strides = [1, 1]} : vector<128x128xf32> to vector<128x124xf32>
    %slice3A_2262 = vector.extract_strided_slice %select_n3A_2253 {offsets = [0, 0], sizes = [128, 4], strides = [1, 1]} : vector<128x128xf32> to vector<128x4xf32>
    %concatenate3A_2263 = tpu.concatenate %slice3A_2261, %slice3A_2262 in 1 : vector<128x124xf32>, vector<128x4xf32> -> vector<128x128xf32>
    %slice3A_2264 = vector.extract_strided_slice %select_n3A_2253 {offsets = [0, 124], sizes = [128, 4], strides = [1, 1]} : vector<128x128xf32> to vector<128x4xf32>
    %slice3A_2265 = vector.extract_strided_slice %select_n3A_2253 {offsets = [0, 0], sizes = [128, 124], strides = [1, 1]} : vector<128x128xf32> to vector<128x124xf32>
    %concatenate3A_2266 = tpu.concatenate %slice3A_2264, %slice3A_2265 in 1 : vector<128x4xf32>, vector<128x124xf32> -> vector<128x128xf32>
    %slice3A_2267 = vector.extract_strided_slice %select_n3A_2254 {offsets = [0, 4], sizes = [128, 124], strides = [1, 1]} : vector<128x128xi32> to vector<128x124xi32>
    %slice3A_2268 = vector.extract_strided_slice %select_n3A_2254 {offsets = [0, 0], sizes = [128, 4], strides = [1, 1]} : vector<128x128xi32> to vector<128x4xi32>
    %concatenate3A_2269 = tpu.concatenate %slice3A_2267, %slice3A_2268 in 1 : vector<128x124xi32>, vector<128x4xi32> -> vector<128x128xi32>
    %slice3A_2270 = vector.extract_strided_slice %select_n3A_2254 {offsets = [0, 124], sizes = [128, 4], strides = [1, 1]} : vector<128x128xi32> to vector<128x4xi32>
    %slice3A_2271 = vector.extract_strided_slice %select_n3A_2254 {offsets = [0, 0], sizes = [128, 124], strides = [1, 1]} : vector<128x128xi32> to vector<128x124xi32>
    %concatenate3A_2272 = tpu.concatenate %slice3A_2270, %slice3A_2271 in 1 : vector<128x4xi32>, vector<128x124xi32> -> vector<128x128xi32>
    %select_n3A_2273 = arith.select %eq3A_2260, %concatenate3A_2263, %concatenate3A_2266 : vector<128x128xi1>, vector<128x128xf32>
    %select_n3A_2274 = arith.select %eq3A_2260, %concatenate3A_2269, %concatenate3A_2272 : vector<128x128xi1>, vector<128x128xi32>
    %gt3A_2275 = arith.cmpf ogt, %select_n3A_2253, %select_n3A_2273 : vector<128x128xf32>
    %eq3A_2276 = arith.cmpf oeq, %select_n3A_2253, %select_n3A_2273 : vector<128x128xf32>
    %gt3A_2277 = arith.cmpi sgt, %select_n3A_2254, %select_n3A_2274 : vector<128x128xi32>
    %and3A_2278 = arith.andi %eq3A_2276, %gt3A_2277 : vector<128x128xi1>
    %or3A_2279 = arith.ori %gt3A_2275, %and3A_2278 : vector<128x128xi1>
    %xor3A_2280 = arith.xori %or3A_2279, %eq3A_2260 : vector<128x128xi1>
    %xor3A_2281 = arith.xori %xor3A_2280, %eq3A_1985 : vector<128x128xi1>
    %select_n3A_2282 = arith.select %xor3A_2281, %select_n3A_2273, %select_n3A_2253 : vector<128x128xi1>, vector<128x128xf32>
    %select_n3A_2283 = arith.select %xor3A_2281, %select_n3A_2274, %select_n3A_2254 : vector<128x128xi1>, vector<128x128xi32>
    %and3A_2284 = arith.constant 2 : i32
    %and3A_2285 = vector.broadcast %and3A_2284 : i32 to vector<128x128xi32>
    %and3A_2286 = arith.andi %iota3A_5, %and3A_2285 : vector<128x128xi32>
    %eq3A_2287 = arith.constant 0 : i32
    %eq3A_2288 = vector.broadcast %eq3A_2287 : i32 to vector<128x128xi32>
    %eq3A_2289 = arith.cmpi eq, %and3A_2286, %eq3A_2288 : vector<128x128xi32>
    %slice3A_2290 = vector.extract_strided_slice %select_n3A_2282 {offsets = [0, 2], sizes = [128, 126], strides = [1, 1]} : vector<128x128xf32> to vector<128x126xf32>
    %slice3A_2291 = vector.extract_strided_slice %select_n3A_2282 {offsets = [0, 0], sizes = [128, 2], strides = [1, 1]} : vector<128x128xf32> to vector<128x2xf32>
    %concatenate3A_2292 = tpu.concatenate %slice3A_2290, %slice3A_2291 in 1 : vector<128x126xf32>, vector<128x2xf32> -> vector<128x128xf32>
    %slice3A_2293 = vector.extract_strided_slice %select_n3A_2282 {offsets = [0, 126], sizes = [128, 2], strides = [1, 1]} : vector<128x128xf32> to vector<128x2xf32>
    %slice3A_2294 = vector.extract_strided_slice %select_n3A_2282 {offsets = [0, 0], sizes = [128, 126], strides = [1, 1]} : vector<128x128xf32> to vector<128x126xf32>
    %concatenate3A_2295 = tpu.concatenate %slice3A_2293, %slice3A_2294 in 1 : vector<128x2xf32>, vector<128x126xf32> -> vector<128x128xf32>
    %slice3A_2296 = vector.extract_strided_slice %select_n3A_2283 {offsets = [0, 2], sizes = [128, 126], strides = [1, 1]} : vector<128x128xi32> to vector<128x126xi32>
    %slice3A_2297 = vector.extract_strided_slice %select_n3A_2283 {offsets = [0, 0], sizes = [128, 2], strides = [1, 1]} : vector<128x128xi32> to vector<128x2xi32>
    %concatenate3A_2298 = tpu.concatenate %slice3A_2296, %slice3A_2297 in 1 : vector<128x126xi32>, vector<128x2xi32> -> vector<128x128xi32>
    %slice3A_2299 = vector.extract_strided_slice %select_n3A_2283 {offsets = [0, 126], sizes = [128, 2], strides = [1, 1]} : vector<128x128xi32> to vector<128x2xi32>
    %slice3A_2300 = vector.extract_strided_slice %select_n3A_2283 {offsets = [0, 0], sizes = [128, 126], strides = [1, 1]} : vector<128x128xi32> to vector<128x126xi32>
    %concatenate3A_2301 = tpu.concatenate %slice3A_2299, %slice3A_2300 in 1 : vector<128x2xi32>, vector<128x126xi32> -> vector<128x128xi32>
    %select_n3A_2302 = arith.select %eq3A_2289, %concatenate3A_2292, %concatenate3A_2295 : vector<128x128xi1>, vector<128x128xf32>
    %select_n3A_2303 = arith.select %eq3A_2289, %concatenate3A_2298, %concatenate3A_2301 : vector<128x128xi1>, vector<128x128xi32>
    %gt3A_2304 = arith.cmpf ogt, %select_n3A_2282, %select_n3A_2302 : vector<128x128xf32>
    %eq3A_2305 = arith.cmpf oeq, %select_n3A_2282, %select_n3A_2302 : vector<128x128xf32>
    %gt3A_2306 = arith.cmpi sgt, %select_n3A_2283, %select_n3A_2303 : vector<128x128xi32>
    %and3A_2307 = arith.andi %eq3A_2305, %gt3A_2306 : vector<128x128xi1>
    %or3A_2308 = arith.ori %gt3A_2304, %and3A_2307 : vector<128x128xi1>
    %xor3A_2309 = arith.xori %or3A_2308, %eq3A_2289 : vector<128x128xi1>
    %xor3A_2310 = arith.xori %xor3A_2309, %eq3A_1985 : vector<128x128xi1>
    %select_n3A_2311 = arith.select %xor3A_2310, %select_n3A_2302, %select_n3A_2282 : vector<128x128xi1>, vector<128x128xf32>
    %select_n3A_2312 = arith.select %xor3A_2310, %select_n3A_2303, %select_n3A_2283 : vector<128x128xi1>, vector<128x128xi32>
    %and3A_2313 = arith.constant 1 : i32
    %and3A_2314 = vector.broadcast %and3A_2313 : i32 to vector<128x128xi32>
    %and3A_2315 = arith.andi %iota3A_5, %and3A_2314 : vector<128x128xi32>
    %eq3A_2316 = arith.constant 0 : i32
    %eq3A_2317 = vector.broadcast %eq3A_2316 : i32 to vector<128x128xi32>
    %eq3A_2318 = arith.cmpi eq, %and3A_2315, %eq3A_2317 : vector<128x128xi32>
    %slice3A_2319 = vector.extract_strided_slice %select_n3A_2311 {offsets = [0, 1], sizes = [128, 127], strides = [1, 1]} : vector<128x128xf32> to vector<128x127xf32>
    %slice3A_2320 = vector.extract_strided_slice %select_n3A_2311 {offsets = [0, 0], sizes = [128, 1], strides = [1, 1]} : vector<128x128xf32> to vector<128x1xf32>
    %concatenate3A_2321 = tpu.concatenate %slice3A_2319, %slice3A_2320 in 1 : vector<128x127xf32>, vector<128x1xf32> -> vector<128x128xf32>
    %slice3A_2322 = vector.extract_strided_slice %select_n3A_2311 {offsets = [0, 127], sizes = [128, 1], strides = [1, 1]} : vector<128x128xf32> to vector<128x1xf32>
    %slice3A_2323 = vector.extract_strided_slice %select_n3A_2311 {offsets = [0, 0], sizes = [128, 127], strides = [1, 1]} : vector<128x128xf32> to vector<128x127xf32>
    %concatenate3A_2324 = tpu.concatenate %slice3A_2322, %slice3A_2323 in 1 : vector<128x1xf32>, vector<128x127xf32> -> vector<128x128xf32>
    %slice3A_2325 = vector.extract_strided_slice %select_n3A_2312 {offsets = [0, 1], sizes = [128, 127], strides = [1, 1]} : vector<128x128xi32> to vector<128x127xi32>
    %slice3A_2326 = vector.extract_strided_slice %select_n3A_2312 {offsets = [0, 0], sizes = [128, 1], strides = [1, 1]} : vector<128x128xi32> to vector<128x1xi32>
    %concatenate3A_2327 = tpu.concatenate %slice3A_2325, %slice3A_2326 in 1 : vector<128x127xi32>, vector<128x1xi32> -> vector<128x128xi32>
    %slice3A_2328 = vector.extract_strided_slice %select_n3A_2312 {offsets = [0, 127], sizes = [128, 1], strides = [1, 1]} : vector<128x128xi32> to vector<128x1xi32>
    %slice3A_2329 = vector.extract_strided_slice %select_n3A_2312 {offsets = [0, 0], sizes = [128, 127], strides = [1, 1]} : vector<128x128xi32> to vector<128x127xi32>
    %concatenate3A_2330 = tpu.concatenate %slice3A_2328, %slice3A_2329 in 1 : vector<128x1xi32>, vector<128x127xi32> -> vector<128x128xi32>
    %select_n3A_2331 = arith.select %eq3A_2318, %concatenate3A_2321, %concatenate3A_2324 : vector<128x128xi1>, vector<128x128xf32>
    %select_n3A_2332 = arith.select %eq3A_2318, %concatenate3A_2327, %concatenate3A_2330 : vector<128x128xi1>, vector<128x128xi32>
    %gt3A_2333 = arith.cmpf ogt, %select_n3A_2311, %select_n3A_2331 : vector<128x128xf32>
    %eq3A_2334 = arith.cmpf oeq, %select_n3A_2311, %select_n3A_2331 : vector<128x128xf32>
    %gt3A_2335 = arith.cmpi sgt, %select_n3A_2312, %select_n3A_2332 : vector<128x128xi32>
    %and3A_2336 = arith.andi %eq3A_2334, %gt3A_2335 : vector<128x128xi1>
    %or3A_2337 = arith.ori %gt3A_2333, %and3A_2336 : vector<128x128xi1>
    %xor3A_2338 = arith.xori %or3A_2337, %eq3A_2318 : vector<128x128xi1>
    %xor3A_2339 = arith.xori %xor3A_2338, %eq3A_1985 : vector<128x128xi1>
    %select_n3A_2340 = arith.select %xor3A_2339, %select_n3A_2331, %select_n3A_2311 : vector<128x128xi1>, vector<128x128xf32>
    %select_n3A_2341 = arith.select %xor3A_2339, %select_n3A_2332, %select_n3A_2312 : vector<128x128xi1>, vector<128x128xi32>
    %and3A_2342 = arith.constant 8192 : i32
    %and3A_2343 = vector.broadcast %and3A_2342 : i32 to vector<128x128xi32>
    %and3A_2344 = arith.andi %add3A, %and3A_2343 : vector<128x128xi32>
    %eq3A_2345 = arith.constant 0 : i32
    %eq3A_2346 = vector.broadcast %eq3A_2345 : i32 to vector<128x128xi32>
    %eq3A_2347 = arith.cmpi eq, %and3A_2344, %eq3A_2346 : vector<128x128xi32>
    %reshape3A_2348 = vector.shape_cast %select_n3A_2340 : vector<128x128xf32> to vector<2x2x32x128xf32>
    %reshape3A_2349 = vector.shape_cast %select_n3A_2341 : vector<128x128xi32> to vector<2x2x32x128xi32>
    %slice3A_2350 = vector.extract_strided_slice %reshape3A_2348 {offsets = [0, 0, 0, 0], sizes = [2, 1, 32, 128], strides = [1, 1, 1, 1]} : vector<2x2x32x128xf32> to vector<2x1x32x128xf32>
    %squeeze3A_2351 = vector.shape_cast %slice3A_2350 : vector<2x1x32x128xf32> to vector<2x32x128xf32>
    %slice3A_2352 = vector.extract_strided_slice %reshape3A_2348 {offsets = [0, 1, 0, 0], sizes = [2, 1, 32, 128], strides = [1, 1, 1, 1]} : vector<2x2x32x128xf32> to vector<2x1x32x128xf32>
    %squeeze3A_2353 = vector.shape_cast %slice3A_2352 : vector<2x1x32x128xf32> to vector<2x32x128xf32>
    %slice3A_2354 = vector.extract_strided_slice %reshape3A_2349 {offsets = [0, 0, 0, 0], sizes = [2, 1, 32, 128], strides = [1, 1, 1, 1]} : vector<2x2x32x128xi32> to vector<2x1x32x128xi32>
    %squeeze3A_2355 = vector.shape_cast %slice3A_2354 : vector<2x1x32x128xi32> to vector<2x32x128xi32>
    %slice3A_2356 = vector.extract_strided_slice %reshape3A_2349 {offsets = [0, 1, 0, 0], sizes = [2, 1, 32, 128], strides = [1, 1, 1, 1]} : vector<2x2x32x128xi32> to vector<2x1x32x128xi32>
    %squeeze3A_2357 = vector.shape_cast %slice3A_2356 : vector<2x1x32x128xi32> to vector<2x32x128xi32>
    %reshape3A_2358 = vector.shape_cast %eq3A_2347 : vector<128x128xi1> to vector<2x2x32x128xi1>
    %slice3A_2359 = vector.extract_strided_slice %reshape3A_2358 {offsets = [0, 0, 0, 0], sizes = [2, 1, 32, 128], strides = [1, 1, 1, 1]} : vector<2x2x32x128xi1> to vector<2x1x32x128xi1>
    %squeeze3A_2360 = vector.shape_cast %slice3A_2359 : vector<2x1x32x128xi1> to vector<2x32x128xi1>
    %gt3A_2361 = arith.cmpf ogt, %squeeze3A_2351, %squeeze3A_2353 : vector<2x32x128xf32>
    %eq3A_2362 = arith.cmpf oeq, %squeeze3A_2351, %squeeze3A_2353 : vector<2x32x128xf32>
    %gt3A_2363 = arith.cmpi sgt, %squeeze3A_2355, %squeeze3A_2357 : vector<2x32x128xi32>
    %and3A_2364 = arith.andi %eq3A_2362, %gt3A_2363 : vector<2x32x128xi1>
    %or3A_2365 = arith.ori %gt3A_2361, %and3A_2364 : vector<2x32x128xi1>
    %not3A_2366 = arith.constant dense<true> : vector<2x32x128xi1>
    %not3A_2367 = arith.xori %squeeze3A_2360, %not3A_2366 : vector<2x32x128xi1>
    %xor3A_2368 = arith.xori %or3A_2365, %not3A_2367 : vector<2x32x128xi1>
    %select_n3A_2369 = arith.select %xor3A_2368, %squeeze3A_2353, %squeeze3A_2351 : vector<2x32x128xi1>, vector<2x32x128xf32>
    %select_n3A_2370 = arith.select %xor3A_2368, %squeeze3A_2351, %squeeze3A_2353 : vector<2x32x128xi1>, vector<2x32x128xf32>
    %select_n3A_2371 = arith.select %xor3A_2368, %squeeze3A_2357, %squeeze3A_2355 : vector<2x32x128xi1>, vector<2x32x128xi32>
    %select_n3A_2372 = arith.select %xor3A_2368, %squeeze3A_2355, %squeeze3A_2357 : vector<2x32x128xi1>, vector<2x32x128xi32>
    %broadcast_in_dim3A_2373 = vector.shape_cast %select_n3A_2369 : vector<2x32x128xf32> to vector<2x1x32x128xf32>
    %broadcast_in_dim3A_2374 = vector.shape_cast %select_n3A_2370 : vector<2x32x128xf32> to vector<2x1x32x128xf32>
    %concatenate3A_2375 = tpu.concatenate %broadcast_in_dim3A_2373, %broadcast_in_dim3A_2374 in 1 : vector<2x1x32x128xf32>, vector<2x1x32x128xf32> -> vector<2x2x32x128xf32>
    %reshape3A_2376 = vector.shape_cast %concatenate3A_2375 : vector<2x2x32x128xf32> to vector<128x128xf32>
    %broadcast_in_dim3A_2377 = vector.shape_cast %select_n3A_2371 : vector<2x32x128xi32> to vector<2x1x32x128xi32>
    %broadcast_in_dim3A_2378 = vector.shape_cast %select_n3A_2372 : vector<2x32x128xi32> to vector<2x1x32x128xi32>
    %concatenate3A_2379 = tpu.concatenate %broadcast_in_dim3A_2377, %broadcast_in_dim3A_2378 in 1 : vector<2x1x32x128xi32>, vector<2x1x32x128xi32> -> vector<2x2x32x128xi32>
    %reshape3A_2380 = vector.shape_cast %concatenate3A_2379 : vector<2x2x32x128xi32> to vector<128x128xi32>
    %reshape3A_2381 = vector.shape_cast %reshape3A_2376 : vector<128x128xf32> to vector<4x2x16x128xf32>
    %reshape3A_2382 = vector.shape_cast %reshape3A_2380 : vector<128x128xi32> to vector<4x2x16x128xi32>
    %slice3A_2383 = vector.extract_strided_slice %reshape3A_2381 {offsets = [0, 0, 0, 0], sizes = [4, 1, 16, 128], strides = [1, 1, 1, 1]} : vector<4x2x16x128xf32> to vector<4x1x16x128xf32>
    %squeeze3A_2384 = vector.shape_cast %slice3A_2383 : vector<4x1x16x128xf32> to vector<4x16x128xf32>
    %slice3A_2385 = vector.extract_strided_slice %reshape3A_2381 {offsets = [0, 1, 0, 0], sizes = [4, 1, 16, 128], strides = [1, 1, 1, 1]} : vector<4x2x16x128xf32> to vector<4x1x16x128xf32>
    %squeeze3A_2386 = vector.shape_cast %slice3A_2385 : vector<4x1x16x128xf32> to vector<4x16x128xf32>
    %slice3A_2387 = vector.extract_strided_slice %reshape3A_2382 {offsets = [0, 0, 0, 0], sizes = [4, 1, 16, 128], strides = [1, 1, 1, 1]} : vector<4x2x16x128xi32> to vector<4x1x16x128xi32>
    %squeeze3A_2388 = vector.shape_cast %slice3A_2387 : vector<4x1x16x128xi32> to vector<4x16x128xi32>
    %slice3A_2389 = vector.extract_strided_slice %reshape3A_2382 {offsets = [0, 1, 0, 0], sizes = [4, 1, 16, 128], strides = [1, 1, 1, 1]} : vector<4x2x16x128xi32> to vector<4x1x16x128xi32>
    %squeeze3A_2390 = vector.shape_cast %slice3A_2389 : vector<4x1x16x128xi32> to vector<4x16x128xi32>
    %reshape3A_2391 = vector.shape_cast %eq3A_2347 : vector<128x128xi1> to vector<4x2x16x128xi1>
    %slice3A_2392 = vector.extract_strided_slice %reshape3A_2391 {offsets = [0, 0, 0, 0], sizes = [4, 1, 16, 128], strides = [1, 1, 1, 1]} : vector<4x2x16x128xi1> to vector<4x1x16x128xi1>
    %squeeze3A_2393 = vector.shape_cast %slice3A_2392 : vector<4x1x16x128xi1> to vector<4x16x128xi1>
    %gt3A_2394 = arith.cmpf ogt, %squeeze3A_2384, %squeeze3A_2386 : vector<4x16x128xf32>
    %eq3A_2395 = arith.cmpf oeq, %squeeze3A_2384, %squeeze3A_2386 : vector<4x16x128xf32>
    %gt3A_2396 = arith.cmpi sgt, %squeeze3A_2388, %squeeze3A_2390 : vector<4x16x128xi32>
    %and3A_2397 = arith.andi %eq3A_2395, %gt3A_2396 : vector<4x16x128xi1>
    %or3A_2398 = arith.ori %gt3A_2394, %and3A_2397 : vector<4x16x128xi1>
    %not3A_2399 = arith.constant dense<true> : vector<4x16x128xi1>
    %not3A_2400 = arith.xori %squeeze3A_2393, %not3A_2399 : vector<4x16x128xi1>
    %xor3A_2401 = arith.xori %or3A_2398, %not3A_2400 : vector<4x16x128xi1>
    %select_n3A_2402 = arith.select %xor3A_2401, %squeeze3A_2386, %squeeze3A_2384 : vector<4x16x128xi1>, vector<4x16x128xf32>
    %select_n3A_2403 = arith.select %xor3A_2401, %squeeze3A_2384, %squeeze3A_2386 : vector<4x16x128xi1>, vector<4x16x128xf32>
    %select_n3A_2404 = arith.select %xor3A_2401, %squeeze3A_2390, %squeeze3A_2388 : vector<4x16x128xi1>, vector<4x16x128xi32>
    %select_n3A_2405 = arith.select %xor3A_2401, %squeeze3A_2388, %squeeze3A_2390 : vector<4x16x128xi1>, vector<4x16x128xi32>
    %broadcast_in_dim3A_2406 = vector.shape_cast %select_n3A_2402 : vector<4x16x128xf32> to vector<4x1x16x128xf32>
    %broadcast_in_dim3A_2407 = vector.shape_cast %select_n3A_2403 : vector<4x16x128xf32> to vector<4x1x16x128xf32>
    %concatenate3A_2408 = tpu.concatenate %broadcast_in_dim3A_2406, %broadcast_in_dim3A_2407 in 1 : vector<4x1x16x128xf32>, vector<4x1x16x128xf32> -> vector<4x2x16x128xf32>
    %reshape3A_2409 = vector.shape_cast %concatenate3A_2408 : vector<4x2x16x128xf32> to vector<128x128xf32>
    %broadcast_in_dim3A_2410 = vector.shape_cast %select_n3A_2404 : vector<4x16x128xi32> to vector<4x1x16x128xi32>
    %broadcast_in_dim3A_2411 = vector.shape_cast %select_n3A_2405 : vector<4x16x128xi32> to vector<4x1x16x128xi32>
    %concatenate3A_2412 = tpu.concatenate %broadcast_in_dim3A_2410, %broadcast_in_dim3A_2411 in 1 : vector<4x1x16x128xi32>, vector<4x1x16x128xi32> -> vector<4x2x16x128xi32>
    %reshape3A_2413 = vector.shape_cast %concatenate3A_2412 : vector<4x2x16x128xi32> to vector<128x128xi32>
    %reshape3A_2414 = vector.shape_cast %reshape3A_2409 : vector<128x128xf32> to vector<8x2x8x128xf32>
    %reshape3A_2415 = vector.shape_cast %reshape3A_2413 : vector<128x128xi32> to vector<8x2x8x128xi32>
    %slice3A_2416 = vector.extract_strided_slice %reshape3A_2414 {offsets = [0, 0, 0, 0], sizes = [8, 1, 8, 128], strides = [1, 1, 1, 1]} : vector<8x2x8x128xf32> to vector<8x1x8x128xf32>
    %squeeze3A_2417 = vector.shape_cast %slice3A_2416 : vector<8x1x8x128xf32> to vector<8x8x128xf32>
    %slice3A_2418 = vector.extract_strided_slice %reshape3A_2414 {offsets = [0, 1, 0, 0], sizes = [8, 1, 8, 128], strides = [1, 1, 1, 1]} : vector<8x2x8x128xf32> to vector<8x1x8x128xf32>
    %squeeze3A_2419 = vector.shape_cast %slice3A_2418 : vector<8x1x8x128xf32> to vector<8x8x128xf32>
    %slice3A_2420 = vector.extract_strided_slice %reshape3A_2415 {offsets = [0, 0, 0, 0], sizes = [8, 1, 8, 128], strides = [1, 1, 1, 1]} : vector<8x2x8x128xi32> to vector<8x1x8x128xi32>
    %squeeze3A_2421 = vector.shape_cast %slice3A_2420 : vector<8x1x8x128xi32> to vector<8x8x128xi32>
    %slice3A_2422 = vector.extract_strided_slice %reshape3A_2415 {offsets = [0, 1, 0, 0], sizes = [8, 1, 8, 128], strides = [1, 1, 1, 1]} : vector<8x2x8x128xi32> to vector<8x1x8x128xi32>
    %squeeze3A_2423 = vector.shape_cast %slice3A_2422 : vector<8x1x8x128xi32> to vector<8x8x128xi32>
    %reshape3A_2424 = vector.shape_cast %eq3A_2347 : vector<128x128xi1> to vector<8x2x8x128xi1>
    %slice3A_2425 = vector.extract_strided_slice %reshape3A_2424 {offsets = [0, 0, 0, 0], sizes = [8, 1, 8, 128], strides = [1, 1, 1, 1]} : vector<8x2x8x128xi1> to vector<8x1x8x128xi1>
    %squeeze3A_2426 = vector.shape_cast %slice3A_2425 : vector<8x1x8x128xi1> to vector<8x8x128xi1>
    %gt3A_2427 = arith.cmpf ogt, %squeeze3A_2417, %squeeze3A_2419 : vector<8x8x128xf32>
    %eq3A_2428 = arith.cmpf oeq, %squeeze3A_2417, %squeeze3A_2419 : vector<8x8x128xf32>
    %gt3A_2429 = arith.cmpi sgt, %squeeze3A_2421, %squeeze3A_2423 : vector<8x8x128xi32>
    %and3A_2430 = arith.andi %eq3A_2428, %gt3A_2429 : vector<8x8x128xi1>
    %or3A_2431 = arith.ori %gt3A_2427, %and3A_2430 : vector<8x8x128xi1>
    %not3A_2432 = arith.constant dense<true> : vector<8x8x128xi1>
    %not3A_2433 = arith.xori %squeeze3A_2426, %not3A_2432 : vector<8x8x128xi1>
    %xor3A_2434 = arith.xori %or3A_2431, %not3A_2433 : vector<8x8x128xi1>
    %select_n3A_2435 = arith.select %xor3A_2434, %squeeze3A_2419, %squeeze3A_2417 : vector<8x8x128xi1>, vector<8x8x128xf32>
    %select_n3A_2436 = arith.select %xor3A_2434, %squeeze3A_2417, %squeeze3A_2419 : vector<8x8x128xi1>, vector<8x8x128xf32>
    %select_n3A_2437 = arith.select %xor3A_2434, %squeeze3A_2423, %squeeze3A_2421 : vector<8x8x128xi1>, vector<8x8x128xi32>
    %select_n3A_2438 = arith.select %xor3A_2434, %squeeze3A_2421, %squeeze3A_2423 : vector<8x8x128xi1>, vector<8x8x128xi32>
    %broadcast_in_dim3A_2439 = vector.shape_cast %select_n3A_2435 : vector<8x8x128xf32> to vector<8x1x8x128xf32>
    %broadcast_in_dim3A_2440 = vector.shape_cast %select_n3A_2436 : vector<8x8x128xf32> to vector<8x1x8x128xf32>
    %concatenate3A_2441 = tpu.concatenate %broadcast_in_dim3A_2439, %broadcast_in_dim3A_2440 in 1 : vector<8x1x8x128xf32>, vector<8x1x8x128xf32> -> vector<8x2x8x128xf32>
    %reshape3A_2442 = vector.shape_cast %concatenate3A_2441 : vector<8x2x8x128xf32> to vector<128x128xf32>
    %broadcast_in_dim3A_2443 = vector.shape_cast %select_n3A_2437 : vector<8x8x128xi32> to vector<8x1x8x128xi32>
    %broadcast_in_dim3A_2444 = vector.shape_cast %select_n3A_2438 : vector<8x8x128xi32> to vector<8x1x8x128xi32>
    %concatenate3A_2445 = tpu.concatenate %broadcast_in_dim3A_2443, %broadcast_in_dim3A_2444 in 1 : vector<8x1x8x128xi32>, vector<8x1x8x128xi32> -> vector<8x2x8x128xi32>
    %reshape3A_2446 = vector.shape_cast %concatenate3A_2445 : vector<8x2x8x128xi32> to vector<128x128xi32>
    %and3A_2447 = arith.constant 4 : i32
    %and3A_2448 = vector.broadcast %and3A_2447 : i32 to vector<128x128xi32>
    %and3A_2449 = arith.andi %iota3A, %and3A_2448 : vector<128x128xi32>
    %eq3A_2450 = arith.constant 0 : i32
    %eq3A_2451 = vector.broadcast %eq3A_2450 : i32 to vector<128x128xi32>
    %eq3A_2452 = arith.cmpi eq, %and3A_2449, %eq3A_2451 : vector<128x128xi32>
    %slice3A_2453 = vector.extract_strided_slice %reshape3A_2442 {offsets = [4, 0], sizes = [124, 128], strides = [1, 1]} : vector<128x128xf32> to vector<124x128xf32>
    %slice3A_2454 = vector.extract_strided_slice %reshape3A_2442 {offsets = [0, 0], sizes = [4, 128], strides = [1, 1]} : vector<128x128xf32> to vector<4x128xf32>
    %concatenate3A_2455 = tpu.concatenate %slice3A_2453, %slice3A_2454 in 0 : vector<124x128xf32>, vector<4x128xf32> -> vector<128x128xf32>
    %slice3A_2456 = vector.extract_strided_slice %reshape3A_2442 {offsets = [124, 0], sizes = [4, 128], strides = [1, 1]} : vector<128x128xf32> to vector<4x128xf32>
    %slice3A_2457 = vector.extract_strided_slice %reshape3A_2442 {offsets = [0, 0], sizes = [124, 128], strides = [1, 1]} : vector<128x128xf32> to vector<124x128xf32>
    %concatenate3A_2458 = tpu.concatenate %slice3A_2456, %slice3A_2457 in 0 : vector<4x128xf32>, vector<124x128xf32> -> vector<128x128xf32>
    %slice3A_2459 = vector.extract_strided_slice %reshape3A_2446 {offsets = [4, 0], sizes = [124, 128], strides = [1, 1]} : vector<128x128xi32> to vector<124x128xi32>
    %slice3A_2460 = vector.extract_strided_slice %reshape3A_2446 {offsets = [0, 0], sizes = [4, 128], strides = [1, 1]} : vector<128x128xi32> to vector<4x128xi32>
    %concatenate3A_2461 = tpu.concatenate %slice3A_2459, %slice3A_2460 in 0 : vector<124x128xi32>, vector<4x128xi32> -> vector<128x128xi32>
    %slice3A_2462 = vector.extract_strided_slice %reshape3A_2446 {offsets = [124, 0], sizes = [4, 128], strides = [1, 1]} : vector<128x128xi32> to vector<4x128xi32>
    %slice3A_2463 = vector.extract_strided_slice %reshape3A_2446 {offsets = [0, 0], sizes = [124, 128], strides = [1, 1]} : vector<128x128xi32> to vector<124x128xi32>
    %concatenate3A_2464 = tpu.concatenate %slice3A_2462, %slice3A_2463 in 0 : vector<4x128xi32>, vector<124x128xi32> -> vector<128x128xi32>
    %select_n3A_2465 = arith.select %eq3A_2452, %concatenate3A_2455, %concatenate3A_2458 : vector<128x128xi1>, vector<128x128xf32>
    %select_n3A_2466 = arith.select %eq3A_2452, %concatenate3A_2461, %concatenate3A_2464 : vector<128x128xi1>, vector<128x128xi32>
    %gt3A_2467 = arith.cmpf ogt, %reshape3A_2442, %select_n3A_2465 : vector<128x128xf32>
    %eq3A_2468 = arith.cmpf oeq, %reshape3A_2442, %select_n3A_2465 : vector<128x128xf32>
    %gt3A_2469 = arith.cmpi sgt, %reshape3A_2446, %select_n3A_2466 : vector<128x128xi32>
    %and3A_2470 = arith.andi %eq3A_2468, %gt3A_2469 : vector<128x128xi1>
    %or3A_2471 = arith.ori %gt3A_2467, %and3A_2470 : vector<128x128xi1>
    %xor3A_2472 = arith.xori %or3A_2471, %eq3A_2452 : vector<128x128xi1>
    %xor3A_2473 = arith.xori %xor3A_2472, %eq3A_2347 : vector<128x128xi1>
    %select_n3A_2474 = arith.select %xor3A_2473, %select_n3A_2465, %reshape3A_2442 : vector<128x128xi1>, vector<128x128xf32>
    %select_n3A_2475 = arith.select %xor3A_2473, %select_n3A_2466, %reshape3A_2446 : vector<128x128xi1>, vector<128x128xi32>
    %and3A_2476 = arith.constant 2 : i32
    %and3A_2477 = vector.broadcast %and3A_2476 : i32 to vector<128x128xi32>
    %and3A_2478 = arith.andi %iota3A, %and3A_2477 : vector<128x128xi32>
    %eq3A_2479 = arith.constant 0 : i32
    %eq3A_2480 = vector.broadcast %eq3A_2479 : i32 to vector<128x128xi32>
    %eq3A_2481 = arith.cmpi eq, %and3A_2478, %eq3A_2480 : vector<128x128xi32>
    %slice3A_2482 = vector.extract_strided_slice %select_n3A_2474 {offsets = [2, 0], sizes = [126, 128], strides = [1, 1]} : vector<128x128xf32> to vector<126x128xf32>
    %slice3A_2483 = vector.extract_strided_slice %select_n3A_2474 {offsets = [0, 0], sizes = [2, 128], strides = [1, 1]} : vector<128x128xf32> to vector<2x128xf32>
    %concatenate3A_2484 = tpu.concatenate %slice3A_2482, %slice3A_2483 in 0 : vector<126x128xf32>, vector<2x128xf32> -> vector<128x128xf32>
    %slice3A_2485 = vector.extract_strided_slice %select_n3A_2474 {offsets = [126, 0], sizes = [2, 128], strides = [1, 1]} : vector<128x128xf32> to vector<2x128xf32>
    %slice3A_2486 = vector.extract_strided_slice %select_n3A_2474 {offsets = [0, 0], sizes = [126, 128], strides = [1, 1]} : vector<128x128xf32> to vector<126x128xf32>
    %concatenate3A_2487 = tpu.concatenate %slice3A_2485, %slice3A_2486 in 0 : vector<2x128xf32>, vector<126x128xf32> -> vector<128x128xf32>
    %slice3A_2488 = vector.extract_strided_slice %select_n3A_2475 {offsets = [2, 0], sizes = [126, 128], strides = [1, 1]} : vector<128x128xi32> to vector<126x128xi32>
    %slice3A_2489 = vector.extract_strided_slice %select_n3A_2475 {offsets = [0, 0], sizes = [2, 128], strides = [1, 1]} : vector<128x128xi32> to vector<2x128xi32>
    %concatenate3A_2490 = tpu.concatenate %slice3A_2488, %slice3A_2489 in 0 : vector<126x128xi32>, vector<2x128xi32> -> vector<128x128xi32>
    %slice3A_2491 = vector.extract_strided_slice %select_n3A_2475 {offsets = [126, 0], sizes = [2, 128], strides = [1, 1]} : vector<128x128xi32> to vector<2x128xi32>
    %slice3A_2492 = vector.extract_strided_slice %select_n3A_2475 {offsets = [0, 0], sizes = [126, 128], strides = [1, 1]} : vector<128x128xi32> to vector<126x128xi32>
    %concatenate3A_2493 = tpu.concatenate %slice3A_2491, %slice3A_2492 in 0 : vector<2x128xi32>, vector<126x128xi32> -> vector<128x128xi32>
    %select_n3A_2494 = arith.select %eq3A_2481, %concatenate3A_2484, %concatenate3A_2487 : vector<128x128xi1>, vector<128x128xf32>
    %select_n3A_2495 = arith.select %eq3A_2481, %concatenate3A_2490, %concatenate3A_2493 : vector<128x128xi1>, vector<128x128xi32>
    %gt3A_2496 = arith.cmpf ogt, %select_n3A_2474, %select_n3A_2494 : vector<128x128xf32>
    %eq3A_2497 = arith.cmpf oeq, %select_n3A_2474, %select_n3A_2494 : vector<128x128xf32>
    %gt3A_2498 = arith.cmpi sgt, %select_n3A_2475, %select_n3A_2495 : vector<128x128xi32>
    %and3A_2499 = arith.andi %eq3A_2497, %gt3A_2498 : vector<128x128xi1>
    %or3A_2500 = arith.ori %gt3A_2496, %and3A_2499 : vector<128x128xi1>
    %xor3A_2501 = arith.xori %or3A_2500, %eq3A_2481 : vector<128x128xi1>
    %xor3A_2502 = arith.xori %xor3A_2501, %eq3A_2347 : vector<128x128xi1>
    %select_n3A_2503 = arith.select %xor3A_2502, %select_n3A_2494, %select_n3A_2474 : vector<128x128xi1>, vector<128x128xf32>
    %select_n3A_2504 = arith.select %xor3A_2502, %select_n3A_2495, %select_n3A_2475 : vector<128x128xi1>, vector<128x128xi32>
    %and3A_2505 = arith.constant 1 : i32
    %and3A_2506 = vector.broadcast %and3A_2505 : i32 to vector<128x128xi32>
    %and3A_2507 = arith.andi %iota3A, %and3A_2506 : vector<128x128xi32>
    %eq3A_2508 = arith.constant 0 : i32
    %eq3A_2509 = vector.broadcast %eq3A_2508 : i32 to vector<128x128xi32>
    %eq3A_2510 = arith.cmpi eq, %and3A_2507, %eq3A_2509 : vector<128x128xi32>
    %slice3A_2511 = vector.extract_strided_slice %select_n3A_2503 {offsets = [1, 0], sizes = [127, 128], strides = [1, 1]} : vector<128x128xf32> to vector<127x128xf32>
    %slice3A_2512 = vector.extract_strided_slice %select_n3A_2503 {offsets = [0, 0], sizes = [1, 128], strides = [1, 1]} : vector<128x128xf32> to vector<1x128xf32>
    %concatenate3A_2513 = tpu.concatenate %slice3A_2511, %slice3A_2512 in 0 : vector<127x128xf32>, vector<1x128xf32> -> vector<128x128xf32>
    %slice3A_2514 = vector.extract_strided_slice %select_n3A_2503 {offsets = [127, 0], sizes = [1, 128], strides = [1, 1]} : vector<128x128xf32> to vector<1x128xf32>
    %slice3A_2515 = vector.extract_strided_slice %select_n3A_2503 {offsets = [0, 0], sizes = [127, 128], strides = [1, 1]} : vector<128x128xf32> to vector<127x128xf32>
    %concatenate3A_2516 = tpu.concatenate %slice3A_2514, %slice3A_2515 in 0 : vector<1x128xf32>, vector<127x128xf32> -> vector<128x128xf32>
    %slice3A_2517 = vector.extract_strided_slice %select_n3A_2504 {offsets = [1, 0], sizes = [127, 128], strides = [1, 1]} : vector<128x128xi32> to vector<127x128xi32>
    %slice3A_2518 = vector.extract_strided_slice %select_n3A_2504 {offsets = [0, 0], sizes = [1, 128], strides = [1, 1]} : vector<128x128xi32> to vector<1x128xi32>
    %concatenate3A_2519 = tpu.concatenate %slice3A_2517, %slice3A_2518 in 0 : vector<127x128xi32>, vector<1x128xi32> -> vector<128x128xi32>
    %slice3A_2520 = vector.extract_strided_slice %select_n3A_2504 {offsets = [127, 0], sizes = [1, 128], strides = [1, 1]} : vector<128x128xi32> to vector<1x128xi32>
    %slice3A_2521 = vector.extract_strided_slice %select_n3A_2504 {offsets = [0, 0], sizes = [127, 128], strides = [1, 1]} : vector<128x128xi32> to vector<127x128xi32>
    %concatenate3A_2522 = tpu.concatenate %slice3A_2520, %slice3A_2521 in 0 : vector<1x128xi32>, vector<127x128xi32> -> vector<128x128xi32>
    %select_n3A_2523 = arith.select %eq3A_2510, %concatenate3A_2513, %concatenate3A_2516 : vector<128x128xi1>, vector<128x128xf32>
    %select_n3A_2524 = arith.select %eq3A_2510, %concatenate3A_2519, %concatenate3A_2522 : vector<128x128xi1>, vector<128x128xi32>
    %gt3A_2525 = arith.cmpf ogt, %select_n3A_2503, %select_n3A_2523 : vector<128x128xf32>
    %eq3A_2526 = arith.cmpf oeq, %select_n3A_2503, %select_n3A_2523 : vector<128x128xf32>
    %gt3A_2527 = arith.cmpi sgt, %select_n3A_2504, %select_n3A_2524 : vector<128x128xi32>
    %and3A_2528 = arith.andi %eq3A_2526, %gt3A_2527 : vector<128x128xi1>
    %or3A_2529 = arith.ori %gt3A_2525, %and3A_2528 : vector<128x128xi1>
    %xor3A_2530 = arith.xori %or3A_2529, %eq3A_2510 : vector<128x128xi1>
    %xor3A_2531 = arith.xori %xor3A_2530, %eq3A_2347 : vector<128x128xi1>
    %select_n3A_2532 = arith.select %xor3A_2531, %select_n3A_2523, %select_n3A_2503 : vector<128x128xi1>, vector<128x128xf32>
    %select_n3A_2533 = arith.select %xor3A_2531, %select_n3A_2524, %select_n3A_2504 : vector<128x128xi1>, vector<128x128xi32>
    %and3A_2534 = arith.constant 64 : i32
    %and3A_2535 = vector.broadcast %and3A_2534 : i32 to vector<128x128xi32>
    %and3A_2536 = arith.andi %iota3A_5, %and3A_2535 : vector<128x128xi32>
    %eq3A_2537 = arith.constant 0 : i32
    %eq3A_2538 = vector.broadcast %eq3A_2537 : i32 to vector<128x128xi32>
    %eq3A_2539 = arith.cmpi eq, %and3A_2536, %eq3A_2538 : vector<128x128xi32>
    %slice3A_2540 = vector.extract_strided_slice %select_n3A_2532 {offsets = [0, 64], sizes = [128, 64], strides = [1, 1]} : vector<128x128xf32> to vector<128x64xf32>
    %slice3A_2541 = vector.extract_strided_slice %select_n3A_2532 {offsets = [0, 0], sizes = [128, 64], strides = [1, 1]} : vector<128x128xf32> to vector<128x64xf32>
    %concatenate3A_2542 = tpu.concatenate %slice3A_2540, %slice3A_2541 in 1 : vector<128x64xf32>, vector<128x64xf32> -> vector<128x128xf32>
    %slice3A_2543 = vector.extract_strided_slice %select_n3A_2532 {offsets = [0, 64], sizes = [128, 64], strides = [1, 1]} : vector<128x128xf32> to vector<128x64xf32>
    %slice3A_2544 = vector.extract_strided_slice %select_n3A_2532 {offsets = [0, 0], sizes = [128, 64], strides = [1, 1]} : vector<128x128xf32> to vector<128x64xf32>
    %concatenate3A_2545 = tpu.concatenate %slice3A_2543, %slice3A_2544 in 1 : vector<128x64xf32>, vector<128x64xf32> -> vector<128x128xf32>
    %slice3A_2546 = vector.extract_strided_slice %select_n3A_2533 {offsets = [0, 64], sizes = [128, 64], strides = [1, 1]} : vector<128x128xi32> to vector<128x64xi32>
    %slice3A_2547 = vector.extract_strided_slice %select_n3A_2533 {offsets = [0, 0], sizes = [128, 64], strides = [1, 1]} : vector<128x128xi32> to vector<128x64xi32>
    %concatenate3A_2548 = tpu.concatenate %slice3A_2546, %slice3A_2547 in 1 : vector<128x64xi32>, vector<128x64xi32> -> vector<128x128xi32>
    %slice3A_2549 = vector.extract_strided_slice %select_n3A_2533 {offsets = [0, 64], sizes = [128, 64], strides = [1, 1]} : vector<128x128xi32> to vector<128x64xi32>
    %slice3A_2550 = vector.extract_strided_slice %select_n3A_2533 {offsets = [0, 0], sizes = [128, 64], strides = [1, 1]} : vector<128x128xi32> to vector<128x64xi32>
    %concatenate3A_2551 = tpu.concatenate %slice3A_2549, %slice3A_2550 in 1 : vector<128x64xi32>, vector<128x64xi32> -> vector<128x128xi32>
    %select_n3A_2552 = arith.select %eq3A_2539, %concatenate3A_2542, %concatenate3A_2545 : vector<128x128xi1>, vector<128x128xf32>
    %select_n3A_2553 = arith.select %eq3A_2539, %concatenate3A_2548, %concatenate3A_2551 : vector<128x128xi1>, vector<128x128xi32>
    %gt3A_2554 = arith.cmpf ogt, %select_n3A_2532, %select_n3A_2552 : vector<128x128xf32>
    %eq3A_2555 = arith.cmpf oeq, %select_n3A_2532, %select_n3A_2552 : vector<128x128xf32>
    %gt3A_2556 = arith.cmpi sgt, %select_n3A_2533, %select_n3A_2553 : vector<128x128xi32>
    %and3A_2557 = arith.andi %eq3A_2555, %gt3A_2556 : vector<128x128xi1>
    %or3A_2558 = arith.ori %gt3A_2554, %and3A_2557 : vector<128x128xi1>
    %xor3A_2559 = arith.xori %or3A_2558, %eq3A_2539 : vector<128x128xi1>
    %xor3A_2560 = arith.xori %xor3A_2559, %eq3A_2347 : vector<128x128xi1>
    %select_n3A_2561 = arith.select %xor3A_2560, %select_n3A_2552, %select_n3A_2532 : vector<128x128xi1>, vector<128x128xf32>
    %select_n3A_2562 = arith.select %xor3A_2560, %select_n3A_2553, %select_n3A_2533 : vector<128x128xi1>, vector<128x128xi32>
    %and3A_2563 = arith.constant 32 : i32
    %and3A_2564 = vector.broadcast %and3A_2563 : i32 to vector<128x128xi32>
    %and3A_2565 = arith.andi %iota3A_5, %and3A_2564 : vector<128x128xi32>
    %eq3A_2566 = arith.constant 0 : i32
    %eq3A_2567 = vector.broadcast %eq3A_2566 : i32 to vector<128x128xi32>
    %eq3A_2568 = arith.cmpi eq, %and3A_2565, %eq3A_2567 : vector<128x128xi32>
    %slice3A_2569 = vector.extract_strided_slice %select_n3A_2561 {offsets = [0, 32], sizes = [128, 96], strides = [1, 1]} : vector<128x128xf32> to vector<128x96xf32>
    %slice3A_2570 = vector.extract_strided_slice %select_n3A_2561 {offsets = [0, 0], sizes = [128, 32], strides = [1, 1]} : vector<128x128xf32> to vector<128x32xf32>
    %concatenate3A_2571 = tpu.concatenate %slice3A_2569, %slice3A_2570 in 1 : vector<128x96xf32>, vector<128x32xf32> -> vector<128x128xf32>
    %slice3A_2572 = vector.extract_strided_slice %select_n3A_2561 {offsets = [0, 96], sizes = [128, 32], strides = [1, 1]} : vector<128x128xf32> to vector<128x32xf32>
    %slice3A_2573 = vector.extract_strided_slice %select_n3A_2561 {offsets = [0, 0], sizes = [128, 96], strides = [1, 1]} : vector<128x128xf32> to vector<128x96xf32>
    %concatenate3A_2574 = tpu.concatenate %slice3A_2572, %slice3A_2573 in 1 : vector<128x32xf32>, vector<128x96xf32> -> vector<128x128xf32>
    %slice3A_2575 = vector.extract_strided_slice %select_n3A_2562 {offsets = [0, 32], sizes = [128, 96], strides = [1, 1]} : vector<128x128xi32> to vector<128x96xi32>
    %slice3A_2576 = vector.extract_strided_slice %select_n3A_2562 {offsets = [0, 0], sizes = [128, 32], strides = [1, 1]} : vector<128x128xi32> to vector<128x32xi32>
    %concatenate3A_2577 = tpu.concatenate %slice3A_2575, %slice3A_2576 in 1 : vector<128x96xi32>, vector<128x32xi32> -> vector<128x128xi32>
    %slice3A_2578 = vector.extract_strided_slice %select_n3A_2562 {offsets = [0, 96], sizes = [128, 32], strides = [1, 1]} : vector<128x128xi32> to vector<128x32xi32>
    %slice3A_2579 = vector.extract_strided_slice %select_n3A_2562 {offsets = [0, 0], sizes = [128, 96], strides = [1, 1]} : vector<128x128xi32> to vector<128x96xi32>
    %concatenate3A_2580 = tpu.concatenate %slice3A_2578, %slice3A_2579 in 1 : vector<128x32xi32>, vector<128x96xi32> -> vector<128x128xi32>
    %select_n3A_2581 = arith.select %eq3A_2568, %concatenate3A_2571, %concatenate3A_2574 : vector<128x128xi1>, vector<128x128xf32>
    %select_n3A_2582 = arith.select %eq3A_2568, %concatenate3A_2577, %concatenate3A_2580 : vector<128x128xi1>, vector<128x128xi32>
    %gt3A_2583 = arith.cmpf ogt, %select_n3A_2561, %select_n3A_2581 : vector<128x128xf32>
    %eq3A_2584 = arith.cmpf oeq, %select_n3A_2561, %select_n3A_2581 : vector<128x128xf32>
    %gt3A_2585 = arith.cmpi sgt, %select_n3A_2562, %select_n3A_2582 : vector<128x128xi32>
    %and3A_2586 = arith.andi %eq3A_2584, %gt3A_2585 : vector<128x128xi1>
    %or3A_2587 = arith.ori %gt3A_2583, %and3A_2586 : vector<128x128xi1>
    %xor3A_2588 = arith.xori %or3A_2587, %eq3A_2568 : vector<128x128xi1>
    %xor3A_2589 = arith.xori %xor3A_2588, %eq3A_2347 : vector<128x128xi1>
    %select_n3A_2590 = arith.select %xor3A_2589, %select_n3A_2581, %select_n3A_2561 : vector<128x128xi1>, vector<128x128xf32>
    %select_n3A_2591 = arith.select %xor3A_2589, %select_n3A_2582, %select_n3A_2562 : vector<128x128xi1>, vector<128x128xi32>
    %and3A_2592 = arith.constant 16 : i32
    %and3A_2593 = vector.broadcast %and3A_2592 : i32 to vector<128x128xi32>
    %and3A_2594 = arith.andi %iota3A_5, %and3A_2593 : vector<128x128xi32>
    %eq3A_2595 = arith.constant 0 : i32
    %eq3A_2596 = vector.broadcast %eq3A_2595 : i32 to vector<128x128xi32>
    %eq3A_2597 = arith.cmpi eq, %and3A_2594, %eq3A_2596 : vector<128x128xi32>
    %slice3A_2598 = vector.extract_strided_slice %select_n3A_2590 {offsets = [0, 16], sizes = [128, 112], strides = [1, 1]} : vector<128x128xf32> to vector<128x112xf32>
    %slice3A_2599 = vector.extract_strided_slice %select_n3A_2590 {offsets = [0, 0], sizes = [128, 16], strides = [1, 1]} : vector<128x128xf32> to vector<128x16xf32>
    %concatenate3A_2600 = tpu.concatenate %slice3A_2598, %slice3A_2599 in 1 : vector<128x112xf32>, vector<128x16xf32> -> vector<128x128xf32>
    %slice3A_2601 = vector.extract_strided_slice %select_n3A_2590 {offsets = [0, 112], sizes = [128, 16], strides = [1, 1]} : vector<128x128xf32> to vector<128x16xf32>
    %slice3A_2602 = vector.extract_strided_slice %select_n3A_2590 {offsets = [0, 0], sizes = [128, 112], strides = [1, 1]} : vector<128x128xf32> to vector<128x112xf32>
    %concatenate3A_2603 = tpu.concatenate %slice3A_2601, %slice3A_2602 in 1 : vector<128x16xf32>, vector<128x112xf32> -> vector<128x128xf32>
    %slice3A_2604 = vector.extract_strided_slice %select_n3A_2591 {offsets = [0, 16], sizes = [128, 112], strides = [1, 1]} : vector<128x128xi32> to vector<128x112xi32>
    %slice3A_2605 = vector.extract_strided_slice %select_n3A_2591 {offsets = [0, 0], sizes = [128, 16], strides = [1, 1]} : vector<128x128xi32> to vector<128x16xi32>
    %concatenate3A_2606 = tpu.concatenate %slice3A_2604, %slice3A_2605 in 1 : vector<128x112xi32>, vector<128x16xi32> -> vector<128x128xi32>
    %slice3A_2607 = vector.extract_strided_slice %select_n3A_2591 {offsets = [0, 112], sizes = [128, 16], strides = [1, 1]} : vector<128x128xi32> to vector<128x16xi32>
    %slice3A_2608 = vector.extract_strided_slice %select_n3A_2591 {offsets = [0, 0], sizes = [128, 112], strides = [1, 1]} : vector<128x128xi32> to vector<128x112xi32>
    %concatenate3A_2609 = tpu.concatenate %slice3A_2607, %slice3A_2608 in 1 : vector<128x16xi32>, vector<128x112xi32> -> vector<128x128xi32>
    %select_n3A_2610 = arith.select %eq3A_2597, %concatenate3A_2600, %concatenate3A_2603 : vector<128x128xi1>, vector<128x128xf32>
    %select_n3A_2611 = arith.select %eq3A_2597, %concatenate3A_2606, %concatenate3A_2609 : vector<128x128xi1>, vector<128x128xi32>
    %gt3A_2612 = arith.cmpf ogt, %select_n3A_2590, %select_n3A_2610 : vector<128x128xf32>
    %eq3A_2613 = arith.cmpf oeq, %select_n3A_2590, %select_n3A_2610 : vector<128x128xf32>
    %gt3A_2614 = arith.cmpi sgt, %select_n3A_2591, %select_n3A_2611 : vector<128x128xi32>
    %and3A_2615 = arith.andi %eq3A_2613, %gt3A_2614 : vector<128x128xi1>
    %or3A_2616 = arith.ori %gt3A_2612, %and3A_2615 : vector<128x128xi1>
    %xor3A_2617 = arith.xori %or3A_2616, %eq3A_2597 : vector<128x128xi1>
    %xor3A_2618 = arith.xori %xor3A_2617, %eq3A_2347 : vector<128x128xi1>
    %select_n3A_2619 = arith.select %xor3A_2618, %select_n3A_2610, %select_n3A_2590 : vector<128x128xi1>, vector<128x128xf32>
    %select_n3A_2620 = arith.select %xor3A_2618, %select_n3A_2611, %select_n3A_2591 : vector<128x128xi1>, vector<128x128xi32>
    %and3A_2621 = arith.constant 8 : i32
    %and3A_2622 = vector.broadcast %and3A_2621 : i32 to vector<128x128xi32>
    %and3A_2623 = arith.andi %iota3A_5, %and3A_2622 : vector<128x128xi32>
    %eq3A_2624 = arith.constant 0 : i32
    %eq3A_2625 = vector.broadcast %eq3A_2624 : i32 to vector<128x128xi32>
    %eq3A_2626 = arith.cmpi eq, %and3A_2623, %eq3A_2625 : vector<128x128xi32>
    %slice3A_2627 = vector.extract_strided_slice %select_n3A_2619 {offsets = [0, 8], sizes = [128, 120], strides = [1, 1]} : vector<128x128xf32> to vector<128x120xf32>
    %slice3A_2628 = vector.extract_strided_slice %select_n3A_2619 {offsets = [0, 0], sizes = [128, 8], strides = [1, 1]} : vector<128x128xf32> to vector<128x8xf32>
    %concatenate3A_2629 = tpu.concatenate %slice3A_2627, %slice3A_2628 in 1 : vector<128x120xf32>, vector<128x8xf32> -> vector<128x128xf32>
    %slice3A_2630 = vector.extract_strided_slice %select_n3A_2619 {offsets = [0, 120], sizes = [128, 8], strides = [1, 1]} : vector<128x128xf32> to vector<128x8xf32>
    %slice3A_2631 = vector.extract_strided_slice %select_n3A_2619 {offsets = [0, 0], sizes = [128, 120], strides = [1, 1]} : vector<128x128xf32> to vector<128x120xf32>
    %concatenate3A_2632 = tpu.concatenate %slice3A_2630, %slice3A_2631 in 1 : vector<128x8xf32>, vector<128x120xf32> -> vector<128x128xf32>
    %slice3A_2633 = vector.extract_strided_slice %select_n3A_2620 {offsets = [0, 8], sizes = [128, 120], strides = [1, 1]} : vector<128x128xi32> to vector<128x120xi32>
    %slice3A_2634 = vector.extract_strided_slice %select_n3A_2620 {offsets = [0, 0], sizes = [128, 8], strides = [1, 1]} : vector<128x128xi32> to vector<128x8xi32>
    %concatenate3A_2635 = tpu.concatenate %slice3A_2633, %slice3A_2634 in 1 : vector<128x120xi32>, vector<128x8xi32> -> vector<128x128xi32>
    %slice3A_2636 = vector.extract_strided_slice %select_n3A_2620 {offsets = [0, 120], sizes = [128, 8], strides = [1, 1]} : vector<128x128xi32> to vector<128x8xi32>
    %slice3A_2637 = vector.extract_strided_slice %select_n3A_2620 {offsets = [0, 0], sizes = [128, 120], strides = [1, 1]} : vector<128x128xi32> to vector<128x120xi32>
    %concatenate3A_2638 = tpu.concatenate %slice3A_2636, %slice3A_2637 in 1 : vector<128x8xi32>, vector<128x120xi32> -> vector<128x128xi32>
    %select_n3A_2639 = arith.select %eq3A_2626, %concatenate3A_2629, %concatenate3A_2632 : vector<128x128xi1>, vector<128x128xf32>
    %select_n3A_2640 = arith.select %eq3A_2626, %concatenate3A_2635, %concatenate3A_2638 : vector<128x128xi1>, vector<128x128xi32>
    %gt3A_2641 = arith.cmpf ogt, %select_n3A_2619, %select_n3A_2639 : vector<128x128xf32>
    %eq3A_2642 = arith.cmpf oeq, %select_n3A_2619, %select_n3A_2639 : vector<128x128xf32>
    %gt3A_2643 = arith.cmpi sgt, %select_n3A_2620, %select_n3A_2640 : vector<128x128xi32>
    %and3A_2644 = arith.andi %eq3A_2642, %gt3A_2643 : vector<128x128xi1>
    %or3A_2645 = arith.ori %gt3A_2641, %and3A_2644 : vector<128x128xi1>
    %xor3A_2646 = arith.xori %or3A_2645, %eq3A_2626 : vector<128x128xi1>
    %xor3A_2647 = arith.xori %xor3A_2646, %eq3A_2347 : vector<128x128xi1>
    %select_n3A_2648 = arith.select %xor3A_2647, %select_n3A_2639, %select_n3A_2619 : vector<128x128xi1>, vector<128x128xf32>
    %select_n3A_2649 = arith.select %xor3A_2647, %select_n3A_2640, %select_n3A_2620 : vector<128x128xi1>, vector<128x128xi32>
    %and3A_2650 = arith.constant 4 : i32
    %and3A_2651 = vector.broadcast %and3A_2650 : i32 to vector<128x128xi32>
    %and3A_2652 = arith.andi %iota3A_5, %and3A_2651 : vector<128x128xi32>
    %eq3A_2653 = arith.constant 0 : i32
    %eq3A_2654 = vector.broadcast %eq3A_2653 : i32 to vector<128x128xi32>
    %eq3A_2655 = arith.cmpi eq, %and3A_2652, %eq3A_2654 : vector<128x128xi32>
    %slice3A_2656 = vector.extract_strided_slice %select_n3A_2648 {offsets = [0, 4], sizes = [128, 124], strides = [1, 1]} : vector<128x128xf32> to vector<128x124xf32>
    %slice3A_2657 = vector.extract_strided_slice %select_n3A_2648 {offsets = [0, 0], sizes = [128, 4], strides = [1, 1]} : vector<128x128xf32> to vector<128x4xf32>
    %concatenate3A_2658 = tpu.concatenate %slice3A_2656, %slice3A_2657 in 1 : vector<128x124xf32>, vector<128x4xf32> -> vector<128x128xf32>
    %slice3A_2659 = vector.extract_strided_slice %select_n3A_2648 {offsets = [0, 124], sizes = [128, 4], strides = [1, 1]} : vector<128x128xf32> to vector<128x4xf32>
    %slice3A_2660 = vector.extract_strided_slice %select_n3A_2648 {offsets = [0, 0], sizes = [128, 124], strides = [1, 1]} : vector<128x128xf32> to vector<128x124xf32>
    %concatenate3A_2661 = tpu.concatenate %slice3A_2659, %slice3A_2660 in 1 : vector<128x4xf32>, vector<128x124xf32> -> vector<128x128xf32>
    %slice3A_2662 = vector.extract_strided_slice %select_n3A_2649 {offsets = [0, 4], sizes = [128, 124], strides = [1, 1]} : vector<128x128xi32> to vector<128x124xi32>
    %slice3A_2663 = vector.extract_strided_slice %select_n3A_2649 {offsets = [0, 0], sizes = [128, 4], strides = [1, 1]} : vector<128x128xi32> to vector<128x4xi32>
    %concatenate3A_2664 = tpu.concatenate %slice3A_2662, %slice3A_2663 in 1 : vector<128x124xi32>, vector<128x4xi32> -> vector<128x128xi32>
    %slice3A_2665 = vector.extract_strided_slice %select_n3A_2649 {offsets = [0, 124], sizes = [128, 4], strides = [1, 1]} : vector<128x128xi32> to vector<128x4xi32>
    %slice3A_2666 = vector.extract_strided_slice %select_n3A_2649 {offsets = [0, 0], sizes = [128, 124], strides = [1, 1]} : vector<128x128xi32> to vector<128x124xi32>
    %concatenate3A_2667 = tpu.concatenate %slice3A_2665, %slice3A_2666 in 1 : vector<128x4xi32>, vector<128x124xi32> -> vector<128x128xi32>
    %select_n3A_2668 = arith.select %eq3A_2655, %concatenate3A_2658, %concatenate3A_2661 : vector<128x128xi1>, vector<128x128xf32>
    %select_n3A_2669 = arith.select %eq3A_2655, %concatenate3A_2664, %concatenate3A_2667 : vector<128x128xi1>, vector<128x128xi32>
    %gt3A_2670 = arith.cmpf ogt, %select_n3A_2648, %select_n3A_2668 : vector<128x128xf32>
    %eq3A_2671 = arith.cmpf oeq, %select_n3A_2648, %select_n3A_2668 : vector<128x128xf32>
    %gt3A_2672 = arith.cmpi sgt, %select_n3A_2649, %select_n3A_2669 : vector<128x128xi32>
    %and3A_2673 = arith.andi %eq3A_2671, %gt3A_2672 : vector<128x128xi1>
    %or3A_2674 = arith.ori %gt3A_2670, %and3A_2673 : vector<128x128xi1>
    %xor3A_2675 = arith.xori %or3A_2674, %eq3A_2655 : vector<128x128xi1>
    %xor3A_2676 = arith.xori %xor3A_2675, %eq3A_2347 : vector<128x128xi1>
    %select_n3A_2677 = arith.select %xor3A_2676, %select_n3A_2668, %select_n3A_2648 : vector<128x128xi1>, vector<128x128xf32>
    %select_n3A_2678 = arith.select %xor3A_2676, %select_n3A_2669, %select_n3A_2649 : vector<128x128xi1>, vector<128x128xi32>
    %and3A_2679 = arith.constant 2 : i32
    %and3A_2680 = vector.broadcast %and3A_2679 : i32 to vector<128x128xi32>
    %and3A_2681 = arith.andi %iota3A_5, %and3A_2680 : vector<128x128xi32>
    %eq3A_2682 = arith.constant 0 : i32
    %eq3A_2683 = vector.broadcast %eq3A_2682 : i32 to vector<128x128xi32>
    %eq3A_2684 = arith.cmpi eq, %and3A_2681, %eq3A_2683 : vector<128x128xi32>
    %slice3A_2685 = vector.extract_strided_slice %select_n3A_2677 {offsets = [0, 2], sizes = [128, 126], strides = [1, 1]} : vector<128x128xf32> to vector<128x126xf32>
    %slice3A_2686 = vector.extract_strided_slice %select_n3A_2677 {offsets = [0, 0], sizes = [128, 2], strides = [1, 1]} : vector<128x128xf32> to vector<128x2xf32>
    %concatenate3A_2687 = tpu.concatenate %slice3A_2685, %slice3A_2686 in 1 : vector<128x126xf32>, vector<128x2xf32> -> vector<128x128xf32>
    %slice3A_2688 = vector.extract_strided_slice %select_n3A_2677 {offsets = [0, 126], sizes = [128, 2], strides = [1, 1]} : vector<128x128xf32> to vector<128x2xf32>
    %slice3A_2689 = vector.extract_strided_slice %select_n3A_2677 {offsets = [0, 0], sizes = [128, 126], strides = [1, 1]} : vector<128x128xf32> to vector<128x126xf32>
    %concatenate3A_2690 = tpu.concatenate %slice3A_2688, %slice3A_2689 in 1 : vector<128x2xf32>, vector<128x126xf32> -> vector<128x128xf32>
    %slice3A_2691 = vector.extract_strided_slice %select_n3A_2678 {offsets = [0, 2], sizes = [128, 126], strides = [1, 1]} : vector<128x128xi32> to vector<128x126xi32>
    %slice3A_2692 = vector.extract_strided_slice %select_n3A_2678 {offsets = [0, 0], sizes = [128, 2], strides = [1, 1]} : vector<128x128xi32> to vector<128x2xi32>
    %concatenate3A_2693 = tpu.concatenate %slice3A_2691, %slice3A_2692 in 1 : vector<128x126xi32>, vector<128x2xi32> -> vector<128x128xi32>
    %slice3A_2694 = vector.extract_strided_slice %select_n3A_2678 {offsets = [0, 126], sizes = [128, 2], strides = [1, 1]} : vector<128x128xi32> to vector<128x2xi32>
    %slice3A_2695 = vector.extract_strided_slice %select_n3A_2678 {offsets = [0, 0], sizes = [128, 126], strides = [1, 1]} : vector<128x128xi32> to vector<128x126xi32>
    %concatenate3A_2696 = tpu.concatenate %slice3A_2694, %slice3A_2695 in 1 : vector<128x2xi32>, vector<128x126xi32> -> vector<128x128xi32>
    %select_n3A_2697 = arith.select %eq3A_2684, %concatenate3A_2687, %concatenate3A_2690 : vector<128x128xi1>, vector<128x128xf32>
    %select_n3A_2698 = arith.select %eq3A_2684, %concatenate3A_2693, %concatenate3A_2696 : vector<128x128xi1>, vector<128x128xi32>
    %gt3A_2699 = arith.cmpf ogt, %select_n3A_2677, %select_n3A_2697 : vector<128x128xf32>
    %eq3A_2700 = arith.cmpf oeq, %select_n3A_2677, %select_n3A_2697 : vector<128x128xf32>
    %gt3A_2701 = arith.cmpi sgt, %select_n3A_2678, %select_n3A_2698 : vector<128x128xi32>
    %and3A_2702 = arith.andi %eq3A_2700, %gt3A_2701 : vector<128x128xi1>
    %or3A_2703 = arith.ori %gt3A_2699, %and3A_2702 : vector<128x128xi1>
    %xor3A_2704 = arith.xori %or3A_2703, %eq3A_2684 : vector<128x128xi1>
    %xor3A_2705 = arith.xori %xor3A_2704, %eq3A_2347 : vector<128x128xi1>
    %select_n3A_2706 = arith.select %xor3A_2705, %select_n3A_2697, %select_n3A_2677 : vector<128x128xi1>, vector<128x128xf32>
    %select_n3A_2707 = arith.select %xor3A_2705, %select_n3A_2698, %select_n3A_2678 : vector<128x128xi1>, vector<128x128xi32>
    %and3A_2708 = arith.constant 1 : i32
    %and3A_2709 = vector.broadcast %and3A_2708 : i32 to vector<128x128xi32>
    %and3A_2710 = arith.andi %iota3A_5, %and3A_2709 : vector<128x128xi32>
    %eq3A_2711 = arith.constant 0 : i32
    %eq3A_2712 = vector.broadcast %eq3A_2711 : i32 to vector<128x128xi32>
    %eq3A_2713 = arith.cmpi eq, %and3A_2710, %eq3A_2712 : vector<128x128xi32>
    %slice3A_2714 = vector.extract_strided_slice %select_n3A_2706 {offsets = [0, 1], sizes = [128, 127], strides = [1, 1]} : vector<128x128xf32> to vector<128x127xf32>
    %slice3A_2715 = vector.extract_strided_slice %select_n3A_2706 {offsets = [0, 0], sizes = [128, 1], strides = [1, 1]} : vector<128x128xf32> to vector<128x1xf32>
    %concatenate3A_2716 = tpu.concatenate %slice3A_2714, %slice3A_2715 in 1 : vector<128x127xf32>, vector<128x1xf32> -> vector<128x128xf32>
    %slice3A_2717 = vector.extract_strided_slice %select_n3A_2706 {offsets = [0, 127], sizes = [128, 1], strides = [1, 1]} : vector<128x128xf32> to vector<128x1xf32>
    %slice3A_2718 = vector.extract_strided_slice %select_n3A_2706 {offsets = [0, 0], sizes = [128, 127], strides = [1, 1]} : vector<128x128xf32> to vector<128x127xf32>
    %concatenate3A_2719 = tpu.concatenate %slice3A_2717, %slice3A_2718 in 1 : vector<128x1xf32>, vector<128x127xf32> -> vector<128x128xf32>
    %slice3A_2720 = vector.extract_strided_slice %select_n3A_2707 {offsets = [0, 1], sizes = [128, 127], strides = [1, 1]} : vector<128x128xi32> to vector<128x127xi32>
    %slice3A_2721 = vector.extract_strided_slice %select_n3A_2707 {offsets = [0, 0], sizes = [128, 1], strides = [1, 1]} : vector<128x128xi32> to vector<128x1xi32>
    %concatenate3A_2722 = tpu.concatenate %slice3A_2720, %slice3A_2721 in 1 : vector<128x127xi32>, vector<128x1xi32> -> vector<128x128xi32>
    %slice3A_2723 = vector.extract_strided_slice %select_n3A_2707 {offsets = [0, 127], sizes = [128, 1], strides = [1, 1]} : vector<128x128xi32> to vector<128x1xi32>
    %slice3A_2724 = vector.extract_strided_slice %select_n3A_2707 {offsets = [0, 0], sizes = [128, 127], strides = [1, 1]} : vector<128x128xi32> to vector<128x127xi32>
    %concatenate3A_2725 = tpu.concatenate %slice3A_2723, %slice3A_2724 in 1 : vector<128x1xi32>, vector<128x127xi32> -> vector<128x128xi32>
    %select_n3A_2726 = arith.select %eq3A_2713, %concatenate3A_2716, %concatenate3A_2719 : vector<128x128xi1>, vector<128x128xf32>
    %select_n3A_2727 = arith.select %eq3A_2713, %concatenate3A_2722, %concatenate3A_2725 : vector<128x128xi1>, vector<128x128xi32>
    %gt3A_2728 = arith.cmpf ogt, %select_n3A_2706, %select_n3A_2726 : vector<128x128xf32>
    %eq3A_2729 = arith.cmpf oeq, %select_n3A_2706, %select_n3A_2726 : vector<128x128xf32>
    %gt3A_2730 = arith.cmpi sgt, %select_n3A_2707, %select_n3A_2727 : vector<128x128xi32>
    %and3A_2731 = arith.andi %eq3A_2729, %gt3A_2730 : vector<128x128xi1>
    %or3A_2732 = arith.ori %gt3A_2728, %and3A_2731 : vector<128x128xi1>
    %xor3A_2733 = arith.xori %or3A_2732, %eq3A_2713 : vector<128x128xi1>
    %xor3A_2734 = arith.xori %xor3A_2733, %eq3A_2347 : vector<128x128xi1>
    %select_n3A_2735 = arith.select %xor3A_2734, %select_n3A_2726, %select_n3A_2706 : vector<128x128xi1>, vector<128x128xf32>
    %select_n3A_2736 = arith.select %xor3A_2734, %select_n3A_2727, %select_n3A_2707 : vector<128x128xi1>, vector<128x128xi32>
    %swap3A = arith.constant 0 : index
    %swap3A_2737 = arith.constant 0 : index
    %swap3A_2738 = vector.load %arg3[%swap3A, %swap3A_2737] : memref<128x128xf32, #tpu.memory_space<vmem>>, vector<128x128xf32>
    tpu.vector_store %arg3[%swap3A, %swap3A_2737], %select_n3A_2735 {strides = array<i32>} : memref<128x128xf32, #tpu.memory_space<vmem>>, vector<128x128xf32>,
    %swap3A_2739 = arith.constant 0 : index
    %swap3A_2740 = arith.constant 0 : index
    %swap3A_2741 = vector.load %arg4[%swap3A_2739, %swap3A_2740] : memref<128x128xi32, #tpu.memory_space<vmem>>, vector<128x128xi32>
    tpu.vector_store %arg4[%swap3A_2739, %swap3A_2740], %select_n3A_2736 {strides = array<i32>} : memref<128x128xi32, #tpu.memory_space<vmem>>, vector<128x128xi32>,
    return
  }
  func.func @transform_0(%arg0: i32) -> (i32, i32) {
    %c0_i32 = arith.constant 0 : i32
    %c0_i32_0 = arith.constant 0 : i32
    return %arg0, %c0_i32 : i32, i32
  }
  func.func @transform_1(%arg0: i32) -> (i32, i32) {
    %c0_i32 = arith.constant 0 : i32
    %c0_i32_0 = arith.constant 0 : i32
    return %arg0, %c0_i32 : i32, i32
  }
  func.func @transform_2(%arg0: i32) -> (i32, i32) {
    %c0_i32 = arith.constant 0 : i32
    %c0_i32_0 = arith.constant 0 : i32
    return %arg0, %c0_i32 : i32, i32
  }
  func.func @transform_3(%arg0: i32) -> (i32, i32) {
    %c0_i32 = arith.constant 0 : i32
    %c0_i32_0 = arith.constant 0 : i32
    return %arg0, %c0_i32 : i32, i32
  }
}

module attributes {stable_mosaic.version = 14 : i64} {
  func.func @_localdyn_body(%arg0: i32, %arg1: memref<1xi32, #tpu.memory_space<smem>>, %arg2: memref<128x128xf32, #tpu.memory_space<vmem>>, %arg3: memref<128x128xi32, #tpu.memory_space<vmem>>, %arg4: memref<128x128xf32, #tpu.memory_space<vmem>>, %arg5: memref<128x128xi32, #tpu.memory_space<vmem>>) attributes {dimension_semantics = [#tpu.dimension_semantics<arbitrary>], iteration_bounds = array<i64: 64>, scalar_prefetch = 0 : i64, scratch_operands = 0 : i64, tpu.core_type = #tpu.core_type<tc>, window_params = [{transform_indices = @transform_0, window_bounds = array<i64: 1>}, {transform_indices = @transform_1, window_bounds = array<i64: 128, 128>}, {transform_indices = @transform_2, window_bounds = array<i64: 128, 128>}, {transform_indices = @transform_3, window_bounds = array<i64: 128, 128>}, {transform_indices = @transform_4, window_bounds = array<i64: 128, 128>}]} {
    %get3A = arith.constant 0 : index
    %get3A_0 = arith.constant 0 : index
    %get3A_1 = vector.load %arg2[%get3A, %get3A_0] : memref<128x128xf32, #tpu.memory_space<vmem>>, vector<128x128xf32>
    %get3A_2 = arith.constant 0 : index
    %get3A_3 = arith.constant 0 : index
    %get3A_4 = vector.load %arg3[%get3A_2, %get3A_3] : memref<128x128xi32, #tpu.memory_space<vmem>>, vector<128x128xi32>
    %get3A_5 = arith.constant 0 : index
    %get3A_6 = memref.load %arg1[%get3A_5] : memref<1xi32, #tpu.memory_space<smem>>
    %iota3A = tpu.iota {dimensions = array<i32: 0>} : vector<128x128xi32>
    %iota3A_7 = tpu.iota {dimensions = array<i32: 1>} : vector<128x128xi32>
    %mul3A = arith.constant 128 : i32
    %mul3A_8 = arith.muli %arg0, %mul3A : i32
    %add3A = vector.broadcast %mul3A_8 : i32 to vector<128x128xi32>
    %add3A_9 = arith.addi %add3A, %iota3A : vector<128x128xi32>
    %mul3A_10 = arith.constant 128 : i32
    %mul3A_11 = vector.broadcast %mul3A_10 : i32 to vector<128x128xi32>
    %mul3A_12 = arith.muli %add3A_9, %mul3A_11 : vector<128x128xi32>
    %add3A_13 = arith.addi %mul3A_12, %iota3A_7 : vector<128x128xi32>
    %shift_right_arithmetic3A = vector.broadcast %get3A_6 : i32 to vector<128x128xi32>
    %shift_right_arithmetic3A_14 = arith.shrsi %add3A_13, %shift_right_arithmetic3A : vector<128x128xi32>
    %and3A = arith.constant 1 : i32
    %and3A_15 = vector.broadcast %and3A : i32 to vector<128x128xi32>
    %and3A_16 = arith.andi %shift_right_arithmetic3A_14, %and3A_15 : vector<128x128xi32>
    %eq3A = arith.constant 0 : i32
    %eq3A_17 = vector.broadcast %eq3A : i32 to vector<128x128xi32>
    %eq3A_18 = arith.cmpi eq, %and3A_16, %eq3A_17 : vector<128x128xi32>
    %gt3A = arith.constant 13 : i32
    %gt3A_19 = arith.cmpi sgt, %get3A_6, %gt3A : i32
    %broadcast_in_dim3A = arith.constant true
    %broadcast_in_dim3A_20 = vector.broadcast %broadcast_in_dim3A : i1 to vector<128x128xi1>
    %and3A_21 = vector.broadcast %gt3A_19 : i1 to vector<128x128xi1>
    %and3A_22 = arith.andi %and3A_21, %broadcast_in_dim3A_20 : vector<128x128xi1>
    %reshape3A = vector.shape_cast %get3A_1 : vector<128x128xf32> to vector<1x2x64x128xf32>
    %reshape3A_23 = vector.shape_cast %get3A_4 : vector<128x128xi32> to vector<1x2x64x128xi32>
    %slice3A = vector.extract_strided_slice %reshape3A {offsets = [0, 0, 0, 0], sizes = [1, 1, 64, 128], strides = [1, 1, 1, 1]} : vector<1x2x64x128xf32> to vector<1x1x64x128xf32>
    %squeeze3A = vector.shape_cast %slice3A : vector<1x1x64x128xf32> to vector<1x64x128xf32>
    %slice3A_24 = vector.extract_strided_slice %reshape3A {offsets = [0, 1, 0, 0], sizes = [1, 1, 64, 128], strides = [1, 1, 1, 1]} : vector<1x2x64x128xf32> to vector<1x1x64x128xf32>
    %squeeze3A_25 = vector.shape_cast %slice3A_24 : vector<1x1x64x128xf32> to vector<1x64x128xf32>
    %slice3A_26 = vector.extract_strided_slice %reshape3A_23 {offsets = [0, 0, 0, 0], sizes = [1, 1, 64, 128], strides = [1, 1, 1, 1]} : vector<1x2x64x128xi32> to vector<1x1x64x128xi32>
    %squeeze3A_27 = vector.shape_cast %slice3A_26 : vector<1x1x64x128xi32> to vector<1x64x128xi32>
    %slice3A_28 = vector.extract_strided_slice %reshape3A_23 {offsets = [0, 1, 0, 0], sizes = [1, 1, 64, 128], strides = [1, 1, 1, 1]} : vector<1x2x64x128xi32> to vector<1x1x64x128xi32>
    %squeeze3A_29 = vector.shape_cast %slice3A_28 : vector<1x1x64x128xi32> to vector<1x64x128xi32>
    %reshape3A_30 = vector.shape_cast %eq3A_18 : vector<128x128xi1> to vector<1x2x64x128xi1>
    %slice3A_31 = vector.extract_strided_slice %reshape3A_30 {offsets = [0, 0, 0, 0], sizes = [1, 1, 64, 128], strides = [1, 1, 1, 1]} : vector<1x2x64x128xi1> to vector<1x1x64x128xi1>
    %squeeze3A_32 = vector.shape_cast %slice3A_31 : vector<1x1x64x128xi1> to vector<1x64x128xi1>
    %gt3A_33 = arith.cmpf ogt, %squeeze3A, %squeeze3A_25 : vector<1x64x128xf32>
    %eq3A_34 = arith.cmpf oeq, %squeeze3A, %squeeze3A_25 : vector<1x64x128xf32>
    %gt3A_35 = arith.cmpi sgt, %squeeze3A_27, %squeeze3A_29 : vector<1x64x128xi32>
    %and3A_36 = arith.andi %eq3A_34, %gt3A_35 : vector<1x64x128xi1>
    %or3A = arith.ori %gt3A_33, %and3A_36 : vector<1x64x128xi1>
    %not3A = arith.constant dense<true> : vector<1x64x128xi1>
    %not3A_37 = arith.xori %squeeze3A_32, %not3A : vector<1x64x128xi1>
    %xor3A = arith.xori %or3A, %not3A_37 : vector<1x64x128xi1>
    %reshape3A_38 = vector.shape_cast %and3A_22 : vector<128x128xi1> to vector<1x2x64x128xi1>
    %slice3A_39 = vector.extract_strided_slice %reshape3A_38 {offsets = [0, 0, 0, 0], sizes = [1, 1, 64, 128], strides = [1, 1, 1, 1]} : vector<1x2x64x128xi1> to vector<1x1x64x128xi1>
    %squeeze3A_40 = vector.shape_cast %slice3A_39 : vector<1x1x64x128xi1> to vector<1x64x128xi1>
    %and3A_41 = arith.andi %xor3A, %squeeze3A_40 : vector<1x64x128xi1>
    %select_n3A = arith.select %and3A_41, %squeeze3A_25, %squeeze3A : vector<1x64x128xi1>, vector<1x64x128xf32>
    %select_n3A_42 = arith.select %and3A_41, %squeeze3A, %squeeze3A_25 : vector<1x64x128xi1>, vector<1x64x128xf32>
    %select_n3A_43 = arith.select %and3A_41, %squeeze3A_29, %squeeze3A_27 : vector<1x64x128xi1>, vector<1x64x128xi32>
    %select_n3A_44 = arith.select %and3A_41, %squeeze3A_27, %squeeze3A_29 : vector<1x64x128xi1>, vector<1x64x128xi32>
    %broadcast_in_dim3A_45 = vector.shape_cast %select_n3A : vector<1x64x128xf32> to vector<1x1x64x128xf32>
    %broadcast_in_dim3A_46 = vector.shape_cast %select_n3A_42 : vector<1x64x128xf32> to vector<1x1x64x128xf32>
    %concatenate3A = tpu.concatenate %broadcast_in_dim3A_45, %broadcast_in_dim3A_46 in 1 : vector<1x1x64x128xf32>, vector<1x1x64x128xf32> -> vector<1x2x64x128xf32>
    %reshape3A_47 = vector.shape_cast %concatenate3A : vector<1x2x64x128xf32> to vector<128x128xf32>
    %broadcast_in_dim3A_48 = vector.shape_cast %select_n3A_43 : vector<1x64x128xi32> to vector<1x1x64x128xi32>
    %broadcast_in_dim3A_49 = vector.shape_cast %select_n3A_44 : vector<1x64x128xi32> to vector<1x1x64x128xi32>
    %concatenate3A_50 = tpu.concatenate %broadcast_in_dim3A_48, %broadcast_in_dim3A_49 in 1 : vector<1x1x64x128xi32>, vector<1x1x64x128xi32> -> vector<1x2x64x128xi32>
    %reshape3A_51 = vector.shape_cast %concatenate3A_50 : vector<1x2x64x128xi32> to vector<128x128xi32>
    %gt3A_52 = arith.constant 12 : i32
    %gt3A_53 = arith.cmpi sgt, %get3A_6, %gt3A_52 : i32
    %broadcast_in_dim3A_54 = arith.constant true
    %broadcast_in_dim3A_55 = vector.broadcast %broadcast_in_dim3A_54 : i1 to vector<128x128xi1>
    %and3A_56 = vector.broadcast %gt3A_53 : i1 to vector<128x128xi1>
    %and3A_57 = arith.andi %and3A_56, %broadcast_in_dim3A_55 : vector<128x128xi1>
    %reshape3A_58 = vector.shape_cast %reshape3A_47 : vector<128x128xf32> to vector<2x2x32x128xf32>
    %reshape3A_59 = vector.shape_cast %reshape3A_51 : vector<128x128xi32> to vector<2x2x32x128xi32>
    %slice3A_60 = vector.extract_strided_slice %reshape3A_58 {offsets = [0, 0, 0, 0], sizes = [2, 1, 32, 128], strides = [1, 1, 1, 1]} : vector<2x2x32x128xf32> to vector<2x1x32x128xf32>
    %squeeze3A_61 = vector.shape_cast %slice3A_60 : vector<2x1x32x128xf32> to vector<2x32x128xf32>
    %slice3A_62 = vector.extract_strided_slice %reshape3A_58 {offsets = [0, 1, 0, 0], sizes = [2, 1, 32, 128], strides = [1, 1, 1, 1]} : vector<2x2x32x128xf32> to vector<2x1x32x128xf32>
    %squeeze3A_63 = vector.shape_cast %slice3A_62 : vector<2x1x32x128xf32> to vector<2x32x128xf32>
    %slice3A_64 = vector.extract_strided_slice %reshape3A_59 {offsets = [0, 0, 0, 0], sizes = [2, 1, 32, 128], strides = [1, 1, 1, 1]} : vector<2x2x32x128xi32> to vector<2x1x32x128xi32>
    %squeeze3A_65 = vector.shape_cast %slice3A_64 : vector<2x1x32x128xi32> to vector<2x32x128xi32>
    %slice3A_66 = vector.extract_strided_slice %reshape3A_59 {offsets = [0, 1, 0, 0], sizes = [2, 1, 32, 128], strides = [1, 1, 1, 1]} : vector<2x2x32x128xi32> to vector<2x1x32x128xi32>
    %squeeze3A_67 = vector.shape_cast %slice3A_66 : vector<2x1x32x128xi32> to vector<2x32x128xi32>
    %reshape3A_68 = vector.shape_cast %eq3A_18 : vector<128x128xi1> to vector<2x2x32x128xi1>
    %slice3A_69 = vector.extract_strided_slice %reshape3A_68 {offsets = [0, 0, 0, 0], sizes = [2, 1, 32, 128], strides = [1, 1, 1, 1]} : vector<2x2x32x128xi1> to vector<2x1x32x128xi1>
    %squeeze3A_70 = vector.shape_cast %slice3A_69 : vector<2x1x32x128xi1> to vector<2x32x128xi1>
    %gt3A_71 = arith.cmpf ogt, %squeeze3A_61, %squeeze3A_63 : vector<2x32x128xf32>
    %eq3A_72 = arith.cmpf oeq, %squeeze3A_61, %squeeze3A_63 : vector<2x32x128xf32>
    %gt3A_73 = arith.cmpi sgt, %squeeze3A_65, %squeeze3A_67 : vector<2x32x128xi32>
    %and3A_74 = arith.andi %eq3A_72, %gt3A_73 : vector<2x32x128xi1>
    %or3A_75 = arith.ori %gt3A_71, %and3A_74 : vector<2x32x128xi1>
    %not3A_76 = arith.constant dense<true> : vector<2x32x128xi1>
    %not3A_77 = arith.xori %squeeze3A_70, %not3A_76 : vector<2x32x128xi1>
    %xor3A_78 = arith.xori %or3A_75, %not3A_77 : vector<2x32x128xi1>
    %reshape3A_79 = vector.shape_cast %and3A_57 : vector<128x128xi1> to vector<2x2x32x128xi1>
    %slice3A_80 = vector.extract_strided_slice %reshape3A_79 {offsets = [0, 0, 0, 0], sizes = [2, 1, 32, 128], strides = [1, 1, 1, 1]} : vector<2x2x32x128xi1> to vector<2x1x32x128xi1>
    %squeeze3A_81 = vector.shape_cast %slice3A_80 : vector<2x1x32x128xi1> to vector<2x32x128xi1>
    %and3A_82 = arith.andi %xor3A_78, %squeeze3A_81 : vector<2x32x128xi1>
    %select_n3A_83 = arith.select %and3A_82, %squeeze3A_63, %squeeze3A_61 : vector<2x32x128xi1>, vector<2x32x128xf32>
    %select_n3A_84 = arith.select %and3A_82, %squeeze3A_61, %squeeze3A_63 : vector<2x32x128xi1>, vector<2x32x128xf32>
    %select_n3A_85 = arith.select %and3A_82, %squeeze3A_67, %squeeze3A_65 : vector<2x32x128xi1>, vector<2x32x128xi32>
    %select_n3A_86 = arith.select %and3A_82, %squeeze3A_65, %squeeze3A_67 : vector<2x32x128xi1>, vector<2x32x128xi32>
    %broadcast_in_dim3A_87 = vector.shape_cast %select_n3A_83 : vector<2x32x128xf32> to vector<2x1x32x128xf32>
    %broadcast_in_dim3A_88 = vector.shape_cast %select_n3A_84 : vector<2x32x128xf32> to vector<2x1x32x128xf32>
    %concatenate3A_89 = tpu.concatenate %broadcast_in_dim3A_87, %broadcast_in_dim3A_88 in 1 : vector<2x1x32x128xf32>, vector<2x1x32x128xf32> -> vector<2x2x32x128xf32>
    %reshape3A_90 = vector.shape_cast %concatenate3A_89 : vector<2x2x32x128xf32> to vector<128x128xf32>
    %broadcast_in_dim3A_91 = vector.shape_cast %select_n3A_85 : vector<2x32x128xi32> to vector<2x1x32x128xi32>
    %broadcast_in_dim3A_92 = vector.shape_cast %select_n3A_86 : vector<2x32x128xi32> to vector<2x1x32x128xi32>
    %concatenate3A_93 = tpu.concatenate %broadcast_in_dim3A_91, %broadcast_in_dim3A_92 in 1 : vector<2x1x32x128xi32>, vector<2x1x32x128xi32> -> vector<2x2x32x128xi32>
    %reshape3A_94 = vector.shape_cast %concatenate3A_93 : vector<2x2x32x128xi32> to vector<128x128xi32>
    %gt3A_95 = arith.constant 11 : i32
    %gt3A_96 = arith.cmpi sgt, %get3A_6, %gt3A_95 : i32
    %broadcast_in_dim3A_97 = arith.constant true
    %broadcast_in_dim3A_98 = vector.broadcast %broadcast_in_dim3A_97 : i1 to vector<128x128xi1>
    %and3A_99 = vector.broadcast %gt3A_96 : i1 to vector<128x128xi1>
    %and3A_100 = arith.andi %and3A_99, %broadcast_in_dim3A_98 : vector<128x128xi1>
    %reshape3A_101 = vector.shape_cast %reshape3A_90 : vector<128x128xf32> to vector<4x2x16x128xf32>
    %reshape3A_102 = vector.shape_cast %reshape3A_94 : vector<128x128xi32> to vector<4x2x16x128xi32>
    %slice3A_103 = vector.extract_strided_slice %reshape3A_101 {offsets = [0, 0, 0, 0], sizes = [4, 1, 16, 128], strides = [1, 1, 1, 1]} : vector<4x2x16x128xf32> to vector<4x1x16x128xf32>
    %squeeze3A_104 = vector.shape_cast %slice3A_103 : vector<4x1x16x128xf32> to vector<4x16x128xf32>
    %slice3A_105 = vector.extract_strided_slice %reshape3A_101 {offsets = [0, 1, 0, 0], sizes = [4, 1, 16, 128], strides = [1, 1, 1, 1]} : vector<4x2x16x128xf32> to vector<4x1x16x128xf32>
    %squeeze3A_106 = vector.shape_cast %slice3A_105 : vector<4x1x16x128xf32> to vector<4x16x128xf32>
    %slice3A_107 = vector.extract_strided_slice %reshape3A_102 {offsets = [0, 0, 0, 0], sizes = [4, 1, 16, 128], strides = [1, 1, 1, 1]} : vector<4x2x16x128xi32> to vector<4x1x16x128xi32>
    %squeeze3A_108 = vector.shape_cast %slice3A_107 : vector<4x1x16x128xi32> to vector<4x16x128xi32>
    %slice3A_109 = vector.extract_strided_slice %reshape3A_102 {offsets = [0, 1, 0, 0], sizes = [4, 1, 16, 128], strides = [1, 1, 1, 1]} : vector<4x2x16x128xi32> to vector<4x1x16x128xi32>
    %squeeze3A_110 = vector.shape_cast %slice3A_109 : vector<4x1x16x128xi32> to vector<4x16x128xi32>
    %reshape3A_111 = vector.shape_cast %eq3A_18 : vector<128x128xi1> to vector<4x2x16x128xi1>
    %slice3A_112 = vector.extract_strided_slice %reshape3A_111 {offsets = [0, 0, 0, 0], sizes = [4, 1, 16, 128], strides = [1, 1, 1, 1]} : vector<4x2x16x128xi1> to vector<4x1x16x128xi1>
    %squeeze3A_113 = vector.shape_cast %slice3A_112 : vector<4x1x16x128xi1> to vector<4x16x128xi1>
    %gt3A_114 = arith.cmpf ogt, %squeeze3A_104, %squeeze3A_106 : vector<4x16x128xf32>
    %eq3A_115 = arith.cmpf oeq, %squeeze3A_104, %squeeze3A_106 : vector<4x16x128xf32>
    %gt3A_116 = arith.cmpi sgt, %squeeze3A_108, %squeeze3A_110 : vector<4x16x128xi32>
    %and3A_117 = arith.andi %eq3A_115, %gt3A_116 : vector<4x16x128xi1>
    %or3A_118 = arith.ori %gt3A_114, %and3A_117 : vector<4x16x128xi1>
    %not3A_119 = arith.constant dense<true> : vector<4x16x128xi1>
    %not3A_120 = arith.xori %squeeze3A_113, %not3A_119 : vector<4x16x128xi1>
    %xor3A_121 = arith.xori %or3A_118, %not3A_120 : vector<4x16x128xi1>
    %reshape3A_122 = vector.shape_cast %and3A_100 : vector<128x128xi1> to vector<4x2x16x128xi1>
    %slice3A_123 = vector.extract_strided_slice %reshape3A_122 {offsets = [0, 0, 0, 0], sizes = [4, 1, 16, 128], strides = [1, 1, 1, 1]} : vector<4x2x16x128xi1> to vector<4x1x16x128xi1>
    %squeeze3A_124 = vector.shape_cast %slice3A_123 : vector<4x1x16x128xi1> to vector<4x16x128xi1>
    %and3A_125 = arith.andi %xor3A_121, %squeeze3A_124 : vector<4x16x128xi1>
    %select_n3A_126 = arith.select %and3A_125, %squeeze3A_106, %squeeze3A_104 : vector<4x16x128xi1>, vector<4x16x128xf32>
    %select_n3A_127 = arith.select %and3A_125, %squeeze3A_104, %squeeze3A_106 : vector<4x16x128xi1>, vector<4x16x128xf32>
    %select_n3A_128 = arith.select %and3A_125, %squeeze3A_110, %squeeze3A_108 : vector<4x16x128xi1>, vector<4x16x128xi32>
    %select_n3A_129 = arith.select %and3A_125, %squeeze3A_108, %squeeze3A_110 : vector<4x16x128xi1>, vector<4x16x128xi32>
    %broadcast_in_dim3A_130 = vector.shape_cast %select_n3A_126 : vector<4x16x128xf32> to vector<4x1x16x128xf32>
    %broadcast_in_dim3A_131 = vector.shape_cast %select_n3A_127 : vector<4x16x128xf32> to vector<4x1x16x128xf32>
    %concatenate3A_132 = tpu.concatenate %broadcast_in_dim3A_130, %broadcast_in_dim3A_131 in 1 : vector<4x1x16x128xf32>, vector<4x1x16x128xf32> -> vector<4x2x16x128xf32>
    %reshape3A_133 = vector.shape_cast %concatenate3A_132 : vector<4x2x16x128xf32> to vector<128x128xf32>
    %broadcast_in_dim3A_134 = vector.shape_cast %select_n3A_128 : vector<4x16x128xi32> to vector<4x1x16x128xi32>
    %broadcast_in_dim3A_135 = vector.shape_cast %select_n3A_129 : vector<4x16x128xi32> to vector<4x1x16x128xi32>
    %concatenate3A_136 = tpu.concatenate %broadcast_in_dim3A_134, %broadcast_in_dim3A_135 in 1 : vector<4x1x16x128xi32>, vector<4x1x16x128xi32> -> vector<4x2x16x128xi32>
    %reshape3A_137 = vector.shape_cast %concatenate3A_136 : vector<4x2x16x128xi32> to vector<128x128xi32>
    %gt3A_138 = arith.constant 10 : i32
    %gt3A_139 = arith.cmpi sgt, %get3A_6, %gt3A_138 : i32
    %broadcast_in_dim3A_140 = arith.constant true
    %broadcast_in_dim3A_141 = vector.broadcast %broadcast_in_dim3A_140 : i1 to vector<128x128xi1>
    %and3A_142 = vector.broadcast %gt3A_139 : i1 to vector<128x128xi1>
    %and3A_143 = arith.andi %and3A_142, %broadcast_in_dim3A_141 : vector<128x128xi1>
    %reshape3A_144 = vector.shape_cast %reshape3A_133 : vector<128x128xf32> to vector<8x2x8x128xf32>
    %reshape3A_145 = vector.shape_cast %reshape3A_137 : vector<128x128xi32> to vector<8x2x8x128xi32>
    %slice3A_146 = vector.extract_strided_slice %reshape3A_144 {offsets = [0, 0, 0, 0], sizes = [8, 1, 8, 128], strides = [1, 1, 1, 1]} : vector<8x2x8x128xf32> to vector<8x1x8x128xf32>
    %squeeze3A_147 = vector.shape_cast %slice3A_146 : vector<8x1x8x128xf32> to vector<8x8x128xf32>
    %slice3A_148 = vector.extract_strided_slice %reshape3A_144 {offsets = [0, 1, 0, 0], sizes = [8, 1, 8, 128], strides = [1, 1, 1, 1]} : vector<8x2x8x128xf32> to vector<8x1x8x128xf32>
    %squeeze3A_149 = vector.shape_cast %slice3A_148 : vector<8x1x8x128xf32> to vector<8x8x128xf32>
    %slice3A_150 = vector.extract_strided_slice %reshape3A_145 {offsets = [0, 0, 0, 0], sizes = [8, 1, 8, 128], strides = [1, 1, 1, 1]} : vector<8x2x8x128xi32> to vector<8x1x8x128xi32>
    %squeeze3A_151 = vector.shape_cast %slice3A_150 : vector<8x1x8x128xi32> to vector<8x8x128xi32>
    %slice3A_152 = vector.extract_strided_slice %reshape3A_145 {offsets = [0, 1, 0, 0], sizes = [8, 1, 8, 128], strides = [1, 1, 1, 1]} : vector<8x2x8x128xi32> to vector<8x1x8x128xi32>
    %squeeze3A_153 = vector.shape_cast %slice3A_152 : vector<8x1x8x128xi32> to vector<8x8x128xi32>
    %reshape3A_154 = vector.shape_cast %eq3A_18 : vector<128x128xi1> to vector<8x2x8x128xi1>
    %slice3A_155 = vector.extract_strided_slice %reshape3A_154 {offsets = [0, 0, 0, 0], sizes = [8, 1, 8, 128], strides = [1, 1, 1, 1]} : vector<8x2x8x128xi1> to vector<8x1x8x128xi1>
    %squeeze3A_156 = vector.shape_cast %slice3A_155 : vector<8x1x8x128xi1> to vector<8x8x128xi1>
    %gt3A_157 = arith.cmpf ogt, %squeeze3A_147, %squeeze3A_149 : vector<8x8x128xf32>
    %eq3A_158 = arith.cmpf oeq, %squeeze3A_147, %squeeze3A_149 : vector<8x8x128xf32>
    %gt3A_159 = arith.cmpi sgt, %squeeze3A_151, %squeeze3A_153 : vector<8x8x128xi32>
    %and3A_160 = arith.andi %eq3A_158, %gt3A_159 : vector<8x8x128xi1>
    %or3A_161 = arith.ori %gt3A_157, %and3A_160 : vector<8x8x128xi1>
    %not3A_162 = arith.constant dense<true> : vector<8x8x128xi1>
    %not3A_163 = arith.xori %squeeze3A_156, %not3A_162 : vector<8x8x128xi1>
    %xor3A_164 = arith.xori %or3A_161, %not3A_163 : vector<8x8x128xi1>
    %reshape3A_165 = vector.shape_cast %and3A_143 : vector<128x128xi1> to vector<8x2x8x128xi1>
    %slice3A_166 = vector.extract_strided_slice %reshape3A_165 {offsets = [0, 0, 0, 0], sizes = [8, 1, 8, 128], strides = [1, 1, 1, 1]} : vector<8x2x8x128xi1> to vector<8x1x8x128xi1>
    %squeeze3A_167 = vector.shape_cast %slice3A_166 : vector<8x1x8x128xi1> to vector<8x8x128xi1>
    %and3A_168 = arith.andi %xor3A_164, %squeeze3A_167 : vector<8x8x128xi1>
    %select_n3A_169 = arith.select %and3A_168, %squeeze3A_149, %squeeze3A_147 : vector<8x8x128xi1>, vector<8x8x128xf32>
    %select_n3A_170 = arith.select %and3A_168, %squeeze3A_147, %squeeze3A_149 : vector<8x8x128xi1>, vector<8x8x128xf32>
    %select_n3A_171 = arith.select %and3A_168, %squeeze3A_153, %squeeze3A_151 : vector<8x8x128xi1>, vector<8x8x128xi32>
    %select_n3A_172 = arith.select %and3A_168, %squeeze3A_151, %squeeze3A_153 : vector<8x8x128xi1>, vector<8x8x128xi32>
    %broadcast_in_dim3A_173 = vector.shape_cast %select_n3A_169 : vector<8x8x128xf32> to vector<8x1x8x128xf32>
    %broadcast_in_dim3A_174 = vector.shape_cast %select_n3A_170 : vector<8x8x128xf32> to vector<8x1x8x128xf32>
    %concatenate3A_175 = tpu.concatenate %broadcast_in_dim3A_173, %broadcast_in_dim3A_174 in 1 : vector<8x1x8x128xf32>, vector<8x1x8x128xf32> -> vector<8x2x8x128xf32>
    %reshape3A_176 = vector.shape_cast %concatenate3A_175 : vector<8x2x8x128xf32> to vector<128x128xf32>
    %broadcast_in_dim3A_177 = vector.shape_cast %select_n3A_171 : vector<8x8x128xi32> to vector<8x1x8x128xi32>
    %broadcast_in_dim3A_178 = vector.shape_cast %select_n3A_172 : vector<8x8x128xi32> to vector<8x1x8x128xi32>
    %concatenate3A_179 = tpu.concatenate %broadcast_in_dim3A_177, %broadcast_in_dim3A_178 in 1 : vector<8x1x8x128xi32>, vector<8x1x8x128xi32> -> vector<8x2x8x128xi32>
    %reshape3A_180 = vector.shape_cast %concatenate3A_179 : vector<8x2x8x128xi32> to vector<128x128xi32>
    %gt3A_181 = arith.constant 9 : i32
    %gt3A_182 = arith.cmpi sgt, %get3A_6, %gt3A_181 : i32
    %broadcast_in_dim3A_183 = arith.constant true
    %broadcast_in_dim3A_184 = vector.broadcast %broadcast_in_dim3A_183 : i1 to vector<128x128xi1>
    %and3A_185 = vector.broadcast %gt3A_182 : i1 to vector<128x128xi1>
    %and3A_186 = arith.andi %and3A_185, %broadcast_in_dim3A_184 : vector<128x128xi1>
    %and3A_187 = arith.constant 4 : i32
    %and3A_188 = vector.broadcast %and3A_187 : i32 to vector<128x128xi32>
    %and3A_189 = arith.andi %iota3A, %and3A_188 : vector<128x128xi32>
    %eq3A_190 = arith.constant 0 : i32
    %eq3A_191 = vector.broadcast %eq3A_190 : i32 to vector<128x128xi32>
    %eq3A_192 = arith.cmpi eq, %and3A_189, %eq3A_191 : vector<128x128xi32>
    %slice3A_193 = vector.extract_strided_slice %reshape3A_176 {offsets = [4, 0], sizes = [124, 128], strides = [1, 1]} : vector<128x128xf32> to vector<124x128xf32>
    %slice3A_194 = vector.extract_strided_slice %reshape3A_176 {offsets = [0, 0], sizes = [4, 128], strides = [1, 1]} : vector<128x128xf32> to vector<4x128xf32>
    %concatenate3A_195 = tpu.concatenate %slice3A_193, %slice3A_194 in 0 : vector<124x128xf32>, vector<4x128xf32> -> vector<128x128xf32>
    %slice3A_196 = vector.extract_strided_slice %reshape3A_176 {offsets = [124, 0], sizes = [4, 128], strides = [1, 1]} : vector<128x128xf32> to vector<4x128xf32>
    %slice3A_197 = vector.extract_strided_slice %reshape3A_176 {offsets = [0, 0], sizes = [124, 128], strides = [1, 1]} : vector<128x128xf32> to vector<124x128xf32>
    %concatenate3A_198 = tpu.concatenate %slice3A_196, %slice3A_197 in 0 : vector<4x128xf32>, vector<124x128xf32> -> vector<128x128xf32>
    %slice3A_199 = vector.extract_strided_slice %reshape3A_180 {offsets = [4, 0], sizes = [124, 128], strides = [1, 1]} : vector<128x128xi32> to vector<124x128xi32>
    %slice3A_200 = vector.extract_strided_slice %reshape3A_180 {offsets = [0, 0], sizes = [4, 128], strides = [1, 1]} : vector<128x128xi32> to vector<4x128xi32>
    %concatenate3A_201 = tpu.concatenate %slice3A_199, %slice3A_200 in 0 : vector<124x128xi32>, vector<4x128xi32> -> vector<128x128xi32>
    %slice3A_202 = vector.extract_strided_slice %reshape3A_180 {offsets = [124, 0], sizes = [4, 128], strides = [1, 1]} : vector<128x128xi32> to vector<4x128xi32>
    %slice3A_203 = vector.extract_strided_slice %reshape3A_180 {offsets = [0, 0], sizes = [124, 128], strides = [1, 1]} : vector<128x128xi32> to vector<124x128xi32>
    %concatenate3A_204 = tpu.concatenate %slice3A_202, %slice3A_203 in 0 : vector<4x128xi32>, vector<124x128xi32> -> vector<128x128xi32>
    %select_n3A_205 = arith.select %eq3A_192, %concatenate3A_195, %concatenate3A_198 : vector<128x128xi1>, vector<128x128xf32>
    %select_n3A_206 = arith.select %eq3A_192, %concatenate3A_201, %concatenate3A_204 : vector<128x128xi1>, vector<128x128xi32>
    %gt3A_207 = arith.cmpf ogt, %reshape3A_176, %select_n3A_205 : vector<128x128xf32>
    %eq3A_208 = arith.cmpf oeq, %reshape3A_176, %select_n3A_205 : vector<128x128xf32>
    %gt3A_209 = arith.cmpi sgt, %reshape3A_180, %select_n3A_206 : vector<128x128xi32>
    %and3A_210 = arith.andi %eq3A_208, %gt3A_209 : vector<128x128xi1>
    %or3A_211 = arith.ori %gt3A_207, %and3A_210 : vector<128x128xi1>
    %xor3A_212 = arith.xori %or3A_211, %eq3A_192 : vector<128x128xi1>
    %xor3A_213 = arith.xori %xor3A_212, %eq3A_18 : vector<128x128xi1>
    %and3A_214 = arith.andi %xor3A_213, %and3A_186 : vector<128x128xi1>
    %select_n3A_215 = arith.select %and3A_214, %select_n3A_205, %reshape3A_176 : vector<128x128xi1>, vector<128x128xf32>
    %select_n3A_216 = arith.select %and3A_214, %select_n3A_206, %reshape3A_180 : vector<128x128xi1>, vector<128x128xi32>
    %gt3A_217 = arith.constant 8 : i32
    %gt3A_218 = arith.cmpi sgt, %get3A_6, %gt3A_217 : i32
    %broadcast_in_dim3A_219 = arith.constant true
    %broadcast_in_dim3A_220 = vector.broadcast %broadcast_in_dim3A_219 : i1 to vector<128x128xi1>
    %and3A_221 = vector.broadcast %gt3A_218 : i1 to vector<128x128xi1>
    %and3A_222 = arith.andi %and3A_221, %broadcast_in_dim3A_220 : vector<128x128xi1>
    %and3A_223 = arith.constant 2 : i32
    %and3A_224 = vector.broadcast %and3A_223 : i32 to vector<128x128xi32>
    %and3A_225 = arith.andi %iota3A, %and3A_224 : vector<128x128xi32>
    %eq3A_226 = arith.constant 0 : i32
    %eq3A_227 = vector.broadcast %eq3A_226 : i32 to vector<128x128xi32>
    %eq3A_228 = arith.cmpi eq, %and3A_225, %eq3A_227 : vector<128x128xi32>
    %slice3A_229 = vector.extract_strided_slice %select_n3A_215 {offsets = [2, 0], sizes = [126, 128], strides = [1, 1]} : vector<128x128xf32> to vector<126x128xf32>
    %slice3A_230 = vector.extract_strided_slice %select_n3A_215 {offsets = [0, 0], sizes = [2, 128], strides = [1, 1]} : vector<128x128xf32> to vector<2x128xf32>
    %concatenate3A_231 = tpu.concatenate %slice3A_229, %slice3A_230 in 0 : vector<126x128xf32>, vector<2x128xf32> -> vector<128x128xf32>
    %slice3A_232 = vector.extract_strided_slice %select_n3A_215 {offsets = [126, 0], sizes = [2, 128], strides = [1, 1]} : vector<128x128xf32> to vector<2x128xf32>
    %slice3A_233 = vector.extract_strided_slice %select_n3A_215 {offsets = [0, 0], sizes = [126, 128], strides = [1, 1]} : vector<128x128xf32> to vector<126x128xf32>
    %concatenate3A_234 = tpu.concatenate %slice3A_232, %slice3A_233 in 0 : vector<2x128xf32>, vector<126x128xf32> -> vector<128x128xf32>
    %slice3A_235 = vector.extract_strided_slice %select_n3A_216 {offsets = [2, 0], sizes = [126, 128], strides = [1, 1]} : vector<128x128xi32> to vector<126x128xi32>
    %slice3A_236 = vector.extract_strided_slice %select_n3A_216 {offsets = [0, 0], sizes = [2, 128], strides = [1, 1]} : vector<128x128xi32> to vector<2x128xi32>
    %concatenate3A_237 = tpu.concatenate %slice3A_235, %slice3A_236 in 0 : vector<126x128xi32>, vector<2x128xi32> -> vector<128x128xi32>
    %slice3A_238 = vector.extract_strided_slice %select_n3A_216 {offsets = [126, 0], sizes = [2, 128], strides = [1, 1]} : vector<128x128xi32> to vector<2x128xi32>
    %slice3A_239 = vector.extract_strided_slice %select_n3A_216 {offsets = [0, 0], sizes = [126, 128], strides = [1, 1]} : vector<128x128xi32> to vector<126x128xi32>
    %concatenate3A_240 = tpu.concatenate %slice3A_238, %slice3A_239 in 0 : vector<2x128xi32>, vector<126x128xi32> -> vector<128x128xi32>
    %select_n3A_241 = arith.select %eq3A_228, %concatenate3A_231, %concatenate3A_234 : vector<128x128xi1>, vector<128x128xf32>
    %select_n3A_242 = arith.select %eq3A_228, %concatenate3A_237, %concatenate3A_240 : vector<128x128xi1>, vector<128x128xi32>
    %gt3A_243 = arith.cmpf ogt, %select_n3A_215, %select_n3A_241 : vector<128x128xf32>
    %eq3A_244 = arith.cmpf oeq, %select_n3A_215, %select_n3A_241 : vector<128x128xf32>
    %gt3A_245 = arith.cmpi sgt, %select_n3A_216, %select_n3A_242 : vector<128x128xi32>
    %and3A_246 = arith.andi %eq3A_244, %gt3A_245 : vector<128x128xi1>
    %or3A_247 = arith.ori %gt3A_243, %and3A_246 : vector<128x128xi1>
    %xor3A_248 = arith.xori %or3A_247, %eq3A_228 : vector<128x128xi1>
    %xor3A_249 = arith.xori %xor3A_248, %eq3A_18 : vector<128x128xi1>
    %and3A_250 = arith.andi %xor3A_249, %and3A_222 : vector<128x128xi1>
    %select_n3A_251 = arith.select %and3A_250, %select_n3A_241, %select_n3A_215 : vector<128x128xi1>, vector<128x128xf32>
    %select_n3A_252 = arith.select %and3A_250, %select_n3A_242, %select_n3A_216 : vector<128x128xi1>, vector<128x128xi32>
    %gt3A_253 = arith.constant 7 : i32
    %gt3A_254 = arith.cmpi sgt, %get3A_6, %gt3A_253 : i32
    %broadcast_in_dim3A_255 = arith.constant true
    %broadcast_in_dim3A_256 = vector.broadcast %broadcast_in_dim3A_255 : i1 to vector<128x128xi1>
    %and3A_257 = vector.broadcast %gt3A_254 : i1 to vector<128x128xi1>
    %and3A_258 = arith.andi %and3A_257, %broadcast_in_dim3A_256 : vector<128x128xi1>
    %and3A_259 = arith.constant 1 : i32
    %and3A_260 = vector.broadcast %and3A_259 : i32 to vector<128x128xi32>
    %and3A_261 = arith.andi %iota3A, %and3A_260 : vector<128x128xi32>
    %eq3A_262 = arith.constant 0 : i32
    %eq3A_263 = vector.broadcast %eq3A_262 : i32 to vector<128x128xi32>
    %eq3A_264 = arith.cmpi eq, %and3A_261, %eq3A_263 : vector<128x128xi32>
    %slice3A_265 = vector.extract_strided_slice %select_n3A_251 {offsets = [1, 0], sizes = [127, 128], strides = [1, 1]} : vector<128x128xf32> to vector<127x128xf32>
    %slice3A_266 = vector.extract_strided_slice %select_n3A_251 {offsets = [0, 0], sizes = [1, 128], strides = [1, 1]} : vector<128x128xf32> to vector<1x128xf32>
    %concatenate3A_267 = tpu.concatenate %slice3A_265, %slice3A_266 in 0 : vector<127x128xf32>, vector<1x128xf32> -> vector<128x128xf32>
    %slice3A_268 = vector.extract_strided_slice %select_n3A_251 {offsets = [127, 0], sizes = [1, 128], strides = [1, 1]} : vector<128x128xf32> to vector<1x128xf32>
    %slice3A_269 = vector.extract_strided_slice %select_n3A_251 {offsets = [0, 0], sizes = [127, 128], strides = [1, 1]} : vector<128x128xf32> to vector<127x128xf32>
    %concatenate3A_270 = tpu.concatenate %slice3A_268, %slice3A_269 in 0 : vector<1x128xf32>, vector<127x128xf32> -> vector<128x128xf32>
    %slice3A_271 = vector.extract_strided_slice %select_n3A_252 {offsets = [1, 0], sizes = [127, 128], strides = [1, 1]} : vector<128x128xi32> to vector<127x128xi32>
    %slice3A_272 = vector.extract_strided_slice %select_n3A_252 {offsets = [0, 0], sizes = [1, 128], strides = [1, 1]} : vector<128x128xi32> to vector<1x128xi32>
    %concatenate3A_273 = tpu.concatenate %slice3A_271, %slice3A_272 in 0 : vector<127x128xi32>, vector<1x128xi32> -> vector<128x128xi32>
    %slice3A_274 = vector.extract_strided_slice %select_n3A_252 {offsets = [127, 0], sizes = [1, 128], strides = [1, 1]} : vector<128x128xi32> to vector<1x128xi32>
    %slice3A_275 = vector.extract_strided_slice %select_n3A_252 {offsets = [0, 0], sizes = [127, 128], strides = [1, 1]} : vector<128x128xi32> to vector<127x128xi32>
    %concatenate3A_276 = tpu.concatenate %slice3A_274, %slice3A_275 in 0 : vector<1x128xi32>, vector<127x128xi32> -> vector<128x128xi32>
    %select_n3A_277 = arith.select %eq3A_264, %concatenate3A_267, %concatenate3A_270 : vector<128x128xi1>, vector<128x128xf32>
    %select_n3A_278 = arith.select %eq3A_264, %concatenate3A_273, %concatenate3A_276 : vector<128x128xi1>, vector<128x128xi32>
    %gt3A_279 = arith.cmpf ogt, %select_n3A_251, %select_n3A_277 : vector<128x128xf32>
    %eq3A_280 = arith.cmpf oeq, %select_n3A_251, %select_n3A_277 : vector<128x128xf32>
    %gt3A_281 = arith.cmpi sgt, %select_n3A_252, %select_n3A_278 : vector<128x128xi32>
    %and3A_282 = arith.andi %eq3A_280, %gt3A_281 : vector<128x128xi1>
    %or3A_283 = arith.ori %gt3A_279, %and3A_282 : vector<128x128xi1>
    %xor3A_284 = arith.xori %or3A_283, %eq3A_264 : vector<128x128xi1>
    %xor3A_285 = arith.xori %xor3A_284, %eq3A_18 : vector<128x128xi1>
    %and3A_286 = arith.andi %xor3A_285, %and3A_258 : vector<128x128xi1>
    %select_n3A_287 = arith.select %and3A_286, %select_n3A_277, %select_n3A_251 : vector<128x128xi1>, vector<128x128xf32>
    %select_n3A_288 = arith.select %and3A_286, %select_n3A_278, %select_n3A_252 : vector<128x128xi1>, vector<128x128xi32>
    %gt3A_289 = arith.constant 6 : i32
    %gt3A_290 = arith.cmpi sgt, %get3A_6, %gt3A_289 : i32
    %broadcast_in_dim3A_291 = arith.constant true
    %broadcast_in_dim3A_292 = vector.broadcast %broadcast_in_dim3A_291 : i1 to vector<128x128xi1>
    %and3A_293 = vector.broadcast %gt3A_290 : i1 to vector<128x128xi1>
    %and3A_294 = arith.andi %and3A_293, %broadcast_in_dim3A_292 : vector<128x128xi1>
    %and3A_295 = arith.constant 64 : i32
    %and3A_296 = vector.broadcast %and3A_295 : i32 to vector<128x128xi32>
    %and3A_297 = arith.andi %iota3A_7, %and3A_296 : vector<128x128xi32>
    %eq3A_298 = arith.constant 0 : i32
    %eq3A_299 = vector.broadcast %eq3A_298 : i32 to vector<128x128xi32>
    %eq3A_300 = arith.cmpi eq, %and3A_297, %eq3A_299 : vector<128x128xi32>
    %slice3A_301 = vector.extract_strided_slice %select_n3A_287 {offsets = [0, 64], sizes = [128, 64], strides = [1, 1]} : vector<128x128xf32> to vector<128x64xf32>
    %slice3A_302 = vector.extract_strided_slice %select_n3A_287 {offsets = [0, 0], sizes = [128, 64], strides = [1, 1]} : vector<128x128xf32> to vector<128x64xf32>
    %concatenate3A_303 = tpu.concatenate %slice3A_301, %slice3A_302 in 1 : vector<128x64xf32>, vector<128x64xf32> -> vector<128x128xf32>
    %slice3A_304 = vector.extract_strided_slice %select_n3A_287 {offsets = [0, 64], sizes = [128, 64], strides = [1, 1]} : vector<128x128xf32> to vector<128x64xf32>
    %slice3A_305 = vector.extract_strided_slice %select_n3A_287 {offsets = [0, 0], sizes = [128, 64], strides = [1, 1]} : vector<128x128xf32> to vector<128x64xf32>
    %concatenate3A_306 = tpu.concatenate %slice3A_304, %slice3A_305 in 1 : vector<128x64xf32>, vector<128x64xf32> -> vector<128x128xf32>
    %slice3A_307 = vector.extract_strided_slice %select_n3A_288 {offsets = [0, 64], sizes = [128, 64], strides = [1, 1]} : vector<128x128xi32> to vector<128x64xi32>
    %slice3A_308 = vector.extract_strided_slice %select_n3A_288 {offsets = [0, 0], sizes = [128, 64], strides = [1, 1]} : vector<128x128xi32> to vector<128x64xi32>
    %concatenate3A_309 = tpu.concatenate %slice3A_307, %slice3A_308 in 1 : vector<128x64xi32>, vector<128x64xi32> -> vector<128x128xi32>
    %slice3A_310 = vector.extract_strided_slice %select_n3A_288 {offsets = [0, 64], sizes = [128, 64], strides = [1, 1]} : vector<128x128xi32> to vector<128x64xi32>
    %slice3A_311 = vector.extract_strided_slice %select_n3A_288 {offsets = [0, 0], sizes = [128, 64], strides = [1, 1]} : vector<128x128xi32> to vector<128x64xi32>
    %concatenate3A_312 = tpu.concatenate %slice3A_310, %slice3A_311 in 1 : vector<128x64xi32>, vector<128x64xi32> -> vector<128x128xi32>
    %select_n3A_313 = arith.select %eq3A_300, %concatenate3A_303, %concatenate3A_306 : vector<128x128xi1>, vector<128x128xf32>
    %select_n3A_314 = arith.select %eq3A_300, %concatenate3A_309, %concatenate3A_312 : vector<128x128xi1>, vector<128x128xi32>
    %gt3A_315 = arith.cmpf ogt, %select_n3A_287, %select_n3A_313 : vector<128x128xf32>
    %eq3A_316 = arith.cmpf oeq, %select_n3A_287, %select_n3A_313 : vector<128x128xf32>
    %gt3A_317 = arith.cmpi sgt, %select_n3A_288, %select_n3A_314 : vector<128x128xi32>
    %and3A_318 = arith.andi %eq3A_316, %gt3A_317 : vector<128x128xi1>
    %or3A_319 = arith.ori %gt3A_315, %and3A_318 : vector<128x128xi1>
    %xor3A_320 = arith.xori %or3A_319, %eq3A_300 : vector<128x128xi1>
    %xor3A_321 = arith.xori %xor3A_320, %eq3A_18 : vector<128x128xi1>
    %and3A_322 = arith.andi %xor3A_321, %and3A_294 : vector<128x128xi1>
    %select_n3A_323 = arith.select %and3A_322, %select_n3A_313, %select_n3A_287 : vector<128x128xi1>, vector<128x128xf32>
    %select_n3A_324 = arith.select %and3A_322, %select_n3A_314, %select_n3A_288 : vector<128x128xi1>, vector<128x128xi32>
    %gt3A_325 = arith.constant 5 : i32
    %gt3A_326 = arith.cmpi sgt, %get3A_6, %gt3A_325 : i32
    %broadcast_in_dim3A_327 = arith.constant true
    %broadcast_in_dim3A_328 = vector.broadcast %broadcast_in_dim3A_327 : i1 to vector<128x128xi1>
    %and3A_329 = vector.broadcast %gt3A_326 : i1 to vector<128x128xi1>
    %and3A_330 = arith.andi %and3A_329, %broadcast_in_dim3A_328 : vector<128x128xi1>
    %and3A_331 = arith.constant 32 : i32
    %and3A_332 = vector.broadcast %and3A_331 : i32 to vector<128x128xi32>
    %and3A_333 = arith.andi %iota3A_7, %and3A_332 : vector<128x128xi32>
    %eq3A_334 = arith.constant 0 : i32
    %eq3A_335 = vector.broadcast %eq3A_334 : i32 to vector<128x128xi32>
    %eq3A_336 = arith.cmpi eq, %and3A_333, %eq3A_335 : vector<128x128xi32>
    %slice3A_337 = vector.extract_strided_slice %select_n3A_323 {offsets = [0, 32], sizes = [128, 96], strides = [1, 1]} : vector<128x128xf32> to vector<128x96xf32>
    %slice3A_338 = vector.extract_strided_slice %select_n3A_323 {offsets = [0, 0], sizes = [128, 32], strides = [1, 1]} : vector<128x128xf32> to vector<128x32xf32>
    %concatenate3A_339 = tpu.concatenate %slice3A_337, %slice3A_338 in 1 : vector<128x96xf32>, vector<128x32xf32> -> vector<128x128xf32>
    %slice3A_340 = vector.extract_strided_slice %select_n3A_323 {offsets = [0, 96], sizes = [128, 32], strides = [1, 1]} : vector<128x128xf32> to vector<128x32xf32>
    %slice3A_341 = vector.extract_strided_slice %select_n3A_323 {offsets = [0, 0], sizes = [128, 96], strides = [1, 1]} : vector<128x128xf32> to vector<128x96xf32>
    %concatenate3A_342 = tpu.concatenate %slice3A_340, %slice3A_341 in 1 : vector<128x32xf32>, vector<128x96xf32> -> vector<128x128xf32>
    %slice3A_343 = vector.extract_strided_slice %select_n3A_324 {offsets = [0, 32], sizes = [128, 96], strides = [1, 1]} : vector<128x128xi32> to vector<128x96xi32>
    %slice3A_344 = vector.extract_strided_slice %select_n3A_324 {offsets = [0, 0], sizes = [128, 32], strides = [1, 1]} : vector<128x128xi32> to vector<128x32xi32>
    %concatenate3A_345 = tpu.concatenate %slice3A_343, %slice3A_344 in 1 : vector<128x96xi32>, vector<128x32xi32> -> vector<128x128xi32>
    %slice3A_346 = vector.extract_strided_slice %select_n3A_324 {offsets = [0, 96], sizes = [128, 32], strides = [1, 1]} : vector<128x128xi32> to vector<128x32xi32>
    %slice3A_347 = vector.extract_strided_slice %select_n3A_324 {offsets = [0, 0], sizes = [128, 96], strides = [1, 1]} : vector<128x128xi32> to vector<128x96xi32>
    %concatenate3A_348 = tpu.concatenate %slice3A_346, %slice3A_347 in 1 : vector<128x32xi32>, vector<128x96xi32> -> vector<128x128xi32>
    %select_n3A_349 = arith.select %eq3A_336, %concatenate3A_339, %concatenate3A_342 : vector<128x128xi1>, vector<128x128xf32>
    %select_n3A_350 = arith.select %eq3A_336, %concatenate3A_345, %concatenate3A_348 : vector<128x128xi1>, vector<128x128xi32>
    %gt3A_351 = arith.cmpf ogt, %select_n3A_323, %select_n3A_349 : vector<128x128xf32>
    %eq3A_352 = arith.cmpf oeq, %select_n3A_323, %select_n3A_349 : vector<128x128xf32>
    %gt3A_353 = arith.cmpi sgt, %select_n3A_324, %select_n3A_350 : vector<128x128xi32>
    %and3A_354 = arith.andi %eq3A_352, %gt3A_353 : vector<128x128xi1>
    %or3A_355 = arith.ori %gt3A_351, %and3A_354 : vector<128x128xi1>
    %xor3A_356 = arith.xori %or3A_355, %eq3A_336 : vector<128x128xi1>
    %xor3A_357 = arith.xori %xor3A_356, %eq3A_18 : vector<128x128xi1>
    %and3A_358 = arith.andi %xor3A_357, %and3A_330 : vector<128x128xi1>
    %select_n3A_359 = arith.select %and3A_358, %select_n3A_349, %select_n3A_323 : vector<128x128xi1>, vector<128x128xf32>
    %select_n3A_360 = arith.select %and3A_358, %select_n3A_350, %select_n3A_324 : vector<128x128xi1>, vector<128x128xi32>
    %gt3A_361 = arith.constant 4 : i32
    %gt3A_362 = arith.cmpi sgt, %get3A_6, %gt3A_361 : i32
    %broadcast_in_dim3A_363 = arith.constant true
    %broadcast_in_dim3A_364 = vector.broadcast %broadcast_in_dim3A_363 : i1 to vector<128x128xi1>
    %and3A_365 = vector.broadcast %gt3A_362 : i1 to vector<128x128xi1>
    %and3A_366 = arith.andi %and3A_365, %broadcast_in_dim3A_364 : vector<128x128xi1>
    %and3A_367 = arith.constant 16 : i32
    %and3A_368 = vector.broadcast %and3A_367 : i32 to vector<128x128xi32>
    %and3A_369 = arith.andi %iota3A_7, %and3A_368 : vector<128x128xi32>
    %eq3A_370 = arith.constant 0 : i32
    %eq3A_371 = vector.broadcast %eq3A_370 : i32 to vector<128x128xi32>
    %eq3A_372 = arith.cmpi eq, %and3A_369, %eq3A_371 : vector<128x128xi32>
    %slice3A_373 = vector.extract_strided_slice %select_n3A_359 {offsets = [0, 16], sizes = [128, 112], strides = [1, 1]} : vector<128x128xf32> to vector<128x112xf32>
    %slice3A_374 = vector.extract_strided_slice %select_n3A_359 {offsets = [0, 0], sizes = [128, 16], strides = [1, 1]} : vector<128x128xf32> to vector<128x16xf32>
    %concatenate3A_375 = tpu.concatenate %slice3A_373, %slice3A_374 in 1 : vector<128x112xf32>, vector<128x16xf32> -> vector<128x128xf32>
    %slice3A_376 = vector.extract_strided_slice %select_n3A_359 {offsets = [0, 112], sizes = [128, 16], strides = [1, 1]} : vector<128x128xf32> to vector<128x16xf32>
    %slice3A_377 = vector.extract_strided_slice %select_n3A_359 {offsets = [0, 0], sizes = [128, 112], strides = [1, 1]} : vector<128x128xf32> to vector<128x112xf32>
    %concatenate3A_378 = tpu.concatenate %slice3A_376, %slice3A_377 in 1 : vector<128x16xf32>, vector<128x112xf32> -> vector<128x128xf32>
    %slice3A_379 = vector.extract_strided_slice %select_n3A_360 {offsets = [0, 16], sizes = [128, 112], strides = [1, 1]} : vector<128x128xi32> to vector<128x112xi32>
    %slice3A_380 = vector.extract_strided_slice %select_n3A_360 {offsets = [0, 0], sizes = [128, 16], strides = [1, 1]} : vector<128x128xi32> to vector<128x16xi32>
    %concatenate3A_381 = tpu.concatenate %slice3A_379, %slice3A_380 in 1 : vector<128x112xi32>, vector<128x16xi32> -> vector<128x128xi32>
    %slice3A_382 = vector.extract_strided_slice %select_n3A_360 {offsets = [0, 112], sizes = [128, 16], strides = [1, 1]} : vector<128x128xi32> to vector<128x16xi32>
    %slice3A_383 = vector.extract_strided_slice %select_n3A_360 {offsets = [0, 0], sizes = [128, 112], strides = [1, 1]} : vector<128x128xi32> to vector<128x112xi32>
    %concatenate3A_384 = tpu.concatenate %slice3A_382, %slice3A_383 in 1 : vector<128x16xi32>, vector<128x112xi32> -> vector<128x128xi32>
    %select_n3A_385 = arith.select %eq3A_372, %concatenate3A_375, %concatenate3A_378 : vector<128x128xi1>, vector<128x128xf32>
    %select_n3A_386 = arith.select %eq3A_372, %concatenate3A_381, %concatenate3A_384 : vector<128x128xi1>, vector<128x128xi32>
    %gt3A_387 = arith.cmpf ogt, %select_n3A_359, %select_n3A_385 : vector<128x128xf32>
    %eq3A_388 = arith.cmpf oeq, %select_n3A_359, %select_n3A_385 : vector<128x128xf32>
    %gt3A_389 = arith.cmpi sgt, %select_n3A_360, %select_n3A_386 : vector<128x128xi32>
    %and3A_390 = arith.andi %eq3A_388, %gt3A_389 : vector<128x128xi1>
    %or3A_391 = arith.ori %gt3A_387, %and3A_390 : vector<128x128xi1>
    %xor3A_392 = arith.xori %or3A_391, %eq3A_372 : vector<128x128xi1>
    %xor3A_393 = arith.xori %xor3A_392, %eq3A_18 : vector<128x128xi1>
    %and3A_394 = arith.andi %xor3A_393, %and3A_366 : vector<128x128xi1>
    %select_n3A_395 = arith.select %and3A_394, %select_n3A_385, %select_n3A_359 : vector<128x128xi1>, vector<128x128xf32>
    %select_n3A_396 = arith.select %and3A_394, %select_n3A_386, %select_n3A_360 : vector<128x128xi1>, vector<128x128xi32>
    %gt3A_397 = arith.constant 3 : i32
    %gt3A_398 = arith.cmpi sgt, %get3A_6, %gt3A_397 : i32
    %broadcast_in_dim3A_399 = arith.constant true
    %broadcast_in_dim3A_400 = vector.broadcast %broadcast_in_dim3A_399 : i1 to vector<128x128xi1>
    %and3A_401 = vector.broadcast %gt3A_398 : i1 to vector<128x128xi1>
    %and3A_402 = arith.andi %and3A_401, %broadcast_in_dim3A_400 : vector<128x128xi1>
    %and3A_403 = arith.constant 8 : i32
    %and3A_404 = vector.broadcast %and3A_403 : i32 to vector<128x128xi32>
    %and3A_405 = arith.andi %iota3A_7, %and3A_404 : vector<128x128xi32>
    %eq3A_406 = arith.constant 0 : i32
    %eq3A_407 = vector.broadcast %eq3A_406 : i32 to vector<128x128xi32>
    %eq3A_408 = arith.cmpi eq, %and3A_405, %eq3A_407 : vector<128x128xi32>
    %slice3A_409 = vector.extract_strided_slice %select_n3A_395 {offsets = [0, 8], sizes = [128, 120], strides = [1, 1]} : vector<128x128xf32> to vector<128x120xf32>
    %slice3A_410 = vector.extract_strided_slice %select_n3A_395 {offsets = [0, 0], sizes = [128, 8], strides = [1, 1]} : vector<128x128xf32> to vector<128x8xf32>
    %concatenate3A_411 = tpu.concatenate %slice3A_409, %slice3A_410 in 1 : vector<128x120xf32>, vector<128x8xf32> -> vector<128x128xf32>
    %slice3A_412 = vector.extract_strided_slice %select_n3A_395 {offsets = [0, 120], sizes = [128, 8], strides = [1, 1]} : vector<128x128xf32> to vector<128x8xf32>
    %slice3A_413 = vector.extract_strided_slice %select_n3A_395 {offsets = [0, 0], sizes = [128, 120], strides = [1, 1]} : vector<128x128xf32> to vector<128x120xf32>
    %concatenate3A_414 = tpu.concatenate %slice3A_412, %slice3A_413 in 1 : vector<128x8xf32>, vector<128x120xf32> -> vector<128x128xf32>
    %slice3A_415 = vector.extract_strided_slice %select_n3A_396 {offsets = [0, 8], sizes = [128, 120], strides = [1, 1]} : vector<128x128xi32> to vector<128x120xi32>
    %slice3A_416 = vector.extract_strided_slice %select_n3A_396 {offsets = [0, 0], sizes = [128, 8], strides = [1, 1]} : vector<128x128xi32> to vector<128x8xi32>
    %concatenate3A_417 = tpu.concatenate %slice3A_415, %slice3A_416 in 1 : vector<128x120xi32>, vector<128x8xi32> -> vector<128x128xi32>
    %slice3A_418 = vector.extract_strided_slice %select_n3A_396 {offsets = [0, 120], sizes = [128, 8], strides = [1, 1]} : vector<128x128xi32> to vector<128x8xi32>
    %slice3A_419 = vector.extract_strided_slice %select_n3A_396 {offsets = [0, 0], sizes = [128, 120], strides = [1, 1]} : vector<128x128xi32> to vector<128x120xi32>
    %concatenate3A_420 = tpu.concatenate %slice3A_418, %slice3A_419 in 1 : vector<128x8xi32>, vector<128x120xi32> -> vector<128x128xi32>
    %select_n3A_421 = arith.select %eq3A_408, %concatenate3A_411, %concatenate3A_414 : vector<128x128xi1>, vector<128x128xf32>
    %select_n3A_422 = arith.select %eq3A_408, %concatenate3A_417, %concatenate3A_420 : vector<128x128xi1>, vector<128x128xi32>
    %gt3A_423 = arith.cmpf ogt, %select_n3A_395, %select_n3A_421 : vector<128x128xf32>
    %eq3A_424 = arith.cmpf oeq, %select_n3A_395, %select_n3A_421 : vector<128x128xf32>
    %gt3A_425 = arith.cmpi sgt, %select_n3A_396, %select_n3A_422 : vector<128x128xi32>
    %and3A_426 = arith.andi %eq3A_424, %gt3A_425 : vector<128x128xi1>
    %or3A_427 = arith.ori %gt3A_423, %and3A_426 : vector<128x128xi1>
    %xor3A_428 = arith.xori %or3A_427, %eq3A_408 : vector<128x128xi1>
    %xor3A_429 = arith.xori %xor3A_428, %eq3A_18 : vector<128x128xi1>
    %and3A_430 = arith.andi %xor3A_429, %and3A_402 : vector<128x128xi1>
    %select_n3A_431 = arith.select %and3A_430, %select_n3A_421, %select_n3A_395 : vector<128x128xi1>, vector<128x128xf32>
    %select_n3A_432 = arith.select %and3A_430, %select_n3A_422, %select_n3A_396 : vector<128x128xi1>, vector<128x128xi32>
    %gt3A_433 = arith.constant 2 : i32
    %gt3A_434 = arith.cmpi sgt, %get3A_6, %gt3A_433 : i32
    %broadcast_in_dim3A_435 = arith.constant true
    %broadcast_in_dim3A_436 = vector.broadcast %broadcast_in_dim3A_435 : i1 to vector<128x128xi1>
    %and3A_437 = vector.broadcast %gt3A_434 : i1 to vector<128x128xi1>
    %and3A_438 = arith.andi %and3A_437, %broadcast_in_dim3A_436 : vector<128x128xi1>
    %and3A_439 = arith.constant 4 : i32
    %and3A_440 = vector.broadcast %and3A_439 : i32 to vector<128x128xi32>
    %and3A_441 = arith.andi %iota3A_7, %and3A_440 : vector<128x128xi32>
    %eq3A_442 = arith.constant 0 : i32
    %eq3A_443 = vector.broadcast %eq3A_442 : i32 to vector<128x128xi32>
    %eq3A_444 = arith.cmpi eq, %and3A_441, %eq3A_443 : vector<128x128xi32>
    %slice3A_445 = vector.extract_strided_slice %select_n3A_431 {offsets = [0, 4], sizes = [128, 124], strides = [1, 1]} : vector<128x128xf32> to vector<128x124xf32>
    %slice3A_446 = vector.extract_strided_slice %select_n3A_431 {offsets = [0, 0], sizes = [128, 4], strides = [1, 1]} : vector<128x128xf32> to vector<128x4xf32>
    %concatenate3A_447 = tpu.concatenate %slice3A_445, %slice3A_446 in 1 : vector<128x124xf32>, vector<128x4xf32> -> vector<128x128xf32>
    %slice3A_448 = vector.extract_strided_slice %select_n3A_431 {offsets = [0, 124], sizes = [128, 4], strides = [1, 1]} : vector<128x128xf32> to vector<128x4xf32>
    %slice3A_449 = vector.extract_strided_slice %select_n3A_431 {offsets = [0, 0], sizes = [128, 124], strides = [1, 1]} : vector<128x128xf32> to vector<128x124xf32>
    %concatenate3A_450 = tpu.concatenate %slice3A_448, %slice3A_449 in 1 : vector<128x4xf32>, vector<128x124xf32> -> vector<128x128xf32>
    %slice3A_451 = vector.extract_strided_slice %select_n3A_432 {offsets = [0, 4], sizes = [128, 124], strides = [1, 1]} : vector<128x128xi32> to vector<128x124xi32>
    %slice3A_452 = vector.extract_strided_slice %select_n3A_432 {offsets = [0, 0], sizes = [128, 4], strides = [1, 1]} : vector<128x128xi32> to vector<128x4xi32>
    %concatenate3A_453 = tpu.concatenate %slice3A_451, %slice3A_452 in 1 : vector<128x124xi32>, vector<128x4xi32> -> vector<128x128xi32>
    %slice3A_454 = vector.extract_strided_slice %select_n3A_432 {offsets = [0, 124], sizes = [128, 4], strides = [1, 1]} : vector<128x128xi32> to vector<128x4xi32>
    %slice3A_455 = vector.extract_strided_slice %select_n3A_432 {offsets = [0, 0], sizes = [128, 124], strides = [1, 1]} : vector<128x128xi32> to vector<128x124xi32>
    %concatenate3A_456 = tpu.concatenate %slice3A_454, %slice3A_455 in 1 : vector<128x4xi32>, vector<128x124xi32> -> vector<128x128xi32>
    %select_n3A_457 = arith.select %eq3A_444, %concatenate3A_447, %concatenate3A_450 : vector<128x128xi1>, vector<128x128xf32>
    %select_n3A_458 = arith.select %eq3A_444, %concatenate3A_453, %concatenate3A_456 : vector<128x128xi1>, vector<128x128xi32>
    %gt3A_459 = arith.cmpf ogt, %select_n3A_431, %select_n3A_457 : vector<128x128xf32>
    %eq3A_460 = arith.cmpf oeq, %select_n3A_431, %select_n3A_457 : vector<128x128xf32>
    %gt3A_461 = arith.cmpi sgt, %select_n3A_432, %select_n3A_458 : vector<128x128xi32>
    %and3A_462 = arith.andi %eq3A_460, %gt3A_461 : vector<128x128xi1>
    %or3A_463 = arith.ori %gt3A_459, %and3A_462 : vector<128x128xi1>
    %xor3A_464 = arith.xori %or3A_463, %eq3A_444 : vector<128x128xi1>
    %xor3A_465 = arith.xori %xor3A_464, %eq3A_18 : vector<128x128xi1>
    %and3A_466 = arith.andi %xor3A_465, %and3A_438 : vector<128x128xi1>
    %select_n3A_467 = arith.select %and3A_466, %select_n3A_457, %select_n3A_431 : vector<128x128xi1>, vector<128x128xf32>
    %select_n3A_468 = arith.select %and3A_466, %select_n3A_458, %select_n3A_432 : vector<128x128xi1>, vector<128x128xi32>
    %gt3A_469 = arith.constant 1 : i32
    %gt3A_470 = arith.cmpi sgt, %get3A_6, %gt3A_469 : i32
    %broadcast_in_dim3A_471 = arith.constant true
    %broadcast_in_dim3A_472 = vector.broadcast %broadcast_in_dim3A_471 : i1 to vector<128x128xi1>
    %and3A_473 = vector.broadcast %gt3A_470 : i1 to vector<128x128xi1>
    %and3A_474 = arith.andi %and3A_473, %broadcast_in_dim3A_472 : vector<128x128xi1>
    %and3A_475 = arith.constant 2 : i32
    %and3A_476 = vector.broadcast %and3A_475 : i32 to vector<128x128xi32>
    %and3A_477 = arith.andi %iota3A_7, %and3A_476 : vector<128x128xi32>
    %eq3A_478 = arith.constant 0 : i32
    %eq3A_479 = vector.broadcast %eq3A_478 : i32 to vector<128x128xi32>
    %eq3A_480 = arith.cmpi eq, %and3A_477, %eq3A_479 : vector<128x128xi32>
    %slice3A_481 = vector.extract_strided_slice %select_n3A_467 {offsets = [0, 2], sizes = [128, 126], strides = [1, 1]} : vector<128x128xf32> to vector<128x126xf32>
    %slice3A_482 = vector.extract_strided_slice %select_n3A_467 {offsets = [0, 0], sizes = [128, 2], strides = [1, 1]} : vector<128x128xf32> to vector<128x2xf32>
    %concatenate3A_483 = tpu.concatenate %slice3A_481, %slice3A_482 in 1 : vector<128x126xf32>, vector<128x2xf32> -> vector<128x128xf32>
    %slice3A_484 = vector.extract_strided_slice %select_n3A_467 {offsets = [0, 126], sizes = [128, 2], strides = [1, 1]} : vector<128x128xf32> to vector<128x2xf32>
    %slice3A_485 = vector.extract_strided_slice %select_n3A_467 {offsets = [0, 0], sizes = [128, 126], strides = [1, 1]} : vector<128x128xf32> to vector<128x126xf32>
    %concatenate3A_486 = tpu.concatenate %slice3A_484, %slice3A_485 in 1 : vector<128x2xf32>, vector<128x126xf32> -> vector<128x128xf32>
    %slice3A_487 = vector.extract_strided_slice %select_n3A_468 {offsets = [0, 2], sizes = [128, 126], strides = [1, 1]} : vector<128x128xi32> to vector<128x126xi32>
    %slice3A_488 = vector.extract_strided_slice %select_n3A_468 {offsets = [0, 0], sizes = [128, 2], strides = [1, 1]} : vector<128x128xi32> to vector<128x2xi32>
    %concatenate3A_489 = tpu.concatenate %slice3A_487, %slice3A_488 in 1 : vector<128x126xi32>, vector<128x2xi32> -> vector<128x128xi32>
    %slice3A_490 = vector.extract_strided_slice %select_n3A_468 {offsets = [0, 126], sizes = [128, 2], strides = [1, 1]} : vector<128x128xi32> to vector<128x2xi32>
    %slice3A_491 = vector.extract_strided_slice %select_n3A_468 {offsets = [0, 0], sizes = [128, 126], strides = [1, 1]} : vector<128x128xi32> to vector<128x126xi32>
    %concatenate3A_492 = tpu.concatenate %slice3A_490, %slice3A_491 in 1 : vector<128x2xi32>, vector<128x126xi32> -> vector<128x128xi32>
    %select_n3A_493 = arith.select %eq3A_480, %concatenate3A_483, %concatenate3A_486 : vector<128x128xi1>, vector<128x128xf32>
    %select_n3A_494 = arith.select %eq3A_480, %concatenate3A_489, %concatenate3A_492 : vector<128x128xi1>, vector<128x128xi32>
    %gt3A_495 = arith.cmpf ogt, %select_n3A_467, %select_n3A_493 : vector<128x128xf32>
    %eq3A_496 = arith.cmpf oeq, %select_n3A_467, %select_n3A_493 : vector<128x128xf32>
    %gt3A_497 = arith.cmpi sgt, %select_n3A_468, %select_n3A_494 : vector<128x128xi32>
    %and3A_498 = arith.andi %eq3A_496, %gt3A_497 : vector<128x128xi1>
    %or3A_499 = arith.ori %gt3A_495, %and3A_498 : vector<128x128xi1>
    %xor3A_500 = arith.xori %or3A_499, %eq3A_480 : vector<128x128xi1>
    %xor3A_501 = arith.xori %xor3A_500, %eq3A_18 : vector<128x128xi1>
    %and3A_502 = arith.andi %xor3A_501, %and3A_474 : vector<128x128xi1>
    %select_n3A_503 = arith.select %and3A_502, %select_n3A_493, %select_n3A_467 : vector<128x128xi1>, vector<128x128xf32>
    %select_n3A_504 = arith.select %and3A_502, %select_n3A_494, %select_n3A_468 : vector<128x128xi1>, vector<128x128xi32>
    %gt3A_505 = arith.constant 0 : i32
    %gt3A_506 = arith.cmpi sgt, %get3A_6, %gt3A_505 : i32
    %broadcast_in_dim3A_507 = arith.constant true
    %broadcast_in_dim3A_508 = vector.broadcast %broadcast_in_dim3A_507 : i1 to vector<128x128xi1>
    %and3A_509 = vector.broadcast %gt3A_506 : i1 to vector<128x128xi1>
    %and3A_510 = arith.andi %and3A_509, %broadcast_in_dim3A_508 : vector<128x128xi1>
    %and3A_511 = arith.constant 1 : i32
    %and3A_512 = vector.broadcast %and3A_511 : i32 to vector<128x128xi32>
    %and3A_513 = arith.andi %iota3A_7, %and3A_512 : vector<128x128xi32>
    %eq3A_514 = arith.constant 0 : i32
    %eq3A_515 = vector.broadcast %eq3A_514 : i32 to vector<128x128xi32>
    %eq3A_516 = arith.cmpi eq, %and3A_513, %eq3A_515 : vector<128x128xi32>
    %slice3A_517 = vector.extract_strided_slice %select_n3A_503 {offsets = [0, 1], sizes = [128, 127], strides = [1, 1]} : vector<128x128xf32> to vector<128x127xf32>
    %slice3A_518 = vector.extract_strided_slice %select_n3A_503 {offsets = [0, 0], sizes = [128, 1], strides = [1, 1]} : vector<128x128xf32> to vector<128x1xf32>
    %concatenate3A_519 = tpu.concatenate %slice3A_517, %slice3A_518 in 1 : vector<128x127xf32>, vector<128x1xf32> -> vector<128x128xf32>
    %slice3A_520 = vector.extract_strided_slice %select_n3A_503 {offsets = [0, 127], sizes = [128, 1], strides = [1, 1]} : vector<128x128xf32> to vector<128x1xf32>
    %slice3A_521 = vector.extract_strided_slice %select_n3A_503 {offsets = [0, 0], sizes = [128, 127], strides = [1, 1]} : vector<128x128xf32> to vector<128x127xf32>
    %concatenate3A_522 = tpu.concatenate %slice3A_520, %slice3A_521 in 1 : vector<128x1xf32>, vector<128x127xf32> -> vector<128x128xf32>
    %slice3A_523 = vector.extract_strided_slice %select_n3A_504 {offsets = [0, 1], sizes = [128, 127], strides = [1, 1]} : vector<128x128xi32> to vector<128x127xi32>
    %slice3A_524 = vector.extract_strided_slice %select_n3A_504 {offsets = [0, 0], sizes = [128, 1], strides = [1, 1]} : vector<128x128xi32> to vector<128x1xi32>
    %concatenate3A_525 = tpu.concatenate %slice3A_523, %slice3A_524 in 1 : vector<128x127xi32>, vector<128x1xi32> -> vector<128x128xi32>
    %slice3A_526 = vector.extract_strided_slice %select_n3A_504 {offsets = [0, 127], sizes = [128, 1], strides = [1, 1]} : vector<128x128xi32> to vector<128x1xi32>
    %slice3A_527 = vector.extract_strided_slice %select_n3A_504 {offsets = [0, 0], sizes = [128, 127], strides = [1, 1]} : vector<128x128xi32> to vector<128x127xi32>
    %concatenate3A_528 = tpu.concatenate %slice3A_526, %slice3A_527 in 1 : vector<128x1xi32>, vector<128x127xi32> -> vector<128x128xi32>
    %select_n3A_529 = arith.select %eq3A_516, %concatenate3A_519, %concatenate3A_522 : vector<128x128xi1>, vector<128x128xf32>
    %select_n3A_530 = arith.select %eq3A_516, %concatenate3A_525, %concatenate3A_528 : vector<128x128xi1>, vector<128x128xi32>
    %gt3A_531 = arith.cmpf ogt, %select_n3A_503, %select_n3A_529 : vector<128x128xf32>
    %eq3A_532 = arith.cmpf oeq, %select_n3A_503, %select_n3A_529 : vector<128x128xf32>
    %gt3A_533 = arith.cmpi sgt, %select_n3A_504, %select_n3A_530 : vector<128x128xi32>
    %and3A_534 = arith.andi %eq3A_532, %gt3A_533 : vector<128x128xi1>
    %or3A_535 = arith.ori %gt3A_531, %and3A_534 : vector<128x128xi1>
    %xor3A_536 = arith.xori %or3A_535, %eq3A_516 : vector<128x128xi1>
    %xor3A_537 = arith.xori %xor3A_536, %eq3A_18 : vector<128x128xi1>
    %and3A_538 = arith.andi %xor3A_537, %and3A_510 : vector<128x128xi1>
    %select_n3A_539 = arith.select %and3A_538, %select_n3A_529, %select_n3A_503 : vector<128x128xi1>, vector<128x128xf32>
    %select_n3A_540 = arith.select %and3A_538, %select_n3A_530, %select_n3A_504 : vector<128x128xi1>, vector<128x128xi32>
    %swap3A = arith.constant 0 : index
    %swap3A_541 = arith.constant 0 : index
    %swap3A_542 = vector.load %arg4[%swap3A, %swap3A_541] : memref<128x128xf32, #tpu.memory_space<vmem>>, vector<128x128xf32>
    tpu.vector_store %arg4[%swap3A, %swap3A_541], %select_n3A_539 {strides = array<i32>} : memref<128x128xf32, #tpu.memory_space<vmem>>, vector<128x128xf32>,
    %swap3A_543 = arith.constant 0 : index
    %swap3A_544 = arith.constant 0 : index
    %swap3A_545 = vector.load %arg5[%swap3A_543, %swap3A_544] : memref<128x128xi32, #tpu.memory_space<vmem>>, vector<128x128xi32>
    tpu.vector_store %arg5[%swap3A_543, %swap3A_544], %select_n3A_540 {strides = array<i32>} : memref<128x128xi32, #tpu.memory_space<vmem>>, vector<128x128xi32>,
    return
  }
  func.func @transform_0(%arg0: i32) -> i32 {
    %c0_i32 = arith.constant 0 : i32
    %c0_i32_0 = arith.constant 0 : i32
    return %c0_i32 : i32
  }
  func.func @transform_1(%arg0: i32) -> (i32, i32) {
    %c0_i32 = arith.constant 0 : i32
    %c0_i32_0 = arith.constant 0 : i32
    return %arg0, %c0_i32 : i32, i32
  }
  func.func @transform_2(%arg0: i32) -> (i32, i32) {
    %c0_i32 = arith.constant 0 : i32
    %c0_i32_0 = arith.constant 0 : i32
    return %arg0, %c0_i32 : i32, i32
  }
  func.func @transform_3(%arg0: i32) -> (i32, i32) {
    %c0_i32 = arith.constant 0 : i32
    %c0_i32_0 = arith.constant 0 : i32
    return %arg0, %c0_i32 : i32, i32
  }
  func.func @transform_4(%arg0: i32) -> (i32, i32) {
    %c0_i32 = arith.constant 0 : i32
    %c0_i32_0 = arith.constant 0 : i32
    return %arg0, %c0_i32 : i32, i32
  }
}

module attributes {stable_mosaic.version = 14 : i64} {
  func.func @_global_body(%arg0: i32, %arg1: memref<1xi32, #tpu.memory_space<smem>>, %arg2: memref<256x128xf32, #tpu.memory_space<vmem>>, %arg3: memref<256x128xi32, #tpu.memory_space<vmem>>, %arg4: memref<256x128xf32, #tpu.memory_space<vmem>>, %arg5: memref<256x128xi32, #tpu.memory_space<vmem>>) attributes {dimension_semantics = [#tpu.dimension_semantics<arbitrary>], iteration_bounds = array<i64: 32>, scalar_prefetch = 0 : i64, scratch_operands = 0 : i64, tpu.core_type = #tpu.core_type<tc>, window_params = [{transform_indices = @transform_0, window_bounds = array<i64: 1>}, {transform_indices = @transform_1, window_bounds = array<i64: 256, 128>}, {transform_indices = @transform_2, window_bounds = array<i64: 256, 128>}, {transform_indices = @transform_3, window_bounds = array<i64: 256, 128>}, {transform_indices = @transform_4, window_bounds = array<i64: 256, 128>}]} {
    %get3A = arith.constant 0 : index
    %get3A_0 = memref.load %arg1[%get3A] : memref<1xi32, #tpu.memory_space<smem>>
    %get3A_1 = arith.constant 0 : index
    %get3A_2 = arith.constant 0 : index
    %get3A_3 = vector.load %arg2[%get3A_1, %get3A_2] : memref<256x128xf32, #tpu.memory_space<vmem>>, vector<128x128xf32>
    %get3A_4 = arith.constant 128 : index
    %get3A_5 = arith.constant 0 : index
    %get3A_6 = vector.load %arg2[%get3A_4, %get3A_5] : memref<256x128xf32, #tpu.memory_space<vmem>>, vector<128x128xf32>
    %get3A_7 = arith.constant 0 : index
    %get3A_8 = arith.constant 0 : index
    %get3A_9 = vector.load %arg3[%get3A_7, %get3A_8] : memref<256x128xi32, #tpu.memory_space<vmem>>, vector<128x128xi32>
    %get3A_10 = arith.constant 128 : index
    %get3A_11 = arith.constant 0 : index
    %get3A_12 = vector.load %arg3[%get3A_10, %get3A_11] : memref<256x128xi32, #tpu.memory_space<vmem>>, vector<128x128xi32>
    %mul3A = arith.constant 256 : i32
    %mul3A_13 = arith.muli %arg0, %mul3A : i32
    %sub3A = arith.constant 7 : i32
    %sub3A_14 = arith.subi %get3A_0, %sub3A : i32
    %shift_right_arithmetic3A = arith.shrsi %mul3A_13, %sub3A_14 : i32
    %and3A = arith.constant 1 : i32
    %and3A_15 = arith.andi %shift_right_arithmetic3A, %and3A : i32
    %eq3A = arith.constant 0 : i32
    %eq3A_16 = arith.cmpi eq, %and3A_15, %eq3A : i32
    %gt3A = arith.cmpf ogt, %get3A_3, %get3A_6 : vector<128x128xf32>
    %eq3A_17 = arith.cmpf oeq, %get3A_3, %get3A_6 : vector<128x128xf32>
    %gt3A_18 = arith.cmpi sgt, %get3A_9, %get3A_12 : vector<128x128xi32>
    %and3A_19 = arith.andi %eq3A_17, %gt3A_18 : vector<128x128xi1>
    %or3A = arith.ori %gt3A, %and3A_19 : vector<128x128xi1>
    %not3A = arith.constant true
    %not3A_20 = arith.xori %eq3A_16, %not3A : i1
    %xor3A = vector.broadcast %not3A_20 : i1 to vector<128x128xi1>
    %xor3A_21 = arith.xori %or3A, %xor3A : vector<128x128xi1>
    %select_n3A = arith.select %xor3A_21, %get3A_6, %get3A_3 : vector<128x128xi1>, vector<128x128xf32>
    %swap3A = arith.constant 0 : index
    %swap3A_22 = arith.constant 0 : index
    %swap3A_23 = vector.load %arg4[%swap3A, %swap3A_22] : memref<256x128xf32, #tpu.memory_space<vmem>>, vector<128x128xf32>
    tpu.vector_store %arg4[%swap3A, %swap3A_22], %select_n3A {strides = array<i32>} : memref<256x128xf32, #tpu.memory_space<vmem>>, vector<128x128xf32>,
    %select_n3A_24 = arith.select %xor3A_21, %get3A_3, %get3A_6 : vector<128x128xi1>, vector<128x128xf32>
    %swap3A_25 = arith.constant 128 : index
    %swap3A_26 = arith.constant 0 : index
    %swap3A_27 = vector.load %arg4[%swap3A_25, %swap3A_26] : memref<256x128xf32, #tpu.memory_space<vmem>>, vector<128x128xf32>
    tpu.vector_store %arg4[%swap3A_25, %swap3A_26], %select_n3A_24 {strides = array<i32>} : memref<256x128xf32, #tpu.memory_space<vmem>>, vector<128x128xf32>,
    %select_n3A_28 = arith.select %xor3A_21, %get3A_12, %get3A_9 : vector<128x128xi1>, vector<128x128xi32>
    %swap3A_29 = arith.constant 0 : index
    %swap3A_30 = arith.constant 0 : index
    %swap3A_31 = vector.load %arg5[%swap3A_29, %swap3A_30] : memref<256x128xi32, #tpu.memory_space<vmem>>, vector<128x128xi32>
    tpu.vector_store %arg5[%swap3A_29, %swap3A_30], %select_n3A_28 {strides = array<i32>} : memref<256x128xi32, #tpu.memory_space<vmem>>, vector<128x128xi32>,
    %select_n3A_32 = arith.select %xor3A_21, %get3A_9, %get3A_12 : vector<128x128xi1>, vector<128x128xi32>
    %swap3A_33 = arith.constant 128 : index
    %swap3A_34 = arith.constant 0 : index
    %swap3A_35 = vector.load %arg5[%swap3A_33, %swap3A_34] : memref<256x128xi32, #tpu.memory_space<vmem>>, vector<128x128xi32>
    tpu.vector_store %arg5[%swap3A_33, %swap3A_34], %select_n3A_32 {strides = array<i32>} : memref<256x128xi32, #tpu.memory_space<vmem>>, vector<128x128xi32>,
    return
  }
  func.func @transform_0(%arg0: i32) -> i32 {
    %c0_i32 = arith.constant 0 : i32
    %c0_i32_0 = arith.constant 0 : i32
    return %c0_i32 : i32
  }
  func.func @transform_1(%arg0: i32) -> (i32, i32) {
    %c0_i32 = arith.constant 0 : i32
    %c0_i32_0 = arith.constant 0 : i32
    return %arg0, %c0_i32 : i32, i32
  }
  func.func @transform_2(%arg0: i32) -> (i32, i32) {
    %c0_i32 = arith.constant 0 : i32
    %c0_i32_0 = arith.constant 0 : i32
    return %arg0, %c0_i32 : i32, i32
  }
  func.func @transform_3(%arg0: i32) -> (i32, i32) {
    %c0_i32 = arith.constant 0 : i32
    %c0_i32_0 = arith.constant 0 : i32
    return %arg0, %c0_i32 : i32, i32
  }
  func.func @transform_4(%arg0: i32) -> (i32, i32) {
    %c0_i32 = arith.constant 0 : i32
    %c0_i32_0 = arith.constant 0 : i32
    return %arg0, %c0_i32 : i32, i32
  }
}

module attributes {stable_mosaic.version = 14 : i64} {
  func.func @_global_body(%arg0: i32, %arg1: memref<1xi32, #tpu.memory_space<smem>>, %arg2: memref<512x128xf32, #tpu.memory_space<vmem>>, %arg3: memref<512x128xi32, #tpu.memory_space<vmem>>, %arg4: memref<512x128xf32, #tpu.memory_space<vmem>>, %arg5: memref<512x128xi32, #tpu.memory_space<vmem>>) attributes {dimension_semantics = [#tpu.dimension_semantics<arbitrary>], iteration_bounds = array<i64: 16>, scalar_prefetch = 0 : i64, scratch_operands = 0 : i64, tpu.core_type = #tpu.core_type<tc>, window_params = [{transform_indices = @transform_0, window_bounds = array<i64: 1>}, {transform_indices = @transform_1, window_bounds = array<i64: 512, 128>}, {transform_indices = @transform_2, window_bounds = array<i64: 512, 128>}, {transform_indices = @transform_3, window_bounds = array<i64: 512, 128>}, {transform_indices = @transform_4, window_bounds = array<i64: 512, 128>}]} {
    %get3A = arith.constant 0 : index
    %get3A_0 = memref.load %arg1[%get3A] : memref<1xi32, #tpu.memory_space<smem>>
    %get3A_1 = arith.constant 0 : index
    %get3A_2 = arith.constant 0 : index
    %get3A_3 = vector.load %arg2[%get3A_1, %get3A_2] : memref<512x128xf32, #tpu.memory_space<vmem>>, vector<256x128xf32>
    %get3A_4 = arith.constant 256 : index
    %get3A_5 = arith.constant 0 : index
    %get3A_6 = vector.load %arg2[%get3A_4, %get3A_5] : memref<512x128xf32, #tpu.memory_space<vmem>>, vector<256x128xf32>
    %get3A_7 = arith.constant 0 : index
    %get3A_8 = arith.constant 0 : index
    %get3A_9 = vector.load %arg3[%get3A_7, %get3A_8] : memref<512x128xi32, #tpu.memory_space<vmem>>, vector<256x128xi32>
    %get3A_10 = arith.constant 256 : index
    %get3A_11 = arith.constant 0 : index
    %get3A_12 = vector.load %arg3[%get3A_10, %get3A_11] : memref<512x128xi32, #tpu.memory_space<vmem>>, vector<256x128xi32>
    %mul3A = arith.constant 512 : i32
    %mul3A_13 = arith.muli %arg0, %mul3A : i32
    %sub3A = arith.constant 7 : i32
    %sub3A_14 = arith.subi %get3A_0, %sub3A : i32
    %shift_right_arithmetic3A = arith.shrsi %mul3A_13, %sub3A_14 : i32
    %and3A = arith.constant 1 : i32
    %and3A_15 = arith.andi %shift_right_arithmetic3A, %and3A : i32
    %eq3A = arith.constant 0 : i32
    %eq3A_16 = arith.cmpi eq, %and3A_15, %eq3A : i32
    %gt3A = arith.cmpf ogt, %get3A_3, %get3A_6 : vector<256x128xf32>
    %eq3A_17 = arith.cmpf oeq, %get3A_3, %get3A_6 : vector<256x128xf32>
    %gt3A_18 = arith.cmpi sgt, %get3A_9, %get3A_12 : vector<256x128xi32>
    %and3A_19 = arith.andi %eq3A_17, %gt3A_18 : vector<256x128xi1>
    %or3A = arith.ori %gt3A, %and3A_19 : vector<256x128xi1>
    %not3A = arith.constant true
    %not3A_20 = arith.xori %eq3A_16, %not3A : i1
    %xor3A = vector.broadcast %not3A_20 : i1 to vector<256x128xi1>
    %xor3A_21 = arith.xori %or3A, %xor3A : vector<256x128xi1>
    %select_n3A = arith.select %xor3A_21, %get3A_6, %get3A_3 : vector<256x128xi1>, vector<256x128xf32>
    %swap3A = arith.constant 0 : index
    %swap3A_22 = arith.constant 0 : index
    %swap3A_23 = vector.load %arg4[%swap3A, %swap3A_22] : memref<512x128xf32, #tpu.memory_space<vmem>>, vector<256x128xf32>
    tpu.vector_store %arg4[%swap3A, %swap3A_22], %select_n3A {strides = array<i32>} : memref<512x128xf32, #tpu.memory_space<vmem>>, vector<256x128xf32>,
    %select_n3A_24 = arith.select %xor3A_21, %get3A_3, %get3A_6 : vector<256x128xi1>, vector<256x128xf32>
    %swap3A_25 = arith.constant 256 : index
    %swap3A_26 = arith.constant 0 : index
    %swap3A_27 = vector.load %arg4[%swap3A_25, %swap3A_26] : memref<512x128xf32, #tpu.memory_space<vmem>>, vector<256x128xf32>
    tpu.vector_store %arg4[%swap3A_25, %swap3A_26], %select_n3A_24 {strides = array<i32>} : memref<512x128xf32, #tpu.memory_space<vmem>>, vector<256x128xf32>,
    %select_n3A_28 = arith.select %xor3A_21, %get3A_12, %get3A_9 : vector<256x128xi1>, vector<256x128xi32>
    %swap3A_29 = arith.constant 0 : index
    %swap3A_30 = arith.constant 0 : index
    %swap3A_31 = vector.load %arg5[%swap3A_29, %swap3A_30] : memref<512x128xi32, #tpu.memory_space<vmem>>, vector<256x128xi32>
    tpu.vector_store %arg5[%swap3A_29, %swap3A_30], %select_n3A_28 {strides = array<i32>} : memref<512x128xi32, #tpu.memory_space<vmem>>, vector<256x128xi32>,
    %select_n3A_32 = arith.select %xor3A_21, %get3A_9, %get3A_12 : vector<256x128xi1>, vector<256x128xi32>
    %swap3A_33 = arith.constant 256 : index
    %swap3A_34 = arith.constant 0 : index
    %swap3A_35 = vector.load %arg5[%swap3A_33, %swap3A_34] : memref<512x128xi32, #tpu.memory_space<vmem>>, vector<256x128xi32>
    tpu.vector_store %arg5[%swap3A_33, %swap3A_34], %select_n3A_32 {strides = array<i32>} : memref<512x128xi32, #tpu.memory_space<vmem>>, vector<256x128xi32>,
    return
  }
  func.func @transform_0(%arg0: i32) -> i32 {
    %c0_i32 = arith.constant 0 : i32
    %c0_i32_0 = arith.constant 0 : i32
    return %c0_i32 : i32
  }
  func.func @transform_1(%arg0: i32) -> (i32, i32) {
    %c0_i32 = arith.constant 0 : i32
    %c0_i32_0 = arith.constant 0 : i32
    return %arg0, %c0_i32 : i32, i32
  }
  func.func @transform_2(%arg0: i32) -> (i32, i32) {
    %c0_i32 = arith.constant 0 : i32
    %c0_i32_0 = arith.constant 0 : i32
    return %arg0, %c0_i32 : i32, i32
  }
  func.func @transform_3(%arg0: i32) -> (i32, i32) {
    %c0_i32 = arith.constant 0 : i32
    %c0_i32_0 = arith.constant 0 : i32
    return %arg0, %c0_i32 : i32, i32
  }
  func.func @transform_4(%arg0: i32) -> (i32, i32) {
    %c0_i32 = arith.constant 0 : i32
    %c0_i32_0 = arith.constant 0 : i32
    return %arg0, %c0_i32 : i32, i32
  }
}

module attributes {stable_mosaic.version = 14 : i64} {
  func.func @_global_body(%arg0: i32, %arg1: memref<1xi32, #tpu.memory_space<smem>>, %arg2: memref<1024x128xf32, #tpu.memory_space<vmem>>, %arg3: memref<1024x128xi32, #tpu.memory_space<vmem>>, %arg4: memref<1024x128xf32, #tpu.memory_space<vmem>>, %arg5: memref<1024x128xi32, #tpu.memory_space<vmem>>) attributes {dimension_semantics = [#tpu.dimension_semantics<arbitrary>], iteration_bounds = array<i64: 8>, scalar_prefetch = 0 : i64, scratch_operands = 0 : i64, tpu.core_type = #tpu.core_type<tc>, window_params = [{transform_indices = @transform_0, window_bounds = array<i64: 1>}, {transform_indices = @transform_1, window_bounds = array<i64: 1024, 128>}, {transform_indices = @transform_2, window_bounds = array<i64: 1024, 128>}, {transform_indices = @transform_3, window_bounds = array<i64: 1024, 128>}, {transform_indices = @transform_4, window_bounds = array<i64: 1024, 128>}]} {
    %get3A = arith.constant 0 : index
    %get3A_0 = memref.load %arg1[%get3A] : memref<1xi32, #tpu.memory_space<smem>>
    %get3A_1 = arith.constant 0 : index
    %get3A_2 = arith.constant 0 : index
    %get3A_3 = vector.load %arg2[%get3A_1, %get3A_2] : memref<1024x128xf32, #tpu.memory_space<vmem>>, vector<512x128xf32>
    %get3A_4 = arith.constant 512 : index
    %get3A_5 = arith.constant 0 : index
    %get3A_6 = vector.load %arg2[%get3A_4, %get3A_5] : memref<1024x128xf32, #tpu.memory_space<vmem>>, vector<512x128xf32>
    %get3A_7 = arith.constant 0 : index
    %get3A_8 = arith.constant 0 : index
    %get3A_9 = vector.load %arg3[%get3A_7, %get3A_8] : memref<1024x128xi32, #tpu.memory_space<vmem>>, vector<512x128xi32>
    %get3A_10 = arith.constant 512 : index
    %get3A_11 = arith.constant 0 : index
    %get3A_12 = vector.load %arg3[%get3A_10, %get3A_11] : memref<1024x128xi32, #tpu.memory_space<vmem>>, vector<512x128xi32>
    %mul3A = arith.constant 1024 : i32
    %mul3A_13 = arith.muli %arg0, %mul3A : i32
    %sub3A = arith.constant 7 : i32
    %sub3A_14 = arith.subi %get3A_0, %sub3A : i32
    %shift_right_arithmetic3A = arith.shrsi %mul3A_13, %sub3A_14 : i32
    %and3A = arith.constant 1 : i32
    %and3A_15 = arith.andi %shift_right_arithmetic3A, %and3A : i32
    %eq3A = arith.constant 0 : i32
    %eq3A_16 = arith.cmpi eq, %and3A_15, %eq3A : i32
    %gt3A = arith.cmpf ogt, %get3A_3, %get3A_6 : vector<512x128xf32>
    %eq3A_17 = arith.cmpf oeq, %get3A_3, %get3A_6 : vector<512x128xf32>
    %gt3A_18 = arith.cmpi sgt, %get3A_9, %get3A_12 : vector<512x128xi32>
    %and3A_19 = arith.andi %eq3A_17, %gt3A_18 : vector<512x128xi1>
    %or3A = arith.ori %gt3A, %and3A_19 : vector<512x128xi1>
    %not3A = arith.constant true
    %not3A_20 = arith.xori %eq3A_16, %not3A : i1
    %xor3A = vector.broadcast %not3A_20 : i1 to vector<512x128xi1>
    %xor3A_21 = arith.xori %or3A, %xor3A : vector<512x128xi1>
    %select_n3A = arith.select %xor3A_21, %get3A_6, %get3A_3 : vector<512x128xi1>, vector<512x128xf32>
    %swap3A = arith.constant 0 : index
    %swap3A_22 = arith.constant 0 : index
    %swap3A_23 = vector.load %arg4[%swap3A, %swap3A_22] : memref<1024x128xf32, #tpu.memory_space<vmem>>, vector<512x128xf32>
    tpu.vector_store %arg4[%swap3A, %swap3A_22], %select_n3A {strides = array<i32>} : memref<1024x128xf32, #tpu.memory_space<vmem>>, vector<512x128xf32>,
    %select_n3A_24 = arith.select %xor3A_21, %get3A_3, %get3A_6 : vector<512x128xi1>, vector<512x128xf32>
    %swap3A_25 = arith.constant 512 : index
    %swap3A_26 = arith.constant 0 : index
    %swap3A_27 = vector.load %arg4[%swap3A_25, %swap3A_26] : memref<1024x128xf32, #tpu.memory_space<vmem>>, vector<512x128xf32>
    tpu.vector_store %arg4[%swap3A_25, %swap3A_26], %select_n3A_24 {strides = array<i32>} : memref<1024x128xf32, #tpu.memory_space<vmem>>, vector<512x128xf32>,
    %select_n3A_28 = arith.select %xor3A_21, %get3A_12, %get3A_9 : vector<512x128xi1>, vector<512x128xi32>
    %swap3A_29 = arith.constant 0 : index
    %swap3A_30 = arith.constant 0 : index
    %swap3A_31 = vector.load %arg5[%swap3A_29, %swap3A_30] : memref<1024x128xi32, #tpu.memory_space<vmem>>, vector<512x128xi32>
    tpu.vector_store %arg5[%swap3A_29, %swap3A_30], %select_n3A_28 {strides = array<i32>} : memref<1024x128xi32, #tpu.memory_space<vmem>>, vector<512x128xi32>,
    %select_n3A_32 = arith.select %xor3A_21, %get3A_9, %get3A_12 : vector<512x128xi1>, vector<512x128xi32>
    %swap3A_33 = arith.constant 512 : index
    %swap3A_34 = arith.constant 0 : index
    %swap3A_35 = vector.load %arg5[%swap3A_33, %swap3A_34] : memref<1024x128xi32, #tpu.memory_space<vmem>>, vector<512x128xi32>
    tpu.vector_store %arg5[%swap3A_33, %swap3A_34], %select_n3A_32 {strides = array<i32>} : memref<1024x128xi32, #tpu.memory_space<vmem>>, vector<512x128xi32>,
    return
  }
  func.func @transform_0(%arg0: i32) -> i32 {
    %c0_i32 = arith.constant 0 : i32
    %c0_i32_0 = arith.constant 0 : i32
    return %c0_i32 : i32
  }
  func.func @transform_1(%arg0: i32) -> (i32, i32) {
    %c0_i32 = arith.constant 0 : i32
    %c0_i32_0 = arith.constant 0 : i32
    return %arg0, %c0_i32 : i32, i32
  }
  func.func @transform_2(%arg0: i32) -> (i32, i32) {
    %c0_i32 = arith.constant 0 : i32
    %c0_i32_0 = arith.constant 0 : i32
    return %arg0, %c0_i32 : i32, i32
  }
  func.func @transform_3(%arg0: i32) -> (i32, i32) {
    %c0_i32 = arith.constant 0 : i32
    %c0_i32_0 = arith.constant 0 : i32
    return %arg0, %c0_i32 : i32, i32
  }
  func.func @transform_4(%arg0: i32) -> (i32, i32) {
    %c0_i32 = arith.constant 0 : i32
    %c0_i32_0 = arith.constant 0 : i32
    return %arg0, %c0_i32 : i32, i32
  }
}

module attributes {stable_mosaic.version = 14 : i64} {
  func.func @_global_body(%arg0: i32, %arg1: memref<1xi32, #tpu.memory_space<smem>>, %arg2: memref<2048x128xf32, #tpu.memory_space<vmem>>, %arg3: memref<2048x128xi32, #tpu.memory_space<vmem>>, %arg4: memref<2048x128xf32, #tpu.memory_space<vmem>>, %arg5: memref<2048x128xi32, #tpu.memory_space<vmem>>) attributes {dimension_semantics = [#tpu.dimension_semantics<arbitrary>], iteration_bounds = array<i64: 4>, scalar_prefetch = 0 : i64, scratch_operands = 0 : i64, tpu.core_type = #tpu.core_type<tc>, window_params = [{transform_indices = @transform_0, window_bounds = array<i64: 1>}, {transform_indices = @transform_1, window_bounds = array<i64: 2048, 128>}, {transform_indices = @transform_2, window_bounds = array<i64: 2048, 128>}, {transform_indices = @transform_3, window_bounds = array<i64: 2048, 128>}, {transform_indices = @transform_4, window_bounds = array<i64: 2048, 128>}]} {
    %get3A = arith.constant 0 : index
    %get3A_0 = memref.load %arg1[%get3A] : memref<1xi32, #tpu.memory_space<smem>>
    %get3A_1 = arith.constant 0 : index
    %get3A_2 = arith.constant 0 : index
    %get3A_3 = vector.load %arg2[%get3A_1, %get3A_2] : memref<2048x128xf32, #tpu.memory_space<vmem>>, vector<1024x128xf32>
    %get3A_4 = arith.constant 1024 : index
    %get3A_5 = arith.constant 0 : index
    %get3A_6 = vector.load %arg2[%get3A_4, %get3A_5] : memref<2048x128xf32, #tpu.memory_space<vmem>>, vector<1024x128xf32>
    %get3A_7 = arith.constant 0 : index
    %get3A_8 = arith.constant 0 : index
    %get3A_9 = vector.load %arg3[%get3A_7, %get3A_8] : memref<2048x128xi32, #tpu.memory_space<vmem>>, vector<1024x128xi32>
    %get3A_10 = arith.constant 1024 : index
    %get3A_11 = arith.constant 0 : index
    %get3A_12 = vector.load %arg3[%get3A_10, %get3A_11] : memref<2048x128xi32, #tpu.memory_space<vmem>>, vector<1024x128xi32>
    %mul3A = arith.constant 2048 : i32
    %mul3A_13 = arith.muli %arg0, %mul3A : i32
    %sub3A = arith.constant 7 : i32
    %sub3A_14 = arith.subi %get3A_0, %sub3A : i32
    %shift_right_arithmetic3A = arith.shrsi %mul3A_13, %sub3A_14 : i32
    %and3A = arith.constant 1 : i32
    %and3A_15 = arith.andi %shift_right_arithmetic3A, %and3A : i32
    %eq3A = arith.constant 0 : i32
    %eq3A_16 = arith.cmpi eq, %and3A_15, %eq3A : i32
    %gt3A = arith.cmpf ogt, %get3A_3, %get3A_6 : vector<1024x128xf32>
    %eq3A_17 = arith.cmpf oeq, %get3A_3, %get3A_6 : vector<1024x128xf32>
    %gt3A_18 = arith.cmpi sgt, %get3A_9, %get3A_12 : vector<1024x128xi32>
    %and3A_19 = arith.andi %eq3A_17, %gt3A_18 : vector<1024x128xi1>
    %or3A = arith.ori %gt3A, %and3A_19 : vector<1024x128xi1>
    %not3A = arith.constant true
    %not3A_20 = arith.xori %eq3A_16, %not3A : i1
    %xor3A = vector.broadcast %not3A_20 : i1 to vector<1024x128xi1>
    %xor3A_21 = arith.xori %or3A, %xor3A : vector<1024x128xi1>
    %select_n3A = arith.select %xor3A_21, %get3A_6, %get3A_3 : vector<1024x128xi1>, vector<1024x128xf32>
    %swap3A = arith.constant 0 : index
    %swap3A_22 = arith.constant 0 : index
    %swap3A_23 = vector.load %arg4[%swap3A, %swap3A_22] : memref<2048x128xf32, #tpu.memory_space<vmem>>, vector<1024x128xf32>
    tpu.vector_store %arg4[%swap3A, %swap3A_22], %select_n3A {strides = array<i32>} : memref<2048x128xf32, #tpu.memory_space<vmem>>, vector<1024x128xf32>,
    %select_n3A_24 = arith.select %xor3A_21, %get3A_3, %get3A_6 : vector<1024x128xi1>, vector<1024x128xf32>
    %swap3A_25 = arith.constant 1024 : index
    %swap3A_26 = arith.constant 0 : index
    %swap3A_27 = vector.load %arg4[%swap3A_25, %swap3A_26] : memref<2048x128xf32, #tpu.memory_space<vmem>>, vector<1024x128xf32>
    tpu.vector_store %arg4[%swap3A_25, %swap3A_26], %select_n3A_24 {strides = array<i32>} : memref<2048x128xf32, #tpu.memory_space<vmem>>, vector<1024x128xf32>,
    %select_n3A_28 = arith.select %xor3A_21, %get3A_12, %get3A_9 : vector<1024x128xi1>, vector<1024x128xi32>
    %swap3A_29 = arith.constant 0 : index
    %swap3A_30 = arith.constant 0 : index
    %swap3A_31 = vector.load %arg5[%swap3A_29, %swap3A_30] : memref<2048x128xi32, #tpu.memory_space<vmem>>, vector<1024x128xi32>
    tpu.vector_store %arg5[%swap3A_29, %swap3A_30], %select_n3A_28 {strides = array<i32>} : memref<2048x128xi32, #tpu.memory_space<vmem>>, vector<1024x128xi32>,
    %select_n3A_32 = arith.select %xor3A_21, %get3A_9, %get3A_12 : vector<1024x128xi1>, vector<1024x128xi32>
    %swap3A_33 = arith.constant 1024 : index
    %swap3A_34 = arith.constant 0 : index
    %swap3A_35 = vector.load %arg5[%swap3A_33, %swap3A_34] : memref<2048x128xi32, #tpu.memory_space<vmem>>, vector<1024x128xi32>
    tpu.vector_store %arg5[%swap3A_33, %swap3A_34], %select_n3A_32 {strides = array<i32>} : memref<2048x128xi32, #tpu.memory_space<vmem>>, vector<1024x128xi32>,
    return
  }
  func.func @transform_0(%arg0: i32) -> i32 {
    %c0_i32 = arith.constant 0 : i32
    %c0_i32_0 = arith.constant 0 : i32
    return %c0_i32 : i32
  }
  func.func @transform_1(%arg0: i32) -> (i32, i32) {
    %c0_i32 = arith.constant 0 : i32
    %c0_i32_0 = arith.constant 0 : i32
    return %arg0, %c0_i32 : i32, i32
  }
  func.func @transform_2(%arg0: i32) -> (i32, i32) {
    %c0_i32 = arith.constant 0 : i32
    %c0_i32_0 = arith.constant 0 : i32
    return %arg0, %c0_i32 : i32, i32
  }
  func.func @transform_3(%arg0: i32) -> (i32, i32) {
    %c0_i32 = arith.constant 0 : i32
    %c0_i32_0 = arith.constant 0 : i32
    return %arg0, %c0_i32 : i32, i32
  }
  func.func @transform_4(%arg0: i32) -> (i32, i32) {
    %c0_i32 = arith.constant 0 : i32
    %c0_i32_0 = arith.constant 0 : i32
    return %arg0, %c0_i32 : i32, i32
  }
}

module attributes {stable_mosaic.version = 14 : i64} {
  func.func @_global_body(%arg0: i32, %arg1: memref<1xi32, #tpu.memory_space<smem>>, %arg2: memref<4096x128xf32, #tpu.memory_space<vmem>>, %arg3: memref<4096x128xi32, #tpu.memory_space<vmem>>, %arg4: memref<4096x128xf32, #tpu.memory_space<vmem>>, %arg5: memref<4096x128xi32, #tpu.memory_space<vmem>>) attributes {dimension_semantics = [#tpu.dimension_semantics<arbitrary>], iteration_bounds = array<i64: 2>, scalar_prefetch = 0 : i64, scratch_operands = 0 : i64, tpu.core_type = #tpu.core_type<tc>, window_params = [{transform_indices = @transform_0, window_bounds = array<i64: 1>}, {transform_indices = @transform_1, window_bounds = array<i64: 4096, 128>}, {transform_indices = @transform_2, window_bounds = array<i64: 4096, 128>}, {transform_indices = @transform_3, window_bounds = array<i64: 4096, 128>}, {transform_indices = @transform_4, window_bounds = array<i64: 4096, 128>}]} {
    %get3A = arith.constant 0 : index
    %get3A_0 = memref.load %arg1[%get3A] : memref<1xi32, #tpu.memory_space<smem>>
    %get3A_1 = arith.constant 0 : index
    %get3A_2 = arith.constant 0 : index
    %get3A_3 = vector.load %arg2[%get3A_1, %get3A_2] : memref<4096x128xf32, #tpu.memory_space<vmem>>, vector<2048x128xf32>
    %get3A_4 = arith.constant 2048 : index
    %get3A_5 = arith.constant 0 : index
    %get3A_6 = vector.load %arg2[%get3A_4, %get3A_5] : memref<4096x128xf32, #tpu.memory_space<vmem>>, vector<2048x128xf32>
    %get3A_7 = arith.constant 0 : index
    %get3A_8 = arith.constant 0 : index
    %get3A_9 = vector.load %arg3[%get3A_7, %get3A_8] : memref<4096x128xi32, #tpu.memory_space<vmem>>, vector<2048x128xi32>
    %get3A_10 = arith.constant 2048 : index
    %get3A_11 = arith.constant 0 : index
    %get3A_12 = vector.load %arg3[%get3A_10, %get3A_11] : memref<4096x128xi32, #tpu.memory_space<vmem>>, vector<2048x128xi32>
    %mul3A = arith.constant 4096 : i32
    %mul3A_13 = arith.muli %arg0, %mul3A : i32
    %sub3A = arith.constant 7 : i32
    %sub3A_14 = arith.subi %get3A_0, %sub3A : i32
    %shift_right_arithmetic3A = arith.shrsi %mul3A_13, %sub3A_14 : i32
    %and3A = arith.constant 1 : i32
    %and3A_15 = arith.andi %shift_right_arithmetic3A, %and3A : i32
    %eq3A = arith.constant 0 : i32
    %eq3A_16 = arith.cmpi eq, %and3A_15, %eq3A : i32
    %gt3A = arith.cmpf ogt, %get3A_3, %get3A_6 : vector<2048x128xf32>
    %eq3A_17 = arith.cmpf oeq, %get3A_3, %get3A_6 : vector<2048x128xf32>
    %gt3A_18 = arith.cmpi sgt, %get3A_9, %get3A_12 : vector<2048x128xi32>
    %and3A_19 = arith.andi %eq3A_17, %gt3A_18 : vector<2048x128xi1>
    %or3A = arith.ori %gt3A, %and3A_19 : vector<2048x128xi1>
    %not3A = arith.constant true
    %not3A_20 = arith.xori %eq3A_16, %not3A : i1
    %xor3A = vector.broadcast %not3A_20 : i1 to vector<2048x128xi1>
    %xor3A_21 = arith.xori %or3A, %xor3A : vector<2048x128xi1>
    %select_n3A = arith.select %xor3A_21, %get3A_6, %get3A_3 : vector<2048x128xi1>, vector<2048x128xf32>
    %swap3A = arith.constant 0 : index
    %swap3A_22 = arith.constant 0 : index
    %swap3A_23 = vector.load %arg4[%swap3A, %swap3A_22] : memref<4096x128xf32, #tpu.memory_space<vmem>>, vector<2048x128xf32>
    tpu.vector_store %arg4[%swap3A, %swap3A_22], %select_n3A {strides = array<i32>} : memref<4096x128xf32, #tpu.memory_space<vmem>>, vector<2048x128xf32>,
    %select_n3A_24 = arith.select %xor3A_21, %get3A_3, %get3A_6 : vector<2048x128xi1>, vector<2048x128xf32>
    %swap3A_25 = arith.constant 2048 : index
    %swap3A_26 = arith.constant 0 : index
    %swap3A_27 = vector.load %arg4[%swap3A_25, %swap3A_26] : memref<4096x128xf32, #tpu.memory_space<vmem>>, vector<2048x128xf32>
    tpu.vector_store %arg4[%swap3A_25, %swap3A_26], %select_n3A_24 {strides = array<i32>} : memref<4096x128xf32, #tpu.memory_space<vmem>>, vector<2048x128xf32>,
    %select_n3A_28 = arith.select %xor3A_21, %get3A_12, %get3A_9 : vector<2048x128xi1>, vector<2048x128xi32>
    %swap3A_29 = arith.constant 0 : index
    %swap3A_30 = arith.constant 0 : index
    %swap3A_31 = vector.load %arg5[%swap3A_29, %swap3A_30] : memref<4096x128xi32, #tpu.memory_space<vmem>>, vector<2048x128xi32>
    tpu.vector_store %arg5[%swap3A_29, %swap3A_30], %select_n3A_28 {strides = array<i32>} : memref<4096x128xi32, #tpu.memory_space<vmem>>, vector<2048x128xi32>,
    %select_n3A_32 = arith.select %xor3A_21, %get3A_9, %get3A_12 : vector<2048x128xi1>, vector<2048x128xi32>
    %swap3A_33 = arith.constant 2048 : index
    %swap3A_34 = arith.constant 0 : index
    %swap3A_35 = vector.load %arg5[%swap3A_33, %swap3A_34] : memref<4096x128xi32, #tpu.memory_space<vmem>>, vector<2048x128xi32>
    tpu.vector_store %arg5[%swap3A_33, %swap3A_34], %select_n3A_32 {strides = array<i32>} : memref<4096x128xi32, #tpu.memory_space<vmem>>, vector<2048x128xi32>,
    return
  }
  func.func @transform_0(%arg0: i32) -> i32 {
    %c0_i32 = arith.constant 0 : i32
    %c0_i32_0 = arith.constant 0 : i32
    return %c0_i32 : i32
  }
  func.func @transform_1(%arg0: i32) -> (i32, i32) {
    %c0_i32 = arith.constant 0 : i32
    %c0_i32_0 = arith.constant 0 : i32
    return %arg0, %c0_i32 : i32, i32
  }
  func.func @transform_2(%arg0: i32) -> (i32, i32) {
    %c0_i32 = arith.constant 0 : i32
    %c0_i32_0 = arith.constant 0 : i32
    return %arg0, %c0_i32 : i32, i32
  }
  func.func @transform_3(%arg0: i32) -> (i32, i32) {
    %c0_i32 = arith.constant 0 : i32
    %c0_i32_0 = arith.constant 0 : i32
    return %arg0, %c0_i32 : i32, i32
  }
  func.func @transform_4(%arg0: i32) -> (i32, i32) {
    %c0_i32 = arith.constant 0 : i32
    %c0_i32_0 = arith.constant 0 : i32
    return %arg0, %c0_i32 : i32, i32
  }
}

module attributes {stable_mosaic.version = 14 : i64} {
  func.func @_global_body(%arg0: i32, %arg1: memref<1xi32, #tpu.memory_space<smem>>, %arg2: memref<8192x128xf32, #tpu.memory_space<vmem>>, %arg3: memref<8192x128xi32, #tpu.memory_space<vmem>>, %arg4: memref<8192x128xf32, #tpu.memory_space<vmem>>, %arg5: memref<8192x128xi32, #tpu.memory_space<vmem>>) attributes {dimension_semantics = [#tpu.dimension_semantics<arbitrary>], iteration_bounds = array<i64: 1>, scalar_prefetch = 0 : i64, scratch_operands = 0 : i64, tpu.core_type = #tpu.core_type<tc>, window_params = [{transform_indices = @transform_0, window_bounds = array<i64: 1>}, {transform_indices = @transform_1, window_bounds = array<i64: 8192, 128>}, {transform_indices = @transform_2, window_bounds = array<i64: 8192, 128>}, {transform_indices = @transform_3, window_bounds = array<i64: 8192, 128>}, {transform_indices = @transform_4, window_bounds = array<i64: 8192, 128>}]} {
    %get3A = arith.constant 0 : index
    %get3A_0 = memref.load %arg1[%get3A] : memref<1xi32, #tpu.memory_space<smem>>
    %get3A_1 = arith.constant 0 : index
    %get3A_2 = arith.constant 0 : index
    %get3A_3 = vector.load %arg2[%get3A_1, %get3A_2] : memref<8192x128xf32, #tpu.memory_space<vmem>>, vector<4096x128xf32>
    %get3A_4 = arith.constant 4096 : index
    %get3A_5 = arith.constant 0 : index
    %get3A_6 = vector.load %arg2[%get3A_4, %get3A_5] : memref<8192x128xf32, #tpu.memory_space<vmem>>, vector<4096x128xf32>
    %get3A_7 = arith.constant 0 : index
    %get3A_8 = arith.constant 0 : index
    %get3A_9 = vector.load %arg3[%get3A_7, %get3A_8] : memref<8192x128xi32, #tpu.memory_space<vmem>>, vector<4096x128xi32>
    %get3A_10 = arith.constant 4096 : index
    %get3A_11 = arith.constant 0 : index
    %get3A_12 = vector.load %arg3[%get3A_10, %get3A_11] : memref<8192x128xi32, #tpu.memory_space<vmem>>, vector<4096x128xi32>
    %mul3A = arith.constant 8192 : i32
    %mul3A_13 = arith.muli %arg0, %mul3A : i32
    %sub3A = arith.constant 7 : i32
    %sub3A_14 = arith.subi %get3A_0, %sub3A : i32
    %shift_right_arithmetic3A = arith.shrsi %mul3A_13, %sub3A_14 : i32
    %and3A = arith.constant 1 : i32
    %and3A_15 = arith.andi %shift_right_arithmetic3A, %and3A : i32
    %eq3A = arith.constant 0 : i32
    %eq3A_16 = arith.cmpi eq, %and3A_15, %eq3A : i32
    %gt3A = arith.cmpf ogt, %get3A_3, %get3A_6 : vector<4096x128xf32>
    %eq3A_17 = arith.cmpf oeq, %get3A_3, %get3A_6 : vector<4096x128xf32>
    %gt3A_18 = arith.cmpi sgt, %get3A_9, %get3A_12 : vector<4096x128xi32>
    %and3A_19 = arith.andi %eq3A_17, %gt3A_18 : vector<4096x128xi1>
    %or3A = arith.ori %gt3A, %and3A_19 : vector<4096x128xi1>
    %not3A = arith.constant true
    %not3A_20 = arith.xori %eq3A_16, %not3A : i1
    %xor3A = vector.broadcast %not3A_20 : i1 to vector<4096x128xi1>
    %xor3A_21 = arith.xori %or3A, %xor3A : vector<4096x128xi1>
    %select_n3A = arith.select %xor3A_21, %get3A_6, %get3A_3 : vector<4096x128xi1>, vector<4096x128xf32>
    %swap3A = arith.constant 0 : index
    %swap3A_22 = arith.constant 0 : index
    %swap3A_23 = vector.load %arg4[%swap3A, %swap3A_22] : memref<8192x128xf32, #tpu.memory_space<vmem>>, vector<4096x128xf32>
    tpu.vector_store %arg4[%swap3A, %swap3A_22], %select_n3A {strides = array<i32>} : memref<8192x128xf32, #tpu.memory_space<vmem>>, vector<4096x128xf32>,
    %select_n3A_24 = arith.select %xor3A_21, %get3A_3, %get3A_6 : vector<4096x128xi1>, vector<4096x128xf32>
    %swap3A_25 = arith.constant 4096 : index
    %swap3A_26 = arith.constant 0 : index
    %swap3A_27 = vector.load %arg4[%swap3A_25, %swap3A_26] : memref<8192x128xf32, #tpu.memory_space<vmem>>, vector<4096x128xf32>
    tpu.vector_store %arg4[%swap3A_25, %swap3A_26], %select_n3A_24 {strides = array<i32>} : memref<8192x128xf32, #tpu.memory_space<vmem>>, vector<4096x128xf32>,
    %select_n3A_28 = arith.select %xor3A_21, %get3A_12, %get3A_9 : vector<4096x128xi1>, vector<4096x128xi32>
    %swap3A_29 = arith.constant 0 : index
    %swap3A_30 = arith.constant 0 : index
    %swap3A_31 = vector.load %arg5[%swap3A_29, %swap3A_30] : memref<8192x128xi32, #tpu.memory_space<vmem>>, vector<4096x128xi32>
    tpu.vector_store %arg5[%swap3A_29, %swap3A_30], %select_n3A_28 {strides = array<i32>} : memref<8192x128xi32, #tpu.memory_space<vmem>>, vector<4096x128xi32>,
    %select_n3A_32 = arith.select %xor3A_21, %get3A_9, %get3A_12 : vector<4096x128xi1>, vector<4096x128xi32>
    %swap3A_33 = arith.constant 4096 : index
    %swap3A_34 = arith.constant 0 : index
    %swap3A_35 = vector.load %arg5[%swap3A_33, %swap3A_34] : memref<8192x128xi32, #tpu.memory_space<vmem>>, vector<4096x128xi32>
    tpu.vector_store %arg5[%swap3A_33, %swap3A_34], %select_n3A_32 {strides = array<i32>} : memref<8192x128xi32, #tpu.memory_space<vmem>>, vector<4096x128xi32>,
    return
  }
  func.func @transform_0(%arg0: i32) -> i32 {
    %c0_i32 = arith.constant 0 : i32
    %c0_i32_0 = arith.constant 0 : i32
    return %c0_i32 : i32
  }
  func.func @transform_1(%arg0: i32) -> (i32, i32) {
    %c0_i32 = arith.constant 0 : i32
    %c0_i32_0 = arith.constant 0 : i32
    return %arg0, %c0_i32 : i32, i32
  }
  func.func @transform_2(%arg0: i32) -> (i32, i32) {
    %c0_i32 = arith.constant 0 : i32
    %c0_i32_0 = arith.constant 0 : i32
    return %arg0, %c0_i32 : i32, i32
  }
  func.func @transform_3(%arg0: i32) -> (i32, i32) {
    %c0_i32 = arith.constant 0 : i32
    %c0_i32_0 = arith.constant 0 : i32
    return %arg0, %c0_i32 : i32, i32
  }
  func.func @transform_4(%arg0: i32) -> (i32, i32) {
    %c0_i32 = arith.constant 0 : i32
    %c0_i32_0 = arith.constant 0 : i32
    return %arg0, %c0_i32 : i32, i32
  }
}

</mosaic_0001>

<sc_bundles>
// kernel: kernel.33.cloned.1.call-start
scs
__scs_entry_jumppad:
0x0: {  	(pc) =	sbr.rel $0x88, $3  }
0x1: {  	(tag) =	ssettag $0x0;
	lr =	simm.s32 $0x1  }
0x2: {  	[smem:$0x3FA0] =	sst lr;
	_ =	strace $0xD0000000  }
0x3: {  	_ = 	snop  }
0x4: {  	_ = 	snop  }
0x5: {  	_ = 	snop  }
0x6: {  	_ = 	snop  }
0x7: {  	_ = 	snop  }
__scs_overlays_trampoline_lowered:
0x8: {  	[smem:$0x3FAF] =	sst s0  }
0x9: {  	[smem:$0x3FB0] =	sst s1  }
0xa: {  	[smem:$0x3FB1] =	sst s2  }
0xb: {  	[smem:$0x3FB2] =	sst s3  }
0xc: {  	[smem:$0x3FB3] =	sst s4  }
0xd: {  	[smem:$0x3FB4] =	sst s5  }
0xe: {  	[smem:$0x3FB5] =	sst s6  }
0xf: {  	[smem:$0x3FB6] =	sst s7  }
0x10: {  	[smem:$0x3FB7] =	sst s8  }
0x11: {  	[smem:$0x3FB8] =	sst s9;
	s0 =	simm.s32 @!p0 $0x0  }
0x12: {  	s1 =	sld [smem:$0x3F9E];
	s0 =	simm.s32 @p0 $0x1  }
0x13: {  	[smem:$0x3FB9] =	sst s0;
	s0 =	simm.s32 @!p1 $0x0  }
0x14: {  	s2 =	sld [smem:$0x3F9D];
	s0 =	simm.s32 @p1 $0x1  }
0x15: {  	[smem:$0x3FBA] =	sst s0;
	s0 =	simm.s32 @!p2 $0x0  }
0x16: {  	s3 =	sld [smem:$0x3FDB];
	s0 =	simm.s32 @p2 $0x1  }
0x17: {  	s4 =	simm.s32 $0x1BF5;
	[smem:$0x3FBC] =	sst s0  }
0x18: {  	s0 =	sld [smem:$0x3F9F];
	_ =	swait.ge [sflag:s4], $0x0  }
0x19: {  	s7 =	sld [smem:$0x3FA0]  }
0x1a: {  	s8 =	sadd.s32 $0xFFFFE003, lr  }
0x1b: {  	s9 =	sadd.s32 $0xFFFFFEF7, lr;
	s5 =	simm.s32 $0xFFFFFFFF;
	p2 =	slt.u32 s8, $0xFFFFF086  }
0x1c: {  	p1 =	slt.u32 s9, $0xF7A;
	s5 =	simm.s32 @!p2 $0x0  }
0x1d: {  	s5 =	simm.s32 @p1 $0x1;
	p0 =	seq.s32 s7, s2  }
0x1e: {  	s7 =	smul.u32 @!p0 $0xF7A, s2;
	p2 =	seq.s32 @!p0 s5, $0x0  }
0x1f: {  	s9 =	smul.u32 $0xF7A, s1;
	s8 =	simm.s32 @!p0 $0x1BF5;
	p2 =	por !p2, p0  }
0x20: {  	[sflag:s8] =	ssyncset.s32 @!p0 $0xFFFFF086;
	s6 =	sadd.s32 @!p0 s3, s7;
	s7 =	simm.s32 @!p0 $0x108  }
0x21: {  	s3 =	sadd.s32 s3, s9;
	s6 =	sadd.s32 @!p0 $0x88, s6;
	s7 =	simm.s32 @p2 $0x1082  }
0x22: {  	[simem:s7], [sflag:s8] =	dma.local @!p0 [hbm:s6], $0xF7A  }
0x23: {  	s9 =	sor.u32 $0xD0000000, s2;
	s6 =	simm.s32 $0x108;
	_ =	swait.ge @!p0 [sflag:s8], $0x0  }
0x24: {  	s3 =	sadd.s32 $0x88, s3;
	s6 =	simm.s32 @!p1 $0x1082;
	[sflag:s4] =	ssyncset.s32 $0xFFFFF086  }
0x25: {  	[simem:s6], [sflag:s4] =	dma.local [hbm:s3], $0xF7A  }
0x26: {  	[smem:$0x3FA0] =	sst s1;
	(tag) =	ssettag s2;
	_ =	strace s9  }
0x27: {  	s1 =	sld [smem:$0x3FB0]  }
0x28: {  	s2 =	sld [smem:$0x3FB1]  }
0x29: {  	s4 =	sld [smem:$0x3FB3]  }
0x2a: {  	p0 =	seq.s32 s5, $0x0;
	s5 =	sld [smem:$0x3FB4]  }
0x2b: {  	s6 =	sld [smem:$0x3FB5]  }
0x2c: {  	s7 =	sld [smem:$0x3FB6]  }
0x2d: {  	s3 =	simm.s32 $0x108;
	s8 =	sld [smem:$0x3FB7]  }
0x2e: {  	s3 =	simm.s32 @!p0 $0x1082;
	s9 =	sld [smem:$0x3FB8]  }
0x2f: {  	lr =	sadd.s32 s0, s3;
	s0 =	sld [smem:$0x3FAF]  }
0x30: {  	s3 =	sld [smem:$0x3FB2]  }
0x31: {  	[smem:$0x3FBB] =	sst s10  }
0x32: {  	s10 =	sld [smem:$0x3FB9];
	_ =	sdelay $0x3  }
0x33: {  	p0 =	seq.s32 s10, $0x1;
	s10 =	sld [smem:$0x3FBB];
	_ =	sdelay $0x3  }
0x34: {  	[smem:$0x3FBB] =	sst s10  }
0x35: {  	s10 =	sld [smem:$0x3FBA];
	_ =	sdelay $0x3  }
0x36: {  	p1 =	seq.s32 s10, $0x1;
	s10 =	sld [smem:$0x3FBB];
	_ =	sdelay $0x3  }
0x37: {  	[smem:$0x3FBB] =	sst s10  }
0x38: {  	s10 =	sld [smem:$0x3FBC]  }
0x39: {  	_ = 	snop;
	(pc) =	sbr.ind lr, $3  }
0x3a: {  	_ = 	snop  }
0x3b: {  	_ = 	snop  }
0x3c: {  	p2 =	seq.s32 s10, $0x1;
	s10 =	sld [smem:$0x3FBB]  }
0x3d: {  	_ =	shalt  }
0x3e: {  	_ =	shalt  }
0x3f: {  	_ =	shalt  }
0x40: {  	_ =	shalt  }
0x41: {  	_ =	shalt  }
0x42: {  	_ =	shalt  }
0x43: {  	_ =	shalt  }
0x44: {  	_ =	shalt  }
0x45: {  	_ =	shalt  }
0x46: {  	_ =	shalt  }
0x47: {  	_ =	shalt  }
0x48: {  	_ =	shalt  }
0x49: {  	_ =	shalt  }
0x4a: {  	_ =	shalt  }
0x4b: {  	_ =	shalt  }
0x4c: {  	_ =	shalt  }
0x4d: {  	_ =	shalt  }
0x4e: {  	_ =	shalt  }
0x4f: {  	_ =	shalt  }
0x50: {  	_ =	shalt  }
0x51: {  	_ =	shalt  }
0x52: {  	_ =	shalt  }
0x53: {  	_ =	shalt  }
0x54: {  	_ =	shalt  }
0x55: {  	_ =	shalt  }
0x56: {  	_ =	shalt  }
0x57: {  	_ =	shalt  }
0x58: {  	_ =	shalt  }
0x59: {  	_ =	shalt  }
0x5a: {  	_ =	shalt  }
0x5b: {  	_ =	shalt  }
0x5c: {  	_ =	shalt  }
0x5d: {  	_ =	shalt  }
0x5e: {  	_ =	shalt  }
0x5f: {  	_ =	shalt  }
0x60: {  	_ =	shalt  }
0x61: {  	_ =	shalt  }
0x62: {  	_ =	shalt  }
0x63: {  	_ =	shalt  }
0x64: {  	_ =	shalt  }
0x65: {  	_ =	shalt  }
0x66: {  	_ =	shalt  }
0x67: {  	_ =	shalt  }
0x68: {  	_ =	shalt  }
0x69: {  	_ =	shalt  }
0x6a: {  	_ =	shalt  }
0x6b: {  	_ =	shalt  }
0x6c: {  	_ =	shalt  }
0x6d: {  	_ =	shalt  }
0x6e: {  	_ =	shalt  }
0x6f: {  	_ =	shalt  }
0x70: {  	_ =	shalt  }
0x71: {  	_ =	shalt  }
0x72: {  	_ =	shalt  }
0x73: {  	_ =	shalt  }
0x74: {  	_ =	shalt  }
0x75: {  	_ =	shalt  }
0x76: {  	_ =	shalt  }
0x77: {  	_ =	shalt  }
0x78: {  	_ =	shalt  }
0x79: {  	_ =	shalt  }
0x7a: {  	_ =	shalt  }
0x7b: {  	_ =	shalt  }
0x7c: {  	_ =	shalt  }
0x7d: {  	_ =	shalt  }
0x7e: {  	_ =	shalt  }
0x7f: {  	_ =	shalt  }
0x80: {  	_ =	shalt  }
0x81: {  	_ =	shalt  }
0x82: {  	_ =	shalt  }
0x83: {  	_ =	shalt  }
0x84: {  	_ =	shalt  }
0x85: {  	_ =	shalt  }
0x86: {  	_ =	shalt  }
0x87: {  	_ =	shalt  }
.Lfunc_end0:
.L_simem_size_0:
called_computation.1_lowered:
.L_overlay_start_0:
0x88: {  	s2 =	sld [smem:$0x3FD9]  }
0x89: {  	s3 =	sld [smem:$0x3FFE];
	_ =	sdelay $0x1  }
0x8a: {  	s1 =	srdreg.scid  }
0x8b: {  	s0 =	sand.u32 $0x1, s1  }
0x8c: {  	s17 =	sshll.u32 s0, $0xA;
	s2 =	sadd.s32 s3, s2  }
0x8d: {  	s2 =	sadd.s32 s2, s17  }
0x8e: {  	[smem:$0x3FC7] =	sst s2  }
0x8f: {  	_ = 	snop  }
0x90: {  	s2 =	sld [smem:$0x3FD0];
	(tm) =	ssettm $0x1  }
0x91: {  	s18 =	sld [smem:$0x3FFB];
	_ =	sdelay $0x3  }
0x92: {  	_ =	strace s18  }
0x93: {  	s3 =	sld [smem:$0x3FFC];
	_ =	sdelay $0x3  }
0x94: {  	_ =	strace s3  }
0x95: {  	s3 =	sld [smem:$0x3FFD];
	_ =	sdelay $0x3  }
0x96: {  	_ =	strace s3  }
0x97: {  	_ =	strace $0x8FFFFFFF  }
0x98: {  	s19 =	sld [smem:$0x3FDB];
	_ =	sdelay $0x1  }
0x99: {  	s4 =	simm.s32 $_scs_section_size  }
0x9a: {  	s5 =	simm.s32 $_size__tile_overlayer_lowered;
	s6 =	simm.s32 $_tile_overlayer_lowered  }
0x9b: {  	s22 =	simm.s32 $0x1BFF;
	s21 =	sshll.u32 s6, $0x1;
	s3 =	sadd.s32 s4, s19  }
0x9c: {  	s7 =	simm.s32 $0x0;
	s20 =	sshll.u32 s5, $0x1;
	s5 =	sadd.s32 s21, s3  }
0x9d: {  	[timem:s7], [sflag:s22] =	dma.local [hbm:s5], s20  }
0x9e: {  	_ =	swait.ge [sflag:s22], s20  }
0x9f: {  	s4 =	ssub.s32 $0x0, s20;
	[sflag:s22] =	ssyncset.done $0x0  }
0xa0: {  	[sflag:s22] =	ssyncadd.s32 s4;
	_ =	sdelay $0x1  }
0xa1: {  	s23 =	simm.s32 $0x1B8B  }
0xa2: {  	_ =	swait.ge [sflag:s23], $0x1  }
0xa3: {  	[sflag:s23] =	ssyncset.done $0x0  }
0xa4: {  	s25 =	simm.s32 $0x1B8E;
	s24 =	sld [smem:$0x3FFE];
	[sflag:s23] =	ssyncadd.s32 $0xFFFFFFFF  }
0xa5: {  	s26 =	simm.s32 $execute0_lowered;
	[smem:$0x3FD2] =	sst s25  }
0xa6: {  	s5 =	sshll.u32 s26, $0x1;
	_ =	strace $0x80000046;
	[dreg:$0x1] =	wrdreg $0xFFFFFFFF  }
0xa7: {  	s28 =	simm.s32 $_size_execute0_lowered;
	s3 =	sadd.s32 s3, s5;
	[dreg:$0x0] =	wrdreg $0x0  }
0xa8: {  	s5 =	sshll.u32 s28, $0x1;
	[dreg:$0x2] =	wrdreg s3  }
0xa9: {  	[dreg:$0x3] =	wrdreg s5  }
0xaa: {  	[dreg:$0x4] =	wrdreg $0xC0  }
0xab: {  	_ =	task [dreg:s7], $0x5FFFF  }
0xac: {  	[dreg:$0x1] =	wrdreg $0xFFFFFFFF  }
0xad: {  	[dreg:$0x0] =	wrdreg $0x60  }
0xae: {  	[dreg:$0x2] =	wrdreg s24  }
0xaf: {  	[dreg:$0x3] =	wrdreg s2  }
0xb0: {  	[dreg:$0x4] =	wrdreg $0x9  }
0xb1: {  	_ =	task.clear_ibuf [dreg:s7], $0x5FFFF;
	_ =	strace $0x90000046  }
0xb2: {  	s29 =	simm.s32 $0x9;
	_ =	strace $0x80000048  }
0xb3: {  	_ =	swait.ge [sflag:s29], $0x1  }
0xb4: {  	[sflag:s29] =	ssyncadd.s32 $0xFFFFFFFF  }
0xb5: {  	_ =	strace $0x90000048  }
0xb6: {  	_ =	sfence  }
0xb7: {  	s30 =	sld [smem:$0x0];
	_ =	sdelay $0x2  }
0xb8: {  	s31 =	sshll.u32 s1, $0xD;
	s1 =	sshrl.u32 s1, $0x2  }
0xb9: {  	s3 =	sand.u32 $0x4000, s31;
	s1 =	sadd.s32 s1, s30  }
0xba: {  	s0 =	sor.u32 s3, s0;
	s1 =	sshll.u32 s1, $0x11  }
0xbb: {  	s0 =	sor.u32 s1, s0  }
0xbc: {  	s0 =	sadd.s32 $0x8F2B, s0  }
0xbd: {  	[sflag:s0] =	ssyncadd.remote.s32 $0x1  }
0xbe: {  	_ =	sfence.sel $0xFFFF  }
0xbf: {  	[dreg:$0x0] =	wrdreg $0xFFFFFFFF;
	(pc) =	sbr.abs _section_cstart, $3  }
0xc0: {  	[dreg:$0x1] =	wrdreg $0xFFFFFFFF  }
0xc1: {  	_ =	task.clear_ibuf [dreg:s7], $0x2FFFF;
	_ =	strace $0x9FFFFFFF  }
0xc2: {  	(tm) =	ssettm $0x7FFFFFFF  }
0xc3: {  	_ =	shalt  }
tec
execute0_lowered:
.L_overlay_start_1:
0x0: {  	(tag) =	ssettag $0x1  }
0x1: {  	s4 =	rddreg [dreg:$0x0]  }
0x2: {  	s6 =	rddreg [dreg:$0x1]  }
0x3: {  	s0 =	rddreg [dreg:$0x2];
	s1 =	simm.s32 $0x0  }
0x4: {  	s2 =	srdreg.scid;
	s11 =	simm.s32 $0x1;
	s12 =	simm.s32 $0x0  }
0x5: {  	[smem:$0x7FF] =	sst s1;
	s5 =	sand.u32 $0x1, s2;
	s2 =	stileid.u32  }
0x6: {  	s3 =	sadd.s32 $0xF46400, s4;
	_ =	strace $0x80000047;
	s7 =	ssub.s32 $0x2, s5  }
0x7: {  	s8 =	sshll.u32 s2, $0xB;
	s28 =	sshll.u32 s2, $0x1;
	s29 =	sshll.u32 s2, $0x8  }
0x8: {  	s10 =	sshll.u32 s5, $0x7;
	s30 =	sshll.u32 s5, $0xA;
	s9 =	sshrl.u32 s7, $0x1  }
0x9: {  	s8 =	sadd.s32 s8, s4;
	s4 =	sor.u32 s5, s28;
	s7 =	ssub.s32 s7, s9  }
0xa: {  	p0 =	slt.u32 s4, $0x9;
	s4 =	simm.s32 $0x1E9;
	s9 =	sor.u32 s10, s29  }
0xb: {  	s31 =	sadd.s32 s30, s8;
	s8 =	simm.s32 $0x2;
	s10 =	simm.s32 $0x80  }
0xc: {  	s4 =	simm.s32 @!p0 $0x1E8;
	s9 =	sshrl.u32 s9, $0x3;
	s5 =	smax.u32 s7, $0x1  }
0xd: {  	s7 =	sadd.s32 $0x4000, s31;
	s6 =	sadd.s32 s9, s6;
	s9 =	simm.s32 $0x40  }
.LBB2_1:
0xe: {  	[tilespmem:s1], [sflag:$0x2] =	stream.linear.gather [hbm4b:s6+s1], $0x80, $0x38;
	[tilespmem:$0x2080] =	vst v63  }
0xf: {  	_ =	swait.ge [sflag:s8], $0x80  }
0x10: {  	[sflag:s8] =	ssyncset.done $0x0  }
0x11: {  	[sflag:s8] =	ssyncadd.s32 $0xFFFFFF80  }
0x12: {  	[tilespmem:s10], [sflag:$0x1] =	stream.indirect.gather [hbm4b:s3+s9], $0x80, s1, s9, $0xb8;
	[tilespmem:$0x2080] =	vst v63  }
0x13: {  	p0 =	sne.s32 s4, $0x1;
	_ =	swait.ge [sflag:s11], $0x2000  }
.Ltmp0:
0x14: {  	[sflag:s11] =	ssyncset.done $0x0;
	(pc) =	sbr.rel @!p0 .LBB2_3-.Ltmp0, $4  }
0x15: {  	[sflag:s11] =	ssyncadd.s32 $0xFFFFE000  }
0x16: {  	[hbm4b:s7+s1] =	stream.linear.scatter [tilespmem:s10], [sflag:$0x2], $0x2000, $0x38;
	[tilespmem:$0x2080] =	vst v63  }
0x17: {  	s13 =	sadd.s32 $0xFFFFFFFF, s4;
	_ =	swait.ge [sflag:s8], $0x2000  }
0x18: {  	s14 =	smov.u32 s6;
	s15 =	smov.u32 s7;
	[sflag:s8] =	ssyncset.done $0x0  }
.LBB2_2:
0x19: {  	[sflag:s8] =	ssyncadd.s32 $0xFFFFE000;
	s14 =	sadd.s32 $0x200, s14;
	s15 =	sadd.s32 $0x8000, s15  }
0x1a: {  	[tilespmem:s1], [sflag:$0x2] =	stream.linear.gather [hbm4b:s14+s1], $0x80, $0x38;
	[tilespmem:$0x2080] =	vst v63  }
0x1b: {  	p0 =	sne.s32 s13, $0x1;
	s13 =	sadd.s32 $0xFFFFFFFF, s13;
	_ =	swait.ge [sflag:s8], $0x80  }
0x1c: {  	[sflag:s8] =	ssyncset.done $0x0  }
0x1d: {  	[sflag:s8] =	ssyncadd.s32 $0xFFFFFF80  }
0x1e: {  	[tilespmem:s10], [sflag:$0x1] =	stream.indirect.gather [hbm4b:s3+s9], $0x80, s1, s9, $0xb8;
	[tilespmem:$0x2080] =	vst v63  }
0x1f: {  	_ =	swait.ge [sflag:s11], $0x2000  }
.Ltmp1:
0x20: {  	[sflag:s11] =	ssyncset.done $0x0;
	(pc) =	sbr.rel @p0 .LBB2_2-.Ltmp1, $4  }
0x21: {  	[sflag:s11] =	ssyncadd.s32 $0xFFFFE000  }
0x22: {  	[hbm4b:s15+s1] =	stream.linear.scatter [tilespmem:s10], [sflag:$0x2], $0x2000, $0x38;
	[tilespmem:$0x2080] =	vst v63  }
0x23: {  	_ =	swait.ge [sflag:s8], $0x2000  }
0x24: {  	[sflag:s8] =	ssyncset.done $0x0  }
.LBB2_3:
0x25: {  	s12 =	sadd.s32 $0x1, s12  }
0x26: {  	p0 =	sne.s32 s12, s5  }
.Ltmp2:
0x27: {  	_ = 	snop;
	(pc) =	sbr.rel @p0 .LBB2_1-.Ltmp2, $2  }
0x28: {  	_ =	sdelay $0x2  }
0x29: {  	[sflag:s8] =	ssyncadd.s32 $0xFFFFE000  }
0x2a: {  	_ =	sfence.sel $0x180000  }
0x2b: {  	[bflag:$0x0] =	sbarrier.arrive $0xFFFF  }
0x2c: {  	p0 =	sne.s32 s2, $0x0;
	_ =	strace $0x90000047  }
0x2d: {  	s0 =	sadd.s32 @!p0 $0x100000, s0;
	[bflag:$0x2] =	sbarrier.arrive $0xFFFF  }
0x2e: {  	[sflag:s0] =	ssyncadd.tile.s32 @!p0 $0x1;
	_ =	shalt  }
.Lfunc_end2:
_tile_overlayer_lowered:
.L_overlay_start_2:
0x2f: {  	(tag) =	ssettag $0x2  }
0x30: {  	s0 =	rddreg [dreg:$0x0];
	s2 =	stileid.u32  }
0x31: {  	s1 =	rddreg [dreg:$0x1];
	p0 =	sne.s32 s2, $0x0  }
0x32: {  	s3 =	rddreg [dreg:$0x2];
	[bflag:$0x3] =	sbarrier.arrive $0xFFFF;
	s2 =	simm.s32 @!p0 $0x1C02  }
0x33: {  	[timem:s3], [sflag:s2] =	dma.local @!p0 [hbm:s0], s1  }
0x34: {  	s0 =	simm.s32 @!p0 $0x2  }
0x35: {  	_ =	swait.ge @!p0 [sflag:s0], s1  }
0x36: {  	s1 =	ssub.s32 @!p0 $0x0, s1;
	[sflag:s0] =	ssyncset.done @!p0 $0x0  }
0x37: {  	[sflag:s0] =	ssyncadd.s32 @!p0 s1  }
0x38: {  	[bflag:$0x3] =	sbarrier.arrive $0xFFFF  }
0x39: {  	_ =	shalt  }

// kernel: sparse-core-data-format-call.cloned.1.call-start
scs
called_computation_lowered:
.L_overlay_start_0:
0x0: {  	s2 =	sld [smem:$0x3FD9]  }
0x1: {  	s3 =	sld [smem:$0x3FFE];
	_ =	sdelay $0x1  }
0x2: {  	s1 =	srdreg.scid  }
0x3: {  	s0 =	sand.u32 $0x1, s1  }
0x4: {  	s18 =	sshll.u32 s0, $0xA;
	s2 =	sadd.s32 s3, s2  }
0x5: {  	s2 =	sadd.s32 s2, s18  }
0x6: {  	[smem:$0x3FC7] =	sst s2  }
0x7: {  	_ = 	snop  }
0x8: {  	s2 =	sld [smem:$0x3FD0];
	(tm) =	ssettm $0x1  }
0x9: {  	s19 =	sld [smem:$0x3FFB];
	_ =	sdelay $0x3  }
0xa: {  	_ =	strace s19  }
0xb: {  	s3 =	sld [smem:$0x3FFC];
	_ =	sdelay $0x3  }
0xc: {  	_ =	strace s3  }
0xd: {  	s3 =	sld [smem:$0x3FFD];
	_ =	sdelay $0x3  }
0xe: {  	_ =	strace s3  }
0xf: {  	_ =	strace $0x8FFFFFFF  }
0x10: {  	s20 =	sld [smem:$0x3FDB];
	_ =	sdelay $0x1  }
0x11: {  	s4 =	simm.s32 $_scs_section_size  }
0x12: {  	s5 =	simm.s32 $_size__tile_overlayer_lowered;
	s6 =	simm.s32 $_tile_overlayer_lowered  }
0x13: {  	s23 =	simm.s32 $0x1BFF;
	s22 =	sshll.u32 s6, $0x1;
	s3 =	sadd.s32 s4, s20  }
0x14: {  	s7 =	simm.s32 $0x0;
	s21 =	sshll.u32 s5, $0x1;
	s5 =	sadd.s32 s22, s3  }
0x15: {  	[timem:s7], [sflag:s23] =	dma.local [hbm:s5], s21  }
0x16: {  	_ =	swait.ge [sflag:s23], s21  }
0x17: {  	s4 =	ssub.s32 $0x0, s21;
	[sflag:s23] =	ssyncset.done $0x0  }
0x18: {  	[sflag:s23] =	ssyncadd.s32 s4;
	_ =	sdelay $0x1  }
0x19: {  	s24 =	simm.s32 $0x1B8B  }
0x1a: {  	_ =	swait.ge [sflag:s24], $0x1  }
0x1b: {  	[sflag:s24] =	ssyncset.done $0x0  }
0x1c: {  	s26 =	simm.s32 $0x1B8E;
	s25 =	sld [smem:$0x3FFE];
	[sflag:s24] =	ssyncadd.s32 $0xFFFFFFFF  }
0x1d: {  	s27 =	simm.s32 $execute0_lowered;
	[smem:$0x3FD2] =	sst s26  }
0x1e: {  	s5 =	sshll.u32 s27, $0x1;
	_ =	strace $0x80000049;
	[dreg:$0x1] =	wrdreg $0xFFFFFFFF  }
0x1f: {  	s28 =	simm.s32 $_size_execute0_lowered;
	s3 =	sadd.s32 s3, s5;
	[dreg:$0x0] =	wrdreg $0x0  }
0x20: {  	s5 =	sshll.u32 s28, $0x1;
	[dreg:$0x2] =	wrdreg s3  }
0x21: {  	[dreg:$0x3] =	wrdreg s5  }
0x22: {  	[dreg:$0x4] =	wrdreg $0xC0  }
0x23: {  	_ =	task [dreg:s7], $0x5FFFF  }
0x24: {  	[dreg:$0x1] =	wrdreg $0xFFFFFFFF  }
0x25: {  	[dreg:$0x0] =	wrdreg $0x60  }
0x26: {  	[dreg:$0x2] =	wrdreg s25  }
0x27: {  	[dreg:$0x3] =	wrdreg s2  }
0x28: {  	[dreg:$0x4] =	wrdreg $0x9  }
0x29: {  	_ =	task.clear_ibuf [dreg:s7], $0x5FFFF;
	_ =	strace $0x90000049  }
0x2a: {  	s29 =	simm.s32 $0x9;
	_ =	strace $0x8000004B  }
0x2b: {  	_ =	swait.ge [sflag:s29], $0x1  }
0x2c: {  	[sflag:s29] =	ssyncadd.s32 $0xFFFFFFFF  }
0x2d: {  	_ =	strace $0x9000004B  }
0x2e: {  	_ =	sfence  }
0x2f: {  	s30 =	sld [smem:$0x0];
	_ =	sdelay $0x2  }
0x30: {  	s31 =	sshll.u32 s1, $0xD;
	s1 =	sshrl.u32 s1, $0x2  }
0x31: {  	s3 =	sand.u32 $0x4000, s31;
	s1 =	sadd.s32 s1, s30  }
0x32: {  	s0 =	sor.u32 s3, s0;
	s1 =	sshll.u32 s1, $0x11  }
0x33: {  	s0 =	sor.u32 s1, s0  }
0x34: {  	s0 =	sadd.s32 $0x8F2B, s0  }
0x35: {  	[sflag:s0] =	ssyncadd.remote.s32 $0x1  }
0x36: {  	_ =	sfence.sel $0xFFFF  }
0x37: {  	[dreg:$0x0] =	wrdreg $0xFFFFFFFF;
	(pc) =	sbr.abs _section_cstart, $3  }
0x38: {  	[dreg:$0x1] =	wrdreg $0xFFFFFFFF  }
0x39: {  	_ =	task.clear_ibuf [dreg:s7], $0x2FFFF;
	_ =	strace $0x9FFFFFFF  }
0x3a: {  	(tm) =	ssettm $0x7FFFFFFF  }
0x3b: {  	_ =	shalt  }
tec
execute0_lowered:
.L_overlay_start_1:
0x0: {  	(tag) =	ssettag $0x1  }
0x1: {  	s4 =	rddreg [dreg:$0x0]  }
0x2: {  	s0 =	srdreg.scid;
	s2 =	rddreg [dreg:$0x1]  }
0x3: {  	s1 =	stileid.u32;
	s5 =	simm.s32 $0x1;
	s0 =	sshll.u32 s0, $0x4  }
0x4: {  	s7 =	simm.s32 $0x2;
	s11 =	simm.s32 $0x0;
	s3 =	sand.u32 $0x10, s0  }
.Ltmp0:
0x5: {  	p0 =	por $0x0, $0x0;
	s3 =	sor.u32 s1, s3;
	(pc) =	sbr.rel .LBB1_1-.Ltmp0, $4  }
0x6: {  	s8 =	simm.s32 $0x7A1400;
	s10 =	simm.s32 $0x0;
	s3 =	sshll.u32 s3, $0x7  }
0x7: {  	s0 =	rddreg [dreg:$0x2];
	_ =	strace $0x8000004A;
	s6 =	ssub.s32 $0xF4200, s3  }
0x8: {  	s4 =	sadd.s32 $0x4000, s4;
	[sflag:s5] =	ssyncpa.u1 $0x0;
	s6 =	sshrl.u32 s6, $0xC  }
0x9: {  	[sflag:s7] =	ssyncpa.u1 $0x0;
	s9 =	smov.u32 s3;
	s7 =	sadd.s32 $0x2, s6  }
.LBB1_5:
0xa: {  	s13 =	sadd.s32 $0x1000, s9  }
0xb: {  	p2 =	sgt.s32 s13, $0xF423F  }
0xc: {  	s13 =	smov.u32 @p2 s3;
	p2 =	sne.s32 s10, s7  }
.Ltmp1:
0xd: {  	p1 =	slt.u32 s10, $0x2;
	(pc) =	sbr.rel @!p2 .LBB1_6-.Ltmp1, $4  }
0xe: {  	s12 =	simm.s32 @!p1 $0x2  }
0xf: {  	s14 =	sadd.s32 $0x1, s10;
	_ =	swait.ge @!p1 [sflag:s12], $0x2000  }
0x10: {  	s11 =	smov.u32 s9;
	p0 =	por !p0, !p0;
	[sflag:s12] =	ssyncset.done @!p1 $0x0  }
0x11: {  	s10 =	smov.u32 s14;
	s9 =	smov.u32 s13;
	[sflag:s12] =	ssyncadd.s32 @!p1 $0xFFFFE000  }
.LBB1_1:
0x12: {  	p1 =	sgt.u32 s10, s6  }
0x13: {  	s13 =	smov.u32 s9;
	p2 =	sgt.s32 @!p1 s9, $0xF41C0  }
0x14: {  	s12 =	sand.u32 @!p1 $0x1FFFFFF, s9;
	s14 =	sshra.s32 @!p1 s9, $0x1F;
	p2 =	por !p2, p1  }
0x15: {  	s15 =	smulhi.u32 @!p1 $0x218DEF5, s12;
	s14 =	sand.u32 @!p1 s14, s9;
	s13 =	simm.s32 @p2 $0xF41C0  }
0x16: {  	s13 =	ssub.s32 @!p1 s13, s14  }
0x17: {  	s14 =	sshrl.u32 @!p1 s15, $0xD;
	s13 =	sadd.s32 @!p1 $0xFFF0BE40, s13  }
0x18: {  	s15 =	sxor.u32 @!p1 $0xFFFFFFFF, s10;
	s14 =	smul.u32 @!p1 $0xF4240, s14;
	s16 =	sshll.u32 @!p1 s13, $0x8  }
0x19: {  	s15 =	sshll.u32 @!p1 s15, $0xD;
	p2 =	sgt.s32 @!p1 s13, $0x7F;
	s13 =	ssub.s32 @!p1 $0x8000, s16  }
0x1a: {  	s12 =	ssub.s32 @!p1 s12, s14;
	p2 =	por !p2, p1;
	s14 =	sand.u32 @!p1 $0x2000, s15  }
0x1b: {  	s15 =	simm.s32 @!p1 $0x40;
	s13 =	sshrl.u32 @!p1 s13, $0x2;
	s12 =	sshll.u32 @!p1 s12, $0x4  }
0x1c: {  	s16 =	simm.s32 @!p1 $0x80;
	s13 =	simm.s32 @!p2 $0x0;
	s12 =	sadd.s32 @!p1 s4, s12  }
0x1d: {  	[tilespmem:s14], [sflag:$0x1] =	stream.strided.gather @!p1 [hbm4b:s12+s15], s13, s16, s15, $0x38;
	[tilespmem:$0x8080] =	vst v63  }
0x1e: {  	p1 =	seq.s32 s10, $0x0  }
0x1f: {  	p2 =	sge.u32 @!p1 s10, s7  }
0x20: {  	p1 =	por p1, p2  }
.Ltmp2:
0x21: {  	_ = 	snop;
	(pc) =	sbr.rel @p1 .LBB1_5-.Ltmp2, $1  }
0x22: {  	_ =	sdelay $0x3  }
0x23: {  	p1 =	sgt.s32 s11, $0xF41C0;
	s12 =	smov.u32 s11;
	s13 =	sshra.s32 s11, $0x1F  }
0x24: {  	s12 =	simm.s32 @!p1 $0xF41C0;
	s13 =	sand.u32 s13, s11  }
0x25: {  	s12 =	ssub.s32 s12, s13  }
0x26: {  	s12 =	sadd.s32 $0xFFF0BE40, s12  }
0x27: {  	s28 =	sshll.u32 s12, $0x8  }
0x28: {  	s13 =	ssub.s32 $0x8000, s28  }
0x29: {  	p1 =	sgt.s32 s12, $0x7F;
	s12 =	sshrl.u32 s13, $0x2  }
0x2a: {  	s13 =	simm.s32 $0x1;
	s12 =	simm.s32 @p1 $0x0  }
0x2b: {  	s13 =	simm.s32 @!p0 $0x0;
	_ =	swait.ge [sflag:s5], s12  }
0x2c: {  	s14 =	sshll.u32 s13, $0xD;
	s12 =	ssub.s32 $0x0, s12;
	[sflag:s5] =	ssyncset.done $0x0  }
0x2d: {  	s16 =	sor.u32 $0x20, s14;
	[sflag:s5] =	ssyncadd.s32 s12  }
0x2e: {  	s29 =	smul.u32 $0x8100, s13;
	v3 =	vld [tilespmem:s16+$0x10]  }
0x2f: {  	s30 =	sand.u32 $0x1, s10;
	v2 =	vld [tilespmem:s16+$0xFFFFFFF0]  }
0x30: {  	s13 =	smul.u32 $0x8100, s30;
	s12 =	sshrl.u32 s29, $0x2;
	v0 =	vld [tilespmem:s16+$0x0]  }
0x31: {  	s14 =	sor.u32 $0x4000, s12;
	v1 =	vld [tilespmem:s16+$0xFFFFFFE0]  }
0x32: {  	s31 =	sshrl.u32 s13, $0x2;
	s13 =	sadd.s32 $0x0, s14  }
0x33: {  	s15 =	simm.s32 $0x4;
	s12 =	sor.u32 $0x4000, s31;
	s16 =	sadd.s32 $0x40, s16;
	[tilespmem:s13+$0x1830 ss:$0x81] =	vst.msk $0xffff, v3  }
.LBB1_3:
0x34: {  	v3 =	vld [tilespmem:s16+$0x10];
	p1 =	sne.s32 s15, $0x1FC;
	[tilespmem:s13+$0x810 ss:$0x81] =	vst.msk $0xffff, v2;
	s17 =	smov.u32 s15;
	s15 =	sadd.s32 $0x4, s15  }
.Ltmp3:
0x35: {  	v2 =	vld [tilespmem:s16+$0xFFFFFFF0];
	[tilespmem:s13+$0x1020 ss:$0x81] =	vst.msk $0xffff, v0;
	(pc) =	sbr.rel @p1 .LBB1_3-.Ltmp3, $4  }
0x36: {  	v0 =	vld [tilespmem:s16+$0x0];
	[tilespmem:s13+$0x0 ss:$0x81] =	vst.msk $0xffff, v1  }
0x37: {  	s13 =	sshra.s32 s17, $0x2;
	v1 =	vld [tilespmem:s16+$0xFFFFFFE0]  }
0x38: {  	s13 =	sadd.s32 s13, s14  }
0x39: {  	s16 =	sadd.s32 $0x40, s16;
	[tilespmem:s13+$0x1830 ss:$0x81] =	vst.msk $0xffff, v3  }
0x3a: {  	s14 =	sshll.u32 s11, $0x3  }
0x3b: {  	s30 =	sand.u32 $0x7F, s11;
	s14 =	sand.u32 $0xFFFFFC00, s14  }
0x3c: {  	s11 =	sor.u32 s30, s14  }
0x3d: {  	s15 =	smulhi.u32 $0x218D6287, s11;
	_ =	sdelay $0x1  }
0x3e: {  	s14 =	smulhi.u32 $0x218D6287, s14;
	s15 =	sshrl.u32 s15, $0x11  }
0x3f: {  	s15 =	smul.u32 $0xF4280, s15  }
0x40: {  	s14 =	sshrl.u32 s14, $0x11  }
.Ltmp4:
0x41: {  	s14 =	sand.u32 $0x3F, s14;
	s11 =	ssub.s32 s11, s15;
	(pc) =	sbr.rel .LBB1_5-.Ltmp4, $4  }
0x42: {  	[tilespmem:s13+$0x810 ss:$0x81] =	vst.msk $0xffff, v2;
	s14 =	smul.u32 $0x1E850, s14;
	s15 =	sshrl.u32 s11, $0x3;
	s11 =	sand.u32 $0x7, s11  }
0x43: {  	[tilespmem:s13+$0x1020 ss:$0x81] =	vst.msk $0xffff, v0;
	s15 =	sadd.s32 s2, s15;
	s11 =	sshll.u32 s11, $0x12  }
0x44: {  	[tilespmem:s13+$0x0 ss:$0x81] =	vst.msk $0xffff, v1;
	s31 =	sadd.s32 s14, s15;
	s11 =	sor.u32 $0x400, s11  }
0x45: {  	[hbm4b:s31+s11] =	stream.strided.scatter [tilespmem:s12], [sflag:$0x2], $0x2000, s8, s11, $0x20;
	[tilespmem:$0x8080] =	vst v63  }
.LBB1_6:
0x46: {  	_ =	sfence.sel $0x180000  }
0x47: {  	s2 =	simm.s32 $0x1;
	[bflag:$0x0] =	sbarrier.arrive $0xFFFF  }
0x48: {  	s31 =	simm.s32 $0x2;
	[sflag:s2] =	ssyncpa.u1 $0x1  }
0x49: {  	[sflag:s31] =	ssyncpa.u1 $0x1  }
0x4a: {  	p0 =	sne.s32 s1, $0x0;
	_ =	strace $0x9000004A  }
0x4b: {  	s0 =	sadd.s32 @!p0 $0x100000, s0;
	[bflag:$0x2] =	sbarrier.arrive $0xFFFF  }
0x4c: {  	[sflag:s0] =	ssyncadd.tile.s32 @!p0 $0x1;
	_ =	shalt  }
.Lfunc_end1:
_tile_overlayer_lowered:
.L_overlay_start_2:
0x4d: {  	(tag) =	ssettag $0x2  }
0x4e: {  	s0 =	rddreg [dreg:$0x0];
	s2 =	stileid.u32  }
0x4f: {  	s1 =	rddreg [dreg:$0x1];
	p0 =	sne.s32 s2, $0x0  }
0x50: {  	s3 =	rddreg [dreg:$0x2];
	[bflag:$0x3] =	sbarrier.arrive $0xFFFF;
	s2 =	simm.s32 @!p0 $0x1C01  }
0x51: {  	[timem:s3], [sflag:s2] =	dma.local @!p0 [hbm:s0], s1  }
0x52: {  	s0 =	simm.s32 @!p0 $0x1  }
0x53: {  	_ =	swait.ge @!p0 [sflag:s0], s1  }
0x54: {  	s1 =	ssub.s32 @!p0 $0x0, s1;
	[sflag:s0] =	ssyncset.done @!p0 $0x0  }
0x55: {  	[sflag:s0] =	ssyncadd.s32 @!p0 s1  }
0x56: {  	[bflag:$0x3] =	sbarrier.arrive $0xFFFF  }
0x57: {  	_ =	shalt  }

</sc_bundles>
